<compile_context>
chip_gen: v7x
topology: tpu7x:2x2x1
jax: 0.10.2.dev20260603
libtpu: 0.0.44.dev20260713+nightly
codegen_flags: <defaults>
</compile_context>

<pallas_src>
import functools

import jax
import jax.numpy as jnp
from jax import lax
from jax.experimental import pallas as pl
from jax.experimental.pallas import tpu as pltpu
from jax.experimental.pallas import tpu_sc as plsc

N = 1_000_000
D = 16
NC = 2
NS = 16
NW = NC * NS
CCH = 1024
G = CCH // 16
NB = 4
NCHUNK = N // CCH
REM0 = NCHUNK * CCH
REM = N - REM0
TT = ((-(-NCHUNK // NW) + NB - 1) // NB) * NB

_mesh = plsc.VectorSubcoreMesh(core_axis_name="c", subcore_axis_name="s")


@functools.partial(
    pl.kernel,
    out_type=(
        jax.ShapeDtypeStruct((NW * 16,), jnp.float32),
        jax.ShapeDtypeStruct((NW * 16,), jnp.int32),
    ),
    mesh=_mesh,
    compiler_params=pltpu.CompilerParams(needs_layout_passes=False),
    scratch_types=(
        pltpu.VMEM((D,), jnp.float32),
        pltpu.VMEM((D, CCH), jnp.float32),
        pltpu.VMEM((D, CCH), jnp.float32),
        pltpu.VMEM((D, CCH), jnp.float32),
        pltpu.VMEM((D, CCH), jnp.float32),
        pltpu.VMEM((D, REM), jnp.float32),
        pltpu.VMEM((16,), jnp.float32),
        pltpu.VMEM((16,), jnp.int32),
        pltpu.SemaphoreType.DMA,
        pltpu.SemaphoreType.DMA,
        pltpu.SemaphoreType.DMA,
        pltpu.SemaphoreType.DMA,
    ),
)
def _nn_scan(query_hbm, keys_hbm, score_out, idx_out,
             qv, buf0, buf1, buf2, buf3, rbuf, sbest, ibest,
             sem0, sem1, sem2, sem3):
    cid = lax.axis_index("c")
    sid = lax.axis_index("s")
    wid = sid * NC + cid

    pltpu.sync_copy(query_hbm, qv)
    q = qv[...]
    qb = [jnp.broadcast_to(q[d], (16,)) for d in range(D)]
    iota = lax.iota(jnp.int32, 16)

    def start(t, buf, sem):
        c = wid + NW * t
        col0 = pl.multiple_of(jnp.where(c < NCHUNK, c * CCH, 0), 128)
        return pltpu.async_copy(keys_hbm.at[:, pl.ds(col0, CCH)], buf, sem)

    def scan_block(buf, base, ngroups, valid, bs, bi):
        def group_body(g, carry):
            bs, bi = carry
            j = g * 32
            acc0 = jnp.zeros((16,), jnp.float32)
            acc1 = jnp.zeros((16,), jnp.float32)
            for d in range(D):
                c0 = buf[d, pl.ds(j, 16)]
                c1 = buf[d, pl.ds(j + 16, 16)]
                t0 = c0 - qb[d]
                t1 = c1 - qb[d]
                acc0 = acc0 + t0 * t0
                acc1 = acc1 + t1 * t1
            m0 = valid & (acc0 < bs)
            bs = jnp.where(m0, acc0, bs)
            bi = jnp.where(m0, base + j + iota, bi)
            m1 = valid & (acc1 < bs)
            bs = jnp.where(m1, acc1, bs)
            bi = jnp.where(m1, base + j + 16 + iota, bi)
            return bs, bi

        return lax.fori_loop(0, ngroups // 2, group_body, (bs, bi))

    def compute(t, buf, bs, bi):
        c = wid + NW * t
        return scan_block(buf, c * CCH, G, c < NCHUNK, bs, bi)

    bufs = (buf0, buf1, buf2, buf3)
    sems = (sem0, sem1, sem2, sem3)
    for k in range(NB):
        start(k, bufs[k], sems[k])
    bs0 = jnp.full((16,), jnp.inf, jnp.float32)
    bi0 = jnp.zeros((16,), jnp.int32)

    def round_body(tt, carry):
        bs, bi = carry
        t0 = NB * tt
        for k in range(NB):
            pltpu.make_async_copy(
                keys_hbm.at[:, pl.ds(0, CCH)], bufs[k], sems[k]).wait()
            bs, bi = compute(t0 + k, bufs[k], bs, bi)

            @pl.when(t0 + k + NB < TT)
            def _(k=k):
                start(t0 + k + NB, bufs[k], sems[k])

        return bs, bi

    bs, bi = lax.fori_loop(0, TT // NB, round_body, (bs0, bi0))

    @pl.when(wid == NW - 1)
    def _():
        pltpu.sync_copy(keys_hbm.at[:, pl.ds(REM0, REM)], rbuf)
        rbs, rbi = scan_block(rbuf, REM0, REM // 16, True, bs, bi)
        sbest[...] = rbs
        ibest[...] = rbi

    @pl.when(wid != NW - 1)
    def _():
        sbest[...] = bs
        ibest[...] = bi

    pltpu.sync_copy(sbest, score_out.at[pl.ds(wid * 16, 16)])
    pltpu.sync_copy(ibest, idx_out.at[pl.ds(wid * 16, 16)])


@functools.partial(
    pl.kernel,
    out_type=jax.ShapeDtypeStruct((16,), jnp.float32),
    mesh=_mesh,
    compiler_params=pltpu.CompilerParams(needs_layout_passes=False),
    scratch_types=(
        pltpu.VMEM((NW * 16,), jnp.float32),
        pltpu.VMEM((NW * 16,), jnp.int32),
        pltpu.VMEM((D,), jnp.float32),
        pltpu.VMEM((D, 128), jnp.float32),
        pltpu.VMEM((D, N % 128), jnp.float32),
        pltpu.VMEM((16,), jnp.float32),
        pltpu.SemaphoreType.DMA,
    ),
)
def _nn_finish(query_hbm, values_hbm, score_hbm, idx_hbm, out_hbm,
               sbuf, ibuf, qv, vblk, vtail, ob, sem):
    cid = lax.axis_index("c")
    sid = lax.axis_index("s")

    @pl.when((cid == 0) & (sid == 0))
    def _():
        pltpu.sync_copy(score_hbm, sbuf)
        pltpu.sync_copy(idx_hbm, ibuf)
        pltpu.sync_copy(query_hbm, qv)
        bs = sbuf[pl.ds(0, 16)]
        bi = ibuf[pl.ds(0, 16)]
        for r in range(1, NW):
            s = sbuf[pl.ds(r * 16, 16)]
            i = ibuf[pl.ds(r * 16, 16)]
            m = s < bs
            bs = jnp.where(m, s, bs)
            bi = jnp.where(m, i, bi)
        minv = jnp.min(bs)
        rid = jnp.min(jnp.where(bs == minv, bi, jnp.int32(2**31 - 1)))
        base = pl.multiple_of((rid // 128) * 128, 128)
        iota = lax.iota(jnp.int32, 16)
        last0 = (N // 128) * 128

        @pl.when(base < last0)
        def _():
            pltpu.async_copy(
                values_hbm.at[:, pl.ds(base, 128)], vblk, sem).wait()
            sub = jnp.broadcast_to(rid - base, (16,))
            row = plsc.load_gather(vblk, [iota, sub])
            ob[...] = jnp.broadcast_to(jnp.sum(row * qv[...]), (16,))

        @pl.when(base >= last0)
        def _():
            pltpu.async_copy(
                values_hbm.at[:, pl.ds(last0, N % 128)], vtail, sem).wait()
            sub = jnp.broadcast_to(rid - last0, (16,))
            row = plsc.load_gather(vtail, [iota, sub])
            ob[...] = jnp.broadcast_to(jnp.sum(row * qv[...]), (16,))

        pltpu.sync_copy(ob, out_hbm)


def kernel(query, keys, values):
    scores, ids = _nn_scan(query, keys.T)
    out16 = _nn_finish(query, values.T, scores, ids)
    return out16[:1]

# --- scband reference (transcript-rebuilt; emitter-appended) ---
"""Pipeline reference for scband-neural-dictionary-v7-19430432047763 (READ-ONLY COPY).

The authoritative reference and input builder live on the scoring server;
editing this copy changes nothing except your own understanding.
"""

import jax, jax.numpy as jnp
import numpy as np


def setup_inputs(seed: int = 0) -> dict:
    key = jax.random.key(seed)
    k1, k2, k3 = jax.random.split(key, 3)
    query = jax.random.normal(k1, (16,), dtype=jnp.float32)
    # State accumulated via update(): faiss IndexFlatL2 keys and the values Parameter
    keys = jax.random.normal(k2, (1000000, 16), dtype=jnp.float32)
    values = jax.random.normal(k3, (1000000, 16), dtype=jnp.float32)
    return {"query": query, "keys": keys, "values": values}


def reference(query, keys, values):
    # faiss IndexFlatL2.search(q, 1): exact L2 nearest neighbor over all stored keys
    # ||k - q||^2 = ||k||^2 - 2 k.q + ||q||^2
    dists = jnp.sum(keys * keys, axis=1) - 2.0 * (keys @ query) + jnp.sum(query * query)
    _, ids = jax.lax.top_k(-dists, 1)  # top-1 nearest neighbor -> ids shape (1,)
    # torch: values[id] has shape (1, d); matmul((1, d), (d,)) -> (1,)
    out = jnp.matmul(values[ids], query)
    return out

if __name__ == "__main__":
    import jax
    _d = setup_inputs()
    print(jax.jit(kernel)(*tuple(_d.values())))

</pallas_src>

<mosaic_0001>
#map = affine_map<(d0, d1) -> (0)>
#map1 = affine_map<(d0, d1) -> (0, 0)>
module attributes {stable_mosaic.version = 14 : i64} {
  func.func @_nn_scan(%arg0: i32, %arg1: i32, %arg2: memref<16xf32, #tpu.memory_space<hbm>>, %arg3: memref<16x1000000xf32, #tpu.memory_space<hbm>>, %arg4: memref<512xf32, #tpu.memory_space<hbm>>, %arg5: memref<512xi32, #tpu.memory_space<hbm>>, %arg6: memref<16xf32, #tpu.memory_space<vmem>>, %arg7: memref<16x1024xf32, #tpu.memory_space<vmem>>, %arg8: memref<16x1024xf32, #tpu.memory_space<vmem>>, %arg9: memref<16x1024xf32, #tpu.memory_space<vmem>>, %arg10: memref<16x1024xf32, #tpu.memory_space<vmem>>, %arg11: memref<16x576xf32, #tpu.memory_space<vmem>>, %arg12: memref<16xf32, #tpu.memory_space<vmem>>, %arg13: memref<16xi32, #tpu.memory_space<vmem>>, %arg14: memref<!tpu.dma_semaphore, #tpu.memory_space<semaphore_mem>>, %arg15: memref<!tpu.dma_semaphore, #tpu.memory_space<semaphore_mem>>, %arg16: memref<!tpu.dma_semaphore, #tpu.memory_space<semaphore_mem>>, %arg17: memref<!tpu.dma_semaphore, #tpu.memory_space<semaphore_mem>>) attributes {dimension_semantics = [#tpu.dimension_semantics<core_parallel>, #tpu.dimension_semantics<subcore_parallel>], iteration_bounds = array<i64: 2, 16>, scalar_prefetch = 0 : i64, scratch_operands = 12 : i64, tpu.core_type = #tpu.core_type<sc_vector_subcore>, window_params = [{transform_indices = #map}, {transform_indices = #map1}, {transform_indices = #map}, {transform_indices = #map}]} {
    %mul3A = arith.constant 2 : i32
    %mul3A_0 = arith.muli %arg1, %mul3A : i32
    %add3A = arith.addi %mul3A_0, %arg0 : i32
    "tpu.region"() ({
      %run_scoped3A = tpu.sem_alloc : memref<!tpu.dma_semaphore, #tpu.memory_space<semaphore_mem>>
      tpu.enqueue_dma source(%arg2 : memref<16xf32, #tpu.memory_space<hbm>>) target(%arg6 : memref<16xf32, #tpu.memory_space<vmem>>) target_semaphore(%run_scoped3A : memref<!tpu.dma_semaphore, #tpu.memory_space<semaphore_mem>>)
      tpu.wait_dma2 semaphore(%run_scoped3A : memref<!tpu.dma_semaphore, #tpu.memory_space<semaphore_mem>>) src(%arg2 : memref<16xf32, #tpu.memory_space<hbm>>) dst(%arg6 : memref<16xf32, #tpu.memory_space<vmem>>)
      tpu.yield
    }) : () -> ()
    %get3A = arith.constant 0 : index
    %get3A_1 = tpu.vector_load %arg6[%get3A] {strides = array<i32>} : memref<16xf32, #tpu.memory_space<vmem>>, vector<16xf32>,
    %slice3A = vector.extract_strided_slice %get3A_1 {offsets = [0], sizes = [1], strides = [1]} : vector<16xf32> to vector<1xf32>
    %squeeze3A = vector.extract %slice3A[0] : f32 from vector<1xf32>
    %broadcast_in_dim3A = vector.broadcast %squeeze3A : f32 to vector<16xf32>
    %slice3A_2 = vector.extract_strided_slice %get3A_1 {offsets = [1], sizes = [1], strides = [1]} : vector<16xf32> to vector<1xf32>
    %squeeze3A_3 = vector.extract %slice3A_2[0] : f32 from vector<1xf32>
    %broadcast_in_dim3A_4 = vector.broadcast %squeeze3A_3 : f32 to vector<16xf32>
    %slice3A_5 = vector.extract_strided_slice %get3A_1 {offsets = [2], sizes = [1], strides = [1]} : vector<16xf32> to vector<1xf32>
    %squeeze3A_6 = vector.extract %slice3A_5[0] : f32 from vector<1xf32>
    %broadcast_in_dim3A_7 = vector.broadcast %squeeze3A_6 : f32 to vector<16xf32>
    %slice3A_8 = vector.extract_strided_slice %get3A_1 {offsets = [3], sizes = [1], strides = [1]} : vector<16xf32> to vector<1xf32>
    %squeeze3A_9 = vector.extract %slice3A_8[0] : f32 from vector<1xf32>
    %broadcast_in_dim3A_10 = vector.broadcast %squeeze3A_9 : f32 to vector<16xf32>
    %slice3A_11 = vector.extract_strided_slice %get3A_1 {offsets = [4], sizes = [1], strides = [1]} : vector<16xf32> to vector<1xf32>
    %squeeze3A_12 = vector.extract %slice3A_11[0] : f32 from vector<1xf32>
    %broadcast_in_dim3A_13 = vector.broadcast %squeeze3A_12 : f32 to vector<16xf32>
    %slice3A_14 = vector.extract_strided_slice %get3A_1 {offsets = [5], sizes = [1], strides = [1]} : vector<16xf32> to vector<1xf32>
    %squeeze3A_15 = vector.extract %slice3A_14[0] : f32 from vector<1xf32>
    %broadcast_in_dim3A_16 = vector.broadcast %squeeze3A_15 : f32 to vector<16xf32>
    %slice3A_17 = vector.extract_strided_slice %get3A_1 {offsets = [6], sizes = [1], strides = [1]} : vector<16xf32> to vector<1xf32>
    %squeeze3A_18 = vector.extract %slice3A_17[0] : f32 from vector<1xf32>
    %broadcast_in_dim3A_19 = vector.broadcast %squeeze3A_18 : f32 to vector<16xf32>
    %slice3A_20 = vector.extract_strided_slice %get3A_1 {offsets = [7], sizes = [1], strides = [1]} : vector<16xf32> to vector<1xf32>
    %squeeze3A_21 = vector.extract %slice3A_20[0] : f32 from vector<1xf32>
    %broadcast_in_dim3A_22 = vector.broadcast %squeeze3A_21 : f32 to vector<16xf32>
    %slice3A_23 = vector.extract_strided_slice %get3A_1 {offsets = [8], sizes = [1], strides = [1]} : vector<16xf32> to vector<1xf32>
    %squeeze3A_24 = vector.extract %slice3A_23[0] : f32 from vector<1xf32>
    %broadcast_in_dim3A_25 = vector.broadcast %squeeze3A_24 : f32 to vector<16xf32>
    %slice3A_26 = vector.extract_strided_slice %get3A_1 {offsets = [9], sizes = [1], strides = [1]} : vector<16xf32> to vector<1xf32>
    %squeeze3A_27 = vector.extract %slice3A_26[0] : f32 from vector<1xf32>
    %broadcast_in_dim3A_28 = vector.broadcast %squeeze3A_27 : f32 to vector<16xf32>
    %slice3A_29 = vector.extract_strided_slice %get3A_1 {offsets = [10], sizes = [1], strides = [1]} : vector<16xf32> to vector<1xf32>
    %squeeze3A_30 = vector.extract %slice3A_29[0] : f32 from vector<1xf32>
    %broadcast_in_dim3A_31 = vector.broadcast %squeeze3A_30 : f32 to vector<16xf32>
    %slice3A_32 = vector.extract_strided_slice %get3A_1 {offsets = [11], sizes = [1], strides = [1]} : vector<16xf32> to vector<1xf32>
    %squeeze3A_33 = vector.extract %slice3A_32[0] : f32 from vector<1xf32>
    %broadcast_in_dim3A_34 = vector.broadcast %squeeze3A_33 : f32 to vector<16xf32>
    %slice3A_35 = vector.extract_strided_slice %get3A_1 {offsets = [12], sizes = [1], strides = [1]} : vector<16xf32> to vector<1xf32>
    %squeeze3A_36 = vector.extract %slice3A_35[0] : f32 from vector<1xf32>
    %broadcast_in_dim3A_37 = vector.broadcast %squeeze3A_36 : f32 to vector<16xf32>
    %slice3A_38 = vector.extract_strided_slice %get3A_1 {offsets = [13], sizes = [1], strides = [1]} : vector<16xf32> to vector<1xf32>
    %squeeze3A_39 = vector.extract %slice3A_38[0] : f32 from vector<1xf32>
    %broadcast_in_dim3A_40 = vector.broadcast %squeeze3A_39 : f32 to vector<16xf32>
    %slice3A_41 = vector.extract_strided_slice %get3A_1 {offsets = [14], sizes = [1], strides = [1]} : vector<16xf32> to vector<1xf32>
    %squeeze3A_42 = vector.extract %slice3A_41[0] : f32 from vector<1xf32>
    %broadcast_in_dim3A_43 = vector.broadcast %squeeze3A_42 : f32 to vector<16xf32>
    %slice3A_44 = vector.extract_strided_slice %get3A_1 {offsets = [15], sizes = [1], strides = [1]} : vector<16xf32> to vector<1xf32>
    %squeeze3A_45 = vector.extract %slice3A_44[0] : f32 from vector<1xf32>
    %broadcast_in_dim3A_46 = vector.broadcast %squeeze3A_45 : f32 to vector<16xf32>
    %iota3A = tpu.iota {dimensions = array<i32: 0>} : vector<16xi32>
    %add3A_47 = arith.constant 0 : i32
    %add3A_48 = arith.addi %add3A, %add3A_47 : i32
    %lt3A = arith.constant 976 : i32
    %lt3A_49 = arith.cmpi slt, %add3A_48, %lt3A : i32
    %mul3A_50 = arith.constant 1024 : i32
    %mul3A_51 = arith.muli %add3A_48, %mul3A_50 : i32
    %jit3A = arith.constant 0 : i32
    %select_n3A = arith.select %lt3A_49, %mul3A_51, %jit3A : i32
    %multiple_of3A = tpu.assume_multiple %select_n3A, 128 : i32
    %dma_start3A = arith.constant 0 : i32
    %dma_start3A_52 = tpu.memref_slice %arg3[%dma_start3A, %multiple_of3A] : memref<16x1000000xf32, #tpu.memory_space<hbm>> -> memref<16x1024xf32, #tpu.memory_space<hbm>>
    %dma_start3A_53 = arith.constant 0 : i32
    %dma_start3A_54 = tpu.memref_slice %arg3[%dma_start3A_53, %multiple_of3A] : memref<16x1000000xf32, #tpu.memory_space<hbm>> -> memref<16x1024xf32, #tpu.memory_space<hbm>>
    tpu.enqueue_dma source(%dma_start3A_54 : memref<16x1024xf32, #tpu.memory_space<hbm>>) target(%arg7 : memref<16x1024xf32, #tpu.memory_space<vmem>>) target_semaphore(%arg14 : memref<!tpu.dma_semaphore, #tpu.memory_space<semaphore_mem>>)
    %add3A_55 = arith.constant 32 : i32
    %add3A_56 = arith.addi %add3A, %add3A_55 : i32
    %lt3A_57 = arith.constant 976 : i32
    %lt3A_58 = arith.cmpi slt, %add3A_56, %lt3A_57 : i32
    %mul3A_59 = arith.constant 1024 : i32
    %mul3A_60 = arith.muli %add3A_56, %mul3A_59 : i32
    %jit3A_61 = arith.constant 0 : i32
    %select_n3A_62 = arith.select %lt3A_58, %mul3A_60, %jit3A_61 : i32
    %multiple_of3A_63 = tpu.assume_multiple %select_n3A_62, 128 : i32
    %dma_start3A_64 = arith.constant 0 : i32
    %dma_start3A_65 = tpu.memref_slice %arg3[%dma_start3A_64, %multiple_of3A_63] : memref<16x1000000xf32, #tpu.memory_space<hbm>> -> memref<16x1024xf32, #tpu.memory_space<hbm>>
    %dma_start3A_66 = arith.constant 0 : i32
    %dma_start3A_67 = tpu.memref_slice %arg3[%dma_start3A_66, %multiple_of3A_63] : memref<16x1000000xf32, #tpu.memory_space<hbm>> -> memref<16x1024xf32, #tpu.memory_space<hbm>>
    tpu.enqueue_dma source(%dma_start3A_67 : memref<16x1024xf32, #tpu.memory_space<hbm>>) target(%arg8 : memref<16x1024xf32, #tpu.memory_space<vmem>>) target_semaphore(%arg15 : memref<!tpu.dma_semaphore, #tpu.memory_space<semaphore_mem>>)
    %add3A_68 = arith.constant 64 : i32
    %add3A_69 = arith.addi %add3A, %add3A_68 : i32
    %lt3A_70 = arith.constant 976 : i32
    %lt3A_71 = arith.cmpi slt, %add3A_69, %lt3A_70 : i32
    %mul3A_72 = arith.constant 1024 : i32
    %mul3A_73 = arith.muli %add3A_69, %mul3A_72 : i32
    %jit3A_74 = arith.constant 0 : i32
    %select_n3A_75 = arith.select %lt3A_71, %mul3A_73, %jit3A_74 : i32
    %multiple_of3A_76 = tpu.assume_multiple %select_n3A_75, 128 : i32
    %dma_start3A_77 = arith.constant 0 : i32
    %dma_start3A_78 = tpu.memref_slice %arg3[%dma_start3A_77, %multiple_of3A_76] : memref<16x1000000xf32, #tpu.memory_space<hbm>> -> memref<16x1024xf32, #tpu.memory_space<hbm>>
    %dma_start3A_79 = arith.constant 0 : i32
    %dma_start3A_80 = tpu.memref_slice %arg3[%dma_start3A_79, %multiple_of3A_76] : memref<16x1000000xf32, #tpu.memory_space<hbm>> -> memref<16x1024xf32, #tpu.memory_space<hbm>>
    tpu.enqueue_dma source(%dma_start3A_80 : memref<16x1024xf32, #tpu.memory_space<hbm>>) target(%arg9 : memref<16x1024xf32, #tpu.memory_space<vmem>>) target_semaphore(%arg16 : memref<!tpu.dma_semaphore, #tpu.memory_space<semaphore_mem>>)
    %add3A_81 = arith.constant 96 : i32
    %add3A_82 = arith.addi %add3A, %add3A_81 : i32
    %lt3A_83 = arith.constant 976 : i32
    %lt3A_84 = arith.cmpi slt, %add3A_82, %lt3A_83 : i32
    %mul3A_85 = arith.constant 1024 : i32
    %mul3A_86 = arith.muli %add3A_82, %mul3A_85 : i32
    %jit3A_87 = arith.constant 0 : i32
    %select_n3A_88 = arith.select %lt3A_84, %mul3A_86, %jit3A_87 : i32
    %multiple_of3A_89 = tpu.assume_multiple %select_n3A_88, 128 : i32
    %dma_start3A_90 = arith.constant 0 : i32
    %dma_start3A_91 = tpu.memref_slice %arg3[%dma_start3A_90, %multiple_of3A_89] : memref<16x1000000xf32, #tpu.memory_space<hbm>> -> memref<16x1024xf32, #tpu.memory_space<hbm>>
    %dma_start3A_92 = arith.constant 0 : i32
    %dma_start3A_93 = tpu.memref_slice %arg3[%dma_start3A_92, %multiple_of3A_89] : memref<16x1000000xf32, #tpu.memory_space<hbm>> -> memref<16x1024xf32, #tpu.memory_space<hbm>>
    tpu.enqueue_dma source(%dma_start3A_93 : memref<16x1024xf32, #tpu.memory_space<hbm>>) target(%arg10 : memref<16x1024xf32, #tpu.memory_space<vmem>>) target_semaphore(%arg17 : memref<!tpu.dma_semaphore, #tpu.memory_space<semaphore_mem>>)
    %broadcast_in_dim3A_94 = arith.constant 0x7F800000 : f32
    %broadcast_in_dim3A_95 = vector.broadcast %broadcast_in_dim3A_94 : f32 to vector<16xf32>
    %broadcast_in_dim3A_96 = arith.constant 0 : i32
    %broadcast_in_dim3A_97 = vector.broadcast %broadcast_in_dim3A_96 : i32 to vector<16xi32>
    %scan3A = arith.constant 0 : i32
    %scan3A_98 = arith.constant 8 : i32
    %scan3A_99 = arith.addi %scan3A, %scan3A_98 : i32
    %scan3A_100 = arith.constant 1 : i32
    %scan3A_101:2 = scf.for %scan3A_113 = %scan3A to %scan3A_99 step %scan3A_100 iter_args(%scan3A_114 = %broadcast_in_dim3A_95, %scan3A_115 = %broadcast_in_dim3A_97) -> (vector<16xf32>, vector<16xi32>)  : i32 {
      %mul3A_116 = arith.constant 4 : i32
      %mul3A_117 = arith.muli %mul3A_116, %scan3A_113 : i32
      %dma_wait3A = arith.constant 0 : i32
      %dma_wait3A_118 = arith.constant 0 : i32
      %dma_wait3A_119 = tpu.memref_slice %arg3[%dma_wait3A, %dma_wait3A_118] : memref<16x1000000xf32, #tpu.memory_space<hbm>> -> memref<16x1024xf32, #tpu.memory_space<hbm>>
      %dma_wait3A_120 = arith.constant 0 : i32
      %dma_wait3A_121 = arith.constant 0 : i32
      %dma_wait3A_122 = tpu.memref_slice %arg3[%dma_wait3A_120, %dma_wait3A_121] : memref<16x1000000xf32, #tpu.memory_space<hbm>> -> memref<16x1024xf32, #tpu.memory_space<hbm>>
      tpu.wait_dma2 semaphore(%arg14 : memref<!tpu.dma_semaphore, #tpu.memory_space<semaphore_mem>>) src(%dma_wait3A_122 : memref<16x1024xf32, #tpu.memory_space<hbm>>) dst(%arg7 : memref<16x1024xf32, #tpu.memory_space<vmem>>)
      %add3A_123 = arith.constant 0 : i32
      %add3A_124 = arith.addi %mul3A_117, %add3A_123 : i32
      %mul3A_125 = arith.constant 32 : i32
      %mul3A_126 = arith.muli %mul3A_125, %add3A_124 : i32
      %add3A_127 = arith.addi %add3A, %mul3A_126 : i32
      %mul3A_128 = arith.constant 1024 : i32
      %mul3A_129 = arith.muli %add3A_127, %mul3A_128 : i32
      %lt3A_130 = arith.constant 976 : i32
      %lt3A_131 = arith.cmpi slt, %add3A_127, %lt3A_130 : i32
      %scan3A_132 = arith.constant 0 : i32
      %scan3A_133 = arith.constant 32 : i32
      %scan3A_134 = arith.addi %scan3A_132, %scan3A_133 : i32
      %scan3A_135 = arith.constant 1 : i32
      %scan3A_136:2 = scf.for %scan3A_237 = %scan3A_132 to %scan3A_134 step %scan3A_135 iter_args(%scan3A_238 = %scan3A_114, %scan3A_239 = %scan3A_115) -> (vector<16xf32>, vector<16xi32>)  : i32 {
        %mul3A_240 = arith.constant 32 : i32
        %mul3A_241 = arith.muli %scan3A_237, %mul3A_240 : i32
        %broadcast_in_dim3A_242 = arith.constant 0.000000e+00 : f32
        %broadcast_in_dim3A_243 = vector.broadcast %broadcast_in_dim3A_242 : f32 to vector<16xf32>
        %broadcast_in_dim3A_244 = arith.constant 0.000000e+00 : f32
        %broadcast_in_dim3A_245 = vector.broadcast %broadcast_in_dim3A_244 : f32 to vector<16xf32>
        %get3A_246 = arith.constant 0 : i32
        %get3A_247 = arith.index_cast %get3A_246 : i32 to index
        %get3A_248 = arith.index_cast %mul3A_241 : i32 to index
        %get3A_249 = tpu.vector_load %arg7[%get3A_247, %get3A_248] {strides = array<i32>} : memref<16x1024xf32, #tpu.memory_space<vmem>>, vector<16xf32>,
        %add3A_250 = arith.constant 16 : i32
        %add3A_251 = arith.addi %mul3A_241, %add3A_250 : i32
        %get3A_252 = arith.constant 0 : i32
        %get3A_253 = arith.index_cast %get3A_252 : i32 to index
        %get3A_254 = arith.index_cast %add3A_251 : i32 to index
        %get3A_255 = tpu.vector_load %arg7[%get3A_253, %get3A_254] {strides = array<i32>} : memref<16x1024xf32, #tpu.memory_space<vmem>>, vector<16xf32>,
        %sub3A = arith.subf %get3A_249, %broadcast_in_dim3A : vector<16xf32>
        %sub3A_256 = arith.subf %get3A_255, %broadcast_in_dim3A : vector<16xf32>
        %mul3A_257 = arith.mulf %sub3A, %sub3A : vector<16xf32>
        %add3A_258 = arith.addf %broadcast_in_dim3A_243, %mul3A_257 : vector<16xf32>
        %mul3A_259 = arith.mulf %sub3A_256, %sub3A_256 : vector<16xf32>
        %add3A_260 = arith.addf %broadcast_in_dim3A_245, %mul3A_259 : vector<16xf32>
        %get3A_261 = arith.constant 1 : i32
        %get3A_262 = arith.index_cast %get3A_261 : i32 to index
        %get3A_263 = arith.index_cast %mul3A_241 : i32 to index
        %get3A_264 = tpu.vector_load %arg7[%get3A_262, %get3A_263] {strides = array<i32>} : memref<16x1024xf32, #tpu.memory_space<vmem>>, vector<16xf32>,
        %add3A_265 = arith.constant 16 : i32
        %add3A_266 = arith.addi %mul3A_241, %add3A_265 : i32
        %get3A_267 = arith.constant 1 : i32
        %get3A_268 = arith.index_cast %get3A_267 : i32 to index
        %get3A_269 = arith.index_cast %add3A_266 : i32 to index
        %get3A_270 = tpu.vector_load %arg7[%get3A_268, %get3A_269] {strides = array<i32>} : memref<16x1024xf32, #tpu.memory_space<vmem>>, vector<16xf32>,
        %sub3A_271 = arith.subf %get3A_264, %broadcast_in_dim3A_4 : vector<16xf32>
        %sub3A_272 = arith.subf %get3A_270, %broadcast_in_dim3A_4 : vector<16xf32>
        %mul3A_273 = arith.mulf %sub3A_271, %sub3A_271 : vector<16xf32>
        %add3A_274 = arith.addf %add3A_258, %mul3A_273 : vector<16xf32>
        %mul3A_275 = arith.mulf %sub3A_272, %sub3A_272 : vector<16xf32>
        %add3A_276 = arith.addf %add3A_260, %mul3A_275 : vector<16xf32>
        %get3A_277 = arith.constant 2 : i32
        %get3A_278 = arith.index_cast %get3A_277 : i32 to index
        %get3A_279 = arith.index_cast %mul3A_241 : i32 to index
        %get3A_280 = tpu.vector_load %arg7[%get3A_278, %get3A_279] {strides = array<i32>} : memref<16x1024xf32, #tpu.memory_space<vmem>>, vector<16xf32>,
        %add3A_281 = arith.constant 16 : i32
        %add3A_282 = arith.addi %mul3A_241, %add3A_281 : i32
        %get3A_283 = arith.constant 2 : i32
        %get3A_284 = arith.index_cast %get3A_283 : i32 to index
        %get3A_285 = arith.index_cast %add3A_282 : i32 to index
        %get3A_286 = tpu.vector_load %arg7[%get3A_284, %get3A_285] {strides = array<i32>} : memref<16x1024xf32, #tpu.memory_space<vmem>>, vector<16xf32>,
        %sub3A_287 = arith.subf %get3A_280, %broadcast_in_dim3A_7 : vector<16xf32>
        %sub3A_288 = arith.subf %get3A_286, %broadcast_in_dim3A_7 : vector<16xf32>
        %mul3A_289 = arith.mulf %sub3A_287, %sub3A_287 : vector<16xf32>
        %add3A_290 = arith.addf %add3A_274, %mul3A_289 : vector<16xf32>
        %mul3A_291 = arith.mulf %sub3A_288, %sub3A_288 : vector<16xf32>
        %add3A_292 = arith.addf %add3A_276, %mul3A_291 : vector<16xf32>
        %get3A_293 = arith.constant 3 : i32
        %get3A_294 = arith.index_cast %get3A_293 : i32 to index
        %get3A_295 = arith.index_cast %mul3A_241 : i32 to index
        %get3A_296 = tpu.vector_load %arg7[%get3A_294, %get3A_295] {strides = array<i32>} : memref<16x1024xf32, #tpu.memory_space<vmem>>, vector<16xf32>,
        %add3A_297 = arith.constant 16 : i32
        %add3A_298 = arith.addi %mul3A_241, %add3A_297 : i32
        %get3A_299 = arith.constant 3 : i32
        %get3A_300 = arith.index_cast %get3A_299 : i32 to index
        %get3A_301 = arith.index_cast %add3A_298 : i32 to index
        %get3A_302 = tpu.vector_load %arg7[%get3A_300, %get3A_301] {strides = array<i32>} : memref<16x1024xf32, #tpu.memory_space<vmem>>, vector<16xf32>,
        %sub3A_303 = arith.subf %get3A_296, %broadcast_in_dim3A_10 : vector<16xf32>
        %sub3A_304 = arith.subf %get3A_302, %broadcast_in_dim3A_10 : vector<16xf32>
        %mul3A_305 = arith.mulf %sub3A_303, %sub3A_303 : vector<16xf32>
        %add3A_306 = arith.addf %add3A_290, %mul3A_305 : vector<16xf32>
        %mul3A_307 = arith.mulf %sub3A_304, %sub3A_304 : vector<16xf32>
        %add3A_308 = arith.addf %add3A_292, %mul3A_307 : vector<16xf32>
        %get3A_309 = arith.constant 4 : i32
        %get3A_310 = arith.index_cast %get3A_309 : i32 to index
        %get3A_311 = arith.index_cast %mul3A_241 : i32 to index
        %get3A_312 = tpu.vector_load %arg7[%get3A_310, %get3A_311] {strides = array<i32>} : memref<16x1024xf32, #tpu.memory_space<vmem>>, vector<16xf32>,
        %add3A_313 = arith.constant 16 : i32
        %add3A_314 = arith.addi %mul3A_241, %add3A_313 : i32
        %get3A_315 = arith.constant 4 : i32
        %get3A_316 = arith.index_cast %get3A_315 : i32 to index
        %get3A_317 = arith.index_cast %add3A_314 : i32 to index
        %get3A_318 = tpu.vector_load %arg7[%get3A_316, %get3A_317] {strides = array<i32>} : memref<16x1024xf32, #tpu.memory_space<vmem>>, vector<16xf32>,
        %sub3A_319 = arith.subf %get3A_312, %broadcast_in_dim3A_13 : vector<16xf32>
        %sub3A_320 = arith.subf %get3A_318, %broadcast_in_dim3A_13 : vector<16xf32>
        %mul3A_321 = arith.mulf %sub3A_319, %sub3A_319 : vector<16xf32>
        %add3A_322 = arith.addf %add3A_306, %mul3A_321 : vector<16xf32>
        %mul3A_323 = arith.mulf %sub3A_320, %sub3A_320 : vector<16xf32>
        %add3A_324 = arith.addf %add3A_308, %mul3A_323 : vector<16xf32>
        %get3A_325 = arith.constant 5 : i32
        %get3A_326 = arith.index_cast %get3A_325 : i32 to index
        %get3A_327 = arith.index_cast %mul3A_241 : i32 to index
        %get3A_328 = tpu.vector_load %arg7[%get3A_326, %get3A_327] {strides = array<i32>} : memref<16x1024xf32, #tpu.memory_space<vmem>>, vector<16xf32>,
        %add3A_329 = arith.constant 16 : i32
        %add3A_330 = arith.addi %mul3A_241, %add3A_329 : i32
        %get3A_331 = arith.constant 5 : i32
        %get3A_332 = arith.index_cast %get3A_331 : i32 to index
        %get3A_333 = arith.index_cast %add3A_330 : i32 to index
        %get3A_334 = tpu.vector_load %arg7[%get3A_332, %get3A_333] {strides = array<i32>} : memref<16x1024xf32, #tpu.memory_space<vmem>>, vector<16xf32>,
        %sub3A_335 = arith.subf %get3A_328, %broadcast_in_dim3A_16 : vector<16xf32>
        %sub3A_336 = arith.subf %get3A_334, %broadcast_in_dim3A_16 : vector<16xf32>
        %mul3A_337 = arith.mulf %sub3A_335, %sub3A_335 : vector<16xf32>
        %add3A_338 = arith.addf %add3A_322, %mul3A_337 : vector<16xf32>
        %mul3A_339 = arith.mulf %sub3A_336, %sub3A_336 : vector<16xf32>
        %add3A_340 = arith.addf %add3A_324, %mul3A_339 : vector<16xf32>
        %get3A_341 = arith.constant 6 : i32
        %get3A_342 = arith.index_cast %get3A_341 : i32 to index
        %get3A_343 = arith.index_cast %mul3A_241 : i32 to index
        %get3A_344 = tpu.vector_load %arg7[%get3A_342, %get3A_343] {strides = array<i32>} : memref<16x1024xf32, #tpu.memory_space<vmem>>, vector<16xf32>,
        %add3A_345 = arith.constant 16 : i32
        %add3A_346 = arith.addi %mul3A_241, %add3A_345 : i32
        %get3A_347 = arith.constant 6 : i32
        %get3A_348 = arith.index_cast %get3A_347 : i32 to index
        %get3A_349 = arith.index_cast %add3A_346 : i32 to index
        %get3A_350 = tpu.vector_load %arg7[%get3A_348, %get3A_349] {strides = array<i32>} : memref<16x1024xf32, #tpu.memory_space<vmem>>, vector<16xf32>,
        %sub3A_351 = arith.subf %get3A_344, %broadcast_in_dim3A_19 : vector<16xf32>
        %sub3A_352 = arith.subf %get3A_350, %broadcast_in_dim3A_19 : vector<16xf32>
        %mul3A_353 = arith.mulf %sub3A_351, %sub3A_351 : vector<16xf32>
        %add3A_354 = arith.addf %add3A_338, %mul3A_353 : vector<16xf32>
        %mul3A_355 = arith.mulf %sub3A_352, %sub3A_352 : vector<16xf32>
        %add3A_356 = arith.addf %add3A_340, %mul3A_355 : vector<16xf32>
        %get3A_357 = arith.constant 7 : i32
        %get3A_358 = arith.index_cast %get3A_357 : i32 to index
        %get3A_359 = arith.index_cast %mul3A_241 : i32 to index
        %get3A_360 = tpu.vector_load %arg7[%get3A_358, %get3A_359] {strides = array<i32>} : memref<16x1024xf32, #tpu.memory_space<vmem>>, vector<16xf32>,
        %add3A_361 = arith.constant 16 : i32
        %add3A_362 = arith.addi %mul3A_241, %add3A_361 : i32
        %get3A_363 = arith.constant 7 : i32
        %get3A_364 = arith.index_cast %get3A_363 : i32 to index
        %get3A_365 = arith.index_cast %add3A_362 : i32 to index
        %get3A_366 = tpu.vector_load %arg7[%get3A_364, %get3A_365] {strides = array<i32>} : memref<16x1024xf32, #tpu.memory_space<vmem>>, vector<16xf32>,
        %sub3A_367 = arith.subf %get3A_360, %broadcast_in_dim3A_22 : vector<16xf32>
        %sub3A_368 = arith.subf %get3A_366, %broadcast_in_dim3A_22 : vector<16xf32>
        %mul3A_369 = arith.mulf %sub3A_367, %sub3A_367 : vector<16xf32>
        %add3A_370 = arith.addf %add3A_354, %mul3A_369 : vector<16xf32>
        %mul3A_371 = arith.mulf %sub3A_368, %sub3A_368 : vector<16xf32>
        %add3A_372 = arith.addf %add3A_356, %mul3A_371 : vector<16xf32>
        %get3A_373 = arith.constant 8 : i32
        %get3A_374 = arith.index_cast %get3A_373 : i32 to index
        %get3A_375 = arith.index_cast %mul3A_241 : i32 to index
        %get3A_376 = tpu.vector_load %arg7[%get3A_374, %get3A_375] {strides = array<i32>} : memref<16x1024xf32, #tpu.memory_space<vmem>>, vector<16xf32>,
        %add3A_377 = arith.constant 16 : i32
        %add3A_378 = arith.addi %mul3A_241, %add3A_377 : i32
        %get3A_379 = arith.constant 8 : i32
        %get3A_380 = arith.index_cast %get3A_379 : i32 to index
        %get3A_381 = arith.index_cast %add3A_378 : i32 to index
        %get3A_382 = tpu.vector_load %arg7[%get3A_380, %get3A_381] {strides = array<i32>} : memref<16x1024xf32, #tpu.memory_space<vmem>>, vector<16xf32>,
        %sub3A_383 = arith.subf %get3A_376, %broadcast_in_dim3A_25 : vector<16xf32>
        %sub3A_384 = arith.subf %get3A_382, %broadcast_in_dim3A_25 : vector<16xf32>
        %mul3A_385 = arith.mulf %sub3A_383, %sub3A_383 : vector<16xf32>
        %add3A_386 = arith.addf %add3A_370, %mul3A_385 : vector<16xf32>
        %mul3A_387 = arith.mulf %sub3A_384, %sub3A_384 : vector<16xf32>
        %add3A_388 = arith.addf %add3A_372, %mul3A_387 : vector<16xf32>
        %get3A_389 = arith.constant 9 : i32
        %get3A_390 = arith.index_cast %get3A_389 : i32 to index
        %get3A_391 = arith.index_cast %mul3A_241 : i32 to index
        %get3A_392 = tpu.vector_load %arg7[%get3A_390, %get3A_391] {strides = array<i32>} : memref<16x1024xf32, #tpu.memory_space<vmem>>, vector<16xf32>,
        %add3A_393 = arith.constant 16 : i32
        %add3A_394 = arith.addi %mul3A_241, %add3A_393 : i32
        %get3A_395 = arith.constant 9 : i32
        %get3A_396 = arith.index_cast %get3A_395 : i32 to index
        %get3A_397 = arith.index_cast %add3A_394 : i32 to index
        %get3A_398 = tpu.vector_load %arg7[%get3A_396, %get3A_397] {strides = array<i32>} : memref<16x1024xf32, #tpu.memory_space<vmem>>, vector<16xf32>,
        %sub3A_399 = arith.subf %get3A_392, %broadcast_in_dim3A_28 : vector<16xf32>
        %sub3A_400 = arith.subf %get3A_398, %broadcast_in_dim3A_28 : vector<16xf32>
        %mul3A_401 = arith.mulf %sub3A_399, %sub3A_399 : vector<16xf32>
        %add3A_402 = arith.addf %add3A_386, %mul3A_401 : vector<16xf32>
        %mul3A_403 = arith.mulf %sub3A_400, %sub3A_400 : vector<16xf32>
        %add3A_404 = arith.addf %add3A_388, %mul3A_403 : vector<16xf32>
        %get3A_405 = arith.constant 10 : i32
        %get3A_406 = arith.index_cast %get3A_405 : i32 to index
        %get3A_407 = arith.index_cast %mul3A_241 : i32 to index
        %get3A_408 = tpu.vector_load %arg7[%get3A_406, %get3A_407] {strides = array<i32>} : memref<16x1024xf32, #tpu.memory_space<vmem>>, vector<16xf32>,
        %add3A_409 = arith.constant 16 : i32
        %add3A_410 = arith.addi %mul3A_241, %add3A_409 : i32
        %get3A_411 = arith.constant 10 : i32
        %get3A_412 = arith.index_cast %get3A_411 : i32 to index
        %get3A_413 = arith.index_cast %add3A_410 : i32 to index
        %get3A_414 = tpu.vector_load %arg7[%get3A_412, %get3A_413] {strides = array<i32>} : memref<16x1024xf32, #tpu.memory_space<vmem>>, vector<16xf32>,
        %sub3A_415 = arith.subf %get3A_408, %broadcast_in_dim3A_31 : vector<16xf32>
        %sub3A_416 = arith.subf %get3A_414, %broadcast_in_dim3A_31 : vector<16xf32>
        %mul3A_417 = arith.mulf %sub3A_415, %sub3A_415 : vector<16xf32>
        %add3A_418 = arith.addf %add3A_402, %mul3A_417 : vector<16xf32>
        %mul3A_419 = arith.mulf %sub3A_416, %sub3A_416 : vector<16xf32>
        %add3A_420 = arith.addf %add3A_404, %mul3A_419 : vector<16xf32>
        %get3A_421 = arith.constant 11 : i32
        %get3A_422 = arith.index_cast %get3A_421 : i32 to index
        %get3A_423 = arith.index_cast %mul3A_241 : i32 to index
        %get3A_424 = tpu.vector_load %arg7[%get3A_422, %get3A_423] {strides = array<i32>} : memref<16x1024xf32, #tpu.memory_space<vmem>>, vector<16xf32>,
        %add3A_425 = arith.constant 16 : i32
        %add3A_426 = arith.addi %mul3A_241, %add3A_425 : i32
        %get3A_427 = arith.constant 11 : i32
        %get3A_428 = arith.index_cast %get3A_427 : i32 to index
        %get3A_429 = arith.index_cast %add3A_426 : i32 to index
        %get3A_430 = tpu.vector_load %arg7[%get3A_428, %get3A_429] {strides = array<i32>} : memref<16x1024xf32, #tpu.memory_space<vmem>>, vector<16xf32>,
        %sub3A_431 = arith.subf %get3A_424, %broadcast_in_dim3A_34 : vector<16xf32>
        %sub3A_432 = arith.subf %get3A_430, %broadcast_in_dim3A_34 : vector<16xf32>
        %mul3A_433 = arith.mulf %sub3A_431, %sub3A_431 : vector<16xf32>
        %add3A_434 = arith.addf %add3A_418, %mul3A_433 : vector<16xf32>
        %mul3A_435 = arith.mulf %sub3A_432, %sub3A_432 : vector<16xf32>
        %add3A_436 = arith.addf %add3A_420, %mul3A_435 : vector<16xf32>
        %get3A_437 = arith.constant 12 : i32
        %get3A_438 = arith.index_cast %get3A_437 : i32 to index
        %get3A_439 = arith.index_cast %mul3A_241 : i32 to index
        %get3A_440 = tpu.vector_load %arg7[%get3A_438, %get3A_439] {strides = array<i32>} : memref<16x1024xf32, #tpu.memory_space<vmem>>, vector<16xf32>,
        %add3A_441 = arith.constant 16 : i32
        %add3A_442 = arith.addi %mul3A_241, %add3A_441 : i32
        %get3A_443 = arith.constant 12 : i32
        %get3A_444 = arith.index_cast %get3A_443 : i32 to index
        %get3A_445 = arith.index_cast %add3A_442 : i32 to index
        %get3A_446 = tpu.vector_load %arg7[%get3A_444, %get3A_445] {strides = array<i32>} : memref<16x1024xf32, #tpu.memory_space<vmem>>, vector<16xf32>,
        %sub3A_447 = arith.subf %get3A_440, %broadcast_in_dim3A_37 : vector<16xf32>
        %sub3A_448 = arith.subf %get3A_446, %broadcast_in_dim3A_37 : vector<16xf32>
        %mul3A_449 = arith.mulf %sub3A_447, %sub3A_447 : vector<16xf32>
        %add3A_450 = arith.addf %add3A_434, %mul3A_449 : vector<16xf32>
        %mul3A_451 = arith.mulf %sub3A_448, %sub3A_448 : vector<16xf32>
        %add3A_452 = arith.addf %add3A_436, %mul3A_451 : vector<16xf32>
        %get3A_453 = arith.constant 13 : i32
        %get3A_454 = arith.index_cast %get3A_453 : i32 to index
        %get3A_455 = arith.index_cast %mul3A_241 : i32 to index
        %get3A_456 = tpu.vector_load %arg7[%get3A_454, %get3A_455] {strides = array<i32>} : memref<16x1024xf32, #tpu.memory_space<vmem>>, vector<16xf32>,
        %add3A_457 = arith.constant 16 : i32
        %add3A_458 = arith.addi %mul3A_241, %add3A_457 : i32
        %get3A_459 = arith.constant 13 : i32
        %get3A_460 = arith.index_cast %get3A_459 : i32 to index
        %get3A_461 = arith.index_cast %add3A_458 : i32 to index
        %get3A_462 = tpu.vector_load %arg7[%get3A_460, %get3A_461] {strides = array<i32>} : memref<16x1024xf32, #tpu.memory_space<vmem>>, vector<16xf32>,
        %sub3A_463 = arith.subf %get3A_456, %broadcast_in_dim3A_40 : vector<16xf32>
        %sub3A_464 = arith.subf %get3A_462, %broadcast_in_dim3A_40 : vector<16xf32>
        %mul3A_465 = arith.mulf %sub3A_463, %sub3A_463 : vector<16xf32>
        %add3A_466 = arith.addf %add3A_450, %mul3A_465 : vector<16xf32>
        %mul3A_467 = arith.mulf %sub3A_464, %sub3A_464 : vector<16xf32>
        %add3A_468 = arith.addf %add3A_452, %mul3A_467 : vector<16xf32>
        %get3A_469 = arith.constant 14 : i32
        %get3A_470 = arith.index_cast %get3A_469 : i32 to index
        %get3A_471 = arith.index_cast %mul3A_241 : i32 to index
        %get3A_472 = tpu.vector_load %arg7[%get3A_470, %get3A_471] {strides = array<i32>} : memref<16x1024xf32, #tpu.memory_space<vmem>>, vector<16xf32>,
        %add3A_473 = arith.constant 16 : i32
        %add3A_474 = arith.addi %mul3A_241, %add3A_473 : i32
        %get3A_475 = arith.constant 14 : i32
        %get3A_476 = arith.index_cast %get3A_475 : i32 to index
        %get3A_477 = arith.index_cast %add3A_474 : i32 to index
        %get3A_478 = tpu.vector_load %arg7[%get3A_476, %get3A_477] {strides = array<i32>} : memref<16x1024xf32, #tpu.memory_space<vmem>>, vector<16xf32>,
        %sub3A_479 = arith.subf %get3A_472, %broadcast_in_dim3A_43 : vector<16xf32>
        %sub3A_480 = arith.subf %get3A_478, %broadcast_in_dim3A_43 : vector<16xf32>
        %mul3A_481 = arith.mulf %sub3A_479, %sub3A_479 : vector<16xf32>
        %add3A_482 = arith.addf %add3A_466, %mul3A_481 : vector<16xf32>
        %mul3A_483 = arith.mulf %sub3A_480, %sub3A_480 : vector<16xf32>
        %add3A_484 = arith.addf %add3A_468, %mul3A_483 : vector<16xf32>
        %get3A_485 = arith.constant 15 : i32
        %get3A_486 = arith.index_cast %get3A_485 : i32 to index
        %get3A_487 = arith.index_cast %mul3A_241 : i32 to index
        %get3A_488 = tpu.vector_load %arg7[%get3A_486, %get3A_487] {strides = array<i32>} : memref<16x1024xf32, #tpu.memory_space<vmem>>, vector<16xf32>,
        %add3A_489 = arith.constant 16 : i32
        %add3A_490 = arith.addi %mul3A_241, %add3A_489 : i32
        %get3A_491 = arith.constant 15 : i32
        %get3A_492 = arith.index_cast %get3A_491 : i32 to index
        %get3A_493 = arith.index_cast %add3A_490 : i32 to index
        %get3A_494 = tpu.vector_load %arg7[%get3A_492, %get3A_493] {strides = array<i32>} : memref<16x1024xf32, #tpu.memory_space<vmem>>, vector<16xf32>,
        %sub3A_495 = arith.subf %get3A_488, %broadcast_in_dim3A_46 : vector<16xf32>
        %sub3A_496 = arith.subf %get3A_494, %broadcast_in_dim3A_46 : vector<16xf32>
        %mul3A_497 = arith.mulf %sub3A_495, %sub3A_495 : vector<16xf32>
        %add3A_498 = arith.addf %add3A_482, %mul3A_497 : vector<16xf32>
        %mul3A_499 = arith.mulf %sub3A_496, %sub3A_496 : vector<16xf32>
        %add3A_500 = arith.addf %add3A_484, %mul3A_499 : vector<16xf32>
        %lt3A_501 = arith.cmpf olt, %add3A_498, %scan3A_238 : vector<16xf32>
        %and3A = vector.broadcast %lt3A_131 : i1 to vector<16xi1>
        %and3A_502 = arith.andi %and3A, %lt3A_501 : vector<16xi1>
        %select_n3A_503 = arith.select %and3A_502, %add3A_498, %scan3A_238 : vector<16xi1>, vector<16xf32>
        %add3A_504 = arith.addi %mul3A_129, %mul3A_241 : i32
        %add3A_505 = vector.broadcast %add3A_504 : i32 to vector<16xi32>
        %add3A_506 = arith.addi %add3A_505, %iota3A : vector<16xi32>
        %select_n3A_507 = arith.select %and3A_502, %add3A_506, %scan3A_239 : vector<16xi1>, vector<16xi32>
        %lt3A_508 = arith.cmpf olt, %add3A_500, %select_n3A_503 : vector<16xf32>
        %and3A_509 = vector.broadcast %lt3A_131 : i1 to vector<16xi1>
        %and3A_510 = arith.andi %and3A_509, %lt3A_508 : vector<16xi1>
        %select_n3A_511 = arith.select %and3A_510, %add3A_500, %select_n3A_503 : vector<16xi1>, vector<16xf32>
        %add3A_512 = arith.addi %mul3A_129, %mul3A_241 : i32
        %add3A_513 = arith.constant 16 : i32
        %add3A_514 = arith.addi %add3A_512, %add3A_513 : i32
        %add3A_515 = vector.broadcast %add3A_514 : i32 to vector<16xi32>
        %add3A_516 = arith.addi %add3A_515, %iota3A : vector<16xi32>
        %select_n3A_517 = arith.select %and3A_510, %add3A_516, %select_n3A_507 : vector<16xi1>, vector<16xi32>
        scf.yield %select_n3A_511, %select_n3A_517 : vector<16xf32>, vector<16xi32>
      }
      %scan3A_137 = arith.constant 32 : i32
      %add3A_138 = arith.constant 0 : i32
      %add3A_139 = arith.addi %mul3A_117, %add3A_138 : i32
      %add3A_140 = arith.constant 4 : i32
      %add3A_141 = arith.addi %add3A_139, %add3A_140 : i32
      %lt3A_142 = arith.constant 32 : i32
      %lt3A_143 = arith.cmpi slt, %add3A_141, %lt3A_142 : i32
      %convert_element_type3A_144 = arith.extui %lt3A_143 : i1 to i32
      %cond3A_145 = arith.constant 0 : i32
      %cond3A_146 = arith.cmpi ne, %convert_element_type3A_144, %cond3A_145 : i32
      scf.if %cond3A_146 {
        %add3A_237 = arith.constant 0 : i32
        %add3A_238 = arith.addi %mul3A_117, %add3A_237 : i32
        %add3A_239 = arith.constant 4 : i32
        %add3A_240 = arith.addi %add3A_238, %add3A_239 : i32
        %mul3A_241 = arith.constant 32 : i32
        %mul3A_242 = arith.muli %mul3A_241, %add3A_240 : i32
        %add3A_243 = arith.addi %add3A, %mul3A_242 : i32
        %lt3A_244 = arith.constant 976 : i32
        %lt3A_245 = arith.cmpi slt, %add3A_243, %lt3A_244 : i32
        %mul3A_246 = arith.constant 1024 : i32
        %mul3A_247 = arith.muli %add3A_243, %mul3A_246 : i32
        %jit3A_248 = arith.constant 0 : i32
        %select_n3A_249 = arith.select %lt3A_245, %mul3A_247, %jit3A_248 : i32
        %multiple_of3A_250 = tpu.assume_multiple %select_n3A_249, 128 : i32
        %dma_start3A_251 = arith.constant 0 : i32
        %dma_start3A_252 = tpu.memref_slice %arg3[%dma_start3A_251, %multiple_of3A_250] : memref<16x1000000xf32, #tpu.memory_space<hbm>> -> memref<16x1024xf32, #tpu.memory_space<hbm>>
        %dma_start3A_253 = arith.constant 0 : i32
        %dma_start3A_254 = tpu.memref_slice %arg3[%dma_start3A_253, %multiple_of3A_250] : memref<16x1000000xf32, #tpu.memory_space<hbm>> -> memref<16x1024xf32, #tpu.memory_space<hbm>>
        tpu.enqueue_dma source(%dma_start3A_254 : memref<16x1024xf32, #tpu.memory_space<hbm>>) target(%arg7 : memref<16x1024xf32, #tpu.memory_space<vmem>>) target_semaphore(%arg14 : memref<!tpu.dma_semaphore, #tpu.memory_space<semaphore_mem>>)
      } else {
      }
      %dma_wait3A_147 = arith.constant 0 : i32
      %dma_wait3A_148 = arith.constant 0 : i32
      %dma_wait3A_149 = tpu.memref_slice %arg3[%dma_wait3A_147, %dma_wait3A_148] : memref<16x1000000xf32, #tpu.memory_space<hbm>> -> memref<16x1024xf32, #tpu.memory_space<hbm>>
      %dma_wait3A_150 = arith.constant 0 : i32
      %dma_wait3A_151 = arith.constant 0 : i32
      %dma_wait3A_152 = tpu.memref_slice %arg3[%dma_wait3A_150, %dma_wait3A_151] : memref<16x1000000xf32, #tpu.memory_space<hbm>> -> memref<16x1024xf32, #tpu.memory_space<hbm>>
      tpu.wait_dma2 semaphore(%arg15 : memref<!tpu.dma_semaphore, #tpu.memory_space<semaphore_mem>>) src(%dma_wait3A_152 : memref<16x1024xf32, #tpu.memory_space<hbm>>) dst(%arg8 : memref<16x1024xf32, #tpu.memory_space<vmem>>)
      %add3A_153 = arith.constant 1 : i32
      %add3A_154 = arith.addi %mul3A_117, %add3A_153 : i32
      %mul3A_155 = arith.constant 32 : i32
      %mul3A_156 = arith.muli %mul3A_155, %add3A_154 : i32
      %add3A_157 = arith.addi %add3A, %mul3A_156 : i32
      %mul3A_158 = arith.constant 1024 : i32
      %mul3A_159 = arith.muli %add3A_157, %mul3A_158 : i32
      %lt3A_160 = arith.constant 976 : i32
      %lt3A_161 = arith.cmpi slt, %add3A_157, %lt3A_160 : i32
      %scan3A_162 = arith.constant 0 : i32
      %scan3A_163 = arith.constant 32 : i32
      %scan3A_164 = arith.addi %scan3A_162, %scan3A_163 : i32
      %scan3A_165 = arith.constant 1 : i32
      %scan3A_166:2 = scf.for %scan3A_237 = %scan3A_162 to %scan3A_164 step %scan3A_165 iter_args(%scan3A_238 = %scan3A_136#0, %scan3A_239 = %scan3A_136#1) -> (vector<16xf32>, vector<16xi32>)  : i32 {
        %mul3A_240 = arith.constant 32 : i32
        %mul3A_241 = arith.muli %scan3A_237, %mul3A_240 : i32
        %broadcast_in_dim3A_242 = arith.constant 0.000000e+00 : f32
        %broadcast_in_dim3A_243 = vector.broadcast %broadcast_in_dim3A_242 : f32 to vector<16xf32>
        %broadcast_in_dim3A_244 = arith.constant 0.000000e+00 : f32
        %broadcast_in_dim3A_245 = vector.broadcast %broadcast_in_dim3A_244 : f32 to vector<16xf32>
        %get3A_246 = arith.constant 0 : i32
        %get3A_247 = arith.index_cast %get3A_246 : i32 to index
        %get3A_248 = arith.index_cast %mul3A_241 : i32 to index
        %get3A_249 = tpu.vector_load %arg8[%get3A_247, %get3A_248] {strides = array<i32>} : memref<16x1024xf32, #tpu.memory_space<vmem>>, vector<16xf32>,
        %add3A_250 = arith.constant 16 : i32
        %add3A_251 = arith.addi %mul3A_241, %add3A_250 : i32
        %get3A_252 = arith.constant 0 : i32
        %get3A_253 = arith.index_cast %get3A_252 : i32 to index
        %get3A_254 = arith.index_cast %add3A_251 : i32 to index
        %get3A_255 = tpu.vector_load %arg8[%get3A_253, %get3A_254] {strides = array<i32>} : memref<16x1024xf32, #tpu.memory_space<vmem>>, vector<16xf32>,
        %sub3A = arith.subf %get3A_249, %broadcast_in_dim3A : vector<16xf32>
        %sub3A_256 = arith.subf %get3A_255, %broadcast_in_dim3A : vector<16xf32>
        %mul3A_257 = arith.mulf %sub3A, %sub3A : vector<16xf32>
        %add3A_258 = arith.addf %broadcast_in_dim3A_243, %mul3A_257 : vector<16xf32>
        %mul3A_259 = arith.mulf %sub3A_256, %sub3A_256 : vector<16xf32>
        %add3A_260 = arith.addf %broadcast_in_dim3A_245, %mul3A_259 : vector<16xf32>
        %get3A_261 = arith.constant 1 : i32
        %get3A_262 = arith.index_cast %get3A_261 : i32 to index
        %get3A_263 = arith.index_cast %mul3A_241 : i32 to index
        %get3A_264 = tpu.vector_load %arg8[%get3A_262, %get3A_263] {strides = array<i32>} : memref<16x1024xf32, #tpu.memory_space<vmem>>, vector<16xf32>,
        %add3A_265 = arith.constant 16 : i32
        %add3A_266 = arith.addi %mul3A_241, %add3A_265 : i32
        %get3A_267 = arith.constant 1 : i32
        %get3A_268 = arith.index_cast %get3A_267 : i32 to index
        %get3A_269 = arith.index_cast %add3A_266 : i32 to index
        %get3A_270 = tpu.vector_load %arg8[%get3A_268, %get3A_269] {strides = array<i32>} : memref<16x1024xf32, #tpu.memory_space<vmem>>, vector<16xf32>,
        %sub3A_271 = arith.subf %get3A_264, %broadcast_in_dim3A_4 : vector<16xf32>
        %sub3A_272 = arith.subf %get3A_270, %broadcast_in_dim3A_4 : vector<16xf32>
        %mul3A_273 = arith.mulf %sub3A_271, %sub3A_271 : vector<16xf32>
        %add3A_274 = arith.addf %add3A_258, %mul3A_273 : vector<16xf32>
        %mul3A_275 = arith.mulf %sub3A_272, %sub3A_272 : vector<16xf32>
        %add3A_276 = arith.addf %add3A_260, %mul3A_275 : vector<16xf32>
        %get3A_277 = arith.constant 2 : i32
        %get3A_278 = arith.index_cast %get3A_277 : i32 to index
        %get3A_279 = arith.index_cast %mul3A_241 : i32 to index
        %get3A_280 = tpu.vector_load %arg8[%get3A_278, %get3A_279] {strides = array<i32>} : memref<16x1024xf32, #tpu.memory_space<vmem>>, vector<16xf32>,
        %add3A_281 = arith.constant 16 : i32
        %add3A_282 = arith.addi %mul3A_241, %add3A_281 : i32
        %get3A_283 = arith.constant 2 : i32
        %get3A_284 = arith.index_cast %get3A_283 : i32 to index
        %get3A_285 = arith.index_cast %add3A_282 : i32 to index
        %get3A_286 = tpu.vector_load %arg8[%get3A_284, %get3A_285] {strides = array<i32>} : memref<16x1024xf32, #tpu.memory_space<vmem>>, vector<16xf32>,
        %sub3A_287 = arith.subf %get3A_280, %broadcast_in_dim3A_7 : vector<16xf32>
        %sub3A_288 = arith.subf %get3A_286, %broadcast_in_dim3A_7 : vector<16xf32>
        %mul3A_289 = arith.mulf %sub3A_287, %sub3A_287 : vector<16xf32>
        %add3A_290 = arith.addf %add3A_274, %mul3A_289 : vector<16xf32>
        %mul3A_291 = arith.mulf %sub3A_288, %sub3A_288 : vector<16xf32>
        %add3A_292 = arith.addf %add3A_276, %mul3A_291 : vector<16xf32>
        %get3A_293 = arith.constant 3 : i32
        %get3A_294 = arith.index_cast %get3A_293 : i32 to index
        %get3A_295 = arith.index_cast %mul3A_241 : i32 to index
        %get3A_296 = tpu.vector_load %arg8[%get3A_294, %get3A_295] {strides = array<i32>} : memref<16x1024xf32, #tpu.memory_space<vmem>>, vector<16xf32>,
        %add3A_297 = arith.constant 16 : i32
        %add3A_298 = arith.addi %mul3A_241, %add3A_297 : i32
        %get3A_299 = arith.constant 3 : i32
        %get3A_300 = arith.index_cast %get3A_299 : i32 to index
        %get3A_301 = arith.index_cast %add3A_298 : i32 to index
        %get3A_302 = tpu.vector_load %arg8[%get3A_300, %get3A_301] {strides = array<i32>} : memref<16x1024xf32, #tpu.memory_space<vmem>>, vector<16xf32>,
        %sub3A_303 = arith.subf %get3A_296, %broadcast_in_dim3A_10 : vector<16xf32>
        %sub3A_304 = arith.subf %get3A_302, %broadcast_in_dim3A_10 : vector<16xf32>
        %mul3A_305 = arith.mulf %sub3A_303, %sub3A_303 : vector<16xf32>
        %add3A_306 = arith.addf %add3A_290, %mul3A_305 : vector<16xf32>
        %mul3A_307 = arith.mulf %sub3A_304, %sub3A_304 : vector<16xf32>
        %add3A_308 = arith.addf %add3A_292, %mul3A_307 : vector<16xf32>
        %get3A_309 = arith.constant 4 : i32
        %get3A_310 = arith.index_cast %get3A_309 : i32 to index
        %get3A_311 = arith.index_cast %mul3A_241 : i32 to index
        %get3A_312 = tpu.vector_load %arg8[%get3A_310, %get3A_311] {strides = array<i32>} : memref<16x1024xf32, #tpu.memory_space<vmem>>, vector<16xf32>,
        %add3A_313 = arith.constant 16 : i32
        %add3A_314 = arith.addi %mul3A_241, %add3A_313 : i32
        %get3A_315 = arith.constant 4 : i32
        %get3A_316 = arith.index_cast %get3A_315 : i32 to index
        %get3A_317 = arith.index_cast %add3A_314 : i32 to index
        %get3A_318 = tpu.vector_load %arg8[%get3A_316, %get3A_317] {strides = array<i32>} : memref<16x1024xf32, #tpu.memory_space<vmem>>, vector<16xf32>,
        %sub3A_319 = arith.subf %get3A_312, %broadcast_in_dim3A_13 : vector<16xf32>
        %sub3A_320 = arith.subf %get3A_318, %broadcast_in_dim3A_13 : vector<16xf32>
        %mul3A_321 = arith.mulf %sub3A_319, %sub3A_319 : vector<16xf32>
        %add3A_322 = arith.addf %add3A_306, %mul3A_321 : vector<16xf32>
        %mul3A_323 = arith.mulf %sub3A_320, %sub3A_320 : vector<16xf32>
        %add3A_324 = arith.addf %add3A_308, %mul3A_323 : vector<16xf32>
        %get3A_325 = arith.constant 5 : i32
        %get3A_326 = arith.index_cast %get3A_325 : i32 to index
        %get3A_327 = arith.index_cast %mul3A_241 : i32 to index
        %get3A_328 = tpu.vector_load %arg8[%get3A_326, %get3A_327] {strides = array<i32>} : memref<16x1024xf32, #tpu.memory_space<vmem>>, vector<16xf32>,
        %add3A_329 = arith.constant 16 : i32
        %add3A_330 = arith.addi %mul3A_241, %add3A_329 : i32
        %get3A_331 = arith.constant 5 : i32
        %get3A_332 = arith.index_cast %get3A_331 : i32 to index
        %get3A_333 = arith.index_cast %add3A_330 : i32 to index
        %get3A_334 = tpu.vector_load %arg8[%get3A_332, %get3A_333] {strides = array<i32>} : memref<16x1024xf32, #tpu.memory_space<vmem>>, vector<16xf32>,
        %sub3A_335 = arith.subf %get3A_328, %broadcast_in_dim3A_16 : vector<16xf32>
        %sub3A_336 = arith.subf %get3A_334, %broadcast_in_dim3A_16 : vector<16xf32>
        %mul3A_337 = arith.mulf %sub3A_335, %sub3A_335 : vector<16xf32>
        %add3A_338 = arith.addf %add3A_322, %mul3A_337 : vector<16xf32>
        %mul3A_339 = arith.mulf %sub3A_336, %sub3A_336 : vector<16xf32>
        %add3A_340 = arith.addf %add3A_324, %mul3A_339 : vector<16xf32>
        %get3A_341 = arith.constant 6 : i32
        %get3A_342 = arith.index_cast %get3A_341 : i32 to index
        %get3A_343 = arith.index_cast %mul3A_241 : i32 to index
        %get3A_344 = tpu.vector_load %arg8[%get3A_342, %get3A_343] {strides = array<i32>} : memref<16x1024xf32, #tpu.memory_space<vmem>>, vector<16xf32>,
        %add3A_345 = arith.constant 16 : i32
        %add3A_346 = arith.addi %mul3A_241, %add3A_345 : i32
        %get3A_347 = arith.constant 6 : i32
        %get3A_348 = arith.index_cast %get3A_347 : i32 to index
        %get3A_349 = arith.index_cast %add3A_346 : i32 to index
        %get3A_350 = tpu.vector_load %arg8[%get3A_348, %get3A_349] {strides = array<i32>} : memref<16x1024xf32, #tpu.memory_space<vmem>>, vector<16xf32>,
        %sub3A_351 = arith.subf %get3A_344, %broadcast_in_dim3A_19 : vector<16xf32>
        %sub3A_352 = arith.subf %get3A_350, %broadcast_in_dim3A_19 : vector<16xf32>
        %mul3A_353 = arith.mulf %sub3A_351, %sub3A_351 : vector<16xf32>
        %add3A_354 = arith.addf %add3A_338, %mul3A_353 : vector<16xf32>
        %mul3A_355 = arith.mulf %sub3A_352, %sub3A_352 : vector<16xf32>
        %add3A_356 = arith.addf %add3A_340, %mul3A_355 : vector<16xf32>
        %get3A_357 = arith.constant 7 : i32
        %get3A_358 = arith.index_cast %get3A_357 : i32 to index
        %get3A_359 = arith.index_cast %mul3A_241 : i32 to index
        %get3A_360 = tpu.vector_load %arg8[%get3A_358, %get3A_359] {strides = array<i32>} : memref<16x1024xf32, #tpu.memory_space<vmem>>, vector<16xf32>,
        %add3A_361 = arith.constant 16 : i32
        %add3A_362 = arith.addi %mul3A_241, %add3A_361 : i32
        %get3A_363 = arith.constant 7 : i32
        %get3A_364 = arith.index_cast %get3A_363 : i32 to index
        %get3A_365 = arith.index_cast %add3A_362 : i32 to index
        %get3A_366 = tpu.vector_load %arg8[%get3A_364, %get3A_365] {strides = array<i32>} : memref<16x1024xf32, #tpu.memory_space<vmem>>, vector<16xf32>,
        %sub3A_367 = arith.subf %get3A_360, %broadcast_in_dim3A_22 : vector<16xf32>
        %sub3A_368 = arith.subf %get3A_366, %broadcast_in_dim3A_22 : vector<16xf32>
        %mul3A_369 = arith.mulf %sub3A_367, %sub3A_367 : vector<16xf32>
        %add3A_370 = arith.addf %add3A_354, %mul3A_369 : vector<16xf32>
        %mul3A_371 = arith.mulf %sub3A_368, %sub3A_368 : vector<16xf32>
        %add3A_372 = arith.addf %add3A_356, %mul3A_371 : vector<16xf32>
        %get3A_373 = arith.constant 8 : i32
        %get3A_374 = arith.index_cast %get3A_373 : i32 to index
        %get3A_375 = arith.index_cast %mul3A_241 : i32 to index
        %get3A_376 = tpu.vector_load %arg8[%get3A_374, %get3A_375] {strides = array<i32>} : memref<16x1024xf32, #tpu.memory_space<vmem>>, vector<16xf32>,
        %add3A_377 = arith.constant 16 : i32
        %add3A_378 = arith.addi %mul3A_241, %add3A_377 : i32
        %get3A_379 = arith.constant 8 : i32
        %get3A_380 = arith.index_cast %get3A_379 : i32 to index
        %get3A_381 = arith.index_cast %add3A_378 : i32 to index
        %get3A_382 = tpu.vector_load %arg8[%get3A_380, %get3A_381] {strides = array<i32>} : memref<16x1024xf32, #tpu.memory_space<vmem>>, vector<16xf32>,
        %sub3A_383 = arith.subf %get3A_376, %broadcast_in_dim3A_25 : vector<16xf32>
        %sub3A_384 = arith.subf %get3A_382, %broadcast_in_dim3A_25 : vector<16xf32>
        %mul3A_385 = arith.mulf %sub3A_383, %sub3A_383 : vector<16xf32>
        %add3A_386 = arith.addf %add3A_370, %mul3A_385 : vector<16xf32>
        %mul3A_387 = arith.mulf %sub3A_384, %sub3A_384 : vector<16xf32>
        %add3A_388 = arith.addf %add3A_372, %mul3A_387 : vector<16xf32>
        %get3A_389 = arith.constant 9 : i32
        %get3A_390 = arith.index_cast %get3A_389 : i32 to index
        %get3A_391 = arith.index_cast %mul3A_241 : i32 to index
        %get3A_392 = tpu.vector_load %arg8[%get3A_390, %get3A_391] {strides = array<i32>} : memref<16x1024xf32, #tpu.memory_space<vmem>>, vector<16xf32>,
        %add3A_393 = arith.constant 16 : i32
        %add3A_394 = arith.addi %mul3A_241, %add3A_393 : i32
        %get3A_395 = arith.constant 9 : i32
        %get3A_396 = arith.index_cast %get3A_395 : i32 to index
        %get3A_397 = arith.index_cast %add3A_394 : i32 to index
        %get3A_398 = tpu.vector_load %arg8[%get3A_396, %get3A_397] {strides = array<i32>} : memref<16x1024xf32, #tpu.memory_space<vmem>>, vector<16xf32>,
        %sub3A_399 = arith.subf %get3A_392, %broadcast_in_dim3A_28 : vector<16xf32>
        %sub3A_400 = arith.subf %get3A_398, %broadcast_in_dim3A_28 : vector<16xf32>
        %mul3A_401 = arith.mulf %sub3A_399, %sub3A_399 : vector<16xf32>
        %add3A_402 = arith.addf %add3A_386, %mul3A_401 : vector<16xf32>
        %mul3A_403 = arith.mulf %sub3A_400, %sub3A_400 : vector<16xf32>
        %add3A_404 = arith.addf %add3A_388, %mul3A_403 : vector<16xf32>
        %get3A_405 = arith.constant 10 : i32
        %get3A_406 = arith.index_cast %get3A_405 : i32 to index
        %get3A_407 = arith.index_cast %mul3A_241 : i32 to index
        %get3A_408 = tpu.vector_load %arg8[%get3A_406, %get3A_407] {strides = array<i32>} : memref<16x1024xf32, #tpu.memory_space<vmem>>, vector<16xf32>,
        %add3A_409 = arith.constant 16 : i32
        %add3A_410 = arith.addi %mul3A_241, %add3A_409 : i32
        %get3A_411 = arith.constant 10 : i32
        %get3A_412 = arith.index_cast %get3A_411 : i32 to index
        %get3A_413 = arith.index_cast %add3A_410 : i32 to index
        %get3A_414 = tpu.vector_load %arg8[%get3A_412, %get3A_413] {strides = array<i32>} : memref<16x1024xf32, #tpu.memory_space<vmem>>, vector<16xf32>,
        %sub3A_415 = arith.subf %get3A_408, %broadcast_in_dim3A_31 : vector<16xf32>
        %sub3A_416 = arith.subf %get3A_414, %broadcast_in_dim3A_31 : vector<16xf32>
        %mul3A_417 = arith.mulf %sub3A_415, %sub3A_415 : vector<16xf32>
        %add3A_418 = arith.addf %add3A_402, %mul3A_417 : vector<16xf32>
        %mul3A_419 = arith.mulf %sub3A_416, %sub3A_416 : vector<16xf32>
        %add3A_420 = arith.addf %add3A_404, %mul3A_419 : vector<16xf32>
        %get3A_421 = arith.constant 11 : i32
        %get3A_422 = arith.index_cast %get3A_421 : i32 to index
        %get3A_423 = arith.index_cast %mul3A_241 : i32 to index
        %get3A_424 = tpu.vector_load %arg8[%get3A_422, %get3A_423] {strides = array<i32>} : memref<16x1024xf32, #tpu.memory_space<vmem>>, vector<16xf32>,
        %add3A_425 = arith.constant 16 : i32
        %add3A_426 = arith.addi %mul3A_241, %add3A_425 : i32
        %get3A_427 = arith.constant 11 : i32
        %get3A_428 = arith.index_cast %get3A_427 : i32 to index
        %get3A_429 = arith.index_cast %add3A_426 : i32 to index
        %get3A_430 = tpu.vector_load %arg8[%get3A_428, %get3A_429] {strides = array<i32>} : memref<16x1024xf32, #tpu.memory_space<vmem>>, vector<16xf32>,
        %sub3A_431 = arith.subf %get3A_424, %broadcast_in_dim3A_34 : vector<16xf32>
        %sub3A_432 = arith.subf %get3A_430, %broadcast_in_dim3A_34 : vector<16xf32>
        %mul3A_433 = arith.mulf %sub3A_431, %sub3A_431 : vector<16xf32>
        %add3A_434 = arith.addf %add3A_418, %mul3A_433 : vector<16xf32>
        %mul3A_435 = arith.mulf %sub3A_432, %sub3A_432 : vector<16xf32>
        %add3A_436 = arith.addf %add3A_420, %mul3A_435 : vector<16xf32>
        %get3A_437 = arith.constant 12 : i32
        %get3A_438 = arith.index_cast %get3A_437 : i32 to index
        %get3A_439 = arith.index_cast %mul3A_241 : i32 to index
        %get3A_440 = tpu.vector_load %arg8[%get3A_438, %get3A_439] {strides = array<i32>} : memref<16x1024xf32, #tpu.memory_space<vmem>>, vector<16xf32>,
        %add3A_441 = arith.constant 16 : i32
        %add3A_442 = arith.addi %mul3A_241, %add3A_441 : i32
        %get3A_443 = arith.constant 12 : i32
        %get3A_444 = arith.index_cast %get3A_443 : i32 to index
        %get3A_445 = arith.index_cast %add3A_442 : i32 to index
        %get3A_446 = tpu.vector_load %arg8[%get3A_444, %get3A_445] {strides = array<i32>} : memref<16x1024xf32, #tpu.memory_space<vmem>>, vector<16xf32>,
        %sub3A_447 = arith.subf %get3A_440, %broadcast_in_dim3A_37 : vector<16xf32>
        %sub3A_448 = arith.subf %get3A_446, %broadcast_in_dim3A_37 : vector<16xf32>
        %mul3A_449 = arith.mulf %sub3A_447, %sub3A_447 : vector<16xf32>
        %add3A_450 = arith.addf %add3A_434, %mul3A_449 : vector<16xf32>
        %mul3A_451 = arith.mulf %sub3A_448, %sub3A_448 : vector<16xf32>
        %add3A_452 = arith.addf %add3A_436, %mul3A_451 : vector<16xf32>
        %get3A_453 = arith.constant 13 : i32
        %get3A_454 = arith.index_cast %get3A_453 : i32 to index
        %get3A_455 = arith.index_cast %mul3A_241 : i32 to index
        %get3A_456 = tpu.vector_load %arg8[%get3A_454, %get3A_455] {strides = array<i32>} : memref<16x1024xf32, #tpu.memory_space<vmem>>, vector<16xf32>,
        %add3A_457 = arith.constant 16 : i32
        %add3A_458 = arith.addi %mul3A_241, %add3A_457 : i32
        %get3A_459 = arith.constant 13 : i32
        %get3A_460 = arith.index_cast %get3A_459 : i32 to index
        %get3A_461 = arith.index_cast %add3A_458 : i32 to index
        %get3A_462 = tpu.vector_load %arg8[%get3A_460, %get3A_461] {strides = array<i32>} : memref<16x1024xf32, #tpu.memory_space<vmem>>, vector<16xf32>,
        %sub3A_463 = arith.subf %get3A_456, %broadcast_in_dim3A_40 : vector<16xf32>
        %sub3A_464 = arith.subf %get3A_462, %broadcast_in_dim3A_40 : vector<16xf32>
        %mul3A_465 = arith.mulf %sub3A_463, %sub3A_463 : vector<16xf32>
        %add3A_466 = arith.addf %add3A_450, %mul3A_465 : vector<16xf32>
        %mul3A_467 = arith.mulf %sub3A_464, %sub3A_464 : vector<16xf32>
        %add3A_468 = arith.addf %add3A_452, %mul3A_467 : vector<16xf32>
        %get3A_469 = arith.constant 14 : i32
        %get3A_470 = arith.index_cast %get3A_469 : i32 to index
        %get3A_471 = arith.index_cast %mul3A_241 : i32 to index
        %get3A_472 = tpu.vector_load %arg8[%get3A_470, %get3A_471] {strides = array<i32>} : memref<16x1024xf32, #tpu.memory_space<vmem>>, vector<16xf32>,
        %add3A_473 = arith.constant 16 : i32
        %add3A_474 = arith.addi %mul3A_241, %add3A_473 : i32
        %get3A_475 = arith.constant 14 : i32
        %get3A_476 = arith.index_cast %get3A_475 : i32 to index
        %get3A_477 = arith.index_cast %add3A_474 : i32 to index
        %get3A_478 = tpu.vector_load %arg8[%get3A_476, %get3A_477] {strides = array<i32>} : memref<16x1024xf32, #tpu.memory_space<vmem>>, vector<16xf32>,
        %sub3A_479 = arith.subf %get3A_472, %broadcast_in_dim3A_43 : vector<16xf32>
        %sub3A_480 = arith.subf %get3A_478, %broadcast_in_dim3A_43 : vector<16xf32>
        %mul3A_481 = arith.mulf %sub3A_479, %sub3A_479 : vector<16xf32>
        %add3A_482 = arith.addf %add3A_466, %mul3A_481 : vector<16xf32>
        %mul3A_483 = arith.mulf %sub3A_480, %sub3A_480 : vector<16xf32>
        %add3A_484 = arith.addf %add3A_468, %mul3A_483 : vector<16xf32>
        %get3A_485 = arith.constant 15 : i32
        %get3A_486 = arith.index_cast %get3A_485 : i32 to index
        %get3A_487 = arith.index_cast %mul3A_241 : i32 to index
        %get3A_488 = tpu.vector_load %arg8[%get3A_486, %get3A_487] {strides = array<i32>} : memref<16x1024xf32, #tpu.memory_space<vmem>>, vector<16xf32>,
        %add3A_489 = arith.constant 16 : i32
        %add3A_490 = arith.addi %mul3A_241, %add3A_489 : i32
        %get3A_491 = arith.constant 15 : i32
        %get3A_492 = arith.index_cast %get3A_491 : i32 to index
        %get3A_493 = arith.index_cast %add3A_490 : i32 to index
        %get3A_494 = tpu.vector_load %arg8[%get3A_492, %get3A_493] {strides = array<i32>} : memref<16x1024xf32, #tpu.memory_space<vmem>>, vector<16xf32>,
        %sub3A_495 = arith.subf %get3A_488, %broadcast_in_dim3A_46 : vector<16xf32>
        %sub3A_496 = arith.subf %get3A_494, %broadcast_in_dim3A_46 : vector<16xf32>
        %mul3A_497 = arith.mulf %sub3A_495, %sub3A_495 : vector<16xf32>
        %add3A_498 = arith.addf %add3A_482, %mul3A_497 : vector<16xf32>
        %mul3A_499 = arith.mulf %sub3A_496, %sub3A_496 : vector<16xf32>
        %add3A_500 = arith.addf %add3A_484, %mul3A_499 : vector<16xf32>
        %lt3A_501 = arith.cmpf olt, %add3A_498, %scan3A_238 : vector<16xf32>
        %and3A = vector.broadcast %lt3A_161 : i1 to vector<16xi1>
        %and3A_502 = arith.andi %and3A, %lt3A_501 : vector<16xi1>
        %select_n3A_503 = arith.select %and3A_502, %add3A_498, %scan3A_238 : vector<16xi1>, vector<16xf32>
        %add3A_504 = arith.addi %mul3A_159, %mul3A_241 : i32
        %add3A_505 = vector.broadcast %add3A_504 : i32 to vector<16xi32>
        %add3A_506 = arith.addi %add3A_505, %iota3A : vector<16xi32>
        %select_n3A_507 = arith.select %and3A_502, %add3A_506, %scan3A_239 : vector<16xi1>, vector<16xi32>
        %lt3A_508 = arith.cmpf olt, %add3A_500, %select_n3A_503 : vector<16xf32>
        %and3A_509 = vector.broadcast %lt3A_161 : i1 to vector<16xi1>
        %and3A_510 = arith.andi %and3A_509, %lt3A_508 : vector<16xi1>
        %select_n3A_511 = arith.select %and3A_510, %add3A_500, %select_n3A_503 : vector<16xi1>, vector<16xf32>
        %add3A_512 = arith.addi %mul3A_159, %mul3A_241 : i32
        %add3A_513 = arith.constant 16 : i32
        %add3A_514 = arith.addi %add3A_512, %add3A_513 : i32
        %add3A_515 = vector.broadcast %add3A_514 : i32 to vector<16xi32>
        %add3A_516 = arith.addi %add3A_515, %iota3A : vector<16xi32>
        %select_n3A_517 = arith.select %and3A_510, %add3A_516, %select_n3A_507 : vector<16xi1>, vector<16xi32>
        scf.yield %select_n3A_511, %select_n3A_517 : vector<16xf32>, vector<16xi32>
      }
      %scan3A_167 = arith.constant 32 : i32
      %add3A_168 = arith.constant 1 : i32
      %add3A_169 = arith.addi %mul3A_117, %add3A_168 : i32
      %add3A_170 = arith.constant 4 : i32
      %add3A_171 = arith.addi %add3A_169, %add3A_170 : i32
      %lt3A_172 = arith.constant 32 : i32
      %lt3A_173 = arith.cmpi slt, %add3A_171, %lt3A_172 : i32
      %convert_element_type3A_174 = arith.extui %lt3A_173 : i1 to i32
      %cond3A_175 = arith.constant 0 : i32
      %cond3A_176 = arith.cmpi ne, %convert_element_type3A_174, %cond3A_175 : i32
      scf.if %cond3A_176 {
        %add3A_237 = arith.constant 1 : i32
        %add3A_238 = arith.addi %mul3A_117, %add3A_237 : i32
        %add3A_239 = arith.constant 4 : i32
        %add3A_240 = arith.addi %add3A_238, %add3A_239 : i32
        %mul3A_241 = arith.constant 32 : i32
        %mul3A_242 = arith.muli %mul3A_241, %add3A_240 : i32
        %add3A_243 = arith.addi %add3A, %mul3A_242 : i32
        %lt3A_244 = arith.constant 976 : i32
        %lt3A_245 = arith.cmpi slt, %add3A_243, %lt3A_244 : i32
        %mul3A_246 = arith.constant 1024 : i32
        %mul3A_247 = arith.muli %add3A_243, %mul3A_246 : i32
        %jit3A_248 = arith.constant 0 : i32
        %select_n3A_249 = arith.select %lt3A_245, %mul3A_247, %jit3A_248 : i32
        %multiple_of3A_250 = tpu.assume_multiple %select_n3A_249, 128 : i32
        %dma_start3A_251 = arith.constant 0 : i32
        %dma_start3A_252 = tpu.memref_slice %arg3[%dma_start3A_251, %multiple_of3A_250] : memref<16x1000000xf32, #tpu.memory_space<hbm>> -> memref<16x1024xf32, #tpu.memory_space<hbm>>
        %dma_start3A_253 = arith.constant 0 : i32
        %dma_start3A_254 = tpu.memref_slice %arg3[%dma_start3A_253, %multiple_of3A_250] : memref<16x1000000xf32, #tpu.memory_space<hbm>> -> memref<16x1024xf32, #tpu.memory_space<hbm>>
        tpu.enqueue_dma source(%dma_start3A_254 : memref<16x1024xf32, #tpu.memory_space<hbm>>) target(%arg8 : memref<16x1024xf32, #tpu.memory_space<vmem>>) target_semaphore(%arg15 : memref<!tpu.dma_semaphore, #tpu.memory_space<semaphore_mem>>)
      } else {
      }
      %dma_wait3A_177 = arith.constant 0 : i32
      %dma_wait3A_178 = arith.constant 0 : i32
      %dma_wait3A_179 = tpu.memref_slice %arg3[%dma_wait3A_177, %dma_wait3A_178] : memref<16x1000000xf32, #tpu.memory_space<hbm>> -> memref<16x1024xf32, #tpu.memory_space<hbm>>
      %dma_wait3A_180 = arith.constant 0 : i32
      %dma_wait3A_181 = arith.constant 0 : i32
      %dma_wait3A_182 = tpu.memref_slice %arg3[%dma_wait3A_180, %dma_wait3A_181] : memref<16x1000000xf32, #tpu.memory_space<hbm>> -> memref<16x1024xf32, #tpu.memory_space<hbm>>
      tpu.wait_dma2 semaphore(%arg16 : memref<!tpu.dma_semaphore, #tpu.memory_space<semaphore_mem>>) src(%dma_wait3A_182 : memref<16x1024xf32, #tpu.memory_space<hbm>>) dst(%arg9 : memref<16x1024xf32, #tpu.memory_space<vmem>>)
      %add3A_183 = arith.constant 2 : i32
      %add3A_184 = arith.addi %mul3A_117, %add3A_183 : i32
      %mul3A_185 = arith.constant 32 : i32
      %mul3A_186 = arith.muli %mul3A_185, %add3A_184 : i32
      %add3A_187 = arith.addi %add3A, %mul3A_186 : i32
      %mul3A_188 = arith.constant 1024 : i32
      %mul3A_189 = arith.muli %add3A_187, %mul3A_188 : i32
      %lt3A_190 = arith.constant 976 : i32
      %lt3A_191 = arith.cmpi slt, %add3A_187, %lt3A_190 : i32
      %scan3A_192 = arith.constant 0 : i32
      %scan3A_193 = arith.constant 32 : i32
      %scan3A_194 = arith.addi %scan3A_192, %scan3A_193 : i32
      %scan3A_195 = arith.constant 1 : i32
      %scan3A_196:2 = scf.for %scan3A_237 = %scan3A_192 to %scan3A_194 step %scan3A_195 iter_args(%scan3A_238 = %scan3A_166#0, %scan3A_239 = %scan3A_166#1) -> (vector<16xf32>, vector<16xi32>)  : i32 {
        %mul3A_240 = arith.constant 32 : i32
        %mul3A_241 = arith.muli %scan3A_237, %mul3A_240 : i32
        %broadcast_in_dim3A_242 = arith.constant 0.000000e+00 : f32
        %broadcast_in_dim3A_243 = vector.broadcast %broadcast_in_dim3A_242 : f32 to vector<16xf32>
        %broadcast_in_dim3A_244 = arith.constant 0.000000e+00 : f32
        %broadcast_in_dim3A_245 = vector.broadcast %broadcast_in_dim3A_244 : f32 to vector<16xf32>
        %get3A_246 = arith.constant 0 : i32
        %get3A_247 = arith.index_cast %get3A_246 : i32 to index
        %get3A_248 = arith.index_cast %mul3A_241 : i32 to index
        %get3A_249 = tpu.vector_load %arg9[%get3A_247, %get3A_248] {strides = array<i32>} : memref<16x1024xf32, #tpu.memory_space<vmem>>, vector<16xf32>,
        %add3A_250 = arith.constant 16 : i32
        %add3A_251 = arith.addi %mul3A_241, %add3A_250 : i32
        %get3A_252 = arith.constant 0 : i32
        %get3A_253 = arith.index_cast %get3A_252 : i32 to index
        %get3A_254 = arith.index_cast %add3A_251 : i32 to index
        %get3A_255 = tpu.vector_load %arg9[%get3A_253, %get3A_254] {strides = array<i32>} : memref<16x1024xf32, #tpu.memory_space<vmem>>, vector<16xf32>,
        %sub3A = arith.subf %get3A_249, %broadcast_in_dim3A : vector<16xf32>
        %sub3A_256 = arith.subf %get3A_255, %broadcast_in_dim3A : vector<16xf32>
        %mul3A_257 = arith.mulf %sub3A, %sub3A : vector<16xf32>
        %add3A_258 = arith.addf %broadcast_in_dim3A_243, %mul3A_257 : vector<16xf32>
        %mul3A_259 = arith.mulf %sub3A_256, %sub3A_256 : vector<16xf32>
        %add3A_260 = arith.addf %broadcast_in_dim3A_245, %mul3A_259 : vector<16xf32>
        %get3A_261 = arith.constant 1 : i32
        %get3A_262 = arith.index_cast %get3A_261 : i32 to index
        %get3A_263 = arith.index_cast %mul3A_241 : i32 to index
        %get3A_264 = tpu.vector_load %arg9[%get3A_262, %get3A_263] {strides = array<i32>} : memref<16x1024xf32, #tpu.memory_space<vmem>>, vector<16xf32>,
        %add3A_265 = arith.constant 16 : i32
        %add3A_266 = arith.addi %mul3A_241, %add3A_265 : i32
        %get3A_267 = arith.constant 1 : i32
        %get3A_268 = arith.index_cast %get3A_267 : i32 to index
        %get3A_269 = arith.index_cast %add3A_266 : i32 to index
        %get3A_270 = tpu.vector_load %arg9[%get3A_268, %get3A_269] {strides = array<i32>} : memref<16x1024xf32, #tpu.memory_space<vmem>>, vector<16xf32>,
        %sub3A_271 = arith.subf %get3A_264, %broadcast_in_dim3A_4 : vector<16xf32>
        %sub3A_272 = arith.subf %get3A_270, %broadcast_in_dim3A_4 : vector<16xf32>
        %mul3A_273 = arith.mulf %sub3A_271, %sub3A_271 : vector<16xf32>
        %add3A_274 = arith.addf %add3A_258, %mul3A_273 : vector<16xf32>
        %mul3A_275 = arith.mulf %sub3A_272, %sub3A_272 : vector<16xf32>
        %add3A_276 = arith.addf %add3A_260, %mul3A_275 : vector<16xf32>
        %get3A_277 = arith.constant 2 : i32
        %get3A_278 = arith.index_cast %get3A_277 : i32 to index
        %get3A_279 = arith.index_cast %mul3A_241 : i32 to index
        %get3A_280 = tpu.vector_load %arg9[%get3A_278, %get3A_279] {strides = array<i32>} : memref<16x1024xf32, #tpu.memory_space<vmem>>, vector<16xf32>,
        %add3A_281 = arith.constant 16 : i32
        %add3A_282 = arith.addi %mul3A_241, %add3A_281 : i32
        %get3A_283 = arith.constant 2 : i32
        %get3A_284 = arith.index_cast %get3A_283 : i32 to index
        %get3A_285 = arith.index_cast %add3A_282 : i32 to index
        %get3A_286 = tpu.vector_load %arg9[%get3A_284, %get3A_285] {strides = array<i32>} : memref<16x1024xf32, #tpu.memory_space<vmem>>, vector<16xf32>,
        %sub3A_287 = arith.subf %get3A_280, %broadcast_in_dim3A_7 : vector<16xf32>
        %sub3A_288 = arith.subf %get3A_286, %broadcast_in_dim3A_7 : vector<16xf32>
        %mul3A_289 = arith.mulf %sub3A_287, %sub3A_287 : vector<16xf32>
        %add3A_290 = arith.addf %add3A_274, %mul3A_289 : vector<16xf32>
        %mul3A_291 = arith.mulf %sub3A_288, %sub3A_288 : vector<16xf32>
        %add3A_292 = arith.addf %add3A_276, %mul3A_291 : vector<16xf32>
        %get3A_293 = arith.constant 3 : i32
        %get3A_294 = arith.index_cast %get3A_293 : i32 to index
        %get3A_295 = arith.index_cast %mul3A_241 : i32 to index
        %get3A_296 = tpu.vector_load %arg9[%get3A_294, %get3A_295] {strides = array<i32>} : memref<16x1024xf32, #tpu.memory_space<vmem>>, vector<16xf32>,
        %add3A_297 = arith.constant 16 : i32
        %add3A_298 = arith.addi %mul3A_241, %add3A_297 : i32
        %get3A_299 = arith.constant 3 : i32
        %get3A_300 = arith.index_cast %get3A_299 : i32 to index
        %get3A_301 = arith.index_cast %add3A_298 : i32 to index
        %get3A_302 = tpu.vector_load %arg9[%get3A_300, %get3A_301] {strides = array<i32>} : memref<16x1024xf32, #tpu.memory_space<vmem>>, vector<16xf32>,
        %sub3A_303 = arith.subf %get3A_296, %broadcast_in_dim3A_10 : vector<16xf32>
        %sub3A_304 = arith.subf %get3A_302, %broadcast_in_dim3A_10 : vector<16xf32>
        %mul3A_305 = arith.mulf %sub3A_303, %sub3A_303 : vector<16xf32>
        %add3A_306 = arith.addf %add3A_290, %mul3A_305 : vector<16xf32>
        %mul3A_307 = arith.mulf %sub3A_304, %sub3A_304 : vector<16xf32>
        %add3A_308 = arith.addf %add3A_292, %mul3A_307 : vector<16xf32>
        %get3A_309 = arith.constant 4 : i32
        %get3A_310 = arith.index_cast %get3A_309 : i32 to index
        %get3A_311 = arith.index_cast %mul3A_241 : i32 to index
        %get3A_312 = tpu.vector_load %arg9[%get3A_310, %get3A_311] {strides = array<i32>} : memref<16x1024xf32, #tpu.memory_space<vmem>>, vector<16xf32>,
        %add3A_313 = arith.constant 16 : i32
        %add3A_314 = arith.addi %mul3A_241, %add3A_313 : i32
        %get3A_315 = arith.constant 4 : i32
        %get3A_316 = arith.index_cast %get3A_315 : i32 to index
        %get3A_317 = arith.index_cast %add3A_314 : i32 to index
        %get3A_318 = tpu.vector_load %arg9[%get3A_316, %get3A_317] {strides = array<i32>} : memref<16x1024xf32, #tpu.memory_space<vmem>>, vector<16xf32>,
        %sub3A_319 = arith.subf %get3A_312, %broadcast_in_dim3A_13 : vector<16xf32>
        %sub3A_320 = arith.subf %get3A_318, %broadcast_in_dim3A_13 : vector<16xf32>
        %mul3A_321 = arith.mulf %sub3A_319, %sub3A_319 : vector<16xf32>
        %add3A_322 = arith.addf %add3A_306, %mul3A_321 : vector<16xf32>
        %mul3A_323 = arith.mulf %sub3A_320, %sub3A_320 : vector<16xf32>
        %add3A_324 = arith.addf %add3A_308, %mul3A_323 : vector<16xf32>
        %get3A_325 = arith.constant 5 : i32
        %get3A_326 = arith.index_cast %get3A_325 : i32 to index
        %get3A_327 = arith.index_cast %mul3A_241 : i32 to index
        %get3A_328 = tpu.vector_load %arg9[%get3A_326, %get3A_327] {strides = array<i32>} : memref<16x1024xf32, #tpu.memory_space<vmem>>, vector<16xf32>,
        %add3A_329 = arith.constant 16 : i32
        %add3A_330 = arith.addi %mul3A_241, %add3A_329 : i32
        %get3A_331 = arith.constant 5 : i32
        %get3A_332 = arith.index_cast %get3A_331 : i32 to index
        %get3A_333 = arith.index_cast %add3A_330 : i32 to index
        %get3A_334 = tpu.vector_load %arg9[%get3A_332, %get3A_333] {strides = array<i32>} : memref<16x1024xf32, #tpu.memory_space<vmem>>, vector<16xf32>,
        %sub3A_335 = arith.subf %get3A_328, %broadcast_in_dim3A_16 : vector<16xf32>
        %sub3A_336 = arith.subf %get3A_334, %broadcast_in_dim3A_16 : vector<16xf32>
        %mul3A_337 = arith.mulf %sub3A_335, %sub3A_335 : vector<16xf32>
        %add3A_338 = arith.addf %add3A_322, %mul3A_337 : vector<16xf32>
        %mul3A_339 = arith.mulf %sub3A_336, %sub3A_336 : vector<16xf32>
        %add3A_340 = arith.addf %add3A_324, %mul3A_339 : vector<16xf32>
        %get3A_341 = arith.constant 6 : i32
        %get3A_342 = arith.index_cast %get3A_341 : i32 to index
        %get3A_343 = arith.index_cast %mul3A_241 : i32 to index
        %get3A_344 = tpu.vector_load %arg9[%get3A_342, %get3A_343] {strides = array<i32>} : memref<16x1024xf32, #tpu.memory_space<vmem>>, vector<16xf32>,
        %add3A_345 = arith.constant 16 : i32
        %add3A_346 = arith.addi %mul3A_241, %add3A_345 : i32
        %get3A_347 = arith.constant 6 : i32
        %get3A_348 = arith.index_cast %get3A_347 : i32 to index
        %get3A_349 = arith.index_cast %add3A_346 : i32 to index
        %get3A_350 = tpu.vector_load %arg9[%get3A_348, %get3A_349] {strides = array<i32>} : memref<16x1024xf32, #tpu.memory_space<vmem>>, vector<16xf32>,
        %sub3A_351 = arith.subf %get3A_344, %broadcast_in_dim3A_19 : vector<16xf32>
        %sub3A_352 = arith.subf %get3A_350, %broadcast_in_dim3A_19 : vector<16xf32>
        %mul3A_353 = arith.mulf %sub3A_351, %sub3A_351 : vector<16xf32>
        %add3A_354 = arith.addf %add3A_338, %mul3A_353 : vector<16xf32>
        %mul3A_355 = arith.mulf %sub3A_352, %sub3A_352 : vector<16xf32>
        %add3A_356 = arith.addf %add3A_340, %mul3A_355 : vector<16xf32>
        %get3A_357 = arith.constant 7 : i32
        %get3A_358 = arith.index_cast %get3A_357 : i32 to index
        %get3A_359 = arith.index_cast %mul3A_241 : i32 to index
        %get3A_360 = tpu.vector_load %arg9[%get3A_358, %get3A_359] {strides = array<i32>} : memref<16x1024xf32, #tpu.memory_space<vmem>>, vector<16xf32>,
        %add3A_361 = arith.constant 16 : i32
        %add3A_362 = arith.addi %mul3A_241, %add3A_361 : i32
        %get3A_363 = arith.constant 7 : i32
        %get3A_364 = arith.index_cast %get3A_363 : i32 to index
        %get3A_365 = arith.index_cast %add3A_362 : i32 to index
        %get3A_366 = tpu.vector_load %arg9[%get3A_364, %get3A_365] {strides = array<i32>} : memref<16x1024xf32, #tpu.memory_space<vmem>>, vector<16xf32>,
        %sub3A_367 = arith.subf %get3A_360, %broadcast_in_dim3A_22 : vector<16xf32>
        %sub3A_368 = arith.subf %get3A_366, %broadcast_in_dim3A_22 : vector<16xf32>
        %mul3A_369 = arith.mulf %sub3A_367, %sub3A_367 : vector<16xf32>
        %add3A_370 = arith.addf %add3A_354, %mul3A_369 : vector<16xf32>
        %mul3A_371 = arith.mulf %sub3A_368, %sub3A_368 : vector<16xf32>
        %add3A_372 = arith.addf %add3A_356, %mul3A_371 : vector<16xf32>
        %get3A_373 = arith.constant 8 : i32
        %get3A_374 = arith.index_cast %get3A_373 : i32 to index
        %get3A_375 = arith.index_cast %mul3A_241 : i32 to index
        %get3A_376 = tpu.vector_load %arg9[%get3A_374, %get3A_375] {strides = array<i32>} : memref<16x1024xf32, #tpu.memory_space<vmem>>, vector<16xf32>,
        %add3A_377 = arith.constant 16 : i32
        %add3A_378 = arith.addi %mul3A_241, %add3A_377 : i32
        %get3A_379 = arith.constant 8 : i32
        %get3A_380 = arith.index_cast %get3A_379 : i32 to index
        %get3A_381 = arith.index_cast %add3A_378 : i32 to index
        %get3A_382 = tpu.vector_load %arg9[%get3A_380, %get3A_381] {strides = array<i32>} : memref<16x1024xf32, #tpu.memory_space<vmem>>, vector<16xf32>,
        %sub3A_383 = arith.subf %get3A_376, %broadcast_in_dim3A_25 : vector<16xf32>
        %sub3A_384 = arith.subf %get3A_382, %broadcast_in_dim3A_25 : vector<16xf32>
        %mul3A_385 = arith.mulf %sub3A_383, %sub3A_383 : vector<16xf32>
        %add3A_386 = arith.addf %add3A_370, %mul3A_385 : vector<16xf32>
        %mul3A_387 = arith.mulf %sub3A_384, %sub3A_384 : vector<16xf32>
        %add3A_388 = arith.addf %add3A_372, %mul3A_387 : vector<16xf32>
        %get3A_389 = arith.constant 9 : i32
        %get3A_390 = arith.index_cast %get3A_389 : i32 to index
        %get3A_391 = arith.index_cast %mul3A_241 : i32 to index
        %get3A_392 = tpu.vector_load %arg9[%get3A_390, %get3A_391] {strides = array<i32>} : memref<16x1024xf32, #tpu.memory_space<vmem>>, vector<16xf32>,
        %add3A_393 = arith.constant 16 : i32
        %add3A_394 = arith.addi %mul3A_241, %add3A_393 : i32
        %get3A_395 = arith.constant 9 : i32
        %get3A_396 = arith.index_cast %get3A_395 : i32 to index
        %get3A_397 = arith.index_cast %add3A_394 : i32 to index
        %get3A_398 = tpu.vector_load %arg9[%get3A_396, %get3A_397] {strides = array<i32>} : memref<16x1024xf32, #tpu.memory_space<vmem>>, vector<16xf32>,
        %sub3A_399 = arith.subf %get3A_392, %broadcast_in_dim3A_28 : vector<16xf32>
        %sub3A_400 = arith.subf %get3A_398, %broadcast_in_dim3A_28 : vector<16xf32>
        %mul3A_401 = arith.mulf %sub3A_399, %sub3A_399 : vector<16xf32>
        %add3A_402 = arith.addf %add3A_386, %mul3A_401 : vector<16xf32>
        %mul3A_403 = arith.mulf %sub3A_400, %sub3A_400 : vector<16xf32>
        %add3A_404 = arith.addf %add3A_388, %mul3A_403 : vector<16xf32>
        %get3A_405 = arith.constant 10 : i32
        %get3A_406 = arith.index_cast %get3A_405 : i32 to index
        %get3A_407 = arith.index_cast %mul3A_241 : i32 to index
        %get3A_408 = tpu.vector_load %arg9[%get3A_406, %get3A_407] {strides = array<i32>} : memref<16x1024xf32, #tpu.memory_space<vmem>>, vector<16xf32>,
        %add3A_409 = arith.constant 16 : i32
        %add3A_410 = arith.addi %mul3A_241, %add3A_409 : i32
        %get3A_411 = arith.constant 10 : i32
        %get3A_412 = arith.index_cast %get3A_411 : i32 to index
        %get3A_413 = arith.index_cast %add3A_410 : i32 to index
        %get3A_414 = tpu.vector_load %arg9[%get3A_412, %get3A_413] {strides = array<i32>} : memref<16x1024xf32, #tpu.memory_space<vmem>>, vector<16xf32>,
        %sub3A_415 = arith.subf %get3A_408, %broadcast_in_dim3A_31 : vector<16xf32>
        %sub3A_416 = arith.subf %get3A_414, %broadcast_in_dim3A_31 : vector<16xf32>
        %mul3A_417 = arith.mulf %sub3A_415, %sub3A_415 : vector<16xf32>
        %add3A_418 = arith.addf %add3A_402, %mul3A_417 : vector<16xf32>
        %mul3A_419 = arith.mulf %sub3A_416, %sub3A_416 : vector<16xf32>
        %add3A_420 = arith.addf %add3A_404, %mul3A_419 : vector<16xf32>
        %get3A_421 = arith.constant 11 : i32
        %get3A_422 = arith.index_cast %get3A_421 : i32 to index
        %get3A_423 = arith.index_cast %mul3A_241 : i32 to index
        %get3A_424 = tpu.vector_load %arg9[%get3A_422, %get3A_423] {strides = array<i32>} : memref<16x1024xf32, #tpu.memory_space<vmem>>, vector<16xf32>,
        %add3A_425 = arith.constant 16 : i32
        %add3A_426 = arith.addi %mul3A_241, %add3A_425 : i32
        %get3A_427 = arith.constant 11 : i32
        %get3A_428 = arith.index_cast %get3A_427 : i32 to index
        %get3A_429 = arith.index_cast %add3A_426 : i32 to index
        %get3A_430 = tpu.vector_load %arg9[%get3A_428, %get3A_429] {strides = array<i32>} : memref<16x1024xf32, #tpu.memory_space<vmem>>, vector<16xf32>,
        %sub3A_431 = arith.subf %get3A_424, %broadcast_in_dim3A_34 : vector<16xf32>
        %sub3A_432 = arith.subf %get3A_430, %broadcast_in_dim3A_34 : vector<16xf32>
        %mul3A_433 = arith.mulf %sub3A_431, %sub3A_431 : vector<16xf32>
        %add3A_434 = arith.addf %add3A_418, %mul3A_433 : vector<16xf32>
        %mul3A_435 = arith.mulf %sub3A_432, %sub3A_432 : vector<16xf32>
        %add3A_436 = arith.addf %add3A_420, %mul3A_435 : vector<16xf32>
        %get3A_437 = arith.constant 12 : i32
        %get3A_438 = arith.index_cast %get3A_437 : i32 to index
        %get3A_439 = arith.index_cast %mul3A_241 : i32 to index
        %get3A_440 = tpu.vector_load %arg9[%get3A_438, %get3A_439] {strides = array<i32>} : memref<16x1024xf32, #tpu.memory_space<vmem>>, vector<16xf32>,
        %add3A_441 = arith.constant 16 : i32
        %add3A_442 = arith.addi %mul3A_241, %add3A_441 : i32
        %get3A_443 = arith.constant 12 : i32
        %get3A_444 = arith.index_cast %get3A_443 : i32 to index
        %get3A_445 = arith.index_cast %add3A_442 : i32 to index
        %get3A_446 = tpu.vector_load %arg9[%get3A_444, %get3A_445] {strides = array<i32>} : memref<16x1024xf32, #tpu.memory_space<vmem>>, vector<16xf32>,
        %sub3A_447 = arith.subf %get3A_440, %broadcast_in_dim3A_37 : vector<16xf32>
        %sub3A_448 = arith.subf %get3A_446, %broadcast_in_dim3A_37 : vector<16xf32>
        %mul3A_449 = arith.mulf %sub3A_447, %sub3A_447 : vector<16xf32>
        %add3A_450 = arith.addf %add3A_434, %mul3A_449 : vector<16xf32>
        %mul3A_451 = arith.mulf %sub3A_448, %sub3A_448 : vector<16xf32>
        %add3A_452 = arith.addf %add3A_436, %mul3A_451 : vector<16xf32>
        %get3A_453 = arith.constant 13 : i32
        %get3A_454 = arith.index_cast %get3A_453 : i32 to index
        %get3A_455 = arith.index_cast %mul3A_241 : i32 to index
        %get3A_456 = tpu.vector_load %arg9[%get3A_454, %get3A_455] {strides = array<i32>} : memref<16x1024xf32, #tpu.memory_space<vmem>>, vector<16xf32>,
        %add3A_457 = arith.constant 16 : i32
        %add3A_458 = arith.addi %mul3A_241, %add3A_457 : i32
        %get3A_459 = arith.constant 13 : i32
        %get3A_460 = arith.index_cast %get3A_459 : i32 to index
        %get3A_461 = arith.index_cast %add3A_458 : i32 to index
        %get3A_462 = tpu.vector_load %arg9[%get3A_460, %get3A_461] {strides = array<i32>} : memref<16x1024xf32, #tpu.memory_space<vmem>>, vector<16xf32>,
        %sub3A_463 = arith.subf %get3A_456, %broadcast_in_dim3A_40 : vector<16xf32>
        %sub3A_464 = arith.subf %get3A_462, %broadcast_in_dim3A_40 : vector<16xf32>
        %mul3A_465 = arith.mulf %sub3A_463, %sub3A_463 : vector<16xf32>
        %add3A_466 = arith.addf %add3A_450, %mul3A_465 : vector<16xf32>
        %mul3A_467 = arith.mulf %sub3A_464, %sub3A_464 : vector<16xf32>
        %add3A_468 = arith.addf %add3A_452, %mul3A_467 : vector<16xf32>
        %get3A_469 = arith.constant 14 : i32
        %get3A_470 = arith.index_cast %get3A_469 : i32 to index
        %get3A_471 = arith.index_cast %mul3A_241 : i32 to index
        %get3A_472 = tpu.vector_load %arg9[%get3A_470, %get3A_471] {strides = array<i32>} : memref<16x1024xf32, #tpu.memory_space<vmem>>, vector<16xf32>,
        %add3A_473 = arith.constant 16 : i32
        %add3A_474 = arith.addi %mul3A_241, %add3A_473 : i32
        %get3A_475 = arith.constant 14 : i32
        %get3A_476 = arith.index_cast %get3A_475 : i32 to index
        %get3A_477 = arith.index_cast %add3A_474 : i32 to index
        %get3A_478 = tpu.vector_load %arg9[%get3A_476, %get3A_477] {strides = array<i32>} : memref<16x1024xf32, #tpu.memory_space<vmem>>, vector<16xf32>,
        %sub3A_479 = arith.subf %get3A_472, %broadcast_in_dim3A_43 : vector<16xf32>
        %sub3A_480 = arith.subf %get3A_478, %broadcast_in_dim3A_43 : vector<16xf32>
        %mul3A_481 = arith.mulf %sub3A_479, %sub3A_479 : vector<16xf32>
        %add3A_482 = arith.addf %add3A_466, %mul3A_481 : vector<16xf32>
        %mul3A_483 = arith.mulf %sub3A_480, %sub3A_480 : vector<16xf32>
        %add3A_484 = arith.addf %add3A_468, %mul3A_483 : vector<16xf32>
        %get3A_485 = arith.constant 15 : i32
        %get3A_486 = arith.index_cast %get3A_485 : i32 to index
        %get3A_487 = arith.index_cast %mul3A_241 : i32 to index
        %get3A_488 = tpu.vector_load %arg9[%get3A_486, %get3A_487] {strides = array<i32>} : memref<16x1024xf32, #tpu.memory_space<vmem>>, vector<16xf32>,
        %add3A_489 = arith.constant 16 : i32
        %add3A_490 = arith.addi %mul3A_241, %add3A_489 : i32
        %get3A_491 = arith.constant 15 : i32
        %get3A_492 = arith.index_cast %get3A_491 : i32 to index
        %get3A_493 = arith.index_cast %add3A_490 : i32 to index
        %get3A_494 = tpu.vector_load %arg9[%get3A_492, %get3A_493] {strides = array<i32>} : memref<16x1024xf32, #tpu.memory_space<vmem>>, vector<16xf32>,
        %sub3A_495 = arith.subf %get3A_488, %broadcast_in_dim3A_46 : vector<16xf32>
        %sub3A_496 = arith.subf %get3A_494, %broadcast_in_dim3A_46 : vector<16xf32>
        %mul3A_497 = arith.mulf %sub3A_495, %sub3A_495 : vector<16xf32>
        %add3A_498 = arith.addf %add3A_482, %mul3A_497 : vector<16xf32>
        %mul3A_499 = arith.mulf %sub3A_496, %sub3A_496 : vector<16xf32>
        %add3A_500 = arith.addf %add3A_484, %mul3A_499 : vector<16xf32>
        %lt3A_501 = arith.cmpf olt, %add3A_498, %scan3A_238 : vector<16xf32>
        %and3A = vector.broadcast %lt3A_191 : i1 to vector<16xi1>
        %and3A_502 = arith.andi %and3A, %lt3A_501 : vector<16xi1>
        %select_n3A_503 = arith.select %and3A_502, %add3A_498, %scan3A_238 : vector<16xi1>, vector<16xf32>
        %add3A_504 = arith.addi %mul3A_189, %mul3A_241 : i32
        %add3A_505 = vector.broadcast %add3A_504 : i32 to vector<16xi32>
        %add3A_506 = arith.addi %add3A_505, %iota3A : vector<16xi32>
        %select_n3A_507 = arith.select %and3A_502, %add3A_506, %scan3A_239 : vector<16xi1>, vector<16xi32>
        %lt3A_508 = arith.cmpf olt, %add3A_500, %select_n3A_503 : vector<16xf32>
        %and3A_509 = vector.broadcast %lt3A_191 : i1 to vector<16xi1>
        %and3A_510 = arith.andi %and3A_509, %lt3A_508 : vector<16xi1>
        %select_n3A_511 = arith.select %and3A_510, %add3A_500, %select_n3A_503 : vector<16xi1>, vector<16xf32>
        %add3A_512 = arith.addi %mul3A_189, %mul3A_241 : i32
        %add3A_513 = arith.constant 16 : i32
        %add3A_514 = arith.addi %add3A_512, %add3A_513 : i32
        %add3A_515 = vector.broadcast %add3A_514 : i32 to vector<16xi32>
        %add3A_516 = arith.addi %add3A_515, %iota3A : vector<16xi32>
        %select_n3A_517 = arith.select %and3A_510, %add3A_516, %select_n3A_507 : vector<16xi1>, vector<16xi32>
        scf.yield %select_n3A_511, %select_n3A_517 : vector<16xf32>, vector<16xi32>
      }
      %scan3A_197 = arith.constant 32 : i32
      %add3A_198 = arith.constant 2 : i32
      %add3A_199 = arith.addi %mul3A_117, %add3A_198 : i32
      %add3A_200 = arith.constant 4 : i32
      %add3A_201 = arith.addi %add3A_199, %add3A_200 : i32
      %lt3A_202 = arith.constant 32 : i32
      %lt3A_203 = arith.cmpi slt, %add3A_201, %lt3A_202 : i32
      %convert_element_type3A_204 = arith.extui %lt3A_203 : i1 to i32
      %cond3A_205 = arith.constant 0 : i32
      %cond3A_206 = arith.cmpi ne, %convert_element_type3A_204, %cond3A_205 : i32
      scf.if %cond3A_206 {
        %add3A_237 = arith.constant 2 : i32
        %add3A_238 = arith.addi %mul3A_117, %add3A_237 : i32
        %add3A_239 = arith.constant 4 : i32
        %add3A_240 = arith.addi %add3A_238, %add3A_239 : i32
        %mul3A_241 = arith.constant 32 : i32
        %mul3A_242 = arith.muli %mul3A_241, %add3A_240 : i32
        %add3A_243 = arith.addi %add3A, %mul3A_242 : i32
        %lt3A_244 = arith.constant 976 : i32
        %lt3A_245 = arith.cmpi slt, %add3A_243, %lt3A_244 : i32
        %mul3A_246 = arith.constant 1024 : i32
        %mul3A_247 = arith.muli %add3A_243, %mul3A_246 : i32
        %jit3A_248 = arith.constant 0 : i32
        %select_n3A_249 = arith.select %lt3A_245, %mul3A_247, %jit3A_248 : i32
        %multiple_of3A_250 = tpu.assume_multiple %select_n3A_249, 128 : i32
        %dma_start3A_251 = arith.constant 0 : i32
        %dma_start3A_252 = tpu.memref_slice %arg3[%dma_start3A_251, %multiple_of3A_250] : memref<16x1000000xf32, #tpu.memory_space<hbm>> -> memref<16x1024xf32, #tpu.memory_space<hbm>>
        %dma_start3A_253 = arith.constant 0 : i32
        %dma_start3A_254 = tpu.memref_slice %arg3[%dma_start3A_253, %multiple_of3A_250] : memref<16x1000000xf32, #tpu.memory_space<hbm>> -> memref<16x1024xf32, #tpu.memory_space<hbm>>
        tpu.enqueue_dma source(%dma_start3A_254 : memref<16x1024xf32, #tpu.memory_space<hbm>>) target(%arg9 : memref<16x1024xf32, #tpu.memory_space<vmem>>) target_semaphore(%arg16 : memref<!tpu.dma_semaphore, #tpu.memory_space<semaphore_mem>>)
      } else {
      }
      %dma_wait3A_207 = arith.constant 0 : i32
      %dma_wait3A_208 = arith.constant 0 : i32
      %dma_wait3A_209 = tpu.memref_slice %arg3[%dma_wait3A_207, %dma_wait3A_208] : memref<16x1000000xf32, #tpu.memory_space<hbm>> -> memref<16x1024xf32, #tpu.memory_space<hbm>>
      %dma_wait3A_210 = arith.constant 0 : i32
      %dma_wait3A_211 = arith.constant 0 : i32
      %dma_wait3A_212 = tpu.memref_slice %arg3[%dma_wait3A_210, %dma_wait3A_211] : memref<16x1000000xf32, #tpu.memory_space<hbm>> -> memref<16x1024xf32, #tpu.memory_space<hbm>>
      tpu.wait_dma2 semaphore(%arg17 : memref<!tpu.dma_semaphore, #tpu.memory_space<semaphore_mem>>) src(%dma_wait3A_212 : memref<16x1024xf32, #tpu.memory_space<hbm>>) dst(%arg10 : memref<16x1024xf32, #tpu.memory_space<vmem>>)
      %add3A_213 = arith.constant 3 : i32
      %add3A_214 = arith.addi %mul3A_117, %add3A_213 : i32
      %mul3A_215 = arith.constant 32 : i32
      %mul3A_216 = arith.muli %mul3A_215, %add3A_214 : i32
      %add3A_217 = arith.addi %add3A, %mul3A_216 : i32
      %mul3A_218 = arith.constant 1024 : i32
      %mul3A_219 = arith.muli %add3A_217, %mul3A_218 : i32
      %lt3A_220 = arith.constant 976 : i32
      %lt3A_221 = arith.cmpi slt, %add3A_217, %lt3A_220 : i32
      %scan3A_222 = arith.constant 0 : i32
      %scan3A_223 = arith.constant 32 : i32
      %scan3A_224 = arith.addi %scan3A_222, %scan3A_223 : i32
      %scan3A_225 = arith.constant 1 : i32
      %scan3A_226:2 = scf.for %scan3A_237 = %scan3A_222 to %scan3A_224 step %scan3A_225 iter_args(%scan3A_238 = %scan3A_196#0, %scan3A_239 = %scan3A_196#1) -> (vector<16xf32>, vector<16xi32>)  : i32 {
        %mul3A_240 = arith.constant 32 : i32
        %mul3A_241 = arith.muli %scan3A_237, %mul3A_240 : i32
        %broadcast_in_dim3A_242 = arith.constant 0.000000e+00 : f32
        %broadcast_in_dim3A_243 = vector.broadcast %broadcast_in_dim3A_242 : f32 to vector<16xf32>
        %broadcast_in_dim3A_244 = arith.constant 0.000000e+00 : f32
        %broadcast_in_dim3A_245 = vector.broadcast %broadcast_in_dim3A_244 : f32 to vector<16xf32>
        %get3A_246 = arith.constant 0 : i32
        %get3A_247 = arith.index_cast %get3A_246 : i32 to index
        %get3A_248 = arith.index_cast %mul3A_241 : i32 to index
        %get3A_249 = tpu.vector_load %arg10[%get3A_247, %get3A_248] {strides = array<i32>} : memref<16x1024xf32, #tpu.memory_space<vmem>>, vector<16xf32>,
        %add3A_250 = arith.constant 16 : i32
        %add3A_251 = arith.addi %mul3A_241, %add3A_250 : i32
        %get3A_252 = arith.constant 0 : i32
        %get3A_253 = arith.index_cast %get3A_252 : i32 to index
        %get3A_254 = arith.index_cast %add3A_251 : i32 to index
        %get3A_255 = tpu.vector_load %arg10[%get3A_253, %get3A_254] {strides = array<i32>} : memref<16x1024xf32, #tpu.memory_space<vmem>>, vector<16xf32>,
        %sub3A = arith.subf %get3A_249, %broadcast_in_dim3A : vector<16xf32>
        %sub3A_256 = arith.subf %get3A_255, %broadcast_in_dim3A : vector<16xf32>
        %mul3A_257 = arith.mulf %sub3A, %sub3A : vector<16xf32>
        %add3A_258 = arith.addf %broadcast_in_dim3A_243, %mul3A_257 : vector<16xf32>
        %mul3A_259 = arith.mulf %sub3A_256, %sub3A_256 : vector<16xf32>
        %add3A_260 = arith.addf %broadcast_in_dim3A_245, %mul3A_259 : vector<16xf32>
        %get3A_261 = arith.constant 1 : i32
        %get3A_262 = arith.index_cast %get3A_261 : i32 to index
        %get3A_263 = arith.index_cast %mul3A_241 : i32 to index
        %get3A_264 = tpu.vector_load %arg10[%get3A_262, %get3A_263] {strides = array<i32>} : memref<16x1024xf32, #tpu.memory_space<vmem>>, vector<16xf32>,
        %add3A_265 = arith.constant 16 : i32
        %add3A_266 = arith.addi %mul3A_241, %add3A_265 : i32
        %get3A_267 = arith.constant 1 : i32
        %get3A_268 = arith.index_cast %get3A_267 : i32 to index
        %get3A_269 = arith.index_cast %add3A_266 : i32 to index
        %get3A_270 = tpu.vector_load %arg10[%get3A_268, %get3A_269] {strides = array<i32>} : memref<16x1024xf32, #tpu.memory_space<vmem>>, vector<16xf32>,
        %sub3A_271 = arith.subf %get3A_264, %broadcast_in_dim3A_4 : vector<16xf32>
        %sub3A_272 = arith.subf %get3A_270, %broadcast_in_dim3A_4 : vector<16xf32>
        %mul3A_273 = arith.mulf %sub3A_271, %sub3A_271 : vector<16xf32>
        %add3A_274 = arith.addf %add3A_258, %mul3A_273 : vector<16xf32>
        %mul3A_275 = arith.mulf %sub3A_272, %sub3A_272 : vector<16xf32>
        %add3A_276 = arith.addf %add3A_260, %mul3A_275 : vector<16xf32>
        %get3A_277 = arith.constant 2 : i32
        %get3A_278 = arith.index_cast %get3A_277 : i32 to index
        %get3A_279 = arith.index_cast %mul3A_241 : i32 to index
        %get3A_280 = tpu.vector_load %arg10[%get3A_278, %get3A_279] {strides = array<i32>} : memref<16x1024xf32, #tpu.memory_space<vmem>>, vector<16xf32>,
        %add3A_281 = arith.constant 16 : i32
        %add3A_282 = arith.addi %mul3A_241, %add3A_281 : i32
        %get3A_283 = arith.constant 2 : i32
        %get3A_284 = arith.index_cast %get3A_283 : i32 to index
        %get3A_285 = arith.index_cast %add3A_282 : i32 to index
        %get3A_286 = tpu.vector_load %arg10[%get3A_284, %get3A_285] {strides = array<i32>} : memref<16x1024xf32, #tpu.memory_space<vmem>>, vector<16xf32>,
        %sub3A_287 = arith.subf %get3A_280, %broadcast_in_dim3A_7 : vector<16xf32>
        %sub3A_288 = arith.subf %get3A_286, %broadcast_in_dim3A_7 : vector<16xf32>
        %mul3A_289 = arith.mulf %sub3A_287, %sub3A_287 : vector<16xf32>
        %add3A_290 = arith.addf %add3A_274, %mul3A_289 : vector<16xf32>
        %mul3A_291 = arith.mulf %sub3A_288, %sub3A_288 : vector<16xf32>
        %add3A_292 = arith.addf %add3A_276, %mul3A_291 : vector<16xf32>
        %get3A_293 = arith.constant 3 : i32
        %get3A_294 = arith.index_cast %get3A_293 : i32 to index
        %get3A_295 = arith.index_cast %mul3A_241 : i32 to index
        %get3A_296 = tpu.vector_load %arg10[%get3A_294, %get3A_295] {strides = array<i32>} : memref<16x1024xf32, #tpu.memory_space<vmem>>, vector<16xf32>,
        %add3A_297 = arith.constant 16 : i32
        %add3A_298 = arith.addi %mul3A_241, %add3A_297 : i32
        %get3A_299 = arith.constant 3 : i32
        %get3A_300 = arith.index_cast %get3A_299 : i32 to index
        %get3A_301 = arith.index_cast %add3A_298 : i32 to index
        %get3A_302 = tpu.vector_load %arg10[%get3A_300, %get3A_301] {strides = array<i32>} : memref<16x1024xf32, #tpu.memory_space<vmem>>, vector<16xf32>,
        %sub3A_303 = arith.subf %get3A_296, %broadcast_in_dim3A_10 : vector<16xf32>
        %sub3A_304 = arith.subf %get3A_302, %broadcast_in_dim3A_10 : vector<16xf32>
        %mul3A_305 = arith.mulf %sub3A_303, %sub3A_303 : vector<16xf32>
        %add3A_306 = arith.addf %add3A_290, %mul3A_305 : vector<16xf32>
        %mul3A_307 = arith.mulf %sub3A_304, %sub3A_304 : vector<16xf32>
        %add3A_308 = arith.addf %add3A_292, %mul3A_307 : vector<16xf32>
        %get3A_309 = arith.constant 4 : i32
        %get3A_310 = arith.index_cast %get3A_309 : i32 to index
        %get3A_311 = arith.index_cast %mul3A_241 : i32 to index
        %get3A_312 = tpu.vector_load %arg10[%get3A_310, %get3A_311] {strides = array<i32>} : memref<16x1024xf32, #tpu.memory_space<vmem>>, vector<16xf32>,
        %add3A_313 = arith.constant 16 : i32
        %add3A_314 = arith.addi %mul3A_241, %add3A_313 : i32
        %get3A_315 = arith.constant 4 : i32
        %get3A_316 = arith.index_cast %get3A_315 : i32 to index
        %get3A_317 = arith.index_cast %add3A_314 : i32 to index
        %get3A_318 = tpu.vector_load %arg10[%get3A_316, %get3A_317] {strides = array<i32>} : memref<16x1024xf32, #tpu.memory_space<vmem>>, vector<16xf32>,
        %sub3A_319 = arith.subf %get3A_312, %broadcast_in_dim3A_13 : vector<16xf32>
        %sub3A_320 = arith.subf %get3A_318, %broadcast_in_dim3A_13 : vector<16xf32>
        %mul3A_321 = arith.mulf %sub3A_319, %sub3A_319 : vector<16xf32>
        %add3A_322 = arith.addf %add3A_306, %mul3A_321 : vector<16xf32>
        %mul3A_323 = arith.mulf %sub3A_320, %sub3A_320 : vector<16xf32>
        %add3A_324 = arith.addf %add3A_308, %mul3A_323 : vector<16xf32>
        %get3A_325 = arith.constant 5 : i32
        %get3A_326 = arith.index_cast %get3A_325 : i32 to index
        %get3A_327 = arith.index_cast %mul3A_241 : i32 to index
        %get3A_328 = tpu.vector_load %arg10[%get3A_326, %get3A_327] {strides = array<i32>} : memref<16x1024xf32, #tpu.memory_space<vmem>>, vector<16xf32>,
        %add3A_329 = arith.constant 16 : i32
        %add3A_330 = arith.addi %mul3A_241, %add3A_329 : i32
        %get3A_331 = arith.constant 5 : i32
        %get3A_332 = arith.index_cast %get3A_331 : i32 to index
        %get3A_333 = arith.index_cast %add3A_330 : i32 to index
        %get3A_334 = tpu.vector_load %arg10[%get3A_332, %get3A_333] {strides = array<i32>} : memref<16x1024xf32, #tpu.memory_space<vmem>>, vector<16xf32>,
        %sub3A_335 = arith.subf %get3A_328, %broadcast_in_dim3A_16 : vector<16xf32>
        %sub3A_336 = arith.subf %get3A_334, %broadcast_in_dim3A_16 : vector<16xf32>
        %mul3A_337 = arith.mulf %sub3A_335, %sub3A_335 : vector<16xf32>
        %add3A_338 = arith.addf %add3A_322, %mul3A_337 : vector<16xf32>
        %mul3A_339 = arith.mulf %sub3A_336, %sub3A_336 : vector<16xf32>
        %add3A_340 = arith.addf %add3A_324, %mul3A_339 : vector<16xf32>
        %get3A_341 = arith.constant 6 : i32
        %get3A_342 = arith.index_cast %get3A_341 : i32 to index
        %get3A_343 = arith.index_cast %mul3A_241 : i32 to index
        %get3A_344 = tpu.vector_load %arg10[%get3A_342, %get3A_343] {strides = array<i32>} : memref<16x1024xf32, #tpu.memory_space<vmem>>, vector<16xf32>,
        %add3A_345 = arith.constant 16 : i32
        %add3A_346 = arith.addi %mul3A_241, %add3A_345 : i32
        %get3A_347 = arith.constant 6 : i32
        %get3A_348 = arith.index_cast %get3A_347 : i32 to index
        %get3A_349 = arith.index_cast %add3A_346 : i32 to index
        %get3A_350 = tpu.vector_load %arg10[%get3A_348, %get3A_349] {strides = array<i32>} : memref<16x1024xf32, #tpu.memory_space<vmem>>, vector<16xf32>,
        %sub3A_351 = arith.subf %get3A_344, %broadcast_in_dim3A_19 : vector<16xf32>
        %sub3A_352 = arith.subf %get3A_350, %broadcast_in_dim3A_19 : vector<16xf32>
        %mul3A_353 = arith.mulf %sub3A_351, %sub3A_351 : vector<16xf32>
        %add3A_354 = arith.addf %add3A_338, %mul3A_353 : vector<16xf32>
        %mul3A_355 = arith.mulf %sub3A_352, %sub3A_352 : vector<16xf32>
        %add3A_356 = arith.addf %add3A_340, %mul3A_355 : vector<16xf32>
        %get3A_357 = arith.constant 7 : i32
        %get3A_358 = arith.index_cast %get3A_357 : i32 to index
        %get3A_359 = arith.index_cast %mul3A_241 : i32 to index
        %get3A_360 = tpu.vector_load %arg10[%get3A_358, %get3A_359] {strides = array<i32>} : memref<16x1024xf32, #tpu.memory_space<vmem>>, vector<16xf32>,
        %add3A_361 = arith.constant 16 : i32
        %add3A_362 = arith.addi %mul3A_241, %add3A_361 : i32
        %get3A_363 = arith.constant 7 : i32
        %get3A_364 = arith.index_cast %get3A_363 : i32 to index
        %get3A_365 = arith.index_cast %add3A_362 : i32 to index
        %get3A_366 = tpu.vector_load %arg10[%get3A_364, %get3A_365] {strides = array<i32>} : memref<16x1024xf32, #tpu.memory_space<vmem>>, vector<16xf32>,
        %sub3A_367 = arith.subf %get3A_360, %broadcast_in_dim3A_22 : vector<16xf32>
        %sub3A_368 = arith.subf %get3A_366, %broadcast_in_dim3A_22 : vector<16xf32>
        %mul3A_369 = arith.mulf %sub3A_367, %sub3A_367 : vector<16xf32>
        %add3A_370 = arith.addf %add3A_354, %mul3A_369 : vector<16xf32>
        %mul3A_371 = arith.mulf %sub3A_368, %sub3A_368 : vector<16xf32>
        %add3A_372 = arith.addf %add3A_356, %mul3A_371 : vector<16xf32>
        %get3A_373 = arith.constant 8 : i32
        %get3A_374 = arith.index_cast %get3A_373 : i32 to index
        %get3A_375 = arith.index_cast %mul3A_241 : i32 to index
        %get3A_376 = tpu.vector_load %arg10[%get3A_374, %get3A_375] {strides = array<i32>} : memref<16x1024xf32, #tpu.memory_space<vmem>>, vector<16xf32>,
        %add3A_377 = arith.constant 16 : i32
        %add3A_378 = arith.addi %mul3A_241, %add3A_377 : i32
        %get3A_379 = arith.constant 8 : i32
        %get3A_380 = arith.index_cast %get3A_379 : i32 to index
        %get3A_381 = arith.index_cast %add3A_378 : i32 to index
        %get3A_382 = tpu.vector_load %arg10[%get3A_380, %get3A_381] {strides = array<i32>} : memref<16x1024xf32, #tpu.memory_space<vmem>>, vector<16xf32>,
        %sub3A_383 = arith.subf %get3A_376, %broadcast_in_dim3A_25 : vector<16xf32>
        %sub3A_384 = arith.subf %get3A_382, %broadcast_in_dim3A_25 : vector<16xf32>
        %mul3A_385 = arith.mulf %sub3A_383, %sub3A_383 : vector<16xf32>
        %add3A_386 = arith.addf %add3A_370, %mul3A_385 : vector<16xf32>
        %mul3A_387 = arith.mulf %sub3A_384, %sub3A_384 : vector<16xf32>
        %add3A_388 = arith.addf %add3A_372, %mul3A_387 : vector<16xf32>
        %get3A_389 = arith.constant 9 : i32
        %get3A_390 = arith.index_cast %get3A_389 : i32 to index
        %get3A_391 = arith.index_cast %mul3A_241 : i32 to index
        %get3A_392 = tpu.vector_load %arg10[%get3A_390, %get3A_391] {strides = array<i32>} : memref<16x1024xf32, #tpu.memory_space<vmem>>, vector<16xf32>,
        %add3A_393 = arith.constant 16 : i32
        %add3A_394 = arith.addi %mul3A_241, %add3A_393 : i32
        %get3A_395 = arith.constant 9 : i32
        %get3A_396 = arith.index_cast %get3A_395 : i32 to index
        %get3A_397 = arith.index_cast %add3A_394 : i32 to index
        %get3A_398 = tpu.vector_load %arg10[%get3A_396, %get3A_397] {strides = array<i32>} : memref<16x1024xf32, #tpu.memory_space<vmem>>, vector<16xf32>,
        %sub3A_399 = arith.subf %get3A_392, %broadcast_in_dim3A_28 : vector<16xf32>
        %sub3A_400 = arith.subf %get3A_398, %broadcast_in_dim3A_28 : vector<16xf32>
        %mul3A_401 = arith.mulf %sub3A_399, %sub3A_399 : vector<16xf32>
        %add3A_402 = arith.addf %add3A_386, %mul3A_401 : vector<16xf32>
        %mul3A_403 = arith.mulf %sub3A_400, %sub3A_400 : vector<16xf32>
        %add3A_404 = arith.addf %add3A_388, %mul3A_403 : vector<16xf32>
        %get3A_405 = arith.constant 10 : i32
        %get3A_406 = arith.index_cast %get3A_405 : i32 to index
        %get3A_407 = arith.index_cast %mul3A_241 : i32 to index
        %get3A_408 = tpu.vector_load %arg10[%get3A_406, %get3A_407] {strides = array<i32>} : memref<16x1024xf32, #tpu.memory_space<vmem>>, vector<16xf32>,
        %add3A_409 = arith.constant 16 : i32
        %add3A_410 = arith.addi %mul3A_241, %add3A_409 : i32
        %get3A_411 = arith.constant 10 : i32
        %get3A_412 = arith.index_cast %get3A_411 : i32 to index
        %get3A_413 = arith.index_cast %add3A_410 : i32 to index
        %get3A_414 = tpu.vector_load %arg10[%get3A_412, %get3A_413] {strides = array<i32>} : memref<16x1024xf32, #tpu.memory_space<vmem>>, vector<16xf32>,
        %sub3A_415 = arith.subf %get3A_408, %broadcast_in_dim3A_31 : vector<16xf32>
        %sub3A_416 = arith.subf %get3A_414, %broadcast_in_dim3A_31 : vector<16xf32>
        %mul3A_417 = arith.mulf %sub3A_415, %sub3A_415 : vector<16xf32>
        %add3A_418 = arith.addf %add3A_402, %mul3A_417 : vector<16xf32>
        %mul3A_419 = arith.mulf %sub3A_416, %sub3A_416 : vector<16xf32>
        %add3A_420 = arith.addf %add3A_404, %mul3A_419 : vector<16xf32>
        %get3A_421 = arith.constant 11 : i32
        %get3A_422 = arith.index_cast %get3A_421 : i32 to index
        %get3A_423 = arith.index_cast %mul3A_241 : i32 to index
        %get3A_424 = tpu.vector_load %arg10[%get3A_422, %get3A_423] {strides = array<i32>} : memref<16x1024xf32, #tpu.memory_space<vmem>>, vector<16xf32>,
        %add3A_425 = arith.constant 16 : i32
        %add3A_426 = arith.addi %mul3A_241, %add3A_425 : i32
        %get3A_427 = arith.constant 11 : i32
        %get3A_428 = arith.index_cast %get3A_427 : i32 to index
        %get3A_429 = arith.index_cast %add3A_426 : i32 to index
        %get3A_430 = tpu.vector_load %arg10[%get3A_428, %get3A_429] {strides = array<i32>} : memref<16x1024xf32, #tpu.memory_space<vmem>>, vector<16xf32>,
        %sub3A_431 = arith.subf %get3A_424, %broadcast_in_dim3A_34 : vector<16xf32>
        %sub3A_432 = arith.subf %get3A_430, %broadcast_in_dim3A_34 : vector<16xf32>
        %mul3A_433 = arith.mulf %sub3A_431, %sub3A_431 : vector<16xf32>
        %add3A_434 = arith.addf %add3A_418, %mul3A_433 : vector<16xf32>
        %mul3A_435 = arith.mulf %sub3A_432, %sub3A_432 : vector<16xf32>
        %add3A_436 = arith.addf %add3A_420, %mul3A_435 : vector<16xf32>
        %get3A_437 = arith.constant 12 : i32
        %get3A_438 = arith.index_cast %get3A_437 : i32 to index
        %get3A_439 = arith.index_cast %mul3A_241 : i32 to index
        %get3A_440 = tpu.vector_load %arg10[%get3A_438, %get3A_439] {strides = array<i32>} : memref<16x1024xf32, #tpu.memory_space<vmem>>, vector<16xf32>,
        %add3A_441 = arith.constant 16 : i32
        %add3A_442 = arith.addi %mul3A_241, %add3A_441 : i32
        %get3A_443 = arith.constant 12 : i32
        %get3A_444 = arith.index_cast %get3A_443 : i32 to index
        %get3A_445 = arith.index_cast %add3A_442 : i32 to index
        %get3A_446 = tpu.vector_load %arg10[%get3A_444, %get3A_445] {strides = array<i32>} : memref<16x1024xf32, #tpu.memory_space<vmem>>, vector<16xf32>,
        %sub3A_447 = arith.subf %get3A_440, %broadcast_in_dim3A_37 : vector<16xf32>
        %sub3A_448 = arith.subf %get3A_446, %broadcast_in_dim3A_37 : vector<16xf32>
        %mul3A_449 = arith.mulf %sub3A_447, %sub3A_447 : vector<16xf32>
        %add3A_450 = arith.addf %add3A_434, %mul3A_449 : vector<16xf32>
        %mul3A_451 = arith.mulf %sub3A_448, %sub3A_448 : vector<16xf32>
        %add3A_452 = arith.addf %add3A_436, %mul3A_451 : vector<16xf32>
        %get3A_453 = arith.constant 13 : i32
        %get3A_454 = arith.index_cast %get3A_453 : i32 to index
        %get3A_455 = arith.index_cast %mul3A_241 : i32 to index
        %get3A_456 = tpu.vector_load %arg10[%get3A_454, %get3A_455] {strides = array<i32>} : memref<16x1024xf32, #tpu.memory_space<vmem>>, vector<16xf32>,
        %add3A_457 = arith.constant 16 : i32
        %add3A_458 = arith.addi %mul3A_241, %add3A_457 : i32
        %get3A_459 = arith.constant 13 : i32
        %get3A_460 = arith.index_cast %get3A_459 : i32 to index
        %get3A_461 = arith.index_cast %add3A_458 : i32 to index
        %get3A_462 = tpu.vector_load %arg10[%get3A_460, %get3A_461] {strides = array<i32>} : memref<16x1024xf32, #tpu.memory_space<vmem>>, vector<16xf32>,
        %sub3A_463 = arith.subf %get3A_456, %broadcast_in_dim3A_40 : vector<16xf32>
        %sub3A_464 = arith.subf %get3A_462, %broadcast_in_dim3A_40 : vector<16xf32>
        %mul3A_465 = arith.mulf %sub3A_463, %sub3A_463 : vector<16xf32>
        %add3A_466 = arith.addf %add3A_450, %mul3A_465 : vector<16xf32>
        %mul3A_467 = arith.mulf %sub3A_464, %sub3A_464 : vector<16xf32>
        %add3A_468 = arith.addf %add3A_452, %mul3A_467 : vector<16xf32>
        %get3A_469 = arith.constant 14 : i32
        %get3A_470 = arith.index_cast %get3A_469 : i32 to index
        %get3A_471 = arith.index_cast %mul3A_241 : i32 to index
        %get3A_472 = tpu.vector_load %arg10[%get3A_470, %get3A_471] {strides = array<i32>} : memref<16x1024xf32, #tpu.memory_space<vmem>>, vector<16xf32>,
        %add3A_473 = arith.constant 16 : i32
        %add3A_474 = arith.addi %mul3A_241, %add3A_473 : i32
        %get3A_475 = arith.constant 14 : i32
        %get3A_476 = arith.index_cast %get3A_475 : i32 to index
        %get3A_477 = arith.index_cast %add3A_474 : i32 to index
        %get3A_478 = tpu.vector_load %arg10[%get3A_476, %get3A_477] {strides = array<i32>} : memref<16x1024xf32, #tpu.memory_space<vmem>>, vector<16xf32>,
        %sub3A_479 = arith.subf %get3A_472, %broadcast_in_dim3A_43 : vector<16xf32>
        %sub3A_480 = arith.subf %get3A_478, %broadcast_in_dim3A_43 : vector<16xf32>
        %mul3A_481 = arith.mulf %sub3A_479, %sub3A_479 : vector<16xf32>
        %add3A_482 = arith.addf %add3A_466, %mul3A_481 : vector<16xf32>
        %mul3A_483 = arith.mulf %sub3A_480, %sub3A_480 : vector<16xf32>
        %add3A_484 = arith.addf %add3A_468, %mul3A_483 : vector<16xf32>
        %get3A_485 = arith.constant 15 : i32
        %get3A_486 = arith.index_cast %get3A_485 : i32 to index
        %get3A_487 = arith.index_cast %mul3A_241 : i32 to index
        %get3A_488 = tpu.vector_load %arg10[%get3A_486, %get3A_487] {strides = array<i32>} : memref<16x1024xf32, #tpu.memory_space<vmem>>, vector<16xf32>,
        %add3A_489 = arith.constant 16 : i32
        %add3A_490 = arith.addi %mul3A_241, %add3A_489 : i32
        %get3A_491 = arith.constant 15 : i32
        %get3A_492 = arith.index_cast %get3A_491 : i32 to index
        %get3A_493 = arith.index_cast %add3A_490 : i32 to index
        %get3A_494 = tpu.vector_load %arg10[%get3A_492, %get3A_493] {strides = array<i32>} : memref<16x1024xf32, #tpu.memory_space<vmem>>, vector<16xf32>,
        %sub3A_495 = arith.subf %get3A_488, %broadcast_in_dim3A_46 : vector<16xf32>
        %sub3A_496 = arith.subf %get3A_494, %broadcast_in_dim3A_46 : vector<16xf32>
        %mul3A_497 = arith.mulf %sub3A_495, %sub3A_495 : vector<16xf32>
        %add3A_498 = arith.addf %add3A_482, %mul3A_497 : vector<16xf32>
        %mul3A_499 = arith.mulf %sub3A_496, %sub3A_496 : vector<16xf32>
        %add3A_500 = arith.addf %add3A_484, %mul3A_499 : vector<16xf32>
        %lt3A_501 = arith.cmpf olt, %add3A_498, %scan3A_238 : vector<16xf32>
        %and3A = vector.broadcast %lt3A_221 : i1 to vector<16xi1>
        %and3A_502 = arith.andi %and3A, %lt3A_501 : vector<16xi1>
        %select_n3A_503 = arith.select %and3A_502, %add3A_498, %scan3A_238 : vector<16xi1>, vector<16xf32>
        %add3A_504 = arith.addi %mul3A_219, %mul3A_241 : i32
        %add3A_505 = vector.broadcast %add3A_504 : i32 to vector<16xi32>
        %add3A_506 = arith.addi %add3A_505, %iota3A : vector<16xi32>
        %select_n3A_507 = arith.select %and3A_502, %add3A_506, %scan3A_239 : vector<16xi1>, vector<16xi32>
        %lt3A_508 = arith.cmpf olt, %add3A_500, %select_n3A_503 : vector<16xf32>
        %and3A_509 = vector.broadcast %lt3A_221 : i1 to vector<16xi1>
        %and3A_510 = arith.andi %and3A_509, %lt3A_508 : vector<16xi1>
        %select_n3A_511 = arith.select %and3A_510, %add3A_500, %select_n3A_503 : vector<16xi1>, vector<16xf32>
        %add3A_512 = arith.addi %mul3A_219, %mul3A_241 : i32
        %add3A_513 = arith.constant 16 : i32
        %add3A_514 = arith.addi %add3A_512, %add3A_513 : i32
        %add3A_515 = vector.broadcast %add3A_514 : i32 to vector<16xi32>
        %add3A_516 = arith.addi %add3A_515, %iota3A : vector<16xi32>
        %select_n3A_517 = arith.select %and3A_510, %add3A_516, %select_n3A_507 : vector<16xi1>, vector<16xi32>
        scf.yield %select_n3A_511, %select_n3A_517 : vector<16xf32>, vector<16xi32>
      }
      %scan3A_227 = arith.constant 32 : i32
      %add3A_228 = arith.constant 3 : i32
      %add3A_229 = arith.addi %mul3A_117, %add3A_228 : i32
      %add3A_230 = arith.constant 4 : i32
      %add3A_231 = arith.addi %add3A_229, %add3A_230 : i32
      %lt3A_232 = arith.constant 32 : i32
      %lt3A_233 = arith.cmpi slt, %add3A_231, %lt3A_232 : i32
      %convert_element_type3A_234 = arith.extui %lt3A_233 : i1 to i32
      %cond3A_235 = arith.constant 0 : i32
      %cond3A_236 = arith.cmpi ne, %convert_element_type3A_234, %cond3A_235 : i32
      scf.if %cond3A_236 {
        %add3A_237 = arith.constant 3 : i32
        %add3A_238 = arith.addi %mul3A_117, %add3A_237 : i32
        %add3A_239 = arith.constant 4 : i32
        %add3A_240 = arith.addi %add3A_238, %add3A_239 : i32
        %mul3A_241 = arith.constant 32 : i32
        %mul3A_242 = arith.muli %mul3A_241, %add3A_240 : i32
        %add3A_243 = arith.addi %add3A, %mul3A_242 : i32
        %lt3A_244 = arith.constant 976 : i32
        %lt3A_245 = arith.cmpi slt, %add3A_243, %lt3A_244 : i32
        %mul3A_246 = arith.constant 1024 : i32
        %mul3A_247 = arith.muli %add3A_243, %mul3A_246 : i32
        %jit3A_248 = arith.constant 0 : i32
        %select_n3A_249 = arith.select %lt3A_245, %mul3A_247, %jit3A_248 : i32
        %multiple_of3A_250 = tpu.assume_multiple %select_n3A_249, 128 : i32
        %dma_start3A_251 = arith.constant 0 : i32
        %dma_start3A_252 = tpu.memref_slice %arg3[%dma_start3A_251, %multiple_of3A_250] : memref<16x1000000xf32, #tpu.memory_space<hbm>> -> memref<16x1024xf32, #tpu.memory_space<hbm>>
        %dma_start3A_253 = arith.constant 0 : i32
        %dma_start3A_254 = tpu.memref_slice %arg3[%dma_start3A_253, %multiple_of3A_250] : memref<16x1000000xf32, #tpu.memory_space<hbm>> -> memref<16x1024xf32, #tpu.memory_space<hbm>>
        tpu.enqueue_dma source(%dma_start3A_254 : memref<16x1024xf32, #tpu.memory_space<hbm>>) target(%arg10 : memref<16x1024xf32, #tpu.memory_space<vmem>>) target_semaphore(%arg17 : memref<!tpu.dma_semaphore, #tpu.memory_space<semaphore_mem>>)
      } else {
      }
      scf.yield %scan3A_226#0, %scan3A_226#1 : vector<16xf32>, vector<16xi32>
    }
    %scan3A_102 = arith.constant 8 : i32
    %eq3A = arith.constant 31 : i32
    %eq3A_103 = arith.cmpi eq, %add3A, %eq3A : i32
    %convert_element_type3A = arith.extui %eq3A_103 : i1 to i32
    %cond3A = arith.constant 0 : i32
    %cond3A_104 = arith.cmpi ne, %convert_element_type3A, %cond3A : i32
    scf.if %cond3A_104 {
      "tpu.region"() ({
        %run_scoped3A = tpu.sem_alloc : memref<!tpu.dma_semaphore, #tpu.memory_space<semaphore_mem>>
        %dma_start3A_122 = arith.constant 0 : i32
        %dma_start3A_123 = arith.constant 999424 : i32
        %dma_start3A_124 = tpu.memref_slice %arg3[%dma_start3A_122, %dma_start3A_123] : memref<16x1000000xf32, #tpu.memory_space<hbm>> -> memref<16x576xf32, #tpu.memory_space<hbm>>
        %dma_start3A_125 = arith.constant 0 : i32
        %dma_start3A_126 = arith.constant 999424 : i32
        %dma_start3A_127 = tpu.memref_slice %arg3[%dma_start3A_125, %dma_start3A_126] : memref<16x1000000xf32, #tpu.memory_space<hbm>> -> memref<16x576xf32, #tpu.memory_space<hbm>>
        tpu.enqueue_dma source(%dma_start3A_127 : memref<16x576xf32, #tpu.memory_space<hbm>>) target(%arg11 : memref<16x576xf32, #tpu.memory_space<vmem>>) target_semaphore(%run_scoped3A : memref<!tpu.dma_semaphore, #tpu.memory_space<semaphore_mem>>)
        %dma_wait3A = arith.constant 0 : i32
        %dma_wait3A_128 = arith.constant 999424 : i32
        %dma_wait3A_129 = tpu.memref_slice %arg3[%dma_wait3A, %dma_wait3A_128] : memref<16x1000000xf32, #tpu.memory_space<hbm>> -> memref<16x576xf32, #tpu.memory_space<hbm>>
        %dma_wait3A_130 = arith.constant 0 : i32
        %dma_wait3A_131 = arith.constant 999424 : i32
        %dma_wait3A_132 = tpu.memref_slice %arg3[%dma_wait3A_130, %dma_wait3A_131] : memref<16x1000000xf32, #tpu.memory_space<hbm>> -> memref<16x576xf32, #tpu.memory_space<hbm>>
        tpu.wait_dma2 semaphore(%run_scoped3A : memref<!tpu.dma_semaphore, #tpu.memory_space<semaphore_mem>>) src(%dma_wait3A_132 : memref<16x576xf32, #tpu.memory_space<hbm>>) dst(%arg11 : memref<16x576xf32, #tpu.memory_space<vmem>>)
        tpu.yield
      }) : () -> ()
      %scan3A_113 = arith.constant 0 : i32
      %scan3A_114 = arith.constant 18 : i32
      %scan3A_115 = arith.addi %scan3A_113, %scan3A_114 : i32
      %scan3A_116 = arith.constant 1 : i32
      %scan3A_117:2 = scf.for %scan3A_122 = %scan3A_113 to %scan3A_115 step %scan3A_116 iter_args(%scan3A_123 = %scan3A_101#0, %scan3A_124 = %scan3A_101#1) -> (vector<16xf32>, vector<16xi32>)  : i32 {
        %mul3A_125 = arith.constant 32 : i32
        %mul3A_126 = arith.muli %scan3A_122, %mul3A_125 : i32
        %broadcast_in_dim3A_127 = arith.constant 0.000000e+00 : f32
        %broadcast_in_dim3A_128 = vector.broadcast %broadcast_in_dim3A_127 : f32 to vector<16xf32>
        %broadcast_in_dim3A_129 = arith.constant 0.000000e+00 : f32
        %broadcast_in_dim3A_130 = vector.broadcast %broadcast_in_dim3A_129 : f32 to vector<16xf32>
        %get3A_131 = arith.constant 0 : i32
        %get3A_132 = arith.index_cast %get3A_131 : i32 to index
        %get3A_133 = arith.index_cast %mul3A_126 : i32 to index
        %get3A_134 = tpu.vector_load %arg11[%get3A_132, %get3A_133] {strides = array<i32>} : memref<16x576xf32, #tpu.memory_space<vmem>>, vector<16xf32>,
        %add3A_135 = arith.constant 16 : i32
        %add3A_136 = arith.addi %mul3A_126, %add3A_135 : i32
        %get3A_137 = arith.constant 0 : i32
        %get3A_138 = arith.index_cast %get3A_137 : i32 to index
        %get3A_139 = arith.index_cast %add3A_136 : i32 to index
        %get3A_140 = tpu.vector_load %arg11[%get3A_138, %get3A_139] {strides = array<i32>} : memref<16x576xf32, #tpu.memory_space<vmem>>, vector<16xf32>,
        %sub3A = arith.subf %get3A_134, %broadcast_in_dim3A : vector<16xf32>
        %sub3A_141 = arith.subf %get3A_140, %broadcast_in_dim3A : vector<16xf32>
        %mul3A_142 = arith.mulf %sub3A, %sub3A : vector<16xf32>
        %add3A_143 = arith.addf %broadcast_in_dim3A_128, %mul3A_142 : vector<16xf32>
        %mul3A_144 = arith.mulf %sub3A_141, %sub3A_141 : vector<16xf32>
        %add3A_145 = arith.addf %broadcast_in_dim3A_130, %mul3A_144 : vector<16xf32>
        %get3A_146 = arith.constant 1 : i32
        %get3A_147 = arith.index_cast %get3A_146 : i32 to index
        %get3A_148 = arith.index_cast %mul3A_126 : i32 to index
        %get3A_149 = tpu.vector_load %arg11[%get3A_147, %get3A_148] {strides = array<i32>} : memref<16x576xf32, #tpu.memory_space<vmem>>, vector<16xf32>,
        %add3A_150 = arith.constant 16 : i32
        %add3A_151 = arith.addi %mul3A_126, %add3A_150 : i32
        %get3A_152 = arith.constant 1 : i32
        %get3A_153 = arith.index_cast %get3A_152 : i32 to index
        %get3A_154 = arith.index_cast %add3A_151 : i32 to index
        %get3A_155 = tpu.vector_load %arg11[%get3A_153, %get3A_154] {strides = array<i32>} : memref<16x576xf32, #tpu.memory_space<vmem>>, vector<16xf32>,
        %sub3A_156 = arith.subf %get3A_149, %broadcast_in_dim3A_4 : vector<16xf32>
        %sub3A_157 = arith.subf %get3A_155, %broadcast_in_dim3A_4 : vector<16xf32>
        %mul3A_158 = arith.mulf %sub3A_156, %sub3A_156 : vector<16xf32>
        %add3A_159 = arith.addf %add3A_143, %mul3A_158 : vector<16xf32>
        %mul3A_160 = arith.mulf %sub3A_157, %sub3A_157 : vector<16xf32>
        %add3A_161 = arith.addf %add3A_145, %mul3A_160 : vector<16xf32>
        %get3A_162 = arith.constant 2 : i32
        %get3A_163 = arith.index_cast %get3A_162 : i32 to index
        %get3A_164 = arith.index_cast %mul3A_126 : i32 to index
        %get3A_165 = tpu.vector_load %arg11[%get3A_163, %get3A_164] {strides = array<i32>} : memref<16x576xf32, #tpu.memory_space<vmem>>, vector<16xf32>,
        %add3A_166 = arith.constant 16 : i32
        %add3A_167 = arith.addi %mul3A_126, %add3A_166 : i32
        %get3A_168 = arith.constant 2 : i32
        %get3A_169 = arith.index_cast %get3A_168 : i32 to index
        %get3A_170 = arith.index_cast %add3A_167 : i32 to index
        %get3A_171 = tpu.vector_load %arg11[%get3A_169, %get3A_170] {strides = array<i32>} : memref<16x576xf32, #tpu.memory_space<vmem>>, vector<16xf32>,
        %sub3A_172 = arith.subf %get3A_165, %broadcast_in_dim3A_7 : vector<16xf32>
        %sub3A_173 = arith.subf %get3A_171, %broadcast_in_dim3A_7 : vector<16xf32>
        %mul3A_174 = arith.mulf %sub3A_172, %sub3A_172 : vector<16xf32>
        %add3A_175 = arith.addf %add3A_159, %mul3A_174 : vector<16xf32>
        %mul3A_176 = arith.mulf %sub3A_173, %sub3A_173 : vector<16xf32>
        %add3A_177 = arith.addf %add3A_161, %mul3A_176 : vector<16xf32>
        %get3A_178 = arith.constant 3 : i32
        %get3A_179 = arith.index_cast %get3A_178 : i32 to index
        %get3A_180 = arith.index_cast %mul3A_126 : i32 to index
        %get3A_181 = tpu.vector_load %arg11[%get3A_179, %get3A_180] {strides = array<i32>} : memref<16x576xf32, #tpu.memory_space<vmem>>, vector<16xf32>,
        %add3A_182 = arith.constant 16 : i32
        %add3A_183 = arith.addi %mul3A_126, %add3A_182 : i32
        %get3A_184 = arith.constant 3 : i32
        %get3A_185 = arith.index_cast %get3A_184 : i32 to index
        %get3A_186 = arith.index_cast %add3A_183 : i32 to index
        %get3A_187 = tpu.vector_load %arg11[%get3A_185, %get3A_186] {strides = array<i32>} : memref<16x576xf32, #tpu.memory_space<vmem>>, vector<16xf32>,
        %sub3A_188 = arith.subf %get3A_181, %broadcast_in_dim3A_10 : vector<16xf32>
        %sub3A_189 = arith.subf %get3A_187, %broadcast_in_dim3A_10 : vector<16xf32>
        %mul3A_190 = arith.mulf %sub3A_188, %sub3A_188 : vector<16xf32>
        %add3A_191 = arith.addf %add3A_175, %mul3A_190 : vector<16xf32>
        %mul3A_192 = arith.mulf %sub3A_189, %sub3A_189 : vector<16xf32>
        %add3A_193 = arith.addf %add3A_177, %mul3A_192 : vector<16xf32>
        %get3A_194 = arith.constant 4 : i32
        %get3A_195 = arith.index_cast %get3A_194 : i32 to index
        %get3A_196 = arith.index_cast %mul3A_126 : i32 to index
        %get3A_197 = tpu.vector_load %arg11[%get3A_195, %get3A_196] {strides = array<i32>} : memref<16x576xf32, #tpu.memory_space<vmem>>, vector<16xf32>,
        %add3A_198 = arith.constant 16 : i32
        %add3A_199 = arith.addi %mul3A_126, %add3A_198 : i32
        %get3A_200 = arith.constant 4 : i32
        %get3A_201 = arith.index_cast %get3A_200 : i32 to index
        %get3A_202 = arith.index_cast %add3A_199 : i32 to index
        %get3A_203 = tpu.vector_load %arg11[%get3A_201, %get3A_202] {strides = array<i32>} : memref<16x576xf32, #tpu.memory_space<vmem>>, vector<16xf32>,
        %sub3A_204 = arith.subf %get3A_197, %broadcast_in_dim3A_13 : vector<16xf32>
        %sub3A_205 = arith.subf %get3A_203, %broadcast_in_dim3A_13 : vector<16xf32>
        %mul3A_206 = arith.mulf %sub3A_204, %sub3A_204 : vector<16xf32>
        %add3A_207 = arith.addf %add3A_191, %mul3A_206 : vector<16xf32>
        %mul3A_208 = arith.mulf %sub3A_205, %sub3A_205 : vector<16xf32>
        %add3A_209 = arith.addf %add3A_193, %mul3A_208 : vector<16xf32>
        %get3A_210 = arith.constant 5 : i32
        %get3A_211 = arith.index_cast %get3A_210 : i32 to index
        %get3A_212 = arith.index_cast %mul3A_126 : i32 to index
        %get3A_213 = tpu.vector_load %arg11[%get3A_211, %get3A_212] {strides = array<i32>} : memref<16x576xf32, #tpu.memory_space<vmem>>, vector<16xf32>,
        %add3A_214 = arith.constant 16 : i32
        %add3A_215 = arith.addi %mul3A_126, %add3A_214 : i32
        %get3A_216 = arith.constant 5 : i32
        %get3A_217 = arith.index_cast %get3A_216 : i32 to index
        %get3A_218 = arith.index_cast %add3A_215 : i32 to index
        %get3A_219 = tpu.vector_load %arg11[%get3A_217, %get3A_218] {strides = array<i32>} : memref<16x576xf32, #tpu.memory_space<vmem>>, vector<16xf32>,
        %sub3A_220 = arith.subf %get3A_213, %broadcast_in_dim3A_16 : vector<16xf32>
        %sub3A_221 = arith.subf %get3A_219, %broadcast_in_dim3A_16 : vector<16xf32>
        %mul3A_222 = arith.mulf %sub3A_220, %sub3A_220 : vector<16xf32>
        %add3A_223 = arith.addf %add3A_207, %mul3A_222 : vector<16xf32>
        %mul3A_224 = arith.mulf %sub3A_221, %sub3A_221 : vector<16xf32>
        %add3A_225 = arith.addf %add3A_209, %mul3A_224 : vector<16xf32>
        %get3A_226 = arith.constant 6 : i32
        %get3A_227 = arith.index_cast %get3A_226 : i32 to index
        %get3A_228 = arith.index_cast %mul3A_126 : i32 to index
        %get3A_229 = tpu.vector_load %arg11[%get3A_227, %get3A_228] {strides = array<i32>} : memref<16x576xf32, #tpu.memory_space<vmem>>, vector<16xf32>,
        %add3A_230 = arith.constant 16 : i32
        %add3A_231 = arith.addi %mul3A_126, %add3A_230 : i32
        %get3A_232 = arith.constant 6 : i32
        %get3A_233 = arith.index_cast %get3A_232 : i32 to index
        %get3A_234 = arith.index_cast %add3A_231 : i32 to index
        %get3A_235 = tpu.vector_load %arg11[%get3A_233, %get3A_234] {strides = array<i32>} : memref<16x576xf32, #tpu.memory_space<vmem>>, vector<16xf32>,
        %sub3A_236 = arith.subf %get3A_229, %broadcast_in_dim3A_19 : vector<16xf32>
        %sub3A_237 = arith.subf %get3A_235, %broadcast_in_dim3A_19 : vector<16xf32>
        %mul3A_238 = arith.mulf %sub3A_236, %sub3A_236 : vector<16xf32>
        %add3A_239 = arith.addf %add3A_223, %mul3A_238 : vector<16xf32>
        %mul3A_240 = arith.mulf %sub3A_237, %sub3A_237 : vector<16xf32>
        %add3A_241 = arith.addf %add3A_225, %mul3A_240 : vector<16xf32>
        %get3A_242 = arith.constant 7 : i32
        %get3A_243 = arith.index_cast %get3A_242 : i32 to index
        %get3A_244 = arith.index_cast %mul3A_126 : i32 to index
        %get3A_245 = tpu.vector_load %arg11[%get3A_243, %get3A_244] {strides = array<i32>} : memref<16x576xf32, #tpu.memory_space<vmem>>, vector<16xf32>,
        %add3A_246 = arith.constant 16 : i32
        %add3A_247 = arith.addi %mul3A_126, %add3A_246 : i32
        %get3A_248 = arith.constant 7 : i32
        %get3A_249 = arith.index_cast %get3A_248 : i32 to index
        %get3A_250 = arith.index_cast %add3A_247 : i32 to index
        %get3A_251 = tpu.vector_load %arg11[%get3A_249, %get3A_250] {strides = array<i32>} : memref<16x576xf32, #tpu.memory_space<vmem>>, vector<16xf32>,
        %sub3A_252 = arith.subf %get3A_245, %broadcast_in_dim3A_22 : vector<16xf32>
        %sub3A_253 = arith.subf %get3A_251, %broadcast_in_dim3A_22 : vector<16xf32>
        %mul3A_254 = arith.mulf %sub3A_252, %sub3A_252 : vector<16xf32>
        %add3A_255 = arith.addf %add3A_239, %mul3A_254 : vector<16xf32>
        %mul3A_256 = arith.mulf %sub3A_253, %sub3A_253 : vector<16xf32>
        %add3A_257 = arith.addf %add3A_241, %mul3A_256 : vector<16xf32>
        %get3A_258 = arith.constant 8 : i32
        %get3A_259 = arith.index_cast %get3A_258 : i32 to index
        %get3A_260 = arith.index_cast %mul3A_126 : i32 to index
        %get3A_261 = tpu.vector_load %arg11[%get3A_259, %get3A_260] {strides = array<i32>} : memref<16x576xf32, #tpu.memory_space<vmem>>, vector<16xf32>,
        %add3A_262 = arith.constant 16 : i32
        %add3A_263 = arith.addi %mul3A_126, %add3A_262 : i32
        %get3A_264 = arith.constant 8 : i32
        %get3A_265 = arith.index_cast %get3A_264 : i32 to index
        %get3A_266 = arith.index_cast %add3A_263 : i32 to index
        %get3A_267 = tpu.vector_load %arg11[%get3A_265, %get3A_266] {strides = array<i32>} : memref<16x576xf32, #tpu.memory_space<vmem>>, vector<16xf32>,
        %sub3A_268 = arith.subf %get3A_261, %broadcast_in_dim3A_25 : vector<16xf32>
        %sub3A_269 = arith.subf %get3A_267, %broadcast_in_dim3A_25 : vector<16xf32>
        %mul3A_270 = arith.mulf %sub3A_268, %sub3A_268 : vector<16xf32>
        %add3A_271 = arith.addf %add3A_255, %mul3A_270 : vector<16xf32>
        %mul3A_272 = arith.mulf %sub3A_269, %sub3A_269 : vector<16xf32>
        %add3A_273 = arith.addf %add3A_257, %mul3A_272 : vector<16xf32>
        %get3A_274 = arith.constant 9 : i32
        %get3A_275 = arith.index_cast %get3A_274 : i32 to index
        %get3A_276 = arith.index_cast %mul3A_126 : i32 to index
        %get3A_277 = tpu.vector_load %arg11[%get3A_275, %get3A_276] {strides = array<i32>} : memref<16x576xf32, #tpu.memory_space<vmem>>, vector<16xf32>,
        %add3A_278 = arith.constant 16 : i32
        %add3A_279 = arith.addi %mul3A_126, %add3A_278 : i32
        %get3A_280 = arith.constant 9 : i32
        %get3A_281 = arith.index_cast %get3A_280 : i32 to index
        %get3A_282 = arith.index_cast %add3A_279 : i32 to index
        %get3A_283 = tpu.vector_load %arg11[%get3A_281, %get3A_282] {strides = array<i32>} : memref<16x576xf32, #tpu.memory_space<vmem>>, vector<16xf32>,
        %sub3A_284 = arith.subf %get3A_277, %broadcast_in_dim3A_28 : vector<16xf32>
        %sub3A_285 = arith.subf %get3A_283, %broadcast_in_dim3A_28 : vector<16xf32>
        %mul3A_286 = arith.mulf %sub3A_284, %sub3A_284 : vector<16xf32>
        %add3A_287 = arith.addf %add3A_271, %mul3A_286 : vector<16xf32>
        %mul3A_288 = arith.mulf %sub3A_285, %sub3A_285 : vector<16xf32>
        %add3A_289 = arith.addf %add3A_273, %mul3A_288 : vector<16xf32>
        %get3A_290 = arith.constant 10 : i32
        %get3A_291 = arith.index_cast %get3A_290 : i32 to index
        %get3A_292 = arith.index_cast %mul3A_126 : i32 to index
        %get3A_293 = tpu.vector_load %arg11[%get3A_291, %get3A_292] {strides = array<i32>} : memref<16x576xf32, #tpu.memory_space<vmem>>, vector<16xf32>,
        %add3A_294 = arith.constant 16 : i32
        %add3A_295 = arith.addi %mul3A_126, %add3A_294 : i32
        %get3A_296 = arith.constant 10 : i32
        %get3A_297 = arith.index_cast %get3A_296 : i32 to index
        %get3A_298 = arith.index_cast %add3A_295 : i32 to index
        %get3A_299 = tpu.vector_load %arg11[%get3A_297, %get3A_298] {strides = array<i32>} : memref<16x576xf32, #tpu.memory_space<vmem>>, vector<16xf32>,
        %sub3A_300 = arith.subf %get3A_293, %broadcast_in_dim3A_31 : vector<16xf32>
        %sub3A_301 = arith.subf %get3A_299, %broadcast_in_dim3A_31 : vector<16xf32>
        %mul3A_302 = arith.mulf %sub3A_300, %sub3A_300 : vector<16xf32>
        %add3A_303 = arith.addf %add3A_287, %mul3A_302 : vector<16xf32>
        %mul3A_304 = arith.mulf %sub3A_301, %sub3A_301 : vector<16xf32>
        %add3A_305 = arith.addf %add3A_289, %mul3A_304 : vector<16xf32>
        %get3A_306 = arith.constant 11 : i32
        %get3A_307 = arith.index_cast %get3A_306 : i32 to index
        %get3A_308 = arith.index_cast %mul3A_126 : i32 to index
        %get3A_309 = tpu.vector_load %arg11[%get3A_307, %get3A_308] {strides = array<i32>} : memref<16x576xf32, #tpu.memory_space<vmem>>, vector<16xf32>,
        %add3A_310 = arith.constant 16 : i32
        %add3A_311 = arith.addi %mul3A_126, %add3A_310 : i32
        %get3A_312 = arith.constant 11 : i32
        %get3A_313 = arith.index_cast %get3A_312 : i32 to index
        %get3A_314 = arith.index_cast %add3A_311 : i32 to index
        %get3A_315 = tpu.vector_load %arg11[%get3A_313, %get3A_314] {strides = array<i32>} : memref<16x576xf32, #tpu.memory_space<vmem>>, vector<16xf32>,
        %sub3A_316 = arith.subf %get3A_309, %broadcast_in_dim3A_34 : vector<16xf32>
        %sub3A_317 = arith.subf %get3A_315, %broadcast_in_dim3A_34 : vector<16xf32>
        %mul3A_318 = arith.mulf %sub3A_316, %sub3A_316 : vector<16xf32>
        %add3A_319 = arith.addf %add3A_303, %mul3A_318 : vector<16xf32>
        %mul3A_320 = arith.mulf %sub3A_317, %sub3A_317 : vector<16xf32>
        %add3A_321 = arith.addf %add3A_305, %mul3A_320 : vector<16xf32>
        %get3A_322 = arith.constant 12 : i32
        %get3A_323 = arith.index_cast %get3A_322 : i32 to index
        %get3A_324 = arith.index_cast %mul3A_126 : i32 to index
        %get3A_325 = tpu.vector_load %arg11[%get3A_323, %get3A_324] {strides = array<i32>} : memref<16x576xf32, #tpu.memory_space<vmem>>, vector<16xf32>,
        %add3A_326 = arith.constant 16 : i32
        %add3A_327 = arith.addi %mul3A_126, %add3A_326 : i32
        %get3A_328 = arith.constant 12 : i32
        %get3A_329 = arith.index_cast %get3A_328 : i32 to index
        %get3A_330 = arith.index_cast %add3A_327 : i32 to index
        %get3A_331 = tpu.vector_load %arg11[%get3A_329, %get3A_330] {strides = array<i32>} : memref<16x576xf32, #tpu.memory_space<vmem>>, vector<16xf32>,
        %sub3A_332 = arith.subf %get3A_325, %broadcast_in_dim3A_37 : vector<16xf32>
        %sub3A_333 = arith.subf %get3A_331, %broadcast_in_dim3A_37 : vector<16xf32>
        %mul3A_334 = arith.mulf %sub3A_332, %sub3A_332 : vector<16xf32>
        %add3A_335 = arith.addf %add3A_319, %mul3A_334 : vector<16xf32>
        %mul3A_336 = arith.mulf %sub3A_333, %sub3A_333 : vector<16xf32>
        %add3A_337 = arith.addf %add3A_321, %mul3A_336 : vector<16xf32>
        %get3A_338 = arith.constant 13 : i32
        %get3A_339 = arith.index_cast %get3A_338 : i32 to index
        %get3A_340 = arith.index_cast %mul3A_126 : i32 to index
        %get3A_341 = tpu.vector_load %arg11[%get3A_339, %get3A_340] {strides = array<i32>} : memref<16x576xf32, #tpu.memory_space<vmem>>, vector<16xf32>,
        %add3A_342 = arith.constant 16 : i32
        %add3A_343 = arith.addi %mul3A_126, %add3A_342 : i32
        %get3A_344 = arith.constant 13 : i32
        %get3A_345 = arith.index_cast %get3A_344 : i32 to index
        %get3A_346 = arith.index_cast %add3A_343 : i32 to index
        %get3A_347 = tpu.vector_load %arg11[%get3A_345, %get3A_346] {strides = array<i32>} : memref<16x576xf32, #tpu.memory_space<vmem>>, vector<16xf32>,
        %sub3A_348 = arith.subf %get3A_341, %broadcast_in_dim3A_40 : vector<16xf32>
        %sub3A_349 = arith.subf %get3A_347, %broadcast_in_dim3A_40 : vector<16xf32>
        %mul3A_350 = arith.mulf %sub3A_348, %sub3A_348 : vector<16xf32>
        %add3A_351 = arith.addf %add3A_335, %mul3A_350 : vector<16xf32>
        %mul3A_352 = arith.mulf %sub3A_349, %sub3A_349 : vector<16xf32>
        %add3A_353 = arith.addf %add3A_337, %mul3A_352 : vector<16xf32>
        %get3A_354 = arith.constant 14 : i32
        %get3A_355 = arith.index_cast %get3A_354 : i32 to index
        %get3A_356 = arith.index_cast %mul3A_126 : i32 to index
        %get3A_357 = tpu.vector_load %arg11[%get3A_355, %get3A_356] {strides = array<i32>} : memref<16x576xf32, #tpu.memory_space<vmem>>, vector<16xf32>,
        %add3A_358 = arith.constant 16 : i32
        %add3A_359 = arith.addi %mul3A_126, %add3A_358 : i32
        %get3A_360 = arith.constant 14 : i32
        %get3A_361 = arith.index_cast %get3A_360 : i32 to index
        %get3A_362 = arith.index_cast %add3A_359 : i32 to index
        %get3A_363 = tpu.vector_load %arg11[%get3A_361, %get3A_362] {strides = array<i32>} : memref<16x576xf32, #tpu.memory_space<vmem>>, vector<16xf32>,
        %sub3A_364 = arith.subf %get3A_357, %broadcast_in_dim3A_43 : vector<16xf32>
        %sub3A_365 = arith.subf %get3A_363, %broadcast_in_dim3A_43 : vector<16xf32>
        %mul3A_366 = arith.mulf %sub3A_364, %sub3A_364 : vector<16xf32>
        %add3A_367 = arith.addf %add3A_351, %mul3A_366 : vector<16xf32>
        %mul3A_368 = arith.mulf %sub3A_365, %sub3A_365 : vector<16xf32>
        %add3A_369 = arith.addf %add3A_353, %mul3A_368 : vector<16xf32>
        %get3A_370 = arith.constant 15 : i32
        %get3A_371 = arith.index_cast %get3A_370 : i32 to index
        %get3A_372 = arith.index_cast %mul3A_126 : i32 to index
        %get3A_373 = tpu.vector_load %arg11[%get3A_371, %get3A_372] {strides = array<i32>} : memref<16x576xf32, #tpu.memory_space<vmem>>, vector<16xf32>,
        %add3A_374 = arith.constant 16 : i32
        %add3A_375 = arith.addi %mul3A_126, %add3A_374 : i32
        %get3A_376 = arith.constant 15 : i32
        %get3A_377 = arith.index_cast %get3A_376 : i32 to index
        %get3A_378 = arith.index_cast %add3A_375 : i32 to index
        %get3A_379 = tpu.vector_load %arg11[%get3A_377, %get3A_378] {strides = array<i32>} : memref<16x576xf32, #tpu.memory_space<vmem>>, vector<16xf32>,
        %sub3A_380 = arith.subf %get3A_373, %broadcast_in_dim3A_46 : vector<16xf32>
        %sub3A_381 = arith.subf %get3A_379, %broadcast_in_dim3A_46 : vector<16xf32>
        %mul3A_382 = arith.mulf %sub3A_380, %sub3A_380 : vector<16xf32>
        %add3A_383 = arith.addf %add3A_367, %mul3A_382 : vector<16xf32>
        %mul3A_384 = arith.mulf %sub3A_381, %sub3A_381 : vector<16xf32>
        %add3A_385 = arith.addf %add3A_369, %mul3A_384 : vector<16xf32>
        %lt3A_386 = arith.cmpf olt, %add3A_383, %scan3A_123 : vector<16xf32>
        %and3A = arith.constant true
        %and3A_387 = vector.broadcast %and3A : i1 to vector<16xi1>
        %and3A_388 = arith.andi %and3A_387, %lt3A_386 : vector<16xi1>
        %select_n3A_389 = arith.select %and3A_388, %add3A_383, %scan3A_123 : vector<16xi1>, vector<16xf32>
        %add3A_390 = arith.constant 999424 : i32
        %add3A_391 = arith.addi %add3A_390, %mul3A_126 : i32
        %add3A_392 = vector.broadcast %add3A_391 : i32 to vector<16xi32>
        %add3A_393 = arith.addi %add3A_392, %iota3A : vector<16xi32>
        %select_n3A_394 = arith.select %and3A_388, %add3A_393, %scan3A_124 : vector<16xi1>, vector<16xi32>
        %lt3A_395 = arith.cmpf olt, %add3A_385, %select_n3A_389 : vector<16xf32>
        %and3A_396 = arith.constant true
        %and3A_397 = vector.broadcast %and3A_396 : i1 to vector<16xi1>
        %and3A_398 = arith.andi %and3A_397, %lt3A_395 : vector<16xi1>
        %select_n3A_399 = arith.select %and3A_398, %add3A_385, %select_n3A_389 : vector<16xi1>, vector<16xf32>
        %add3A_400 = arith.constant 999424 : i32
        %add3A_401 = arith.addi %add3A_400, %mul3A_126 : i32
        %add3A_402 = arith.constant 16 : i32
        %add3A_403 = arith.addi %add3A_401, %add3A_402 : i32
        %add3A_404 = vector.broadcast %add3A_403 : i32 to vector<16xi32>
        %add3A_405 = arith.addi %add3A_404, %iota3A : vector<16xi32>
        %select_n3A_406 = arith.select %and3A_398, %add3A_405, %select_n3A_394 : vector<16xi1>, vector<16xi32>
        scf.yield %select_n3A_399, %select_n3A_406 : vector<16xf32>, vector<16xi32>
      }
      %scan3A_118 = arith.constant 18 : i32
      %swap3A = arith.constant 0 : index
      %swap3A_119 = tpu.vector_load %arg12[%swap3A] {strides = array<i32>} : memref<16xf32, #tpu.memory_space<vmem>>, vector<16xf32>,
      tpu.vector_store %arg12[%swap3A], %scan3A_117#0 {strides = array<i32>} : memref<16xf32, #tpu.memory_space<vmem>>, vector<16xf32>,
      %swap3A_120 = arith.constant 0 : index
      %swap3A_121 = tpu.vector_load %arg13[%swap3A_120] {strides = array<i32>} : memref<16xi32, #tpu.memory_space<vmem>>, vector<16xi32>,
      tpu.vector_store %arg13[%swap3A_120], %scan3A_117#1 {strides = array<i32>} : memref<16xi32, #tpu.memory_space<vmem>>, vector<16xi32>,
    } else {
    }
    %ne3A = arith.constant 31 : i32
    %ne3A_105 = arith.cmpi ne, %add3A, %ne3A : i32
    %convert_element_type3A_106 = arith.extui %ne3A_105 : i1 to i32
    %cond3A_107 = arith.constant 0 : i32
    %cond3A_108 = arith.cmpi ne, %convert_element_type3A_106, %cond3A_107 : i32
    scf.if %cond3A_108 {
      %swap3A = arith.constant 0 : index
      %swap3A_113 = tpu.vector_load %arg12[%swap3A] {strides = array<i32>} : memref<16xf32, #tpu.memory_space<vmem>>, vector<16xf32>,
      tpu.vector_store %arg12[%swap3A], %scan3A_101#0 {strides = array<i32>} : memref<16xf32, #tpu.memory_space<vmem>>, vector<16xf32>,
      %swap3A_114 = arith.constant 0 : index
      %swap3A_115 = tpu.vector_load %arg13[%swap3A_114] {strides = array<i32>} : memref<16xi32, #tpu.memory_space<vmem>>, vector<16xi32>,
      tpu.vector_store %arg13[%swap3A_114], %scan3A_101#1 {strides = array<i32>} : memref<16xi32, #tpu.memory_space<vmem>>, vector<16xi32>,
    } else {
    }
    %mul3A_109 = arith.constant 16 : i32
    %mul3A_110 = arith.muli %add3A, %mul3A_109 : i32
    "tpu.region"() ({
      %run_scoped3A = tpu.sem_alloc : memref<!tpu.dma_semaphore, #tpu.memory_space<semaphore_mem>>
      %dma_start3A_113 = tpu.memref_slice %arg4[%mul3A_110] : memref<512xf32, #tpu.memory_space<hbm>> -> memref<16xf32, #tpu.memory_space<hbm>>
      %dma_start3A_114 = tpu.memref_slice %arg4[%mul3A_110] : memref<512xf32, #tpu.memory_space<hbm>> -> memref<16xf32, #tpu.memory_space<hbm>>
      tpu.enqueue_dma source(%arg12 : memref<16xf32, #tpu.memory_space<vmem>>) target(%dma_start3A_114 : memref<16xf32, #tpu.memory_space<hbm>>) target_semaphore(%run_scoped3A : memref<!tpu.dma_semaphore, #tpu.memory_space<semaphore_mem>>)
      %dma_wait3A = tpu.memref_slice %arg4[%mul3A_110] : memref<512xf32, #tpu.memory_space<hbm>> -> memref<16xf32, #tpu.memory_space<hbm>>
      %dma_wait3A_115 = tpu.memref_slice %arg4[%mul3A_110] : memref<512xf32, #tpu.memory_space<hbm>> -> memref<16xf32, #tpu.memory_space<hbm>>
      tpu.wait_dma2 semaphore(%run_scoped3A : memref<!tpu.dma_semaphore, #tpu.memory_space<semaphore_mem>>) src(%arg12 : memref<16xf32, #tpu.memory_space<vmem>>) dst(%dma_wait3A_115 : memref<16xf32, #tpu.memory_space<hbm>>)
      tpu.yield
    }) : () -> ()
    %mul3A_111 = arith.constant 16 : i32
    %mul3A_112 = arith.muli %add3A, %mul3A_111 : i32
    "tpu.region"() ({
      %run_scoped3A = tpu.sem_alloc : memref<!tpu.dma_semaphore, #tpu.memory_space<semaphore_mem>>
      %dma_start3A_113 = tpu.memref_slice %arg5[%mul3A_112] : memref<512xi32, #tpu.memory_space<hbm>> -> memref<16xi32, #tpu.memory_space<hbm>>
      %dma_start3A_114 = tpu.memref_slice %arg5[%mul3A_112] : memref<512xi32, #tpu.memory_space<hbm>> -> memref<16xi32, #tpu.memory_space<hbm>>
      tpu.enqueue_dma source(%arg13 : memref<16xi32, #tpu.memory_space<vmem>>) target(%dma_start3A_114 : memref<16xi32, #tpu.memory_space<hbm>>) target_semaphore(%run_scoped3A : memref<!tpu.dma_semaphore, #tpu.memory_space<semaphore_mem>>)
      %dma_wait3A = tpu.memref_slice %arg5[%mul3A_112] : memref<512xi32, #tpu.memory_space<hbm>> -> memref<16xi32, #tpu.memory_space<hbm>>
      %dma_wait3A_115 = tpu.memref_slice %arg5[%mul3A_112] : memref<512xi32, #tpu.memory_space<hbm>> -> memref<16xi32, #tpu.memory_space<hbm>>
      tpu.wait_dma2 semaphore(%run_scoped3A : memref<!tpu.dma_semaphore, #tpu.memory_space<semaphore_mem>>) src(%arg13 : memref<16xi32, #tpu.memory_space<vmem>>) dst(%dma_wait3A_115 : memref<16xi32, #tpu.memory_space<hbm>>)
      tpu.yield
    }) : () -> ()
    return
  }
}

#map = affine_map<(d0, d1) -> (0)>
#map1 = affine_map<(d0, d1) -> (0, 0)>
module attributes {stable_mosaic.version = 14 : i64} {
  func.func @_nn_finish(%arg0: i32, %arg1: i32, %arg2: memref<16xf32, #tpu.memory_space<hbm>>, %arg3: memref<16x1000000xf32, #tpu.memory_space<hbm>>, %arg4: memref<512xf32, #tpu.memory_space<hbm>>, %arg5: memref<512xi32, #tpu.memory_space<hbm>>, %arg6: memref<16xf32, #tpu.memory_space<hbm>>, %arg7: memref<512xf32, #tpu.memory_space<vmem>>, %arg8: memref<512xi32, #tpu.memory_space<vmem>>, %arg9: memref<16xf32, #tpu.memory_space<vmem>>, %arg10: memref<16x128xf32, #tpu.memory_space<vmem>>, %arg11: memref<16x64xf32, #tpu.memory_space<vmem>>, %arg12: memref<16xf32, #tpu.memory_space<vmem>>, %arg13: memref<!tpu.dma_semaphore, #tpu.memory_space<semaphore_mem>>) attributes {dimension_semantics = [#tpu.dimension_semantics<core_parallel>, #tpu.dimension_semantics<subcore_parallel>], iteration_bounds = array<i64: 2, 16>, scalar_prefetch = 0 : i64, scratch_operands = 7 : i64, tpu.core_type = #tpu.core_type<sc_vector_subcore>, window_params = [{transform_indices = #map}, {transform_indices = #map1}, {transform_indices = #map}, {transform_indices = #map}, {transform_indices = #map}]} {
    %eq3A = arith.constant 0 : i32
    %eq3A_0 = arith.cmpi eq, %arg0, %eq3A : i32
    %eq3A_1 = arith.constant 0 : i32
    %eq3A_2 = arith.cmpi eq, %arg1, %eq3A_1 : i32
    %and3A = arith.andi %eq3A_0, %eq3A_2 : i1
    %convert_element_type3A = arith.extui %and3A : i1 to i32
    %cond3A = arith.constant 0 : i32
    %cond3A_3 = arith.cmpi ne, %convert_element_type3A, %cond3A : i32
    scf.if %cond3A_3 {
      "tpu.region"() ({
        %run_scoped3A = tpu.sem_alloc : memref<!tpu.dma_semaphore, #tpu.memory_space<semaphore_mem>>
        tpu.enqueue_dma source(%arg4 : memref<512xf32, #tpu.memory_space<hbm>>) target(%arg7 : memref<512xf32, #tpu.memory_space<vmem>>) target_semaphore(%run_scoped3A : memref<!tpu.dma_semaphore, #tpu.memory_space<semaphore_mem>>)
        tpu.wait_dma2 semaphore(%run_scoped3A : memref<!tpu.dma_semaphore, #tpu.memory_space<semaphore_mem>>) src(%arg4 : memref<512xf32, #tpu.memory_space<hbm>>) dst(%arg7 : memref<512xf32, #tpu.memory_space<vmem>>)
        tpu.yield
      }) : () -> ()
      "tpu.region"() ({
        %run_scoped3A = tpu.sem_alloc : memref<!tpu.dma_semaphore, #tpu.memory_space<semaphore_mem>>
        tpu.enqueue_dma source(%arg5 : memref<512xi32, #tpu.memory_space<hbm>>) target(%arg8 : memref<512xi32, #tpu.memory_space<vmem>>) target_semaphore(%run_scoped3A : memref<!tpu.dma_semaphore, #tpu.memory_space<semaphore_mem>>)
        tpu.wait_dma2 semaphore(%run_scoped3A : memref<!tpu.dma_semaphore, #tpu.memory_space<semaphore_mem>>) src(%arg5 : memref<512xi32, #tpu.memory_space<hbm>>) dst(%arg8 : memref<512xi32, #tpu.memory_space<vmem>>)
        tpu.yield
      }) : () -> ()
      "tpu.region"() ({
        %run_scoped3A = tpu.sem_alloc : memref<!tpu.dma_semaphore, #tpu.memory_space<semaphore_mem>>
        tpu.enqueue_dma source(%arg2 : memref<16xf32, #tpu.memory_space<hbm>>) target(%arg9 : memref<16xf32, #tpu.memory_space<vmem>>) target_semaphore(%run_scoped3A : memref<!tpu.dma_semaphore, #tpu.memory_space<semaphore_mem>>)
        tpu.wait_dma2 semaphore(%run_scoped3A : memref<!tpu.dma_semaphore, #tpu.memory_space<semaphore_mem>>) src(%arg2 : memref<16xf32, #tpu.memory_space<hbm>>) dst(%arg9 : memref<16xf32, #tpu.memory_space<vmem>>)
        tpu.yield
      }) : () -> ()
      %get3A = arith.constant 0 : index
      %get3A_4 = tpu.vector_load %arg7[%get3A] {strides = array<i32>} : memref<512xf32, #tpu.memory_space<vmem>>, vector<16xf32>,
      %get3A_5 = arith.constant 0 : index
      %get3A_6 = tpu.vector_load %arg8[%get3A_5] {strides = array<i32>} : memref<512xi32, #tpu.memory_space<vmem>>, vector<16xi32>,
      %get3A_7 = arith.constant 16 : index
      %get3A_8 = tpu.vector_load %arg7[%get3A_7] {strides = array<i32>} : memref<512xf32, #tpu.memory_space<vmem>>, vector<16xf32>,
      %get3A_9 = arith.constant 16 : index
      %get3A_10 = tpu.vector_load %arg8[%get3A_9] {strides = array<i32>} : memref<512xi32, #tpu.memory_space<vmem>>, vector<16xi32>,
      %lt3A = arith.cmpf olt, %get3A_8, %get3A_4 : vector<16xf32>
      %select_n3A = arith.select %lt3A, %get3A_8, %get3A_4 : vector<16xi1>, vector<16xf32>
      %select_n3A_11 = arith.select %lt3A, %get3A_10, %get3A_6 : vector<16xi1>, vector<16xi32>
      %get3A_12 = arith.constant 32 : index
      %get3A_13 = tpu.vector_load %arg7[%get3A_12] {strides = array<i32>} : memref<512xf32, #tpu.memory_space<vmem>>, vector<16xf32>,
      %get3A_14 = arith.constant 32 : index
      %get3A_15 = tpu.vector_load %arg8[%get3A_14] {strides = array<i32>} : memref<512xi32, #tpu.memory_space<vmem>>, vector<16xi32>,
      %lt3A_16 = arith.cmpf olt, %get3A_13, %select_n3A : vector<16xf32>
      %select_n3A_17 = arith.select %lt3A_16, %get3A_13, %select_n3A : vector<16xi1>, vector<16xf32>
      %select_n3A_18 = arith.select %lt3A_16, %get3A_15, %select_n3A_11 : vector<16xi1>, vector<16xi32>
      %get3A_19 = arith.constant 48 : index
      %get3A_20 = tpu.vector_load %arg7[%get3A_19] {strides = array<i32>} : memref<512xf32, #tpu.memory_space<vmem>>, vector<16xf32>,
      %get3A_21 = arith.constant 48 : index
      %get3A_22 = tpu.vector_load %arg8[%get3A_21] {strides = array<i32>} : memref<512xi32, #tpu.memory_space<vmem>>, vector<16xi32>,
      %lt3A_23 = arith.cmpf olt, %get3A_20, %select_n3A_17 : vector<16xf32>
      %select_n3A_24 = arith.select %lt3A_23, %get3A_20, %select_n3A_17 : vector<16xi1>, vector<16xf32>
      %select_n3A_25 = arith.select %lt3A_23, %get3A_22, %select_n3A_18 : vector<16xi1>, vector<16xi32>
      %get3A_26 = arith.constant 64 : index
      %get3A_27 = tpu.vector_load %arg7[%get3A_26] {strides = array<i32>} : memref<512xf32, #tpu.memory_space<vmem>>, vector<16xf32>,
      %get3A_28 = arith.constant 64 : index
      %get3A_29 = tpu.vector_load %arg8[%get3A_28] {strides = array<i32>} : memref<512xi32, #tpu.memory_space<vmem>>, vector<16xi32>,
      %lt3A_30 = arith.cmpf olt, %get3A_27, %select_n3A_24 : vector<16xf32>
      %select_n3A_31 = arith.select %lt3A_30, %get3A_27, %select_n3A_24 : vector<16xi1>, vector<16xf32>
      %select_n3A_32 = arith.select %lt3A_30, %get3A_29, %select_n3A_25 : vector<16xi1>, vector<16xi32>
      %get3A_33 = arith.constant 80 : index
      %get3A_34 = tpu.vector_load %arg7[%get3A_33] {strides = array<i32>} : memref<512xf32, #tpu.memory_space<vmem>>, vector<16xf32>,
      %get3A_35 = arith.constant 80 : index
      %get3A_36 = tpu.vector_load %arg8[%get3A_35] {strides = array<i32>} : memref<512xi32, #tpu.memory_space<vmem>>, vector<16xi32>,
      %lt3A_37 = arith.cmpf olt, %get3A_34, %select_n3A_31 : vector<16xf32>
      %select_n3A_38 = arith.select %lt3A_37, %get3A_34, %select_n3A_31 : vector<16xi1>, vector<16xf32>
      %select_n3A_39 = arith.select %lt3A_37, %get3A_36, %select_n3A_32 : vector<16xi1>, vector<16xi32>
      %get3A_40 = arith.constant 96 : index
      %get3A_41 = tpu.vector_load %arg7[%get3A_40] {strides = array<i32>} : memref<512xf32, #tpu.memory_space<vmem>>, vector<16xf32>,
      %get3A_42 = arith.constant 96 : index
      %get3A_43 = tpu.vector_load %arg8[%get3A_42] {strides = array<i32>} : memref<512xi32, #tpu.memory_space<vmem>>, vector<16xi32>,
      %lt3A_44 = arith.cmpf olt, %get3A_41, %select_n3A_38 : vector<16xf32>
      %select_n3A_45 = arith.select %lt3A_44, %get3A_41, %select_n3A_38 : vector<16xi1>, vector<16xf32>
      %select_n3A_46 = arith.select %lt3A_44, %get3A_43, %select_n3A_39 : vector<16xi1>, vector<16xi32>
      %get3A_47 = arith.constant 112 : index
      %get3A_48 = tpu.vector_load %arg7[%get3A_47] {strides = array<i32>} : memref<512xf32, #tpu.memory_space<vmem>>, vector<16xf32>,
      %get3A_49 = arith.constant 112 : index
      %get3A_50 = tpu.vector_load %arg8[%get3A_49] {strides = array<i32>} : memref<512xi32, #tpu.memory_space<vmem>>, vector<16xi32>,
      %lt3A_51 = arith.cmpf olt, %get3A_48, %select_n3A_45 : vector<16xf32>
      %select_n3A_52 = arith.select %lt3A_51, %get3A_48, %select_n3A_45 : vector<16xi1>, vector<16xf32>
      %select_n3A_53 = arith.select %lt3A_51, %get3A_50, %select_n3A_46 : vector<16xi1>, vector<16xi32>
      %get3A_54 = arith.constant 128 : index
      %get3A_55 = tpu.vector_load %arg7[%get3A_54] {strides = array<i32>} : memref<512xf32, #tpu.memory_space<vmem>>, vector<16xf32>,
      %get3A_56 = arith.constant 128 : index
      %get3A_57 = tpu.vector_load %arg8[%get3A_56] {strides = array<i32>} : memref<512xi32, #tpu.memory_space<vmem>>, vector<16xi32>,
      %lt3A_58 = arith.cmpf olt, %get3A_55, %select_n3A_52 : vector<16xf32>
      %select_n3A_59 = arith.select %lt3A_58, %get3A_55, %select_n3A_52 : vector<16xi1>, vector<16xf32>
      %select_n3A_60 = arith.select %lt3A_58, %get3A_57, %select_n3A_53 : vector<16xi1>, vector<16xi32>
      %get3A_61 = arith.constant 144 : index
      %get3A_62 = tpu.vector_load %arg7[%get3A_61] {strides = array<i32>} : memref<512xf32, #tpu.memory_space<vmem>>, vector<16xf32>,
      %get3A_63 = arith.constant 144 : index
      %get3A_64 = tpu.vector_load %arg8[%get3A_63] {strides = array<i32>} : memref<512xi32, #tpu.memory_space<vmem>>, vector<16xi32>,
      %lt3A_65 = arith.cmpf olt, %get3A_62, %select_n3A_59 : vector<16xf32>
      %select_n3A_66 = arith.select %lt3A_65, %get3A_62, %select_n3A_59 : vector<16xi1>, vector<16xf32>
      %select_n3A_67 = arith.select %lt3A_65, %get3A_64, %select_n3A_60 : vector<16xi1>, vector<16xi32>
      %get3A_68 = arith.constant 160 : index
      %get3A_69 = tpu.vector_load %arg7[%get3A_68] {strides = array<i32>} : memref<512xf32, #tpu.memory_space<vmem>>, vector<16xf32>,
      %get3A_70 = arith.constant 160 : index
      %get3A_71 = tpu.vector_load %arg8[%get3A_70] {strides = array<i32>} : memref<512xi32, #tpu.memory_space<vmem>>, vector<16xi32>,
      %lt3A_72 = arith.cmpf olt, %get3A_69, %select_n3A_66 : vector<16xf32>
      %select_n3A_73 = arith.select %lt3A_72, %get3A_69, %select_n3A_66 : vector<16xi1>, vector<16xf32>
      %select_n3A_74 = arith.select %lt3A_72, %get3A_71, %select_n3A_67 : vector<16xi1>, vector<16xi32>
      %get3A_75 = arith.constant 176 : index
      %get3A_76 = tpu.vector_load %arg7[%get3A_75] {strides = array<i32>} : memref<512xf32, #tpu.memory_space<vmem>>, vector<16xf32>,
      %get3A_77 = arith.constant 176 : index
      %get3A_78 = tpu.vector_load %arg8[%get3A_77] {strides = array<i32>} : memref<512xi32, #tpu.memory_space<vmem>>, vector<16xi32>,
      %lt3A_79 = arith.cmpf olt, %get3A_76, %select_n3A_73 : vector<16xf32>
      %select_n3A_80 = arith.select %lt3A_79, %get3A_76, %select_n3A_73 : vector<16xi1>, vector<16xf32>
      %select_n3A_81 = arith.select %lt3A_79, %get3A_78, %select_n3A_74 : vector<16xi1>, vector<16xi32>
      %get3A_82 = arith.constant 192 : index
      %get3A_83 = tpu.vector_load %arg7[%get3A_82] {strides = array<i32>} : memref<512xf32, #tpu.memory_space<vmem>>, vector<16xf32>,
      %get3A_84 = arith.constant 192 : index
      %get3A_85 = tpu.vector_load %arg8[%get3A_84] {strides = array<i32>} : memref<512xi32, #tpu.memory_space<vmem>>, vector<16xi32>,
      %lt3A_86 = arith.cmpf olt, %get3A_83, %select_n3A_80 : vector<16xf32>
      %select_n3A_87 = arith.select %lt3A_86, %get3A_83, %select_n3A_80 : vector<16xi1>, vector<16xf32>
      %select_n3A_88 = arith.select %lt3A_86, %get3A_85, %select_n3A_81 : vector<16xi1>, vector<16xi32>
      %get3A_89 = arith.constant 208 : index
      %get3A_90 = tpu.vector_load %arg7[%get3A_89] {strides = array<i32>} : memref<512xf32, #tpu.memory_space<vmem>>, vector<16xf32>,
      %get3A_91 = arith.constant 208 : index
      %get3A_92 = tpu.vector_load %arg8[%get3A_91] {strides = array<i32>} : memref<512xi32, #tpu.memory_space<vmem>>, vector<16xi32>,
      %lt3A_93 = arith.cmpf olt, %get3A_90, %select_n3A_87 : vector<16xf32>
      %select_n3A_94 = arith.select %lt3A_93, %get3A_90, %select_n3A_87 : vector<16xi1>, vector<16xf32>
      %select_n3A_95 = arith.select %lt3A_93, %get3A_92, %select_n3A_88 : vector<16xi1>, vector<16xi32>
      %get3A_96 = arith.constant 224 : index
      %get3A_97 = tpu.vector_load %arg7[%get3A_96] {strides = array<i32>} : memref<512xf32, #tpu.memory_space<vmem>>, vector<16xf32>,
      %get3A_98 = arith.constant 224 : index
      %get3A_99 = tpu.vector_load %arg8[%get3A_98] {strides = array<i32>} : memref<512xi32, #tpu.memory_space<vmem>>, vector<16xi32>,
      %lt3A_100 = arith.cmpf olt, %get3A_97, %select_n3A_94 : vector<16xf32>
      %select_n3A_101 = arith.select %lt3A_100, %get3A_97, %select_n3A_94 : vector<16xi1>, vector<16xf32>
      %select_n3A_102 = arith.select %lt3A_100, %get3A_99, %select_n3A_95 : vector<16xi1>, vector<16xi32>
      %get3A_103 = arith.constant 240 : index
      %get3A_104 = tpu.vector_load %arg7[%get3A_103] {strides = array<i32>} : memref<512xf32, #tpu.memory_space<vmem>>, vector<16xf32>,
      %get3A_105 = arith.constant 240 : index
      %get3A_106 = tpu.vector_load %arg8[%get3A_105] {strides = array<i32>} : memref<512xi32, #tpu.memory_space<vmem>>, vector<16xi32>,
      %lt3A_107 = arith.cmpf olt, %get3A_104, %select_n3A_101 : vector<16xf32>
      %select_n3A_108 = arith.select %lt3A_107, %get3A_104, %select_n3A_101 : vector<16xi1>, vector<16xf32>
      %select_n3A_109 = arith.select %lt3A_107, %get3A_106, %select_n3A_102 : vector<16xi1>, vector<16xi32>
      %get3A_110 = arith.constant 256 : index
      %get3A_111 = tpu.vector_load %arg7[%get3A_110] {strides = array<i32>} : memref<512xf32, #tpu.memory_space<vmem>>, vector<16xf32>,
      %get3A_112 = arith.constant 256 : index
      %get3A_113 = tpu.vector_load %arg8[%get3A_112] {strides = array<i32>} : memref<512xi32, #tpu.memory_space<vmem>>, vector<16xi32>,
      %lt3A_114 = arith.cmpf olt, %get3A_111, %select_n3A_108 : vector<16xf32>
      %select_n3A_115 = arith.select %lt3A_114, %get3A_111, %select_n3A_108 : vector<16xi1>, vector<16xf32>
      %select_n3A_116 = arith.select %lt3A_114, %get3A_113, %select_n3A_109 : vector<16xi1>, vector<16xi32>
      %get3A_117 = arith.constant 272 : index
      %get3A_118 = tpu.vector_load %arg7[%get3A_117] {strides = array<i32>} : memref<512xf32, #tpu.memory_space<vmem>>, vector<16xf32>,
      %get3A_119 = arith.constant 272 : index
      %get3A_120 = tpu.vector_load %arg8[%get3A_119] {strides = array<i32>} : memref<512xi32, #tpu.memory_space<vmem>>, vector<16xi32>,
      %lt3A_121 = arith.cmpf olt, %get3A_118, %select_n3A_115 : vector<16xf32>
      %select_n3A_122 = arith.select %lt3A_121, %get3A_118, %select_n3A_115 : vector<16xi1>, vector<16xf32>
      %select_n3A_123 = arith.select %lt3A_121, %get3A_120, %select_n3A_116 : vector<16xi1>, vector<16xi32>
      %get3A_124 = arith.constant 288 : index
      %get3A_125 = tpu.vector_load %arg7[%get3A_124] {strides = array<i32>} : memref<512xf32, #tpu.memory_space<vmem>>, vector<16xf32>,
      %get3A_126 = arith.constant 288 : index
      %get3A_127 = tpu.vector_load %arg8[%get3A_126] {strides = array<i32>} : memref<512xi32, #tpu.memory_space<vmem>>, vector<16xi32>,
      %lt3A_128 = arith.cmpf olt, %get3A_125, %select_n3A_122 : vector<16xf32>
      %select_n3A_129 = arith.select %lt3A_128, %get3A_125, %select_n3A_122 : vector<16xi1>, vector<16xf32>
      %select_n3A_130 = arith.select %lt3A_128, %get3A_127, %select_n3A_123 : vector<16xi1>, vector<16xi32>
      %get3A_131 = arith.constant 304 : index
      %get3A_132 = tpu.vector_load %arg7[%get3A_131] {strides = array<i32>} : memref<512xf32, #tpu.memory_space<vmem>>, vector<16xf32>,
      %get3A_133 = arith.constant 304 : index
      %get3A_134 = tpu.vector_load %arg8[%get3A_133] {strides = array<i32>} : memref<512xi32, #tpu.memory_space<vmem>>, vector<16xi32>,
      %lt3A_135 = arith.cmpf olt, %get3A_132, %select_n3A_129 : vector<16xf32>
      %select_n3A_136 = arith.select %lt3A_135, %get3A_132, %select_n3A_129 : vector<16xi1>, vector<16xf32>
      %select_n3A_137 = arith.select %lt3A_135, %get3A_134, %select_n3A_130 : vector<16xi1>, vector<16xi32>
      %get3A_138 = arith.constant 320 : index
      %get3A_139 = tpu.vector_load %arg7[%get3A_138] {strides = array<i32>} : memref<512xf32, #tpu.memory_space<vmem>>, vector<16xf32>,
      %get3A_140 = arith.constant 320 : index
      %get3A_141 = tpu.vector_load %arg8[%get3A_140] {strides = array<i32>} : memref<512xi32, #tpu.memory_space<vmem>>, vector<16xi32>,
      %lt3A_142 = arith.cmpf olt, %get3A_139, %select_n3A_136 : vector<16xf32>
      %select_n3A_143 = arith.select %lt3A_142, %get3A_139, %select_n3A_136 : vector<16xi1>, vector<16xf32>
      %select_n3A_144 = arith.select %lt3A_142, %get3A_141, %select_n3A_137 : vector<16xi1>, vector<16xi32>
      %get3A_145 = arith.constant 336 : index
      %get3A_146 = tpu.vector_load %arg7[%get3A_145] {strides = array<i32>} : memref<512xf32, #tpu.memory_space<vmem>>, vector<16xf32>,
      %get3A_147 = arith.constant 336 : index
      %get3A_148 = tpu.vector_load %arg8[%get3A_147] {strides = array<i32>} : memref<512xi32, #tpu.memory_space<vmem>>, vector<16xi32>,
      %lt3A_149 = arith.cmpf olt, %get3A_146, %select_n3A_143 : vector<16xf32>
      %select_n3A_150 = arith.select %lt3A_149, %get3A_146, %select_n3A_143 : vector<16xi1>, vector<16xf32>
      %select_n3A_151 = arith.select %lt3A_149, %get3A_148, %select_n3A_144 : vector<16xi1>, vector<16xi32>
      %get3A_152 = arith.constant 352 : index
      %get3A_153 = tpu.vector_load %arg7[%get3A_152] {strides = array<i32>} : memref<512xf32, #tpu.memory_space<vmem>>, vector<16xf32>,
      %get3A_154 = arith.constant 352 : index
      %get3A_155 = tpu.vector_load %arg8[%get3A_154] {strides = array<i32>} : memref<512xi32, #tpu.memory_space<vmem>>, vector<16xi32>,
      %lt3A_156 = arith.cmpf olt, %get3A_153, %select_n3A_150 : vector<16xf32>
      %select_n3A_157 = arith.select %lt3A_156, %get3A_153, %select_n3A_150 : vector<16xi1>, vector<16xf32>
      %select_n3A_158 = arith.select %lt3A_156, %get3A_155, %select_n3A_151 : vector<16xi1>, vector<16xi32>
      %get3A_159 = arith.constant 368 : index
      %get3A_160 = tpu.vector_load %arg7[%get3A_159] {strides = array<i32>} : memref<512xf32, #tpu.memory_space<vmem>>, vector<16xf32>,
      %get3A_161 = arith.constant 368 : index
      %get3A_162 = tpu.vector_load %arg8[%get3A_161] {strides = array<i32>} : memref<512xi32, #tpu.memory_space<vmem>>, vector<16xi32>,
      %lt3A_163 = arith.cmpf olt, %get3A_160, %select_n3A_157 : vector<16xf32>
      %select_n3A_164 = arith.select %lt3A_163, %get3A_160, %select_n3A_157 : vector<16xi1>, vector<16xf32>
      %select_n3A_165 = arith.select %lt3A_163, %get3A_162, %select_n3A_158 : vector<16xi1>, vector<16xi32>
      %get3A_166 = arith.constant 384 : index
      %get3A_167 = tpu.vector_load %arg7[%get3A_166] {strides = array<i32>} : memref<512xf32, #tpu.memory_space<vmem>>, vector<16xf32>,
      %get3A_168 = arith.constant 384 : index
      %get3A_169 = tpu.vector_load %arg8[%get3A_168] {strides = array<i32>} : memref<512xi32, #tpu.memory_space<vmem>>, vector<16xi32>,
      %lt3A_170 = arith.cmpf olt, %get3A_167, %select_n3A_164 : vector<16xf32>
      %select_n3A_171 = arith.select %lt3A_170, %get3A_167, %select_n3A_164 : vector<16xi1>, vector<16xf32>
      %select_n3A_172 = arith.select %lt3A_170, %get3A_169, %select_n3A_165 : vector<16xi1>, vector<16xi32>
      %get3A_173 = arith.constant 400 : index
      %get3A_174 = tpu.vector_load %arg7[%get3A_173] {strides = array<i32>} : memref<512xf32, #tpu.memory_space<vmem>>, vector<16xf32>,
      %get3A_175 = arith.constant 400 : index
      %get3A_176 = tpu.vector_load %arg8[%get3A_175] {strides = array<i32>} : memref<512xi32, #tpu.memory_space<vmem>>, vector<16xi32>,
      %lt3A_177 = arith.cmpf olt, %get3A_174, %select_n3A_171 : vector<16xf32>
      %select_n3A_178 = arith.select %lt3A_177, %get3A_174, %select_n3A_171 : vector<16xi1>, vector<16xf32>
      %select_n3A_179 = arith.select %lt3A_177, %get3A_176, %select_n3A_172 : vector<16xi1>, vector<16xi32>
      %get3A_180 = arith.constant 416 : index
      %get3A_181 = tpu.vector_load %arg7[%get3A_180] {strides = array<i32>} : memref<512xf32, #tpu.memory_space<vmem>>, vector<16xf32>,
      %get3A_182 = arith.constant 416 : index
      %get3A_183 = tpu.vector_load %arg8[%get3A_182] {strides = array<i32>} : memref<512xi32, #tpu.memory_space<vmem>>, vector<16xi32>,
      %lt3A_184 = arith.cmpf olt, %get3A_181, %select_n3A_178 : vector<16xf32>
      %select_n3A_185 = arith.select %lt3A_184, %get3A_181, %select_n3A_178 : vector<16xi1>, vector<16xf32>
      %select_n3A_186 = arith.select %lt3A_184, %get3A_183, %select_n3A_179 : vector<16xi1>, vector<16xi32>
      %get3A_187 = arith.constant 432 : index
      %get3A_188 = tpu.vector_load %arg7[%get3A_187] {strides = array<i32>} : memref<512xf32, #tpu.memory_space<vmem>>, vector<16xf32>,
      %get3A_189 = arith.constant 432 : index
      %get3A_190 = tpu.vector_load %arg8[%get3A_189] {strides = array<i32>} : memref<512xi32, #tpu.memory_space<vmem>>, vector<16xi32>,
      %lt3A_191 = arith.cmpf olt, %get3A_188, %select_n3A_185 : vector<16xf32>
      %select_n3A_192 = arith.select %lt3A_191, %get3A_188, %select_n3A_185 : vector<16xi1>, vector<16xf32>
      %select_n3A_193 = arith.select %lt3A_191, %get3A_190, %select_n3A_186 : vector<16xi1>, vector<16xi32>
      %get3A_194 = arith.constant 448 : index
      %get3A_195 = tpu.vector_load %arg7[%get3A_194] {strides = array<i32>} : memref<512xf32, #tpu.memory_space<vmem>>, vector<16xf32>,
      %get3A_196 = arith.constant 448 : index
      %get3A_197 = tpu.vector_load %arg8[%get3A_196] {strides = array<i32>} : memref<512xi32, #tpu.memory_space<vmem>>, vector<16xi32>,
      %lt3A_198 = arith.cmpf olt, %get3A_195, %select_n3A_192 : vector<16xf32>
      %select_n3A_199 = arith.select %lt3A_198, %get3A_195, %select_n3A_192 : vector<16xi1>, vector<16xf32>
      %select_n3A_200 = arith.select %lt3A_198, %get3A_197, %select_n3A_193 : vector<16xi1>, vector<16xi32>
      %get3A_201 = arith.constant 464 : index
      %get3A_202 = tpu.vector_load %arg7[%get3A_201] {strides = array<i32>} : memref<512xf32, #tpu.memory_space<vmem>>, vector<16xf32>,
      %get3A_203 = arith.constant 464 : index
      %get3A_204 = tpu.vector_load %arg8[%get3A_203] {strides = array<i32>} : memref<512xi32, #tpu.memory_space<vmem>>, vector<16xi32>,
      %lt3A_205 = arith.cmpf olt, %get3A_202, %select_n3A_199 : vector<16xf32>
      %select_n3A_206 = arith.select %lt3A_205, %get3A_202, %select_n3A_199 : vector<16xi1>, vector<16xf32>
      %select_n3A_207 = arith.select %lt3A_205, %get3A_204, %select_n3A_200 : vector<16xi1>, vector<16xi32>
      %get3A_208 = arith.constant 480 : index
      %get3A_209 = tpu.vector_load %arg7[%get3A_208] {strides = array<i32>} : memref<512xf32, #tpu.memory_space<vmem>>, vector<16xf32>,
      %get3A_210 = arith.constant 480 : index
      %get3A_211 = tpu.vector_load %arg8[%get3A_210] {strides = array<i32>} : memref<512xi32, #tpu.memory_space<vmem>>, vector<16xi32>,
      %lt3A_212 = arith.cmpf olt, %get3A_209, %select_n3A_206 : vector<16xf32>
      %select_n3A_213 = arith.select %lt3A_212, %get3A_209, %select_n3A_206 : vector<16xi1>, vector<16xf32>
      %select_n3A_214 = arith.select %lt3A_212, %get3A_211, %select_n3A_207 : vector<16xi1>, vector<16xi32>
      %get3A_215 = arith.constant 496 : index
      %get3A_216 = tpu.vector_load %arg7[%get3A_215] {strides = array<i32>} : memref<512xf32, #tpu.memory_space<vmem>>, vector<16xf32>,
      %get3A_217 = arith.constant 496 : index
      %get3A_218 = tpu.vector_load %arg8[%get3A_217] {strides = array<i32>} : memref<512xi32, #tpu.memory_space<vmem>>, vector<16xi32>,
      %lt3A_219 = arith.cmpf olt, %get3A_216, %select_n3A_213 : vector<16xf32>
      %select_n3A_220 = arith.select %lt3A_219, %get3A_216, %select_n3A_213 : vector<16xi1>, vector<16xf32>
      %select_n3A_221 = arith.select %lt3A_219, %get3A_218, %select_n3A_214 : vector<16xi1>, vector<16xi32>
      %reduce_min3A = arith.constant true
      %reduce_min3A_222 = vector.broadcast %reduce_min3A : i1 to vector<16xi1>
      %reduce_min3A_223 = tpu.scan <min>, %select_n3A_220 masked %reduce_min3A_222 : vector<16xf32>, vector<16xi1> -> vector<16xf32>
      %reduce_min3A_224 = vector.extract %reduce_min3A_223[15] : f32 from vector<16xf32>
      %eq3A_225 = vector.broadcast %reduce_min3A_224 : f32 to vector<16xf32>
      %eq3A_226 = arith.cmpf oeq, %select_n3A_220, %eq3A_225 : vector<16xf32>
      %jit3A = arith.constant 2147483647 : i32
      %broadcast_in_dim3A = vector.broadcast %jit3A : i32 to vector<16xi32>
      %select_n3A_227 = arith.select %eq3A_226, %select_n3A_221, %broadcast_in_dim3A : vector<16xi1>, vector<16xi32>
      %reduce_min3A_228 = arith.constant true
      %reduce_min3A_229 = vector.broadcast %reduce_min3A_228 : i1 to vector<16xi1>
      %reduce_min3A_230 = arith.constant -2147483648 : i32
      %reduce_min3A_231 = vector.broadcast %reduce_min3A_230 : i32 to vector<16xi32>
      %reduce_min3A_232 = arith.xori %select_n3A_227, %reduce_min3A_231 : vector<16xi32>
      %reduce_min3A_233 = tpu.scan <min>, %reduce_min3A_232 masked %reduce_min3A_229 : vector<16xi32>, vector<16xi1> -> vector<16xi32>
      %reduce_min3A_234 = arith.xori %reduce_min3A_233, %reduce_min3A_231 : vector<16xi32>
      %reduce_min3A_235 = vector.extract %reduce_min3A_234[15] : i32 from vector<16xi32>
      %jit3A_236 = arith.constant 128 : i32
      %div3A = arith.divsi %reduce_min3A_235, %jit3A_236 : i32
      %sign3A = arith.constant 0 : i32
      %sign3A_237 = arith.cmpi sgt, %reduce_min3A_235, %sign3A : i32
      %sign3A_238 = arith.extui %sign3A_237 : i1 to i32
      %sign3A_239 = arith.constant 0 : i32
      %sign3A_240 = arith.cmpi slt, %reduce_min3A_235, %sign3A_239 : i32
      %sign3A_241 = arith.extui %sign3A_240 : i1 to i32
      %sign3A_242 = arith.subi %sign3A_238, %sign3A_241 : i32
      %sign3A_243 = arith.constant 0 : i32
      %sign3A_244 = arith.cmpi sgt, %jit3A_236, %sign3A_243 : i32
      %sign3A_245 = arith.extui %sign3A_244 : i1 to i32
      %sign3A_246 = arith.constant 0 : i32
      %sign3A_247 = arith.cmpi slt, %jit3A_236, %sign3A_246 : i32
      %sign3A_248 = arith.extui %sign3A_247 : i1 to i32
      %sign3A_249 = arith.subi %sign3A_245, %sign3A_248 : i32
      %ne3A = arith.cmpi ne, %sign3A_242, %sign3A_249 : i32
      %rem3A = arith.remsi %reduce_min3A_235, %jit3A_236 : i32
      %ne3A_250 = arith.constant 0 : i32
      %ne3A_251 = arith.cmpi ne, %rem3A, %ne3A_250 : i32
      %and3A_252 = arith.andi %ne3A, %ne3A_251 : i1
      %sub3A = arith.constant 1 : i32
      %sub3A_253 = arith.subi %div3A, %sub3A : i32
      %select_n3A_254 = arith.select %and3A_252, %sub3A_253, %div3A : i32
      %mul3A = arith.constant 128 : i32
      %mul3A_255 = arith.muli %select_n3A_254, %mul3A : i32
      %multiple_of3A = tpu.assume_multiple %mul3A_255, 128 : i32
      %iota3A = tpu.iota {dimensions = array<i32: 0>} : vector<16xi32>
      %lt3A_256 = arith.constant 999936 : i32
      %lt3A_257 = arith.cmpi slt, %multiple_of3A, %lt3A_256 : i32
      %convert_element_type3A_258 = arith.extui %lt3A_257 : i1 to i32
      %cond3A_259 = arith.constant 0 : i32
      %cond3A_260 = arith.cmpi ne, %convert_element_type3A_258, %cond3A_259 : i32
      scf.if %cond3A_260 {
        %dma_start3A = arith.constant 0 : i32
        %dma_start3A_265 = tpu.memref_slice %arg3[%dma_start3A, %multiple_of3A] : memref<16x1000000xf32, #tpu.memory_space<hbm>> -> memref<16x128xf32, #tpu.memory_space<hbm>>
        %dma_start3A_266 = arith.constant 0 : i32
        %dma_start3A_267 = tpu.memref_slice %arg3[%dma_start3A_266, %multiple_of3A] : memref<16x1000000xf32, #tpu.memory_space<hbm>> -> memref<16x128xf32, #tpu.memory_space<hbm>>
        tpu.enqueue_dma source(%dma_start3A_267 : memref<16x128xf32, #tpu.memory_space<hbm>>) target(%arg10 : memref<16x128xf32, #tpu.memory_space<vmem>>) target_semaphore(%arg13 : memref<!tpu.dma_semaphore, #tpu.memory_space<semaphore_mem>>)
        %dma_wait3A = arith.constant 0 : i32
        %dma_wait3A_268 = tpu.memref_slice %arg3[%dma_wait3A, %multiple_of3A] : memref<16x1000000xf32, #tpu.memory_space<hbm>> -> memref<16x128xf32, #tpu.memory_space<hbm>>
        %dma_wait3A_269 = arith.constant 0 : i32
        %dma_wait3A_270 = tpu.memref_slice %arg3[%dma_wait3A_269, %multiple_of3A] : memref<16x1000000xf32, #tpu.memory_space<hbm>> -> memref<16x128xf32, #tpu.memory_space<hbm>>
        tpu.wait_dma2 semaphore(%arg13 : memref<!tpu.dma_semaphore, #tpu.memory_space<semaphore_mem>>) src(%dma_wait3A_270 : memref<16x128xf32, #tpu.memory_space<hbm>>) dst(%arg10 : memref<16x128xf32, #tpu.memory_space<vmem>>)
        %sub3A_271 = arith.subi %reduce_min3A_235, %multiple_of3A : i32
        %broadcast_in_dim3A_272 = vector.broadcast %sub3A_271 : i32 to vector<16xi32>
        %gather3A = tpu.vector_load_idx %arg10[%iota3A, %broadcast_in_dim3A_272] : memref<16x128xf32, #tpu.memory_space<vmem>>[vector<16xi32>, vector<16xi32>], vector<16xf32>,
        %get3A_273 = arith.constant 0 : index
        %get3A_274 = tpu.vector_load %arg9[%get3A_273] {strides = array<i32>} : memref<16xf32, #tpu.memory_space<vmem>>, vector<16xf32>,
        %mul3A_275 = arith.mulf %gather3A, %get3A_274 : vector<16xf32>
        %reduce_sum3A = arith.constant true
        %reduce_sum3A_276 = vector.broadcast %reduce_sum3A : i1 to vector<16xi1>
        %reduce_sum3A_277 = tpu.scan <sum>, %mul3A_275 masked %reduce_sum3A_276 : vector<16xf32>, vector<16xi1> -> vector<16xf32>
        %reduce_sum3A_278 = vector.extract %reduce_sum3A_277[15] : f32 from vector<16xf32>
        %broadcast_in_dim3A_279 = vector.broadcast %reduce_sum3A_278 : f32 to vector<16xf32>
        %swap3A = arith.constant 0 : index
        %swap3A_280 = tpu.vector_load %arg12[%swap3A] {strides = array<i32>} : memref<16xf32, #tpu.memory_space<vmem>>, vector<16xf32>,
        tpu.vector_store %arg12[%swap3A], %broadcast_in_dim3A_279 {strides = array<i32>} : memref<16xf32, #tpu.memory_space<vmem>>, vector<16xf32>,
      } else {
      }
      %ge3A = arith.constant 999936 : i32
      %ge3A_261 = arith.cmpi sge, %multiple_of3A, %ge3A : i32
      %convert_element_type3A_262 = arith.extui %ge3A_261 : i1 to i32
      %cond3A_263 = arith.constant 0 : i32
      %cond3A_264 = arith.cmpi ne, %convert_element_type3A_262, %cond3A_263 : i32
      scf.if %cond3A_264 {
        %dma_start3A = arith.constant 0 : i32
        %dma_start3A_265 = arith.constant 999936 : i32
        %dma_start3A_266 = tpu.memref_slice %arg3[%dma_start3A, %dma_start3A_265] : memref<16x1000000xf32, #tpu.memory_space<hbm>> -> memref<16x64xf32, #tpu.memory_space<hbm>>
        %dma_start3A_267 = arith.constant 0 : i32
        %dma_start3A_268 = arith.constant 999936 : i32
        %dma_start3A_269 = tpu.memref_slice %arg3[%dma_start3A_267, %dma_start3A_268] : memref<16x1000000xf32, #tpu.memory_space<hbm>> -> memref<16x64xf32, #tpu.memory_space<hbm>>
        tpu.enqueue_dma source(%dma_start3A_269 : memref<16x64xf32, #tpu.memory_space<hbm>>) target(%arg11 : memref<16x64xf32, #tpu.memory_space<vmem>>) target_semaphore(%arg13 : memref<!tpu.dma_semaphore, #tpu.memory_space<semaphore_mem>>)
        %dma_wait3A = arith.constant 0 : i32
        %dma_wait3A_270 = arith.constant 999936 : i32
        %dma_wait3A_271 = tpu.memref_slice %arg3[%dma_wait3A, %dma_wait3A_270] : memref<16x1000000xf32, #tpu.memory_space<hbm>> -> memref<16x64xf32, #tpu.memory_space<hbm>>
        %dma_wait3A_272 = arith.constant 0 : i32
        %dma_wait3A_273 = arith.constant 999936 : i32
        %dma_wait3A_274 = tpu.memref_slice %arg3[%dma_wait3A_272, %dma_wait3A_273] : memref<16x1000000xf32, #tpu.memory_space<hbm>> -> memref<16x64xf32, #tpu.memory_space<hbm>>
        tpu.wait_dma2 semaphore(%arg13 : memref<!tpu.dma_semaphore, #tpu.memory_space<semaphore_mem>>) src(%dma_wait3A_274 : memref<16x64xf32, #tpu.memory_space<hbm>>) dst(%arg11 : memref<16x64xf32, #tpu.memory_space<vmem>>)
        %sub3A_275 = arith.constant 999936 : i32
        %sub3A_276 = arith.subi %reduce_min3A_235, %sub3A_275 : i32
        %broadcast_in_dim3A_277 = vector.broadcast %sub3A_276 : i32 to vector<16xi32>
        %gather3A = tpu.vector_load_idx %arg11[%iota3A, %broadcast_in_dim3A_277] : memref<16x64xf32, #tpu.memory_space<vmem>>[vector<16xi32>, vector<16xi32>], vector<16xf32>,
        %get3A_278 = arith.constant 0 : index
        %get3A_279 = tpu.vector_load %arg9[%get3A_278] {strides = array<i32>} : memref<16xf32, #tpu.memory_space<vmem>>, vector<16xf32>,
        %mul3A_280 = arith.mulf %gather3A, %get3A_279 : vector<16xf32>
        %reduce_sum3A = arith.constant true
        %reduce_sum3A_281 = vector.broadcast %reduce_sum3A : i1 to vector<16xi1>
        %reduce_sum3A_282 = tpu.scan <sum>, %mul3A_280 masked %reduce_sum3A_281 : vector<16xf32>, vector<16xi1> -> vector<16xf32>
        %reduce_sum3A_283 = vector.extract %reduce_sum3A_282[15] : f32 from vector<16xf32>
        %broadcast_in_dim3A_284 = vector.broadcast %reduce_sum3A_283 : f32 to vector<16xf32>
        %swap3A = arith.constant 0 : index
        %swap3A_285 = tpu.vector_load %arg12[%swap3A] {strides = array<i32>} : memref<16xf32, #tpu.memory_space<vmem>>, vector<16xf32>,
        tpu.vector_store %arg12[%swap3A], %broadcast_in_dim3A_284 {strides = array<i32>} : memref<16xf32, #tpu.memory_space<vmem>>, vector<16xf32>,
      } else {
      }
      "tpu.region"() ({
        %run_scoped3A = tpu.sem_alloc : memref<!tpu.dma_semaphore, #tpu.memory_space<semaphore_mem>>
        tpu.enqueue_dma source(%arg12 : memref<16xf32, #tpu.memory_space<vmem>>) target(%arg6 : memref<16xf32, #tpu.memory_space<hbm>>) target_semaphore(%run_scoped3A : memref<!tpu.dma_semaphore, #tpu.memory_space<semaphore_mem>>)
        tpu.wait_dma2 semaphore(%run_scoped3A : memref<!tpu.dma_semaphore, #tpu.memory_space<semaphore_mem>>) src(%arg12 : memref<16xf32, #tpu.memory_space<vmem>>) dst(%arg6 : memref<16xf32, #tpu.memory_space<hbm>>)
        tpu.yield
      }) : () -> ()
    } else {
    }
    return
  }
}

</mosaic_0001>

<sc_bundles>
// kernel: kernel.4.cloned.1.call-start
scs
__scs_entry_jumppad:
0x0: {  	(pc) =	sbr.rel $0x88, $3  }
0x1: {  	(tag) =	ssettag $0x0;
	lr =	simm.s32 $0x1  }
0x2: {  	[smem:$0x3F9E] =	sst lr;
	_ =	strace $0xD0000000  }
0x3: {  	_ = 	snop  }
0x4: {  	_ = 	snop  }
0x5: {  	_ = 	snop  }
0x6: {  	_ = 	snop  }
0x7: {  	_ = 	snop  }
__scs_overlays_trampoline_lowered:
0x8: {  	[smem:$0x3FAD] =	sst s0  }
0x9: {  	[smem:$0x3FAE] =	sst s1  }
0xa: {  	[smem:$0x3FAF] =	sst s2  }
0xb: {  	[smem:$0x3FB0] =	sst s3  }
0xc: {  	[smem:$0x3FB1] =	sst s4  }
0xd: {  	[smem:$0x3FB2] =	sst s5  }
0xe: {  	[smem:$0x3FB3] =	sst s6  }
0xf: {  	[smem:$0x3FB4] =	sst s7  }
0x10: {  	[smem:$0x3FB5] =	sst s8  }
0x11: {  	[smem:$0x3FB6] =	sst s9;
	s0 =	simm.s32 @!p0 $0x0  }
0x12: {  	s1 =	sld [smem:$0x3F9C];
	s0 =	simm.s32 @p0 $0x1  }
0x13: {  	[smem:$0x3FB7] =	sst s0;
	s0 =	simm.s32 @!p1 $0x0  }
0x14: {  	s2 =	sld [smem:$0x3F9B];
	s0 =	simm.s32 @p1 $0x1  }
0x15: {  	[smem:$0x3FB8] =	sst s0;
	s0 =	simm.s32 @!p2 $0x0  }
0x16: {  	s3 =	sld [smem:$0x3FDB];
	s0 =	simm.s32 @p2 $0x1  }
0x17: {  	s4 =	simm.s32 $0x1BF5;
	[smem:$0x3FBA] =	sst s0  }
0x18: {  	s0 =	sld [smem:$0x3F9D];
	_ =	swait.ge [sflag:s4], $0x0  }
0x19: {  	s7 =	sld [smem:$0x3F9E]  }
0x1a: {  	s8 =	sadd.s32 $0xFFFFE003, lr  }
0x1b: {  	s9 =	sadd.s32 $0xFFFFFEF7, lr;
	s5 =	simm.s32 $0xFFFFFFFF;
	p2 =	slt.u32 s8, $0xFFFFF086  }
0x1c: {  	p1 =	slt.u32 s9, $0xF7A;
	s5 =	simm.s32 @!p2 $0x0  }
0x1d: {  	s5 =	simm.s32 @p1 $0x1;
	p0 =	seq.s32 s7, s2  }
0x1e: {  	s7 =	smul.u32 @!p0 $0xF7A, s2;
	p2 =	seq.s32 @!p0 s5, $0x0  }
0x1f: {  	s9 =	smul.u32 $0xF7A, s1;
	s8 =	simm.s32 @!p0 $0x1BF5;
	p2 =	por !p2, p0  }
0x20: {  	[sflag:s8] =	ssyncset.s32 @!p0 $0xFFFFF086;
	s6 =	sadd.s32 @!p0 s3, s7;
	s7 =	simm.s32 @!p0 $0x108  }
0x21: {  	s3 =	sadd.s32 s3, s9;
	s6 =	sadd.s32 @!p0 $0x88, s6;
	s7 =	simm.s32 @p2 $0x1082  }
0x22: {  	[simem:s7], [sflag:s8] =	dma.local @!p0 [hbm:s6], $0xF7A  }
0x23: {  	s9 =	sor.u32 $0xD0000000, s2;
	s6 =	simm.s32 $0x108;
	_ =	swait.ge @!p0 [sflag:s8], $0x0  }
0x24: {  	s3 =	sadd.s32 $0x88, s3;
	s6 =	simm.s32 @!p1 $0x1082;
	[sflag:s4] =	ssyncset.s32 $0xFFFFF086  }
0x25: {  	[simem:s6], [sflag:s4] =	dma.local [hbm:s3], $0xF7A  }
0x26: {  	[smem:$0x3F9E] =	sst s1;
	(tag) =	ssettag s2;
	_ =	strace s9  }
0x27: {  	s1 =	sld [smem:$0x3FAE]  }
0x28: {  	s2 =	sld [smem:$0x3FAF]  }
0x29: {  	s4 =	sld [smem:$0x3FB1]  }
0x2a: {  	p0 =	seq.s32 s5, $0x0;
	s5 =	sld [smem:$0x3FB2]  }
0x2b: {  	s6 =	sld [smem:$0x3FB3]  }
0x2c: {  	s7 =	sld [smem:$0x3FB4]  }
0x2d: {  	s3 =	simm.s32 $0x108;
	s8 =	sld [smem:$0x3FB5]  }
0x2e: {  	s3 =	simm.s32 @!p0 $0x1082;
	s9 =	sld [smem:$0x3FB6]  }
0x2f: {  	lr =	sadd.s32 s0, s3;
	s0 =	sld [smem:$0x3FAD]  }
0x30: {  	s3 =	sld [smem:$0x3FB0]  }
0x31: {  	[smem:$0x3FB9] =	sst s10  }
0x32: {  	s10 =	sld [smem:$0x3FB7];
	_ =	sdelay $0x3  }
0x33: {  	p0 =	seq.s32 s10, $0x1;
	s10 =	sld [smem:$0x3FB9];
	_ =	sdelay $0x3  }
0x34: {  	[smem:$0x3FB9] =	sst s10  }
0x35: {  	s10 =	sld [smem:$0x3FB8];
	_ =	sdelay $0x3  }
0x36: {  	p1 =	seq.s32 s10, $0x1;
	s10 =	sld [smem:$0x3FB9];
	_ =	sdelay $0x3  }
0x37: {  	[smem:$0x3FB9] =	sst s10  }
0x38: {  	s10 =	sld [smem:$0x3FBA]  }
0x39: {  	_ = 	snop;
	(pc) =	sbr.ind lr, $3  }
0x3a: {  	_ = 	snop  }
0x3b: {  	_ = 	snop  }
0x3c: {  	p2 =	seq.s32 s10, $0x1;
	s10 =	sld [smem:$0x3FB9]  }
0x3d: {  	_ =	shalt  }
0x3e: {  	_ =	shalt  }
0x3f: {  	_ =	shalt  }
0x40: {  	_ =	shalt  }
0x41: {  	_ =	shalt  }
0x42: {  	_ =	shalt  }
0x43: {  	_ =	shalt  }
0x44: {  	_ =	shalt  }
0x45: {  	_ =	shalt  }
0x46: {  	_ =	shalt  }
0x47: {  	_ =	shalt  }
0x48: {  	_ =	shalt  }
0x49: {  	_ =	shalt  }
0x4a: {  	_ =	shalt  }
0x4b: {  	_ =	shalt  }
0x4c: {  	_ =	shalt  }
0x4d: {  	_ =	shalt  }
0x4e: {  	_ =	shalt  }
0x4f: {  	_ =	shalt  }
0x50: {  	_ =	shalt  }
0x51: {  	_ =	shalt  }
0x52: {  	_ =	shalt  }
0x53: {  	_ =	shalt  }
0x54: {  	_ =	shalt  }
0x55: {  	_ =	shalt  }
0x56: {  	_ =	shalt  }
0x57: {  	_ =	shalt  }
0x58: {  	_ =	shalt  }
0x59: {  	_ =	shalt  }
0x5a: {  	_ =	shalt  }
0x5b: {  	_ =	shalt  }
0x5c: {  	_ =	shalt  }
0x5d: {  	_ =	shalt  }
0x5e: {  	_ =	shalt  }
0x5f: {  	_ =	shalt  }
0x60: {  	_ =	shalt  }
0x61: {  	_ =	shalt  }
0x62: {  	_ =	shalt  }
0x63: {  	_ =	shalt  }
0x64: {  	_ =	shalt  }
0x65: {  	_ =	shalt  }
0x66: {  	_ =	shalt  }
0x67: {  	_ =	shalt  }
0x68: {  	_ =	shalt  }
0x69: {  	_ =	shalt  }
0x6a: {  	_ =	shalt  }
0x6b: {  	_ =	shalt  }
0x6c: {  	_ =	shalt  }
0x6d: {  	_ =	shalt  }
0x6e: {  	_ =	shalt  }
0x6f: {  	_ =	shalt  }
0x70: {  	_ =	shalt  }
0x71: {  	_ =	shalt  }
0x72: {  	_ =	shalt  }
0x73: {  	_ =	shalt  }
0x74: {  	_ =	shalt  }
0x75: {  	_ =	shalt  }
0x76: {  	_ =	shalt  }
0x77: {  	_ =	shalt  }
0x78: {  	_ =	shalt  }
0x79: {  	_ =	shalt  }
0x7a: {  	_ =	shalt  }
0x7b: {  	_ =	shalt  }
0x7c: {  	_ =	shalt  }
0x7d: {  	_ =	shalt  }
0x7e: {  	_ =	shalt  }
0x7f: {  	_ =	shalt  }
0x80: {  	_ =	shalt  }
0x81: {  	_ =	shalt  }
0x82: {  	_ =	shalt  }
0x83: {  	_ =	shalt  }
0x84: {  	_ =	shalt  }
0x85: {  	_ =	shalt  }
0x86: {  	_ =	shalt  }
0x87: {  	_ =	shalt  }
.Lfunc_end0:
.L_simem_size_0:
called_computation_lowered:
.L_overlay_start_0:
0x88: {  	s2 =	sld [smem:$0x3FD9]  }
0x89: {  	s3 =	sld [smem:$0x3FFE];
	_ =	sdelay $0x1  }
0x8a: {  	s1 =	srdreg.scid  }
0x8b: {  	s0 =	sand.u32 $0x1, s1  }
0x8c: {  	s17 =	sshll.u32 s0, $0xA;
	s2 =	sadd.s32 s3, s2  }
0x8d: {  	s2 =	sadd.s32 s2, s17  }
0x8e: {  	[smem:$0x3FC5] =	sst s2  }
0x8f: {  	_ = 	snop  }
0x90: {  	s2 =	sld [smem:$0x3FC9]  }
0x91: {  	s18 =	sld [smem:$0x3FC8];
	(tm) =	ssettm $0x1  }
0x92: {  	s4 =	sld [smem:$0x3FFB];
	_ =	sdelay $0x3  }
0x93: {  	_ =	strace s4  }
0x94: {  	s4 =	sld [smem:$0x3FFC];
	_ =	sdelay $0x3  }
0x95: {  	_ =	strace s4  }
0x96: {  	s4 =	sld [smem:$0x3FFD];
	_ =	sdelay $0x3  }
0x97: {  	_ =	strace s4  }
0x98: {  	_ =	strace $0x8FFFFFFF  }
0x99: {  	s19 =	sld [smem:$0x3FDB];
	_ =	sdelay $0x1  }
0x9a: {  	s5 =	simm.s32 $_scs_section_size  }
0x9b: {  	s6 =	simm.s32 $_size__tile_overlayer_lowered;
	s7 =	simm.s32 $_tile_overlayer_lowered  }
0x9c: {  	s22 =	simm.s32 $0x1BFF;
	s21 =	sshll.u32 s7, $0x1;
	s4 =	sadd.s32 s5, s19  }
0x9d: {  	s8 =	simm.s32 $0x0;
	s20 =	sshll.u32 s6, $0x1;
	s6 =	sadd.s32 s21, s4  }
0x9e: {  	[timem:s8], [sflag:s22] =	dma.local [hbm:s6], s20  }
0x9f: {  	_ =	swait.ge [sflag:s22], s20  }
0xa0: {  	s5 =	ssub.s32 $0x0, s20;
	[sflag:s22] =	ssyncset.done $0x0  }
0xa1: {  	[sflag:s22] =	ssyncadd.s32 s5;
	_ =	sdelay $0x1  }
0xa2: {  	s23 =	simm.s32 $0x1B8B  }
0xa3: {  	_ =	swait.ge [sflag:s23], $0x1  }
0xa4: {  	[sflag:s23] =	ssyncset.done $0x0  }
0xa5: {  	s25 =	simm.s32 $0x1B8E;
	s24 =	sld [smem:$0x3FFE];
	[sflag:s23] =	ssyncadd.s32 $0xFFFFFFFF  }
0xa6: {  	s26 =	simm.s32 $execute0_lowered;
	[smem:$0x3FD2] =	sst s25  }
0xa7: {  	s6 =	sshll.u32 s26, $0x1;
	_ =	strace $0x80000046;
	[dreg:$0x1] =	wrdreg $0xFFFFFFFF  }
0xa8: {  	s28 =	simm.s32 $_size_execute0_lowered;
	s4 =	sadd.s32 s4, s6;
	[dreg:$0x0] =	wrdreg $0x0  }
0xa9: {  	s6 =	sshll.u32 s28, $0x1;
	[dreg:$0x2] =	wrdreg s4  }
0xaa: {  	[dreg:$0x3] =	wrdreg s6  }
0xab: {  	[dreg:$0x4] =	wrdreg $0xC0  }
0xac: {  	_ =	task [dreg:s8], $0x5FFFF  }
0xad: {  	[dreg:$0x1] =	wrdreg $0xFFFFFFFF  }
0xae: {  	[dreg:$0x0] =	wrdreg $0x60  }
0xaf: {  	[dreg:$0x2] =	wrdreg s2  }
0xb0: {  	[dreg:$0x3] =	wrdreg s18  }
0xb1: {  	[dreg:$0x4] =	wrdreg s24  }
0xb2: {  	[dreg:$0x5] =	wrdreg $0x9  }
0xb3: {  	_ =	task.clear_ibuf [dreg:s8], $0x6FFFF;
	_ =	strace $0x90000046  }
0xb4: {  	s29 =	simm.s32 $0x9;
	_ =	strace $0x80000048  }
0xb5: {  	_ =	swait.ge [sflag:s29], $0x1  }
0xb6: {  	[sflag:s29] =	ssyncadd.s32 $0xFFFFFFFF  }
0xb7: {  	_ =	strace $0x90000048  }
0xb8: {  	_ =	sfence  }
0xb9: {  	s30 =	sld [smem:$0x0];
	_ =	sdelay $0x2  }
0xba: {  	s31 =	sshll.u32 s1, $0xD;
	s1 =	sshrl.u32 s1, $0x2  }
0xbb: {  	s3 =	sand.u32 $0x4000, s31;
	s1 =	sadd.s32 s1, s30  }
0xbc: {  	s0 =	sor.u32 s3, s0;
	s1 =	sshll.u32 s1, $0x11  }
0xbd: {  	s0 =	sor.u32 s1, s0  }
0xbe: {  	s0 =	sadd.s32 $0x8F2B, s0  }
0xbf: {  	[sflag:s0] =	ssyncadd.remote.s32 $0x1  }
0xc0: {  	_ =	sfence.sel $0xFFFF  }
0xc1: {  	[dreg:$0x0] =	wrdreg $0xFFFFFFFF;
	(pc) =	sbr.abs _section_cstart, $3  }
0xc2: {  	[dreg:$0x1] =	wrdreg $0xFFFFFFFF  }
0xc3: {  	_ =	task.clear_ibuf [dreg:s8], $0x2FFFF;
	_ =	strace $0x9FFFFFFF  }
0xc4: {  	(tm) =	ssettm $0x7FFFFFFF  }
0xc5: {  	_ =	shalt  }
tec
execute0_lowered:
.L_overlay_start_1:
0x0: {  	(tag) =	ssettag $0x1  }
0x1: {  	s3 =	rddreg [dreg:$0x1]  }
0x2: {  	s0 =	rddreg [dreg:$0x2];
	s1 =	srdreg.scid  }
0x3: {  	s4 =	stileid.u32;
	s9 =	simm.s32 $0x0;
	s19 =	simm.s32 $0x5  }
0x4: {  	s20 =	simm.s32 $0x2000;
	s28 =	simm.s32 $0x2;
	s29 =	simm.s32 $0x3  }
0x5: {  	s30 =	simm.s32 $0x4;
	s1 =	sand.u32 $0x1, s1;
	s2 =	sshll.u32 s4, $0x1  }
0x6: {  	[smem:$0x7FF] =	sst s9;
	s24 =	sadd.s32 $0xF4000, s3;
	s31 =	sshll.u32 s4, $0xB  }
0x7: {  	s5 =	sor.u32 s1, s2;
	_ =	strace $0x80000047;
	s21 =	ssub.s32 $0x2, s1  }
0x8: {  	[dreg:$0x8] =	wrdreg s24;
	s1 =	sshll.u32 s1, $0xA;
	s6 =	sshll.u32 s5, $0xA  }
0x9: {  	s7 =	sshll.u32 s5, $0x1;
	s8 =	sshrl.u32 s21, $0x1;
	s10 =	sor.u32 $0x80, s5  }
0xa: {  	s11 =	sor.u32 $0xA0, s5;
	s12 =	sor.u32 $0xC0, s5;
	s6 =	sadd.s32 s3, s6  }
0xb: {  	s13 =	sor.u32 $0xE0, s5;
	s22 =	sadd.s32 $0x8000, s6;
	[dreg:$0x4] =	wrdreg s6  }
0xc: {  	p0 =	sne.s32 s5, $0x1F;
	s23 =	sadd.s32 $0x10000, s6;
	[dreg:$0x5] =	wrdreg s22  }
0xd: {  	s0 =	sadd.s32 s7, s0;
	s6 =	sadd.s32 $0x18000, s6;
	[dreg:$0x6] =	wrdreg s23  }
.Ltmp0:
0xe: {  	s25 =	sadd.s32 $0xC00, s0;
	[dreg:$0x7] =	wrdreg s6;
	(pc) =	sbr.rel .LBB2_1-.Ltmp0, $4  }
0xf: {  	s2 =	ssub.s32 s21, s8;
	s0 =	sadd.s32 $0xE00, s0;
	[dreg:$0x9] =	wrdreg s25  }
0x10: {  	s21 =	simm.s32 $0x7A1400;
	s26 =	smax.u32 s2, $0x1;
	[dreg:$0xa] =	wrdreg s0  }
0x11: {  	[dreg:$0xb] =	wrdreg s26;
	s0 =	sor.u32 s1, s31;
	s25 =	simm.s32 $0xC080  }
0x12: {  	v0 =	vlaneseq.u32;
	vm0 =	vmxor vm0, vm0;
	s26 =	simm.s32 $0x1;
	[dreg:$0xc] =	wrdreg s0;
	s0 =	simm.s32 $0x0  }
.LBB2_16:
0x13: {  	[tilespmem:$0x12880] =	vst v18  }
0x14: {  	[tilespmem:$0x12900] =	vst v17;
	s9 =	simm.s32 $0x0;
	s1 =	rddreg [dreg:$0x9];
	s2 =	simm.s32 $0x12880  }
0x15: {  	[hbm4b:s1+s9] =	stream.linear.scatter [tilespmem:s2], [sflag:$0x5], $0x10, $0x38;
	[tilespmem:$0x12980] =	vst v63  }
0x16: {  	_ =	swait.ge [sflag:s19], $0x10  }
0x17: {  	[sflag:s19] =	ssyncset.done $0x0  }
0x18: {  	s24 =	simm.s32 $0x12900;
	s23 =	rddreg [dreg:$0xa];
	[sflag:s19] =	ssyncadd.s32 $0xFFFFFFF0  }
0x19: {  	[hbm4b:s23+s9] =	stream.linear.scatter [tilespmem:s24], [sflag:$0x5], $0x10, $0x38;
	[tilespmem:$0x12980] =	vst v63  }
0x1a: {  	_ =	swait.ge [sflag:s19], $0x10  }
0x1b: {  	s0 =	sadd.s32 $0x1, s0;
	s31 =	rddreg [dreg:$0xb]  }
0x1c: {  	p1 =	sne.s32 s0, s31  }
.Ltmp1:
0x1d: {  	_ = 	snop;
	(pc) =	sbr.rel @!p1 .LBB2_17-.Ltmp1, $3  }
0x1e: {  	_ =	sdelay $0x1  }
0x1f: {  	[sflag:s19] =	ssyncset.done $0x0  }
0x20: {  	[sflag:s19] =	ssyncadd.s32 $0xFFFFFFF0  }
.LBB2_1:
0x21: {  	s1 =	rddreg [dreg:$0x0]  }
0x22: {  	[tilespmem:s9], [sflag:$0x5] =	stream.linear.gather [hbm4b:s1+s9], $0x80, $0x38;
	[tilespmem:$0x12980] =	vst v63  }
0x23: {  	_ =	swait.ge [sflag:s19], $0x80  }
0x24: {  	[sflag:s19] =	ssyncset.done $0x0  }
0x25: {  	[sflag:s19] =	ssyncadd.s32 $0xFFFFFF80  }
0x26: {  	v1 =	vld [tilespmem:$0x0];
	_ =	sdelay $0x4  }
0x27: {  	s17 =	rddreg [dreg:$0x4];
	v16 =	vbroadcast v1, $0x0;
	v15 =	vbroadcast v1, $0x1  }
0x28: {  	s2 =	simm.s32 $0x80;
	s18 =	rddreg [dreg:$0x5];
	v14 =	vbroadcast v1, $0x2;
	v13 =	vbroadcast v1, $0x3  }
0x29: {  	[tilespmem:s2], [sflag:$0x1] =	stream.strided.gather [hbm4b:s17+s20], $0x4000, s21, s20, $0x38;
	v12 =	vbroadcast v1, $0x4;
	v11 =	vbroadcast v1, $0x5;
	[tilespmem:$0x12980] =	vst v63  }
0x2a: {  	s22 =	simm.s32 $0x4080;
	s23 =	rddreg [dreg:$0x6];
	v10 =	vbroadcast v1, $0x6;
	v9 =	vbroadcast v1, $0x7  }
0x2b: {  	[tilespmem:s22], [sflag:$0x2] =	stream.strided.gather [hbm4b:s18+s20], $0x4000, s21, s20, $0x38;
	v8 =	vbroadcast v1, $0x8;
	v7 =	vbroadcast v1, $0x9;
	[tilespmem:$0x12980] =	vst v63  }
0x2c: {  	s24 =	simm.s32 $0x8080;
	s31 =	rddreg [dreg:$0x7];
	v6 =	vbroadcast v1, $0xA;
	v5 =	vbroadcast v1, $0xB  }
0x2d: {  	[tilespmem:s24], [sflag:$0x3] =	stream.strided.gather [hbm4b:s23+s20], $0x4000, s21, s20, $0x38;
	v4 =	vbroadcast v1, $0xC;
	v3 =	vbroadcast v1, $0xD;
	[tilespmem:$0x12980] =	vst v63  }
0x2e: {  	s18 =	rddreg [dreg:$0xc];
	s22 =	simm.s32 $0x0;
	v2 =	vbroadcast v1, $0xE;
	v1 =	vbroadcast v1, $0xF  }
0x2f: {  	v18 =	vimm.f32 $+Inf;
	v17 =	vimm.s32 $0x0;
	[tilespmem:s25], [sflag:$0x4] =	stream.strided.gather [hbm4b:s31+s20], $0x4000, s21, s20, $0x38;
	[tilespmem:$0x12980] =	vst v63  }
.LBB2_2:
0x30: {  	s2 =	simm.s32 $0x0  }
0x31: {  	_ =	swait.ge [sflag:s26], $0x4000;
	s14 =	sand.u32 $0x1C00, s2  }
0x32: {  	[sflag:s26] =	ssyncset.done $0x0;
	s7 =	sand.u32 $0x60, s2;
	s1 =	sor.u32 $0x80, s14  }
0x33: {  	[sflag:s26] =	ssyncadd.s32 $0xFFFFC000;
	s9 =	sor.u32 s7, s1  }
0x34: {  	v19 =	vld [tilespmem:s9+$0x180]  }
0x35: {  	v20 =	vld [tilespmem:s9+$0x100]  }
0x36: {  	s8 =	sor.u32 $0x10, s7;
	v21 =	vld [tilespmem:s9+$0x0]  }
0x37: {  	s1 =	sor.u32 s8, s1;
	v22 =	vld [tilespmem:s9+$0x80]  }
0x38: {  	v23 =	vld [tilespmem:s1+$0x0]  }
0x39: {  	v24 =	vld [tilespmem:s1+$0x80]  }
0x3a: {  	v25 =	vld [tilespmem:s1+$0x100]  }
0x3b: {  	v26 =	vld [tilespmem:s9+$0x200]  }
0x3c: {  	s15 =	sand.u32 $0x3, s2;
	v27 =	vld [tilespmem:s1+$0x180];
	v21 =	vsub.f32 v21, v16;
	v22 =	vsub.f32 v22, v15  }
0x3d: {  	s15 =	sshll.u32 s15, $0x5;
	v28 =	vld [tilespmem:s9+$0x280];
	v20 =	vsub.f32 v20, v14;
	v23 =	vsub.f32 v23, v16  }
0x3e: {  	s23 =	sadd.s32 $0x0, s15;
	v29 =	vld [tilespmem:s1+$0x200];
	v24 =	vsub.f32 v24, v15;
	v21 =	vmul.f32 v21, v21;
	v22 =	vmul.f32 v22, v22  }
0x3f: {  	s4 =	sor.u32 s2, s2;
	v30 =	vld [tilespmem:s1+$0x280];
	s24 =	sor.u32 $0x300, s23;
	v19 =	vsub.f32 v19, v13;
	v25 =	vsub.f32 v25, v14;
	v20 =	vmul.f32 v20, v20  }
0x40: {  	s15 =	sor.u32 $0x380, s4;
	s6 =	sadd.s32 $0x10, s23;
	v23 =	vmul.f32 v23, v23;
	v21 =	vadd.f32 v22, v21;
	v22 =	vmul.f32 v24, v24;
	v24 =	vld [tilespmem:s24+$0x80]  }
0x41: {  	s17 =	sor.u32 $0x2080, s14;
	v31 =	vld [tilespmem:s15+$0x80];
	s16 =	sor.u32 $0x300, s6;
	v27 =	vsub.f32 v27, v13;
	v26 =	vsub.f32 v26, v12;
	v19 =	vmul.f32 v19, v19  }
0x42: {  	s23 =	sor.u32 s7, s17;
	v22 =	vadd.f32 v22, v23;
	v20 =	vadd.f32 v20, v21;
	v21 =	vmul.f32 v25, v25;
	v23 =	vld [tilespmem:s16+$0x80]  }
0x43: {  	s1 =	sor.u32 $0x380, s6;
	v28 =	vsub.f32 v28, v11;
	v26 =	vmul.f32 v26, v26;
	s24 =	sor.u32 $0x2100, s14;
	v25 =	vsub.f32 v29, v12;
	v29 =	vld [tilespmem:s23+$0x0]  }
0x44: {  	s4 =	sor.u32 s7, s24;
	v21 =	vadd.f32 v21, v22;
	v19 =	vadd.f32 v19, v20;
	v20 =	vmul.f32 v27, v27;
	v22 =	vld [tilespmem:s1+$0x80]  }
0x45: {  	s9 =	sor.u32 s8, s17;
	s6 =	sor.u32 $0x2180, s14;
	v28 =	vmul.f32 v28, v28;
	v27 =	vsub.f32 v30, v11;
	v30 =	vld [tilespmem:s4+$0x0];
	v24 =	vsub.f32 v24, v10  }
0x46: {  	s16 =	sor.u32 s7, s6;
	v20 =	vadd.f32 v20, v21;
	v19 =	vadd.f32 v26, v19;
	v21 =	vmul.f32 v25, v25;
	v25 =	vld [tilespmem:s9+$0x0]  }
0x47: {  	s17 =	sor.u32 $0x2200, s14;
	s15 =	sor.u32 s8, s24;
	v26 =	vmul.f32 v27, v27;
	v27 =	vsub.f32 v31, v9;
	v31 =	vld [tilespmem:s16+$0x0];
	v23 =	vsub.f32 v23, v10  }
0x48: {  	s23 =	sor.u32 s7, s17;
	v20 =	vadd.f32 v21, v20;
	v19 =	vadd.f32 v28, v19;
	v21 =	vmul.f32 v24, v24;
	v24 =	vld [tilespmem:s15+$0x0]  }
0x49: {  	s24 =	sor.u32 $0x2280, s14;
	s1 =	sor.u32 s8, s6;
	v27 =	vmul.f32 v27, v27;
	v28 =	vsub.f32 v29, v8;
	v29 =	vld [tilespmem:s23+$0x0];
	v22 =	vsub.f32 v22, v9  }
0x4a: {  	s4 =	sor.u32 s7, s24;
	v20 =	vadd.f32 v26, v20;
	v19 =	vadd.f32 v21, v19;
	v21 =	vmul.f32 v23, v23;
	v23 =	vld [tilespmem:s1+$0x0]  }
0x4b: {  	s6 =	sor.u32 $0x2300, s14;
	s9 =	sor.u32 s8, s17;
	v26 =	vmul.f32 v28, v28;
	v28 =	vsub.f32 v30, v7;
	v30 =	vld [tilespmem:s4+$0x0];
	v25 =	vsub.f32 v25, v8  }
0x4c: {  	s17 =	sor.u32 s7, s6;
	v20 =	vadd.f32 v21, v20;
	v19 =	vadd.f32 v27, v19;
	v21 =	vmul.f32 v22, v22;
	v22 =	vld [tilespmem:s9+$0x0]  }
0x4d: {  	s16 =	sor.u32 $0x2380, s14;
	s15 =	sor.u32 s8, s24;
	v27 =	vmul.f32 v28, v28;
	v28 =	vsub.f32 v31, v6;
	v31 =	vld [tilespmem:s17+$0x0];
	v24 =	vsub.f32 v24, v7  }
0x4e: {  	s23 =	sor.u32 s7, s16;
	v20 =	vadd.f32 v21, v20;
	v19 =	vadd.f32 v26, v19;
	v21 =	vmul.f32 v25, v25;
	v25 =	vld [tilespmem:s15+$0x0]  }
0x4f: {  	s24 =	sadd.s32 $0x2400, s14;
	s1 =	sor.u32 s8, s6;
	s9 =	simm.s32 $0x100;
	v26 =	vmul.f32 v28, v28;
	v28 =	vsub.f32 v29, v5;
	v29 =	vld [tilespmem:s23+$0x0];
	v23 =	vsub.f32 v23, v6  }
0x50: {  	s14 =	simm.s32 $0x20;
	s17 =	sor.u32 s7, s24;
	s31 =	sand.u32 $0x1C00, s9;
	v24 =	vmul.f32 v24, v24;
	v20 =	vadd.f32 v21, v20;
	v21 =	vadd.f32 v27, v19;
	v27 =	vld [tilespmem:s1+$0x0]  }
0x51: {  	s16 =	sor.u32 s8, s16;
	s7 =	sand.u32 $0x60, s14;
	v30 =	vsub.f32 v30, v4;
	s1 =	sor.u32 $0x80, s31;
	v28 =	vmul.f32 v28, v28;
	v19 =	vld [tilespmem:s17+$0x0];
	v22 =	vsub.f32 v22, v5  }
0x52: {  	s17 =	sor.u32 s7, s1;
	v24 =	vadd.f32 v24, v20;
	v21 =	vadd.f32 v26, v21;
	v26 =	vmul.f32 v23, v23;
	v23 =	vld [tilespmem:s16+$0x0]  }
0x53: {  	s8 =	sor.u32 s8, s24;
	v30 =	vmul.f32 v30, v30;
	v20 =	vld [tilespmem:s17+$0x180];
	v32 =	vsub.f32 v25, v4;
	v25 =	vsub.f32 v31, v3  }
0x54: {  	v33 =	vmul.f32 v22, v22;
	v31 =	vadd.f32 v26, v24;
	v28 =	vadd.f32 v28, v21;
	v24 =	vld [tilespmem:s8+$0x0]  }
0x55: {  	s23 =	sshll.u32 s22, $0x7;
	s15 =	simm.s32 $0x0;
	v22 =	vld [tilespmem:s17+$0x0];
	v26 =	vsub.f32 v27, v3;
	v25 =	vmul.f32 v25, v25;
	v27 =	vsub.f32 v29, v2  }
0x56: {  	s24 =	sor.u32 s5, s23;
	s16 =	simm.s32 $0x200;
	v21 =	vld [tilespmem:s17+$0x100];
	s8 =	sor.u32 $0x10, s7;
	v29 =	vadd.f32 v33, v31;
	v28 =	vadd.f32 v30, v28;
	v30 =	vmul.f32 v32, v32  }
.LBB2_3:
0x57: {  	p1 =	sne.s32 s16, $0x1F00;
	s1 =	sor.u32 s8, s1;
	v31 =	vld [tilespmem:s17+$0x80];
	v23 =	vsub.f32 v23, v2;
	v27 =	vmul.f32 v27, v27;
	v19 =	vsub.f32 v19, v1  }
0x58: {  	v26 =	vmul.f32 v26, v26;
	v32 =	vld [tilespmem:s1+$0x100];
	v29 =	vadd.f32 v30, v29;
	v25 =	vadd.f32 v25, v28  }
0x59: {  	v20 =	vsub.f32 v20, v13;
	v28 =	vld [tilespmem:s1+$0x0];
	v24 =	vsub.f32 v24, v1;
	v19 =	vmul.f32 v19, v19  }
0x5a: {  	s6 =	sadd.s32 s2, s18;
	s2 =	smov.u32 s14;
	v23 =	vmul.f32 v23, v23;
	v30 =	vld [tilespmem:s1+$0x80];
	v26 =	vadd.f32 v26, v29;
	v25 =	vadd.f32 v27, v25  }
0x5b: {  	v21 =	vsub.f32 v21, v14;
	v27 =	vor.u32 s6, v0;
	v22 =	vsub.f32 v22, v16  }
0x5c: {  	s6 =	sadd.s32 $0x10, s6;
	v24 =	vmul.f32 v24, v24;
	v23 =	vadd.f32 v23, v26;
	v19 =	vadd.f32 v19, v25  }
0x5d: {  	s15 =	sadd.s32 $0x1, s15;
	v25 =	vsub.f32 v31, v15;
	v31 =	vor.u32 s6, v0;
	v26 =	vsub.f32 v32, v14;
	v29 =	vld [tilespmem:s17+$0x200]  }
0x5e: {  	s6 =	sand.u32 $0x3, s15;
	v28 =	vsub.f32 v28, v16;
	v32 =	vld [tilespmem:s1+$0x180];
	v23 =	vadd.f32 v24, v23;
	vm1 =	vlt.f32 v19, v18  }
0x5f: {  	s6 =	sshll.u32 s6, $0x5;
	v24 =	vsub.f32 v30, v15;
	v30 =	vld [tilespmem:s17+$0x280];
	v18 =	vsel vm1, v19, v18;
	v17 =	vsel vm1, v27, v17  }
0x60: {  	s6 =	sadd.s32 s6, s9;
	v19 =	vmul.f32 v22, v22;
	v22 =	vmul.f32 v25, v25;
	v25 =	vld [tilespmem:s1+$0x200];
	vm1 =	vlt.f32 v23, v18  }
0x61: {  	v21 =	vmul.f32 v21, v21;
	s17 =	sor.u32 s9, s14;
	s9 =	smov.u32 s16;
	v27 =	vld [tilespmem:s1+$0x280];
	s1 =	sor.u32 $0x300, s6;
	v18 =	vsel vm1, v23, v18;
	v17 =	vsel vm1, v31, v17  }
0x62: {  	v23 =	vmul.f32 v28, v28;
	v19 =	vadd.f32 v22, v19;
	v22 =	vmul.f32 v24, v24;
	v24 =	vld [tilespmem:s1+$0x80];
	s1 =	sadd.s32 $0x10, s6;
	s6 =	sor.u32 $0x380, s17  }
0x63: {  	v20 =	vmul.f32 v20, v20;
	v29 =	vsub.f32 v29, v12;
	v28 =	vsub.f32 v32, v13;
	s17 =	sor.u32 $0x300, s1;
	v31 =	vld [tilespmem:s6+$0x80];
	s6 =	sor.u32 $0x2080, s31  }
0x64: {  	v22 =	vadd.f32 v22, v23;
	v19 =	vadd.f32 v21, v19;
	v21 =	vmul.f32 v26, v26;
	v23 =	vld [tilespmem:s17+$0x80];
	s17 =	sor.u32 s7, s6  }
0x65: {  	s1 =	sor.u32 $0x380, s1;
	v26 =	vmul.f32 v29, v29;
	v29 =	vsub.f32 v30, v11;
	v25 =	vsub.f32 v25, v12;
	v30 =	vld [tilespmem:s17+$0x0];
	s17 =	sor.u32 $0x2100, s31  }
0x66: {  	v21 =	vadd.f32 v21, v22;
	v19 =	vadd.f32 v20, v19;
	v20 =	vmul.f32 v28, v28;
	v22 =	vld [tilespmem:s1+$0x80];
	s1 =	sor.u32 s7, s17  }
0x67: {  	s6 =	sor.u32 s8, s6;
	v27 =	vsub.f32 v27, v11;
	v28 =	vmul.f32 v29, v29;
	v24 =	vsub.f32 v24, v10;
	v29 =	vld [tilespmem:s1+$0x0];
	s1 =	sor.u32 $0x2180, s31  }
0x68: {  	v20 =	vadd.f32 v20, v21;
	v19 =	vadd.f32 v26, v19;
	v21 =	vmul.f32 v25, v25;
	v25 =	vld [tilespmem:s6+$0x0];
	s6 =	sor.u32 s7, s1  }
0x69: {  	s17 =	sor.u32 s8, s17;
	v26 =	vmul.f32 v27, v27;
	v27 =	vsub.f32 v31, v9;
	v23 =	vsub.f32 v23, v10;
	v31 =	vld [tilespmem:s6+$0x0];
	s6 =	sor.u32 $0x2200, s31  }
0x6a: {  	v20 =	vadd.f32 v21, v20;
	v19 =	vadd.f32 v28, v19;
	v21 =	vmul.f32 v24, v24;
	v24 =	vld [tilespmem:s17+$0x0];
	s17 =	sor.u32 s7, s6  }
0x6b: {  	s1 =	sor.u32 s8, s1;
	v27 =	vmul.f32 v27, v27;
	v28 =	vsub.f32 v30, v8;
	v22 =	vsub.f32 v22, v9;
	v30 =	vld [tilespmem:s17+$0x0];
	s17 =	sor.u32 $0x2280, s31  }
0x6c: {  	v20 =	vadd.f32 v26, v20;
	v19 =	vadd.f32 v21, v19;
	v21 =	vmul.f32 v23, v23;
	v23 =	vld [tilespmem:s1+$0x0];
	s1 =	sor.u32 s7, s17  }
0x6d: {  	s6 =	sor.u32 s8, s6;
	v26 =	vmul.f32 v28, v28;
	v28 =	vsub.f32 v29, v7;
	v25 =	vsub.f32 v25, v8;
	v29 =	vld [tilespmem:s1+$0x0];
	s1 =	sor.u32 $0x2300, s31  }
0x6e: {  	v20 =	vadd.f32 v21, v20;
	v19 =	vadd.f32 v27, v19;
	v21 =	vmul.f32 v22, v22;
	v22 =	vld [tilespmem:s6+$0x0];
	s6 =	sor.u32 s7, s1  }
0x6f: {  	s17 =	sor.u32 s8, s17;
	v27 =	vmul.f32 v28, v28;
	v28 =	vsub.f32 v31, v6;
	v24 =	vsub.f32 v24, v7;
	v31 =	vld [tilespmem:s6+$0x0];
	s6 =	sor.u32 $0x2380, s31  }
0x70: {  	v20 =	vadd.f32 v21, v20;
	v19 =	vadd.f32 v26, v19;
	v21 =	vmul.f32 v25, v25;
	v25 =	vld [tilespmem:s17+$0x0];
	s17 =	sor.u32 s7, s6  }
0x71: {  	s4 =	sadd.s32 $0x2400, s31;
	s1 =	sor.u32 s8, s1;
	v26 =	vmul.f32 v28, v28;
	v28 =	vsub.f32 v30, v5;
	v23 =	vsub.f32 v23, v6;
	v30 =	vld [tilespmem:s17+$0x0]  }
0x72: {  	s14 =	sadd.s32 $0x20, s14;
	s31 =	sand.u32 $0x1C00, s16;
	v20 =	vadd.f32 v21, v20;
	v21 =	vadd.f32 v27, v19;
	v24 =	vmul.f32 v24, v24;
	s17 =	sor.u32 s7, s4;
	v27 =	vld [tilespmem:s1+$0x0]  }
0x73: {  	s6 =	sor.u32 s8, s6;
	s7 =	sand.u32 $0x60, s14;
	s1 =	sor.u32 $0x80, s31;
	v28 =	vmul.f32 v28, v28;
	v29 =	vsub.f32 v29, v4;
	v22 =	vsub.f32 v22, v5;
	v19 =	vld [tilespmem:s17+$0x0]  }
.Ltmp2:
0x74: {  	s17 =	sor.u32 s7, s1;
	v24 =	vadd.f32 v24, v20;
	v21 =	vadd.f32 v26, v21;
	v26 =	vmul.f32 v23, v23;
	v23 =	vld [tilespmem:s6+$0x0];
	(pc) =	sbr.rel @p1 .LBB2_3-.Ltmp2, $4  }
0x75: {  	s4 =	sor.u32 s8, s4;
	v33 =	vmul.f32 v29, v29;
	v20 =	vld [tilespmem:s17+$0x180];
	v32 =	vsub.f32 v25, v4;
	v25 =	vsub.f32 v31, v3  }
0x76: {  	v29 =	vadd.f32 v26, v24;
	v28 =	vadd.f32 v28, v21;
	v31 =	vmul.f32 v22, v22;
	v24 =	vld [tilespmem:s4+$0x0]  }
0x77: {  	v21 =	vld [tilespmem:s17+$0x100];
	v26 =	vsub.f32 v27, v3;
	v25 =	vmul.f32 v25, v25;
	v27 =	vsub.f32 v30, v2  }
0x78: {  	s16 =	sadd.s32 $0x100, s16;
	s8 =	sor.u32 $0x10, s7;
	v29 =	vadd.f32 v31, v29;
	v28 =	vadd.f32 v33, v28;
	v30 =	vmul.f32 v32, v32;
	v22 =	vld [tilespmem:s17+$0x0]  }
0x79: {  	s1 =	sor.u32 s8, s1;
	v31 =	vld [tilespmem:s17+$0x80];
	v23 =	vsub.f32 v23, v2  }
0x7a: {  	v19 =	vsub.f32 v19, v1;
	v26 =	vmul.f32 v26, v26;
	v29 =	vadd.f32 v30, v29;
	v30 =	vld [tilespmem:s1+$0x0]  }
0x7b: {  	v27 =	vmul.f32 v27, v27;
	v25 =	vadd.f32 v25, v28;
	v28 =	vsub.f32 v20, v13;
	v32 =	vld [tilespmem:s1+$0x80]  }
0x7c: {  	v33 =	vld [tilespmem:s1+$0x100];
	v24 =	vsub.f32 v24, v1;
	v23 =	vmul.f32 v23, v23;
	v20 =	vadd.f32 v26, v29  }
0x7d: {  	v19 =	vmul.f32 v19, v19;
	v25 =	vadd.f32 v27, v25;
	v21 =	vsub.f32 v21, v14  }
0x7e: {  	s4 =	sadd.s32 $0x1, s15;
	v58 =	vld [tilespmem:s17+$0x280];
	v28 =	vmul.f32 v28, v28;
	v22 =	vsub.f32 v22, v16;
	v23 =	vadd.f32 v23, v20  }
0x7f: {  	s4 =	sand.u32 $0x3, s4;
	v26 =	vld [tilespmem:s1+$0x180];
	v24 =	vmul.f32 v24, v24;
	v20 =	vadd.f32 v19, v25;
	v19 =	vsub.f32 v31, v15  }
0x80: {  	s4 =	sshll.u32 s4, $0x5;
	v25 =	vld [tilespmem:s17+$0x200];
	v21 =	vmul.f32 v21, v21;
	v27 =	vsub.f32 v30, v16;
	v29 =	vsub.f32 v32, v15  }
0x81: {  	s4 =	sadd.s32 s4, s9;
	v30 =	vld [tilespmem:s1+$0x200];
	v31 =	vsub.f32 v33, v14;
	v22 =	vmul.f32 v22, v22;
	v59 =	vmul.f32 v19, v19  }
0x82: {  	s15 =	sor.u32 $0x300, s4;
	s4 =	sadd.s32 $0x10, s4;
	v19 =	vadd.f32 v24, v23;
	v23 =	vld [tilespmem:s1+$0x280];
	v24 =	vmul.f32 v27, v27;
	v27 =	vmul.f32 v29, v29  }
0x83: {  	s6 =	sor.u32 s9, s14;
	s16 =	sor.u32 $0x300, s4;
	v32 =	vsub.f32 v58, v11;
	vm1 =	vlt.f32 v20, v18;
	v29 =	vld [tilespmem:s15+$0x80];
	v22 =	vadd.f32 v59, v22  }
0x84: {  	s6 =	sor.u32 $0x380, s6;
	v26 =	vsub.f32 v26, v13;
	v24 =	vadd.f32 v27, v24;
	v27 =	vmul.f32 v31, v31;
	v31 =	vld [tilespmem:s16+$0x80]  }
0x85: {  	s17 =	sor.u32 $0x2080, s31;
	s4 =	sor.u32 $0x380, s4;
	v32 =	vmul.f32 v32, v32;
	v25 =	vsub.f32 v25, v12;
	v21 =	vadd.f32 v21, v22;
	v22 =	vld [tilespmem:s6+$0x80]  }
0x86: {  	s9 =	sor.u32 s7, s17;
	v26 =	vmul.f32 v26, v26;
	v30 =	vsub.f32 v30, v12;
	v24 =	vadd.f32 v27, v24;
	v27 =	vld [tilespmem:s4+$0x80]  }
0x87: {  	s1 =	sor.u32 s8, s17;
	s17 =	sor.u32 $0x2180, s31;
	v18 =	vsel vm1, v20, v18;
	v25 =	vmul.f32 v25, v25;
	v21 =	vadd.f32 v28, v21;
	v28 =	vld [tilespmem:s9+$0x0]  }
0x88: {  	s15 =	sor.u32 $0x2100, s31;
	v23 =	vsub.f32 v23, v11;
	s9 =	sor.u32 s7, s17;
	v24 =	vadd.f32 v26, v24;
	v26 =	vmul.f32 v30, v30;
	v30 =	vld [tilespmem:s1+$0x0]  }
0x89: {  	vm2 =	vlt.f32 v19, v18;
	s16 =	sor.u32 s7, s15;
	v29 =	vsub.f32 v29, v10;
	v60 =	vld [tilespmem:s9+$0x0];
	v21 =	vadd.f32 v25, v21  }
0x8a: {  	s4 =	sor.u32 s8, s15;
	v23 =	vmul.f32 v23, v23;
	v25 =	vld [tilespmem:s16+$0x0];
	v31 =	vsub.f32 v31, v10;
	v24 =	vadd.f32 v26, v24  }
0x8b: {  	s15 =	sor.u32 $0x2200, s31;
	s1 =	sor.u32 s8, s17;
	v29 =	vmul.f32 v29, v29;
	v22 =	vsub.f32 v22, v9;
	v26 =	vld [tilespmem:s4+$0x0];
	v21 =	vadd.f32 v32, v21  }
0x8c: {  	s16 =	sor.u32 s7, s15;
	v27 =	vsub.f32 v27, v9;
	v23 =	vadd.f32 v23, v24;
	v24 =	vmul.f32 v31, v31;
	v31 =	vld [tilespmem:s1+$0x0]  }
0x8d: {  	s17 =	sor.u32 $0x2280, s31;
	s4 =	sor.u32 s8, s15;
	v28 =	vsub.f32 v28, v8;
	v22 =	vmul.f32 v22, v22;
	v21 =	vadd.f32 v29, v21;
	v29 =	vld [tilespmem:s16+$0x0]  }
0x8e: {  	s9 =	sor.u32 s7, s17;
	v30 =	vsub.f32 v30, v8;
	v23 =	vadd.f32 v24, v23;
	v24 =	vmul.f32 v27, v27;
	v27 =	vld [tilespmem:s4+$0x0]  }
0x8f: {  	s15 =	sor.u32 $0x2300, s31;
	s1 =	sor.u32 s8, s17;
	v25 =	vsub.f32 v25, v7;
	v28 =	vmul.f32 v28, v28;
	v21 =	vadd.f32 v22, v21;
	v22 =	vld [tilespmem:s9+$0x0]  }
0x90: {  	s16 =	sor.u32 s7, s15;
	v32 =	vsub.f32 v60, v6;
	s9 =	sor.u32 $0x2380, s31;
	v23 =	vadd.f32 v24, v23;
	v24 =	vmul.f32 v30, v30;
	v30 =	vld [tilespmem:s1+$0x0]  }
0x91: {  	p1 =	seq.s32 s22, $0x7;
	v26 =	vsub.f32 v26, v7;
	v25 =	vmul.f32 v25, v25;
	s17 =	sor.u32 s7, s9;
	v21 =	vadd.f32 v28, v21;
	v28 =	vld [tilespmem:s16+$0x0]  }
0x92: {  	s6 =	sadd.s32 @!p1 s10, s23;
	s4 =	sor.u32 s8, s15;
	v32 =	vmul.f32 v32, v32;
	v31 =	vsub.f32 v31, v6;
	v23 =	vadd.f32 v24, v23;
	v24 =	vld [tilespmem:s17+$0x0]  }
0x93: {  	p2 =	slt.u32 @!p1 s6, $0x3D0;
	s15 =	sadd.s32 $0x2400, s31;
	v26 =	vmul.f32 v26, v26;
	v29 =	vsub.f32 v29, v5;
	s17 =	sor.u32 s8, s9;
	v21 =	vadd.f32 v25, v21;
	v25 =	vld [tilespmem:s4+$0x0]  }
0x94: {  	s6 =	sshll.u32 @!p1 s6, $0xA;
	p2 =	por !p2, p1;
	s16 =	sor.u32 s7, s15;
	v27 =	vsub.f32 v27, v5;
	v31 =	vmul.f32 v31, v31;
	v61 =	vld [tilespmem:s17+$0x0];
	v22 =	vsub.f32 v22, v4  }
0x95: {  	s6 =	simm.s32 @p2 $0x0;
	v23 =	vadd.f32 v26, v23;
	v26 =	vld [tilespmem:s16+$0x0];
	v29 =	vmul.f32 v29, v29;
	v21 =	vadd.f32 v32, v21  }
0x96: {  	s31 =	simm.s32 $0x0;
	s1 =	sor.u32 s8, s15;
	s7 =	simm.s32 @!p1 $0x80;
	v30 =	vsub.f32 v30, v4;
	v27 =	vmul.f32 v27, v27;
	v28 =	vsub.f32 v28, v3  }
0x97: {  	s4 =	sadd.s32 @!p1 s3, s6;
	s6 =	simm.s32 @!p1 $0x7A1400;
	v23 =	vadd.f32 v31, v23;
	v31 =	vld [tilespmem:s1+$0x0];
	s1 =	simm.s32 @!p1 $0x2000;
	v22 =	vmul.f32 v22, v22;
	v21 =	vadd.f32 v29, v21  }
0x98: {  	[tilespmem:s7], [sflag:$0x1] =	stream.strided.gather @!p1 [hbm4b:s4+s1], $0x4000, s6, s1, $0x38;
	v24 =	vsub.f32 v24, v2;
	v25 =	vsub.f32 v25, v3;
	v28 =	vmul.f32 v28, v28;
	[tilespmem:$0x12980] =	vst v63  }
0x99: {  	s15 =	sand.u32 $0x1C00, s31;
	v23 =	vadd.f32 v27, v23;
	_ =	swait.ge [sflag:s28], $0x4000;
	v21 =	vadd.f32 v22, v21;
	v22 =	vmul.f32 v30, v30  }
0x9a: {  	s7 =	sand.u32 $0x60, s31;
	s6 =	sor.u32 $0x4080, s15;
	v27 =	vsub.f32 v61, v2;
	v24 =	vmul.f32 v24, v24;
	v26 =	vsub.f32 v26, v1;
	[sflag:s28] =	ssyncset.done $0x0  }
0x9b: {  	s4 =	sor.u32 s7, s6;
	s8 =	sor.u32 $0x10, s7;
	[sflag:s28] =	ssyncadd.s32 $0xFFFFC000;
	v22 =	vadd.f32 v22, v23;
	v21 =	vadd.f32 v28, v21;
	v23 =	vmul.f32 v25, v25  }
0x9c: {  	v18 =	vsel vm2, v19, v18;
	s1 =	sor.u32 s8, s6;
	v20 =	vsub.f32 v31, v1;
	v25 =	vmul.f32 v26, v26;
	v26 =	vld [tilespmem:s4+$0x180]  }
0x9d: {  	v19 =	vld [tilespmem:s1+$0x0];
	v22 =	vadd.f32 v23, v22;
	v21 =	vadd.f32 v24, v21;
	v23 =	vmul.f32 v27, v27  }
0x9e: {  	s2 =	sadd.s32 s2, s18;
	v27 =	vld [tilespmem:s4+$0x0]  }
0x9f: {  	s9 =	sadd.s32 $0x10, s2;
	v20 =	vmul.f32 v20, v20;
	v22 =	vadd.f32 v23, v22;
	v21 =	vadd.f32 v25, v21;
	v23 =	vld [tilespmem:s4+$0x80]  }
0xa0: {  	v28 =	vor.u32 s9, v0;
	v24 =	vld [tilespmem:s4+$0x100];
	v25 =	vor.u32 s2, v0  }
0xa1: {  	s16 =	sadd.s32 s14, s18;
	v17 =	vsel vm1, v25, v17;
	v20 =	vadd.f32 v20, v22;
	vm1 =	vlt.f32 v21, v18;
	v22 =	vld [tilespmem:s1+$0x80]  }
0xa2: {  	s2 =	sadd.s32 $0x10, s16;
	v25 =	vor.u32 s16, v0;
	v17 =	vsel vm2, v28, v17;
	v18 =	vsel vm1, v21, v18;
	v21 =	vld [tilespmem:s1+$0x100]  }
0xa3: {  	v28 =	vor.u32 s2, v0;
	v17 =	vsel vm1, v25, v17;
	v25 =	vld [tilespmem:s4+$0x200];
	vm1 =	vlt.f32 v20, v18  }
0xa4: {  	s17 =	sand.u32 $0x3, s31;
	v18 =	vsel vm1, v20, v18;
	v20 =	vsub.f32 v27, v16;
	v23 =	vsub.f32 v23, v15;
	v27 =	vld [tilespmem:s1+$0x180]  }
0xa5: {  	v29 =	vld [tilespmem:s1+$0x200];
	v19 =	vsub.f32 v19, v16;
	s2 =	sshll.u32 s17, $0x5;
	v24 =	vsub.f32 v24, v14;
	v17 =	vsel vm1, v28, v17  }
0xa6: {  	s2 =	sadd.s32 $0x0, s2;
	v28 =	vld [tilespmem:s4+$0x280];
	v22 =	vsub.f32 v22, v15;
	v20 =	vmul.f32 v20, v20;
	v23 =	vmul.f32 v23, v23  }
0xa7: {  	s6 =	sor.u32 s31, s31;
	v30 =	vld [tilespmem:s1+$0x280];
	v26 =	vsub.f32 v26, v13;
	v19 =	vmul.f32 v19, v19;
	v24 =	vmul.f32 v24, v24;
	s4 =	sor.u32 $0x300, s2  }
0xa8: {  	s14 =	sor.u32 $0x380, s6;
	s9 =	sadd.s32 $0x10, s2;
	v21 =	vsub.f32 v21, v14;
	v20 =	vadd.f32 v23, v20;
	v22 =	vmul.f32 v22, v22;
	v23 =	vld [tilespmem:s4+$0x4080]  }
0xa9: {  	v31 =	vld [tilespmem:s14+$0x4080];
	s17 =	sor.u32 $0x6080, s15;
	v26 =	vmul.f32 v26, v26;
	s16 =	sor.u32 $0x300, s9;
	v25 =	vsub.f32 v25, v12;
	v27 =	vsub.f32 v27, v13  }
0xaa: {  	s6 =	sor.u32 s7, s17;
	v21 =	vmul.f32 v21, v21;
	v19 =	vadd.f32 v22, v19;
	v20 =	vadd.f32 v24, v20;
	v22 =	vld [tilespmem:s16+$0x4080]  }
0xab: {  	s1 =	sor.u32 $0x380, s9;
	s9 =	sor.u32 $0x6100, s15;
	v25 =	vmul.f32 v25, v25;
	v28 =	vsub.f32 v28, v11;
	v24 =	vsub.f32 v29, v12;
	v29 =	vld [tilespmem:s6+$0x0]  }
0xac: {  	s14 =	sor.u32 s7, s9;
	v19 =	vadd.f32 v21, v19;
	v20 =	vadd.f32 v26, v20;
	v21 =	vmul.f32 v27, v27;
	v26 =	vld [tilespmem:s1+$0x4080]  }
0xad: {  	s2 =	sor.u32 s8, s17;
	s16 =	sor.u32 $0x6180, s15;
	v28 =	vmul.f32 v28, v28;
	v27 =	vsub.f32 v30, v11;
	v30 =	vld [tilespmem:s14+$0x0];
	v23 =	vsub.f32 v23, v10  }
0xae: {  	s17 =	sor.u32 s7, s16;
	v19 =	vadd.f32 v21, v19;
	v20 =	vadd.f32 v25, v20;
	v21 =	vmul.f32 v24, v24;
	v24 =	vld [tilespmem:s2+$0x0]  }
0xaf: {  	s4 =	sor.u32 s8, s9;
	s6 =	sor.u32 $0x6200, s15;
	v25 =	vmul.f32 v27, v27;
	v27 =	vsub.f32 v31, v9;
	v31 =	vld [tilespmem:s17+$0x0];
	v22 =	vsub.f32 v22, v10  }
0xb0: {  	s9 =	sor.u32 s7, s6;
	v19 =	vadd.f32 v21, v19;
	v20 =	vadd.f32 v28, v20;
	v21 =	vmul.f32 v23, v23;
	v23 =	vld [tilespmem:s4+$0x0]  }
0xb1: {  	s1 =	sor.u32 s8, s16;
	s14 =	sor.u32 $0x6280, s15;
	v27 =	vmul.f32 v27, v27;
	v28 =	vsub.f32 v29, v8;
	v29 =	vld [tilespmem:s9+$0x0];
	v26 =	vsub.f32 v26, v9  }
0xb2: {  	s17 =	sor.u32 s7, s14;
	v19 =	vadd.f32 v25, v19;
	v20 =	vadd.f32 v21, v20;
	v21 =	vmul.f32 v22, v22;
	v22 =	vld [tilespmem:s1+$0x0]  }
0xb3: {  	s2 =	sor.u32 s8, s6;
	s6 =	sor.u32 $0x6300, s15;
	v25 =	vmul.f32 v28, v28;
	v28 =	vsub.f32 v30, v7;
	v30 =	vld [tilespmem:s17+$0x0];
	v24 =	vsub.f32 v24, v8  }
0xb4: {  	s16 =	sor.u32 s7, s6;
	v19 =	vadd.f32 v21, v19;
	v20 =	vadd.f32 v27, v20;
	v21 =	vmul.f32 v26, v26;
	v26 =	vld [tilespmem:s2+$0x0]  }
0xb5: {  	s4 =	sor.u32 s8, s14;
	s17 =	sor.u32 $0x6380, s15;
	v27 =	vmul.f32 v28, v28;
	v28 =	vsub.f32 v31, v6;
	v31 =	vld [tilespmem:s16+$0x0];
	v23 =	vsub.f32 v23, v7  }
0xb6: {  	s14 =	sor.u32 s7, s17;
	v19 =	vadd.f32 v21, v19;
	v20 =	vadd.f32 v25, v20;
	v21 =	vmul.f32 v24, v24;
	v24 =	vld [tilespmem:s4+$0x0]  }
0xb7: {  	s9 =	simm.s32 $0x100;
	s1 =	sor.u32 s8, s6;
	s16 =	sadd.s32 $0x6400, s15;
	v25 =	vmul.f32 v28, v28;
	v28 =	vsub.f32 v29, v5;
	v29 =	vld [tilespmem:s14+$0x0];
	v22 =	vsub.f32 v22, v6  }
0xb8: {  	s2 =	simm.s32 $0x20;
	s15 =	sor.u32 s7, s16;
	s14 =	sand.u32 $0x1C00, s9;
	v23 =	vmul.f32 v23, v23;
	v21 =	vadd.f32 v21, v19;
	v20 =	vadd.f32 v27, v20;
	v27 =	vld [tilespmem:s1+$0x0]  }
0xb9: {  	s6 =	sor.u32 s8, s17;
	s7 =	sand.u32 $0x60, s2;
	v30 =	vsub.f32 v30, v4;
	s1 =	sor.u32 $0x4080, s14;
	v28 =	vmul.f32 v28, v28;
	v19 =	vld [tilespmem:s15+$0x0];
	v26 =	vsub.f32 v26, v5  }
0xba: {  	s17 =	sor.u32 s7, s1;
	v22 =	vmul.f32 v22, v22;
	v21 =	vadd.f32 v23, v21;
	v25 =	vadd.f32 v25, v20;
	v23 =	vld [tilespmem:s6+$0x0]  }
0xbb: {  	s4 =	sor.u32 s8, s16;
	v30 =	vmul.f32 v30, v30;
	v31 =	vsub.f32 v31, v3;
	v20 =	vld [tilespmem:s17+$0x180];
	v62 =	vsub.f32 v24, v4  }
0xbc: {  	v24 =	vld [tilespmem:s4+$0x0];
	v63 =	vadd.f32 v22, v21;
	v34 =	vadd.f32 v28, v25;
	v28 =	vmul.f32 v26, v26  }
0xbd: {  	v21 =	vld [tilespmem:s17+$0x100];
	v26 =	vmul.f32 v31, v31;
	v25 =	vsub.f32 v27, v3;
	v27 =	vsub.f32 v29, v2  }
0xbe: {  	s8 =	sor.u32 $0x10, s7;
	s16 =	simm.s32 $0x200;
	s15 =	simm.s32 $0x0;
	v22 =	vld [tilespmem:s17+$0x0];
	v28 =	vadd.f32 v28, v63;
	v29 =	vadd.f32 v30, v34;
	v30 =	vmul.f32 v62, v62  }
.LBB2_5:
0xbf: {  	p2 =	sne.s32 s16, $0x1F00;
	s1 =	sor.u32 s8, s1;
	v31 =	vld [tilespmem:s17+$0x80];
	v23 =	vsub.f32 v23, v2;
	v27 =	vmul.f32 v27, v27;
	v19 =	vsub.f32 v19, v1  }
0xc0: {  	v25 =	vmul.f32 v25, v25;
	v32 =	vld [tilespmem:s1+$0x100];
	v28 =	vadd.f32 v30, v28;
	v26 =	vadd.f32 v26, v29  }
0xc1: {  	s4 =	sadd.s32 s31, s18;
	s31 =	smov.u32 s2;
	v20 =	vsub.f32 v20, v13;
	v29 =	vld [tilespmem:s1+$0x0];
	v24 =	vsub.f32 v24, v1;
	v19 =	vmul.f32 v19, v19  }
0xc2: {  	s6 =	sadd.s32 $0x8010, s4;
	v23 =	vmul.f32 v23, v23;
	v30 =	vld [tilespmem:s1+$0x80];
	v25 =	vadd.f32 v25, v28;
	v26 =	vadd.f32 v27, v26  }
0xc3: {  	v21 =	vsub.f32 v21, v14;
	v27 =	vor.u32 s6, v0;
	v22 =	vsub.f32 v22, v16  }
0xc4: {  	s4 =	sadd.s32 $0x8000, s4;
	v24 =	vmul.f32 v24, v24;
	v23 =	vadd.f32 v23, v25;
	v19 =	vadd.f32 v19, v26  }
0xc5: {  	s15 =	sadd.s32 $0x1, s15;
	v25 =	vsub.f32 v31, v15;
	v31 =	vor.u32 s4, v0;
	v26 =	vsub.f32 v32, v14;
	v28 =	vld [tilespmem:s17+$0x200]  }
0xc6: {  	s4 =	sand.u32 $0x3, s15;
	v29 =	vsub.f32 v29, v16;
	v32 =	vld [tilespmem:s1+$0x180];
	v23 =	vadd.f32 v24, v23;
	vm1 =	vlt.f32 v19, v18  }
0xc7: {  	s4 =	sshll.u32 s4, $0x5;
	v24 =	vsub.f32 v30, v15;
	v30 =	vld [tilespmem:s17+$0x280];
	v18 =	vsel vm1, v19, v18;
	v17 =	vsel vm1, v31, v17  }
0xc8: {  	s4 =	sadd.s32 s4, s9;
	v19 =	vmul.f32 v22, v22;
	v22 =	vmul.f32 v25, v25;
	v25 =	vld [tilespmem:s1+$0x200];
	vm1 =	vlt.f32 v23, v18  }
0xc9: {  	s6 =	sor.u32 s9, s2;
	v21 =	vmul.f32 v21, v21;
	s9 =	smov.u32 s16;
	v31 =	vld [tilespmem:s1+$0x280];
	s1 =	sor.u32 $0x300, s4;
	v18 =	vsel vm1, v23, v18;
	v17 =	vsel vm1, v27, v17  }
0xca: {  	v23 =	vmul.f32 v29, v29;
	v19 =	vadd.f32 v22, v19;
	v22 =	vmul.f32 v24, v24;
	v24 =	vld [tilespmem:s1+$0x4080];
	s1 =	sadd.s32 $0x10, s4;
	s4 =	sor.u32 $0x380, s6  }
0xcb: {  	v20 =	vmul.f32 v20, v20;
	v28 =	vsub.f32 v28, v12;
	v27 =	vsub.f32 v32, v13;
	s6 =	sor.u32 $0x300, s1;
	v29 =	vld [tilespmem:s4+$0x4080];
	s4 =	sor.u32 $0x6080, s14  }
0xcc: {  	v22 =	vadd.f32 v22, v23;
	v19 =	vadd.f32 v21, v19;
	v21 =	vmul.f32 v26, v26;
	v23 =	vld [tilespmem:s6+$0x4080];
	s6 =	sor.u32 s7, s4  }
0xcd: {  	s1 =	sor.u32 $0x380, s1;
	v26 =	vmul.f32 v28, v28;
	v28 =	vsub.f32 v30, v11;
	v25 =	vsub.f32 v25, v12;
	v30 =	vld [tilespmem:s6+$0x0];
	s6 =	sor.u32 $0x6100, s14  }
0xce: {  	v21 =	vadd.f32 v21, v22;
	v19 =	vadd.f32 v20, v19;
	v20 =	vmul.f32 v27, v27;
	v22 =	vld [tilespmem:s1+$0x4080];
	s1 =	sor.u32 s7, s6  }
0xcf: {  	s4 =	sor.u32 s8, s4;
	v27 =	vsub.f32 v31, v11;
	v28 =	vmul.f32 v28, v28;
	v24 =	vsub.f32 v24, v10;
	v31 =	vld [tilespmem:s1+$0x0];
	s1 =	sor.u32 $0x6180, s14  }
0xd0: {  	v20 =	vadd.f32 v20, v21;
	v19 =	vadd.f32 v26, v19;
	v21 =	vmul.f32 v25, v25;
	v25 =	vld [tilespmem:s4+$0x0];
	s4 =	sor.u32 s7, s1  }
0xd1: {  	s6 =	sor.u32 s8, s6;
	v26 =	vmul.f32 v27, v27;
	v27 =	vsub.f32 v29, v9;
	v23 =	vsub.f32 v23, v10;
	v29 =	vld [tilespmem:s4+$0x0];
	s4 =	sor.u32 $0x6200, s14  }
0xd2: {  	v20 =	vadd.f32 v21, v20;
	v19 =	vadd.f32 v28, v19;
	v21 =	vmul.f32 v24, v24;
	v24 =	vld [tilespmem:s6+$0x0];
	s6 =	sor.u32 s7, s4  }
0xd3: {  	s1 =	sor.u32 s8, s1;
	v27 =	vmul.f32 v27, v27;
	v28 =	vsub.f32 v30, v8;
	v22 =	vsub.f32 v22, v9;
	v30 =	vld [tilespmem:s6+$0x0];
	s6 =	sor.u32 $0x6280, s14  }
0xd4: {  	v20 =	vadd.f32 v26, v20;
	v19 =	vadd.f32 v21, v19;
	v21 =	vmul.f32 v23, v23;
	v23 =	vld [tilespmem:s1+$0x0];
	s1 =	sor.u32 s7, s6  }
0xd5: {  	s4 =	sor.u32 s8, s4;
	v26 =	vmul.f32 v28, v28;
	v28 =	vsub.f32 v31, v7;
	v25 =	vsub.f32 v25, v8;
	v31 =	vld [tilespmem:s1+$0x0];
	s1 =	sor.u32 $0x6300, s14  }
0xd6: {  	v20 =	vadd.f32 v21, v20;
	v19 =	vadd.f32 v27, v19;
	v21 =	vmul.f32 v22, v22;
	v22 =	vld [tilespmem:s4+$0x0];
	s4 =	sor.u32 s7, s1  }
0xd7: {  	s6 =	sor.u32 s8, s6;
	v27 =	vmul.f32 v28, v28;
	v28 =	vsub.f32 v29, v6;
	v24 =	vsub.f32 v24, v7;
	v29 =	vld [tilespmem:s4+$0x0];
	s4 =	sor.u32 $0x6380, s14  }
0xd8: {  	v20 =	vadd.f32 v21, v20;
	v19 =	vadd.f32 v26, v19;
	v21 =	vmul.f32 v25, v25;
	v25 =	vld [tilespmem:s6+$0x0];
	s6 =	sor.u32 s7, s4  }
0xd9: {  	s1 =	sor.u32 s8, s1;
	v26 =	vmul.f32 v28, v28;
	v28 =	vsub.f32 v30, v5;
	v23 =	vsub.f32 v23, v6;
	v30 =	vld [tilespmem:s6+$0x0];
	s6 =	sadd.s32 $0x6400, s14  }
0xda: {  	s2 =	sadd.s32 $0x20, s2;
	s14 =	sand.u32 $0x1C00, s16;
	v20 =	vadd.f32 v21, v20;
	v21 =	vadd.f32 v27, v19;
	v24 =	vmul.f32 v24, v24;
	v27 =	vld [tilespmem:s1+$0x0];
	s17 =	sor.u32 s7, s6  }
0xdb: {  	s4 =	sor.u32 s8, s4;
	s7 =	sand.u32 $0x60, s2;
	s1 =	sor.u32 $0x4080, s14;
	v28 =	vmul.f32 v28, v28;
	v31 =	vsub.f32 v31, v4;
	v22 =	vsub.f32 v22, v5;
	v19 =	vld [tilespmem:s17+$0x0]  }
.Ltmp3:
0xdc: {  	s17 =	sor.u32 s7, s1;
	v24 =	vadd.f32 v24, v20;
	v21 =	vadd.f32 v26, v21;
	v26 =	vmul.f32 v23, v23;
	v23 =	vld [tilespmem:s4+$0x0];
	(pc) =	sbr.rel @p2 .LBB2_5-.Ltmp3, $4  }
0xdd: {  	v31 =	vmul.f32 v31, v31;
	v29 =	vsub.f32 v29, v3;
	s4 =	sor.u32 s8, s6;
	v20 =	vld [tilespmem:s17+$0x180];
	v32 =	vsub.f32 v25, v4  }
0xde: {  	v33 =	vadd.f32 v26, v24;
	v34 =	vadd.f32 v28, v21;
	v28 =	vmul.f32 v22, v22;
	v24 =	vld [tilespmem:s4+$0x0]  }
0xdf: {  	v26 =	vmul.f32 v29, v29;
	v21 =	vld [tilespmem:s17+$0x100];
	v25 =	vsub.f32 v27, v3;
	v27 =	vsub.f32 v30, v2  }
0xe0: {  	s16 =	sadd.s32 $0x100, s16;
	s8 =	sor.u32 $0x10, s7;
	v28 =	vadd.f32 v28, v33;
	v29 =	vadd.f32 v31, v34;
	v30 =	vmul.f32 v32, v32;
	v22 =	vld [tilespmem:s17+$0x0]  }
0xe1: {  	s1 =	sor.u32 s8, s1;
	v31 =	vld [tilespmem:s17+$0x80];
	v23 =	vsub.f32 v23, v2  }
0xe2: {  	v19 =	vsub.f32 v19, v1;
	v25 =	vmul.f32 v25, v25;
	v32 =	vld [tilespmem:s1+$0x0];
	v28 =	vadd.f32 v30, v28  }
0xe3: {  	v27 =	vmul.f32 v27, v27;
	v26 =	vadd.f32 v26, v29;
	v29 =	vld [tilespmem:s1+$0x80];
	v20 =	vsub.f32 v20, v13  }
0xe4: {  	v30 =	vld [tilespmem:s1+$0x100];
	v24 =	vsub.f32 v24, v1;
	v23 =	vmul.f32 v23, v23;
	v25 =	vadd.f32 v25, v28  }
0xe5: {  	v61 =	vld [tilespmem:s17+$0x280];
	v19 =	vmul.f32 v19, v19;
	v26 =	vadd.f32 v27, v26;
	v21 =	vsub.f32 v21, v14  }
0xe6: {  	v22 =	vsub.f32 v22, v16;
	v23 =	vadd.f32 v23, v25  }
0xe7: {  	s4 =	sadd.s32 $0x1, s15;
	v27 =	vld [tilespmem:s1+$0x180];
	v25 =	vsub.f32 v31, v15;
	v19 =	vadd.f32 v19, v26  }
0xe8: {  	s4 =	sand.u32 $0x3, s4;
	v28 =	vld [tilespmem:s17+$0x200];
	v24 =	vmul.f32 v24, v24;
	v31 =	vsub.f32 v32, v16;
	v29 =	vsub.f32 v29, v15  }
0xe9: {  	s4 =	sshll.u32 s4, $0x5;
	v26 =	vld [tilespmem:s1+$0x200];
	v22 =	vmul.f32 v22, v22;
	v30 =	vsub.f32 v30, v14;
	v25 =	vmul.f32 v25, v25  }
0xea: {  	s4 =	sadd.s32 s4, s9;
	v32 =	vsub.f32 v61, v11;
	v31 =	vmul.f32 v31, v31;
	v29 =	vmul.f32 v29, v29  }
0xeb: {  	s17 =	sor.u32 $0x300, s4;
	s4 =	sadd.s32 $0x10, s4;
	v21 =	vmul.f32 v21, v21;
	v23 =	vadd.f32 v24, v23;
	v22 =	vadd.f32 v25, v22;
	v25 =	vld [tilespmem:s1+$0x280]  }
0xec: {  	s6 =	sor.u32 s9, s2;
	s15 =	sor.u32 $0x300, s4;
	v27 =	vsub.f32 v27, v13;
	v30 =	vmul.f32 v30, v30;
	v29 =	vadd.f32 v29, v31;
	v31 =	vld [tilespmem:s17+$0x4080]  }
0xed: {  	s6 =	sor.u32 $0x380, s6;
	v20 =	vmul.f32 v20, v20;
	v28 =	vsub.f32 v28, v12;
	v21 =	vadd.f32 v21, v22;
	v22 =	vld [tilespmem:s15+$0x4080]  }
0xee: {  	s16 =	sor.u32 $0x6080, s14;
	s4 =	sor.u32 $0x380, s4;
	v26 =	vsub.f32 v26, v12;
	v27 =	vmul.f32 v27, v27;
	v29 =	vadd.f32 v30, v29;
	v30 =	vld [tilespmem:s6+$0x4080]  }
0xef: {  	vm1 =	vlt.f32 v19, v18;
	s17 =	sor.u32 s7, s16;
	v28 =	vmul.f32 v28, v28;
	v20 =	vadd.f32 v20, v21;
	v21 =	vld [tilespmem:s4+$0x4080]  }
0xf0: {  	s9 =	sor.u32 $0x6100, s14;
	s1 =	sor.u32 s8, s16;
	v26 =	vmul.f32 v26, v26;
	v27 =	vadd.f32 v27, v29;
	v29 =	vld [tilespmem:s17+$0x0];
	v25 =	vsub.f32 v25, v11  }
0xf1: {  	v32 =	vmul.f32 v32, v32;
	s15 =	sor.u32 s7, s9;
	v31 =	vsub.f32 v31, v10;
	v20 =	vadd.f32 v28, v20;
	v28 =	vld [tilespmem:s1+$0x0]  }
0xf2: {  	s16 =	sor.u32 $0x6180, s14;
	s4 =	sor.u32 s8, s9;
	v26 =	vadd.f32 v26, v27;
	v27 =	vld [tilespmem:s15+$0x0];
	v25 =	vmul.f32 v25, v25;
	v22 =	vsub.f32 v22, v10  }
0xf3: {  	s17 =	sor.u32 s7, s16;
	v62 =	vld [tilespmem:s4+$0x0];
	v30 =	vsub.f32 v30, v9;
	v20 =	vadd.f32 v32, v20;
	v31 =	vmul.f32 v31, v31  }
0xf4: {  	s9 =	sor.u32 $0x6200, s14;
	s1 =	sor.u32 s8, s16;
	v25 =	vadd.f32 v25, v26;
	v26 =	vld [tilespmem:s17+$0x0];
	v21 =	vsub.f32 v21, v9;
	v22 =	vmul.f32 v22, v22  }
0xf5: {  	s16 =	sor.u32 s7, s9;
	s17 =	sor.u32 $0x6280, s14;
	v30 =	vmul.f32 v30, v30;
	v29 =	vsub.f32 v29, v8;
	v20 =	vadd.f32 v31, v20;
	v31 =	vld [tilespmem:s1+$0x0]  }
0xf6: {  	s15 =	sor.u32 s7, s17;
	v22 =	vadd.f32 v22, v25;
	v25 =	vld [tilespmem:s16+$0x0];
	v28 =	vsub.f32 v28, v8;
	v21 =	vmul.f32 v21, v21  }
0xf7: {  	s6 =	sor.u32 $0x6300, s14;
	s4 =	sor.u32 s8, s9;
	v29 =	vmul.f32 v29, v29;
	v27 =	vsub.f32 v27, v7;
	v20 =	vadd.f32 v30, v20;
	v30 =	vld [tilespmem:s15+$0x0]  }
0xf8: {  	v32 =	vsub.f32 v62, v7;
	s16 =	sor.u32 s7, s6;
	v21 =	vadd.f32 v21, v22;
	v22 =	vld [tilespmem:s4+$0x0];
	v28 =	vmul.f32 v28, v28  }
0xf9: {  	s9 =	sor.u32 $0x6380, s14;
	s17 =	sor.u32 s8, s17;
	v27 =	vmul.f32 v27, v27;
	v26 =	vsub.f32 v26, v6;
	v20 =	vadd.f32 v29, v20;
	v29 =	vld [tilespmem:s16+$0x0]  }
0xfa: {  	s15 =	sor.u32 s7, s9;
	v32 =	vmul.f32 v32, v32;
	v21 =	vadd.f32 v28, v21;
	v28 =	vld [tilespmem:s17+$0x0];
	v31 =	vsub.f32 v31, v6  }
0xfb: {  	v18 =	vsel vm1, v19, v18;
	s1 =	sadd.s32 s31, s18;
	s6 =	sor.u32 s8, s6;
	s16 =	sadd.s32 $0x6400, s14;
	v24 =	vmul.f32 v26, v26;
	v26 =	vld [tilespmem:s15+$0x0];
	v20 =	vadd.f32 v27, v20  }
0xfc: {  	s17 =	sadd.s32 $0x8000, s1;
	s7 =	sor.u32 s7, s16;
	v25 =	vsub.f32 v25, v5;
	v27 =	vld [tilespmem:s6+$0x0];
	v21 =	vadd.f32 v32, v21;
	v31 =	vmul.f32 v31, v31  }
0xfd: {  	s9 =	sor.u32 s8, s9;
	s14 =	sadd.s32 @!p1 s11, s23;
	v63 =	vor.u32 s17, v0;
	v30 =	vsub.f32 v30, v4;
	v20 =	vadd.f32 v24, v20;
	v24 =	vld [tilespmem:s7+$0x0]  }
0xfe: {  	p2 =	slt.u32 @!p1 s14, $0x3D0;
	v22 =	vsub.f32 v22, v5;
	v25 =	vmul.f32 v25, v25;
	v21 =	vadd.f32 v31, v21;
	v31 =	vld [tilespmem:s9+$0x0]  }
0xff: {  	s4 =	sor.u32 s8, s16;
	s6 =	sshll.u32 @!p1 s14, $0xA;
	p2 =	por !p2, p1;
	v17 =	vsel vm1, v63, v17;
	v29 =	vsub.f32 v29, v3;
	v30 =	vmul.f32 v30, v30  }
0x100: {  	s31 =	simm.s32 $0x0;
	s8 =	simm.s32 @!p1 $0x4080;
	s6 =	simm.s32 @p2 $0x0;
	v28 =	vsub.f32 v28, v4;
	v20 =	vadd.f32 v25, v20;
	v22 =	vmul.f32 v22, v22;
	v25 =	vld [tilespmem:s4+$0x0]  }
0x101: {  	s6 =	sadd.s32 @!p1 s3, s6;
	s7 =	simm.s32 @!p1 $0x7A1400;
	s4 =	simm.s32 @!p1 $0x2000;
	v27 =	vsub.f32 v27, v3;
	v29 =	vmul.f32 v29, v29;
	v26 =	vsub.f32 v26, v2  }
0x102: {  	[tilespmem:s8], [sflag:$0x2] =	stream.strided.gather @!p1 [hbm4b:s6+s4], $0x4000, s7, s4, $0x38;
	v21 =	vadd.f32 v22, v21;
	v20 =	vadd.f32 v30, v20;
	v22 =	vmul.f32 v28, v28;
	[tilespmem:$0x12980] =	vst v63  }
0x103: {  	s8 =	sand.u32 $0x1C00, s31;
	_ =	swait.ge [sflag:s29], $0x4000;
	v26 =	vmul.f32 v26, v26;
	v24 =	vsub.f32 v24, v1;
	v28 =	vsub.f32 v31, v2  }
0x104: {  	s7 =	sand.u32 $0x60, s31;
	s15 =	sor.u32 $0x8080, s8;
	[sflag:s29] =	ssyncset.done $0x0;
	v21 =	vadd.f32 v22, v21;
	v20 =	vadd.f32 v29, v20;
	v22 =	vmul.f32 v27, v27  }
0x105: {  	vm1 =	vlt.f32 v23, v18;
	s6 =	sor.u32 s7, s15;
	[sflag:s29] =	ssyncadd.s32 $0xFFFFC000;
	v19 =	vsub.f32 v25, v1;
	v24 =	vmul.f32 v24, v24  }
0x106: {  	s1 =	sadd.s32 $0x8010, s1;
	s9 =	sor.u32 $0x10, s7;
	v25 =	vld [tilespmem:s6+$0x0];
	v21 =	vadd.f32 v22, v21;
	v20 =	vadd.f32 v26, v20;
	v22 =	vmul.f32 v28, v28  }
0x107: {  	s16 =	sadd.s32 s2, s18;
	v18 =	vsel vm1, v23, v18;
	s2 =	sor.u32 s9, s15;
	v27 =	vld [tilespmem:s6+$0x80];
	v26 =	vor.u32 s1, v0  }
0x108: {  	v23 =	vld [tilespmem:s2+$0x0];
	v19 =	vmul.f32 v19, v19;
	v21 =	vadd.f32 v22, v21;
	v20 =	vadd.f32 v24, v20  }
0x109: {  	s17 =	sadd.s32 $0x8000, s16;
	v17 =	vsel vm1, v26, v17;
	v22 =	vld [tilespmem:s6+$0x100]  }
0x10a: {  	s1 =	sadd.s32 $0x8010, s16;
	v24 =	vor.u32 s17, v0;
	v19 =	vadd.f32 v19, v21;
	vm1 =	vlt.f32 v20, v18;
	v21 =	vld [tilespmem:s2+$0x80]  }
0x10b: {  	v26 =	vor.u32 s1, v0;
	v18 =	vsel vm1, v20, v18;
	v17 =	vsel vm1, v24, v17;
	v20 =	vld [tilespmem:s6+$0x180]  }
0x10c: {  	v24 =	vsub.f32 v25, v16;
	v25 =	vsub.f32 v27, v15;
	v27 =	vld [tilespmem:s2+$0x100];
	vm1 =	vlt.f32 v19, v18  }
0x10d: {  	s15 =	sand.u32 $0x3, s31;
	v23 =	vsub.f32 v23, v16;
	v18 =	vsel vm1, v19, v18;
	v17 =	vsel vm1, v26, v17;
	v19 =	vld [tilespmem:s6+$0x200]  }
0x10e: {  	s16 =	sshll.u32 s15, $0x5;
	v22 =	vsub.f32 v22, v14;
	v24 =	vmul.f32 v24, v24;
	v25 =	vmul.f32 v25, v25;
	v26 =	vld [tilespmem:s2+$0x180]  }
0x10f: {  	s14 =	sor.u32 $0x40, s24;
	v28 =	vld [tilespmem:s6+$0x280];
	s1 =	sadd.s32 $0x0, s16;
	v23 =	vmul.f32 v23, v23;
	vm1 =	vmmov vm0;
	v21 =	vsub.f32 v21, v15  }
0x110: {  	p2 =	slt.u32 s14, $0x3D0;
	s17 =	sor.u32 $0x300, s1;
	v22 =	vmul.f32 v22, v22;
	v24 =	vadd.f32 v25, v24;
	v25 =	vld [tilespmem:s2+$0x200];
	v20 =	vsub.f32 v20, v13  }
0x111: {  	v29 =	vld [tilespmem:s17+$0x8080];
	s6 =	sor.u32 s31, s31;
	vm1 =	vmneg @p2 vm1;
	v27 =	vsub.f32 v27, v14;
	v21 =	vmul.f32 v21, v21  }
0x112: {  	s1 =	sadd.s32 $0x10, s1;
	s14 =	sor.u32 $0x380, s6;
	v22 =	vadd.f32 v22, v24;
	v24 =	vld [tilespmem:s2+$0x280];
	v20 =	vmul.f32 v20, v20;
	v19 =	vsub.f32 v19, v12  }
0x113: {  	s16 =	sor.u32 $0xA080, s8;
	s15 =	sor.u32 $0x300, s1;
	v26 =	vsub.f32 v26, v13;
	v21 =	vadd.f32 v21, v23;
	v23 =	vmul.f32 v27, v27;
	v27 =	vld [tilespmem:s14+$0x8080]  }
0x114: {  	s17 =	sor.u32 s7, s16;
	v20 =	vadd.f32 v20, v22;
	v19 =	vmul.f32 v19, v19;
	v22 =	vsub.f32 v28, v11;
	v28 =	vld [tilespmem:s15+$0x8080]  }
0x115: {  	s1 =	sor.u32 $0x380, s1;
	s6 =	sor.u32 $0xA100, s8;
	v25 =	vsub.f32 v25, v12;
	v21 =	vadd.f32 v23, v21;
	v23 =	vmul.f32 v26, v26;
	v26 =	vld [tilespmem:s17+$0x0]  }
0x116: {  	s14 =	sor.u32 s7, s6;
	v19 =	vadd.f32 v19, v20;
	v20 =	vmul.f32 v22, v22;
	v22 =	vsub.f32 v29, v10;
	v29 =	vld [tilespmem:s1+$0x8080]  }
0x117: {  	s2 =	sor.u32 s9, s16;
	s15 =	sor.u32 $0xA180, s8;
	v24 =	vsub.f32 v24, v11;
	v21 =	vadd.f32 v23, v21;
	v23 =	vmul.f32 v25, v25;
	v25 =	vld [tilespmem:s14+$0x0]  }
0x118: {  	s16 =	sor.u32 s7, s15;
	v19 =	vadd.f32 v20, v19;
	v20 =	vmul.f32 v22, v22;
	v22 =	vsub.f32 v27, v9;
	v27 =	vld [tilespmem:s2+$0x0]  }
0x119: {  	s4 =	sor.u32 s9, s6;
	s17 =	sor.u32 $0xA200, s8;
	v21 =	vadd.f32 v23, v21;
	v23 =	vmul.f32 v24, v24;
	v24 =	vsub.f32 v28, v10;
	v28 =	vld [tilespmem:s16+$0x0]  }
0x11a: {  	s6 =	sor.u32 s7, s17;
	v19 =	vadd.f32 v20, v19;
	v20 =	vmul.f32 v22, v22;
	v22 =	vsub.f32 v26, v8;
	v26 =	vld [tilespmem:s4+$0x0]  }
0x11b: {  	s1 =	sor.u32 s9, s15;
	s14 =	sor.u32 $0xA280, s8;
	v21 =	vadd.f32 v23, v21;
	v23 =	vmul.f32 v24, v24;
	v24 =	vsub.f32 v29, v9;
	v29 =	vld [tilespmem:s6+$0x0]  }
0x11c: {  	s15 =	sor.u32 s7, s14;
	v19 =	vadd.f32 v20, v19;
	v20 =	vmul.f32 v22, v22;
	v22 =	vsub.f32 v25, v7;
	v25 =	vld [tilespmem:s1+$0x0]  }
0x11d: {  	s2 =	sor.u32 s9, s17;
	s16 =	sor.u32 $0xA300, s8;
	v21 =	vadd.f32 v23, v21;
	v23 =	vmul.f32 v24, v24;
	v24 =	vsub.f32 v27, v8;
	v27 =	vld [tilespmem:s15+$0x0]  }
0x11e: {  	s17 =	sor.u32 s7, s16;
	v19 =	vadd.f32 v20, v19;
	v20 =	vmul.f32 v22, v22;
	v22 =	vsub.f32 v28, v6;
	v28 =	vld [tilespmem:s2+$0x0]  }
0x11f: {  	s4 =	sor.u32 s9, s14;
	s6 =	sor.u32 $0xA380, s8;
	v21 =	vadd.f32 v23, v21;
	v23 =	vmul.f32 v24, v24;
	v24 =	vsub.f32 v26, v7;
	v26 =	vld [tilespmem:s17+$0x0]  }
0x120: {  	s14 =	sor.u32 s7, s6;
	v19 =	vadd.f32 v20, v19;
	v20 =	vmul.f32 v22, v22;
	v22 =	vsub.f32 v29, v5;
	v29 =	vld [tilespmem:s4+$0x0]  }
0x121: {  	s1 =	sor.u32 s9, s16;
	s15 =	sadd.s32 $0xA400, s8;
	v21 =	vadd.f32 v23, v21;
	v23 =	vmul.f32 v24, v24;
	v24 =	vsub.f32 v25, v6;
	v25 =	vld [tilespmem:s14+$0x0]  }
0x122: {  	v30 =	vld [tilespmem:s1+$0x0];
	s16 =	sor.u32 s7, s15;
	v19 =	vadd.f32 v20, v19;
	v22 =	vmul.f32 v22, v22;
	v27 =	vsub.f32 v27, v4  }
0x123: {  	s8 =	simm.s32 $0x100;
	s17 =	sor.u32 s9, s6;
	v20 =	vld [tilespmem:s16+$0x0];
	v23 =	vadd.f32 v23, v21;
	v24 =	vmul.f32 v24, v24;
	v28 =	vsub.f32 v28, v5  }
0x124: {  	s2 =	sand.u32 $0x1C00, s8;
	s14 =	simm.s32 $0x20;
	v21 =	vld [tilespmem:s17+$0x0];
	v19 =	vadd.f32 v22, v19;
	v22 =	vmul.f32 v27, v27;
	v26 =	vsub.f32 v26, v3  }
0x125: {  	s1 =	sor.u32 $0x8080, s2;
	s4 =	sor.u32 s9, s15;
	s7 =	sand.u32 $0x60, s14;
	v27 =	vadd.f32 v24, v23;
	v28 =	vmul.f32 v28, v28;
	v29 =	vsub.f32 v29, v4  }
0x126: {  	s17 =	sor.u32 s7, s1;
	v23 =	vadd.f32 v22, v19;
	v24 =	vmul.f32 v26, v26;
	v25 =	vsub.f32 v25, v2;
	v22 =	vld [tilespmem:s4+$0x0]  }
0x127: {  	s15 =	simm.s32 $0x200;
	s9 =	simm.s32 $0x0;
	v19 =	vld [tilespmem:s17+$0x180];
	v26 =	vadd.f32 v28, v27;
	v27 =	vmul.f32 v29, v29;
	v28 =	vsub.f32 v30, v3  }
.LBB2_7:
0x128: {  	p2 =	sne.s32 s15, $0x1F00;
	v29 =	vld [tilespmem:s17+$0x100];
	v23 =	vadd.f32 v24, v23;
	v24 =	vmul.f32 v25, v25;
	v20 =	vsub.f32 v20, v1  }
0x129: {  	s16 =	sor.u32 $0x10, s7;
	v25 =	vld [tilespmem:s17+$0x0];
	v26 =	vadd.f32 v27, v26;
	v27 =	vmul.f32 v28, v28;
	v21 =	vsub.f32 v21, v2  }
0x12a: {  	s4 =	sadd.s32 s31, s18;
	s31 =	smov.u32 s14;
	s1 =	sor.u32 s16, s1;
	v28 =	vld [tilespmem:s17+$0x80];
	v23 =	vadd.f32 v24, v23;
	v20 =	vmul.f32 v20, v20  }
0x12b: {  	s6 =	sadd.s32 $0x10000, s4;
	s4 =	sadd.s32 $0x10010, s4;
	v24 =	vld [tilespmem:s1+$0x0];
	v26 =	vadd.f32 v27, v26;
	v21 =	vmul.f32 v21, v21;
	v22 =	vsub.f32 v22, v1  }
0x12c: {  	v27 =	vor.u32 s4, v0;
	v20 =	vadd.f32 v20, v23;
	v23 =	vor.u32 s6, v0  }
0x12d: {  	v19 =	vsub.f32 v19, v13;
	v30 =	vld [tilespmem:s1+$0x80];
	v21 =	vadd.f32 v21, v26;
	v22 =	vmul.f32 v22, v22  }
0x12e: {  	v26 =	vsub.f32 v29, v14;
	v25 =	vsub.f32 v25, v16;
	vm2 =	vlt.f32 v20, v18  }
0x12f: {  	s9 =	sadd.s32 $0x1, s9;
	v28 =	vsub.f32 v28, v15;
	v29 =	vld [tilespmem:s1+$0x100];
	v21 =	vadd.f32 v22, v21;
	vm2 =	vmand vm1, vm2  }
0x130: {  	s4 =	sand.u32 $0x3, s9;
	v22 =	vsub.f32 v24, v16;
	v24 =	vld [tilespmem:s17+$0x200];
	v18 =	vsel vm2, v20, v18;
	v17 =	vsel vm2, v23, v17  }
0x131: {  	s4 =	sshll.u32 s4, $0x5;
	v20 =	vmul.f32 v25, v25;
	v23 =	vmul.f32 v28, v28;
	v25 =	vld [tilespmem:s1+$0x180];
	vm2 =	vlt.f32 v21, v18  }
0x132: {  	s4 =	sadd.s32 s4, s8;
	v26 =	vmul.f32 v26, v26;
	v28 =	vsub.f32 v30, v15;
	v30 =	vld [tilespmem:s17+$0x280];
	vm2 =	vmand vm1, vm2  }
0x133: {  	s6 =	sor.u32 $0x300, s4;
	v20 =	vadd.f32 v23, v20;
	v23 =	vld [tilespmem:s1+$0x200];
	v18 =	vsel vm2, v21, v18;
	v17 =	vsel vm2, v27, v17  }
0x134: {  	v21 =	vmul.f32 v22, v22;
	v22 =	vmul.f32 v28, v28;
	v27 =	vsub.f32 v29, v14;
	v28 =	vld [tilespmem:s6+$0x8080];
	s6 =	sor.u32 s8, s14;
	s8 =	smov.u32 s15  }
0x135: {  	v19 =	vmul.f32 v19, v19;
	v20 =	vadd.f32 v26, v20;
	v24 =	vsub.f32 v24, v12;
	v26 =	vld [tilespmem:s1+$0x280];
	s1 =	sadd.s32 $0x10, s4;
	s4 =	sor.u32 $0x380, s6  }
0x136: {  	v21 =	vadd.f32 v22, v21;
	v22 =	vmul.f32 v27, v27;
	v25 =	vsub.f32 v25, v13;
	s6 =	sor.u32 $0x300, s1;
	v27 =	vld [tilespmem:s4+$0x8080];
	s4 =	sor.u32 $0xA080, s2  }
0x137: {  	v19 =	vadd.f32 v19, v20;
	v20 =	vmul.f32 v24, v24;
	v24 =	vsub.f32 v30, v11;
	v29 =	vld [tilespmem:s6+$0x8080];
	s6 =	sor.u32 s7, s4  }
0x138: {  	s1 =	sor.u32 $0x380, s1;
	v21 =	vadd.f32 v22, v21;
	v22 =	vmul.f32 v25, v25;
	v23 =	vsub.f32 v23, v12;
	v25 =	vld [tilespmem:s6+$0x0];
	s6 =	sor.u32 $0xA100, s2  }
0x139: {  	v19 =	vadd.f32 v20, v19;
	v20 =	vmul.f32 v24, v24;
	v24 =	vsub.f32 v28, v10;
	v28 =	vld [tilespmem:s1+$0x8080];
	s1 =	sor.u32 s7, s6  }
0x13a: {  	s4 =	sor.u32 s16, s4;
	v21 =	vadd.f32 v22, v21;
	v22 =	vmul.f32 v23, v23;
	v23 =	vsub.f32 v26, v11;
	v26 =	vld [tilespmem:s1+$0x0];
	s1 =	sor.u32 $0xA180, s2  }
0x13b: {  	v19 =	vadd.f32 v20, v19;
	v20 =	vmul.f32 v24, v24;
	v24 =	vsub.f32 v27, v9;
	v27 =	vld [tilespmem:s4+$0x0];
	s4 =	sor.u32 s7, s1  }
0x13c: {  	s6 =	sor.u32 s16, s6;
	v21 =	vadd.f32 v22, v21;
	v22 =	vmul.f32 v23, v23;
	v23 =	vsub.f32 v29, v10;
	v29 =	vld [tilespmem:s4+$0x0];
	s4 =	sor.u32 $0xA200, s2  }
0x13d: {  	v19 =	vadd.f32 v20, v19;
	v20 =	vmul.f32 v24, v24;
	v24 =	vsub.f32 v25, v8;
	v25 =	vld [tilespmem:s6+$0x0];
	s6 =	sor.u32 s7, s4  }
0x13e: {  	s1 =	sor.u32 s16, s1;
	v21 =	vadd.f32 v22, v21;
	v22 =	vmul.f32 v23, v23;
	v23 =	vsub.f32 v28, v9;
	v28 =	vld [tilespmem:s6+$0x0];
	s6 =	sor.u32 $0xA280, s2  }
0x13f: {  	v19 =	vadd.f32 v20, v19;
	v20 =	vmul.f32 v24, v24;
	v24 =	vsub.f32 v26, v7;
	v26 =	vld [tilespmem:s1+$0x0];
	s1 =	sor.u32 s7, s6  }
0x140: {  	s4 =	sor.u32 s16, s4;
	v21 =	vadd.f32 v22, v21;
	v22 =	vmul.f32 v23, v23;
	v23 =	vsub.f32 v27, v8;
	v27 =	vld [tilespmem:s1+$0x0];
	s1 =	sor.u32 $0xA300, s2  }
0x141: {  	v19 =	vadd.f32 v20, v19;
	v20 =	vmul.f32 v24, v24;
	v24 =	vsub.f32 v29, v6;
	v29 =	vld [tilespmem:s4+$0x0];
	s4 =	sor.u32 s7, s1  }
0x142: {  	s6 =	sor.u32 s16, s6;
	v21 =	vadd.f32 v22, v21;
	v22 =	vmul.f32 v23, v23;
	v23 =	vsub.f32 v25, v7;
	v25 =	vld [tilespmem:s4+$0x0];
	s4 =	sor.u32 $0xA380, s2  }
0x143: {  	v19 =	vadd.f32 v20, v19;
	v20 =	vmul.f32 v24, v24;
	v24 =	vsub.f32 v28, v5;
	v28 =	vld [tilespmem:s6+$0x0];
	s6 =	sor.u32 s7, s4  }
0x144: {  	s1 =	sor.u32 s16, s1;
	v21 =	vadd.f32 v22, v21;
	v22 =	vmul.f32 v23, v23;
	v23 =	vsub.f32 v26, v6;
	v26 =	vld [tilespmem:s6+$0x0];
	s6 =	sadd.s32 $0xA400, s2  }
0x145: {  	v19 =	vadd.f32 v20, v19;
	v24 =	vmul.f32 v24, v24;
	v27 =	vsub.f32 v27, v4;
	v30 =	vld [tilespmem:s1+$0x0];
	s1 =	sor.u32 s7, s6  }
.Ltmp4:
0x146: {  	s4 =	sor.u32 s16, s4;
	v22 =	vadd.f32 v22, v21;
	v23 =	vmul.f32 v23, v23;
	v29 =	vsub.f32 v29, v5;
	v20 =	vld [tilespmem:s1+$0x0];
	(pc) =	sbr.rel @p2 .LBB2_7-.Ltmp4, $4  }
0x147: {  	s14 =	sadd.s32 $0x20, s14;
	s2 =	sand.u32 $0x1C00, s15;
	v19 =	vadd.f32 v24, v19;
	v24 =	vmul.f32 v27, v27;
	v25 =	vsub.f32 v25, v3;
	v21 =	vld [tilespmem:s4+$0x0]  }
0x148: {  	s7 =	sand.u32 $0x60, s14;
	s1 =	sor.u32 $0x8080, s2;
	s4 =	sor.u32 s16, s6;
	v27 =	vadd.f32 v23, v22;
	v29 =	vmul.f32 v29, v29;
	v28 =	vsub.f32 v28, v4  }
0x149: {  	s17 =	sor.u32 s7, s1;
	v23 =	vadd.f32 v24, v19;
	v24 =	vmul.f32 v25, v25;
	v25 =	vsub.f32 v26, v2;
	v22 =	vld [tilespmem:s4+$0x0]  }
0x14a: {  	s15 =	sadd.s32 $0x100, s15;
	v19 =	vld [tilespmem:s17+$0x180];
	v26 =	vadd.f32 v29, v27;
	v27 =	vmul.f32 v28, v28;
	v28 =	vsub.f32 v30, v3  }
0x14b: {  	v23 =	vadd.f32 v24, v23;
	v24 =	vmul.f32 v25, v25;
	v20 =	vsub.f32 v20, v1;
	v25 =	vld [tilespmem:s17+$0x0]  }
0x14c: {  	v29 =	vld [tilespmem:s17+$0x100];
	v26 =	vadd.f32 v27, v26;
	v27 =	vmul.f32 v28, v28;
	v21 =	vsub.f32 v21, v2  }
0x14d: {  	s15 =	sor.u32 $0x10, s7;
	v28 =	vld [tilespmem:s17+$0x80];
	v23 =	vadd.f32 v24, v23  }
0x14e: {  	s1 =	sor.u32 s15, s1;
	v20 =	vmul.f32 v20, v20;
	v26 =	vadd.f32 v27, v26;
	v21 =	vmul.f32 v21, v21  }
0x14f: {  	v24 =	vld [tilespmem:s1+$0x0];
	v22 =	vsub.f32 v22, v1  }
0x150: {  	v27 =	vld [tilespmem:s1+$0x80];
	v20 =	vadd.f32 v20, v23;
	v21 =	vadd.f32 v21, v26  }
0x151: {  	v22 =	vmul.f32 v22, v22;
	v23 =	vsub.f32 v25, v16;
	v29 =	vsub.f32 v29, v14  }
0x152: {  	s4 =	sadd.s32 $0x1, s9;
	v26 =	vld [tilespmem:s1+$0x100];
	v25 =	vsub.f32 v28, v15;
	v28 =	vsub.f32 v19, v13  }
0x153: {  	v30 =	vld [tilespmem:s17+$0x200];
	s4 =	sand.u32 $0x3, s4;
	vm2 =	vlt.f32 v20, v18;
	v19 =	vadd.f32 v22, v21;
	v21 =	vmul.f32 v23, v23  }
0x154: {  	s4 =	sshll.u32 s4, $0x5;
	v23 =	vld [tilespmem:s1+$0x180];
	vm2 =	vmand vm1, vm2;
	v24 =	vsub.f32 v24, v16;
	v22 =	vmul.f32 v25, v25  }
0x155: {  	s4 =	sadd.s32 s4, s8;
	v25 =	vsub.f32 v27, v15;
	v27 =	vld [tilespmem:s17+$0x280];
	v18 =	vsel vm2, v20, v18  }
0x156: {  	s6 =	sor.u32 $0x300, s4;
	v20 =	vmul.f32 v29, v29;
	v24 =	vmul.f32 v24, v24;
	v21 =	vadd.f32 v22, v21;
	v22 =	vld [tilespmem:s1+$0x200]  }
0x157: {  	s8 =	sor.u32 s8, s14;
	v29 =	vld [tilespmem:s6+$0x8080];
	vm3 =	vlt.f32 v19, v18;
	v25 =	vmul.f32 v25, v25;
	v26 =	vsub.f32 v26, v14  }
0x158: {  	s9 =	sor.u32 $0x380, s8;
	v20 =	vadd.f32 v20, v21;
	v21 =	vmul.f32 v28, v28;
	v28 =	vsub.f32 v30, v12;
	v30 =	vld [tilespmem:s1+$0x280];
	s1 =	sadd.s32 $0x10, s4  }
0x159: {  	s17 =	sor.u32 $0xA080, s2;
	v24 =	vadd.f32 v25, v24;
	v25 =	vmul.f32 v26, v26;
	v23 =	vsub.f32 v23, v13;
	v26 =	vld [tilespmem:s9+$0x8080];
	s16 =	sor.u32 $0x300, s1  }
0x15a: {  	s8 =	sor.u32 s7, s17;
	v27 =	vsub.f32 v27, v11;
	v20 =	vadd.f32 v21, v20;
	v21 =	vmul.f32 v28, v28;
	v28 =	vld [tilespmem:s16+$0x8080]  }
0x15b: {  	s9 =	sor.u32 $0xA100, s2;
	s1 =	sor.u32 $0x380, s1;
	v24 =	vadd.f32 v25, v24;
	v23 =	vmul.f32 v23, v23;
	v25 =	vld [tilespmem:s8+$0x0];
	v22 =	vsub.f32 v22, v12  }
0x15c: {  	s16 =	sor.u32 s7, s9;
	v20 =	vadd.f32 v21, v20;
	v21 =	vmul.f32 v27, v27;
	v27 =	vsub.f32 v29, v10;
	v29 =	vld [tilespmem:s1+$0x8080]  }
0x15d: {  	s4 =	sor.u32 s15, s17;
	s17 =	sor.u32 $0xA180, s2;
	v23 =	vadd.f32 v23, v24;
	v22 =	vmul.f32 v22, v22;
	v24 =	vsub.f32 v30, v11;
	v30 =	vld [tilespmem:s16+$0x0]  }
0x15e: {  	s8 =	sor.u32 s7, s17;
	v26 =	vsub.f32 v26, v9;
	v20 =	vadd.f32 v21, v20;
	v21 =	vmul.f32 v27, v27;
	v27 =	vld [tilespmem:s4+$0x0]  }
0x15f: {  	s6 =	sor.u32 s15, s9;
	s9 =	sor.u32 $0xA200, s2;
	v22 =	vadd.f32 v22, v23;
	v23 =	vmul.f32 v24, v24;
	v24 =	vsub.f32 v28, v10;
	v28 =	vld [tilespmem:s8+$0x0]  }
0x160: {  	s16 =	sor.u32 s7, s9;
	v25 =	vsub.f32 v25, v8;
	v20 =	vadd.f32 v21, v20;
	v21 =	vmul.f32 v26, v26;
	v26 =	vld [tilespmem:s6+$0x0]  }
0x161: {  	s1 =	sor.u32 s15, s17;
	s17 =	sor.u32 $0xA280, s2;
	v22 =	vadd.f32 v23, v22;
	v23 =	vmul.f32 v24, v24;
	v24 =	vsub.f32 v29, v9;
	v29 =	vld [tilespmem:s16+$0x0]  }
0x162: {  	s8 =	sor.u32 s7, s17;
	v20 =	vadd.f32 v21, v20;
	v21 =	vmul.f32 v25, v25;
	v25 =	vsub.f32 v30, v7;
	v30 =	vld [tilespmem:s1+$0x0]  }
0x163: {  	s4 =	sor.u32 s15, s9;
	s9 =	sor.u32 $0xA300, s2;
	v22 =	vadd.f32 v23, v22;
	v23 =	vmul.f32 v24, v24;
	v24 =	vsub.f32 v27, v8;
	v27 =	vld [tilespmem:s8+$0x0]  }
0x164: {  	s16 =	sor.u32 s7, s9;
	v20 =	vadd.f32 v21, v20;
	v21 =	vmul.f32 v25, v25;
	v25 =	vsub.f32 v28, v6;
	v28 =	vld [tilespmem:s4+$0x0]  }
0x165: {  	s6 =	sor.u32 s15, s17;
	s17 =	sor.u32 $0xA380, s2;
	v22 =	vadd.f32 v23, v22;
	v23 =	vmul.f32 v24, v24;
	v24 =	vsub.f32 v26, v7;
	v26 =	vld [tilespmem:s16+$0x0]  }
0x166: {  	s8 =	sor.u32 s7, s17;
	v20 =	vadd.f32 v21, v20;
	v21 =	vmul.f32 v25, v25;
	v25 =	vsub.f32 v29, v5;
	v29 =	vld [tilespmem:s6+$0x0]  }
0x167: {  	s1 =	sor.u32 s15, s9;
	s9 =	sadd.s32 $0xA400, s2;
	s6 =	sadd.s32 @!p1 s12, s23;
	v22 =	vadd.f32 v23, v22;
	v23 =	vmul.f32 v24, v24;
	v24 =	vsub.f32 v30, v6;
	v30 =	vld [tilespmem:s8+$0x0]  }
0x168: {  	s16 =	sor.u32 s7, s9;
	p2 =	slt.u32 @!p1 s6, $0x3D0;
	v20 =	vadd.f32 v21, v20;
	v21 =	vmul.f32 v25, v25;
	v25 =	vsub.f32 v27, v4;
	v27 =	vld [tilespmem:s1+$0x0]  }
0x169: {  	s4 =	sor.u32 s15, s17;
	s1 =	sshll.u32 @!p1 s6, $0xA;
	p2 =	por !p2, p1;
	v22 =	vadd.f32 v23, v22;
	v23 =	vmul.f32 v24, v24;
	v24 =	vsub.f32 v28, v5;
	v28 =	vld [tilespmem:s16+$0x0]  }
0x16a: {  	s2 =	sor.u32 s15, s9;
	s6 =	simm.s32 @!p1 $0x8080;
	s1 =	simm.s32 @p2 $0x0;
	v20 =	vadd.f32 v21, v20;
	v21 =	vmul.f32 v25, v25;
	v25 =	vsub.f32 v26, v3;
	v26 =	vld [tilespmem:s4+$0x0]  }
0x16b: {  	s1 =	sadd.s32 @!p1 s3, s1;
	s4 =	simm.s32 @!p1 $0x7A1400;
	v22 =	vadd.f32 v23, v22;
	v23 =	vmul.f32 v24, v24;
	v24 =	vsub.f32 v29, v4;
	v29 =	vld [tilespmem:s2+$0x0];
	s2 =	simm.s32 @!p1 $0x2000  }
0x16c: {  	v20 =	vadd.f32 v21, v20;
	v21 =	vmul.f32 v25, v25;
	v25 =	vsub.f32 v30, v2;
	[tilespmem:s6], [sflag:$0x3] =	stream.strided.gather @!p1 [hbm4b:s1+s2], $0x4000, s4, s2, $0x38;
	[tilespmem:$0x12980] =	vst v63  }
0x16d: {  	s17 =	sadd.s32 s31, s18;
	s2 =	simm.s32 $0x0;
	v22 =	vadd.f32 v23, v22;
	v23 =	vmul.f32 v24, v24;
	v24 =	vsub.f32 v27, v3  }
0x16e: {  	_ =	swait.ge [sflag:s30], $0x4000;
	s8 =	sand.u32 $0x1C00, s2;
	s7 =	sand.u32 $0x60, s2;
	v20 =	vadd.f32 v21, v20;
	v21 =	vmul.f32 v25, v25;
	v25 =	vsub.f32 v28, v1  }
0x16f: {  	[sflag:s30] =	ssyncset.done $0x0;
	s31 =	sor.u32 $0xC080, s8;
	s15 =	sor.u32 $0x10, s7;
	v22 =	vadd.f32 v23, v22;
	v23 =	vmul.f32 v24, v24;
	v24 =	vsub.f32 v26, v2  }
0x170: {  	vm3 =	vmand vm1, vm3;
	[sflag:s30] =	ssyncadd.s32 $0xFFFFC000;
	s4 =	sor.u32 s15, s31;
	v20 =	vadd.f32 v21, v20;
	v21 =	vmul.f32 v25, v25  }
0x171: {  	s9 =	sor.u32 s7, s31;
	v27 =	vld [tilespmem:s4+$0x100];
	v22 =	vadd.f32 v23, v22;
	v23 =	vmul.f32 v24, v24;
	v24 =	vsub.f32 v29, v1  }
0x172: {  	v18 =	vsel vm3, v19, v18;
	s16 =	sadd.s32 $0x10000, s17;
	v20 =	vadd.f32 v21, v20;
	v21 =	vld [tilespmem:s9+$0x0]  }
0x173: {  	v25 =	vor.u32 s16, v0;
	v19 =	vadd.f32 v23, v22;
	v22 =	vmul.f32 v24, v24;
	v23 =	vld [tilespmem:s9+$0x80]  }
0x174: {  	s1 =	sadd.s32 $0x10010, s17;
	s17 =	sadd.s32 s14, s18;
	v17 =	vsel vm2, v25, v17;
	v24 =	vld [tilespmem:s9+$0x100];
	vm2 =	vlt.f32 v20, v18  }
0x175: {  	s31 =	sadd.s32 $0x10000, s17;
	v25 =	vor.u32 s1, v0;
	v19 =	vadd.f32 v22, v19;
	vm2 =	vmand vm1, vm2;
	v22 =	vld [tilespmem:s4+$0x0]  }
0x176: {  	s6 =	sadd.s32 $0x10010, s17;
	v17 =	vsel vm3, v25, v17;
	v25 =	vor.u32 s31, v0;
	v18 =	vsel vm2, v20, v18;
	v20 =	vld [tilespmem:s4+$0x80]  }
0x177: {  	v26 =	vor.u32 s6, v0;
	v17 =	vsel vm2, v25, v17;
	v25 =	vld [tilespmem:s9+$0x180];
	vm2 =	vlt.f32 v19, v18  }
0x178: {  	v21 =	vsub.f32 v21, v16;
	vm1 =	vmand vm1, vm2;
	v23 =	vsub.f32 v23, v15  }
0x179: {  	s16 =	sand.u32 $0x3, s2;
	v27 =	vsub.f32 v27, v14;
	v24 =	vsub.f32 v24, v14;
	v18 =	vsel vm1, v19, v18;
	v19 =	vld [tilespmem:s9+$0x200]  }
0x17a: {  	s17 =	sshll.u32 s16, $0x5;
	v17 =	vsel vm1, v26, v17;
	v21 =	vmul.f32 v21, v21;
	v26 =	vld [tilespmem:s4+$0x180];
	v23 =	vmul.f32 v23, v23  }
0x17b: {  	s14 =	sor.u32 $0x60, s24;
	v28 =	vld [tilespmem:s9+$0x280];
	s1 =	sadd.s32 $0x0, s17;
	vm1 =	vmmov vm0;
	v22 =	vsub.f32 v22, v16;
	v20 =	vsub.f32 v20, v15  }
0x17c: {  	p2 =	slt.u32 s14, $0x3D0;
	s24 =	sor.u32 $0x300, s1;
	v24 =	vmul.f32 v24, v24;
	v25 =	vsub.f32 v25, v13;
	v21 =	vadd.f32 v23, v21;
	v23 =	vld [tilespmem:s4+$0x200]  }
0x17d: {  	s31 =	sor.u32 s2, s2;
	v29 =	vld [tilespmem:s24+$0xC080];
	vm1 =	vmneg @p2 vm1;
	v22 =	vmul.f32 v22, v22;
	v20 =	vmul.f32 v20, v20  }
0x17e: {  	s1 =	sadd.s32 $0x10, s1;
	s6 =	sor.u32 $0x380, s31;
	v21 =	vadd.f32 v24, v21;
	v24 =	vmul.f32 v25, v25;
	v19 =	vsub.f32 v19, v12;
	v25 =	vld [tilespmem:s4+$0x280]  }
0x17f: {  	s14 =	sor.u32 $0xE080, s8;
	s9 =	sor.u32 $0x300, s1;
	v26 =	vsub.f32 v26, v13;
	v20 =	vadd.f32 v20, v22;
	v22 =	vmul.f32 v27, v27;
	v27 =	vld [tilespmem:s6+$0xC080]  }
0x180: {  	s16 =	sor.u32 s7, s14;
	v21 =	vadd.f32 v24, v21;
	v19 =	vmul.f32 v19, v19;
	v24 =	vsub.f32 v28, v11;
	v28 =	vld [tilespmem:s9+$0xC080]  }
0x181: {  	s17 =	sor.u32 $0xE100, s8;
	s1 =	sor.u32 $0x380, s1;
	v20 =	vadd.f32 v22, v20;
	v22 =	vmul.f32 v26, v26;
	v23 =	vsub.f32 v23, v12;
	v26 =	vld [tilespmem:s16+$0x0]  }
0x182: {  	s24 =	sor.u32 s7, s17;
	v19 =	vadd.f32 v19, v21;
	v21 =	vmul.f32 v24, v24;
	v24 =	vsub.f32 v29, v10;
	v29 =	vld [tilespmem:s1+$0xC080]  }
0x183: {  	s31 =	sor.u32 $0xE180, s8;
	s4 =	sor.u32 s15, s14;
	v20 =	vadd.f32 v22, v20;
	v22 =	vmul.f32 v23, v23;
	v23 =	vsub.f32 v25, v11;
	v25 =	vld [tilespmem:s24+$0x0]  }
0x184: {  	s9 =	sor.u32 s7, s31;
	v19 =	vadd.f32 v21, v19;
	v21 =	vmul.f32 v24, v24;
	v24 =	vsub.f32 v27, v9;
	v27 =	vld [tilespmem:s4+$0x0]  }
0x185: {  	s14 =	sor.u32 $0xE200, s8;
	s6 =	sor.u32 s15, s17;
	v20 =	vadd.f32 v22, v20;
	v22 =	vmul.f32 v23, v23;
	v23 =	vsub.f32 v28, v10;
	v28 =	vld [tilespmem:s9+$0x0]  }
0x186: {  	s16 =	sor.u32 s7, s14;
	v19 =	vadd.f32 v21, v19;
	v21 =	vmul.f32 v24, v24;
	v24 =	vsub.f32 v26, v8;
	v26 =	vld [tilespmem:s6+$0x0]  }
0x187: {  	s17 =	sor.u32 $0xE280, s8;
	s1 =	sor.u32 s15, s31;
	v20 =	vadd.f32 v22, v20;
	v22 =	vmul.f32 v23, v23;
	v23 =	vsub.f32 v29, v9;
	v29 =	vld [tilespmem:s16+$0x0]  }
0x188: {  	s24 =	sor.u32 s7, s17;
	v19 =	vadd.f32 v21, v19;
	v21 =	vmul.f32 v24, v24;
	v24 =	vsub.f32 v25, v7;
	v25 =	vld [tilespmem:s1+$0x0]  }
0x189: {  	s31 =	sor.u32 $0xE300, s8;
	s4 =	sor.u32 s15, s14;
	v20 =	vadd.f32 v22, v20;
	v22 =	vmul.f32 v23, v23;
	v23 =	vsub.f32 v27, v8;
	v27 =	vld [tilespmem:s24+$0x0]  }
0x18a: {  	s9 =	sor.u32 s7, s31;
	v19 =	vadd.f32 v21, v19;
	v21 =	vmul.f32 v24, v24;
	v24 =	vsub.f32 v28, v6;
	v28 =	vld [tilespmem:s4+$0x0]  }
0x18b: {  	s14 =	sor.u32 $0xE380, s8;
	s6 =	sor.u32 s15, s17;
	v20 =	vadd.f32 v22, v20;
	v22 =	vmul.f32 v23, v23;
	v23 =	vsub.f32 v26, v7;
	v26 =	vld [tilespmem:s9+$0x0]  }
0x18c: {  	s16 =	sor.u32 s7, s14;
	v19 =	vadd.f32 v21, v19;
	v21 =	vmul.f32 v24, v24;
	v24 =	vsub.f32 v29, v5;
	v29 =	vld [tilespmem:s6+$0x0]  }
0x18d: {  	s17 =	sadd.s32 $0xE400, s8;
	s1 =	sor.u32 s15, s31;
	v20 =	vadd.f32 v22, v20;
	v22 =	vmul.f32 v23, v23;
	v23 =	vsub.f32 v25, v6;
	v25 =	vld [tilespmem:s16+$0x0]  }
0x18e: {  	v30 =	vld [tilespmem:s1+$0x0];
	s24 =	sor.u32 s7, s17;
	v19 =	vadd.f32 v21, v19;
	v21 =	vmul.f32 v24, v24;
	v24 =	vsub.f32 v27, v4  }
0x18f: {  	s4 =	sor.u32 s15, s14;
	s9 =	simm.s32 $0x100;
	v22 =	vadd.f32 v22, v20;
	v23 =	vmul.f32 v23, v23;
	v27 =	vsub.f32 v28, v5;
	v20 =	vld [tilespmem:s24+$0x0]  }
0x190: {  	s14 =	simm.s32 $0x20;
	s7 =	sand.u32 $0x1C00, s9;
	v19 =	vadd.f32 v21, v19;
	v24 =	vmul.f32 v24, v24;
	v26 =	vsub.f32 v26, v3;
	v21 =	vld [tilespmem:s4+$0x0]  }
0x191: {  	s31 =	sor.u32 s15, s17;
	s8 =	sand.u32 $0x60, s14;
	s1 =	sor.u32 $0xC080, s7;
	v28 =	vadd.f32 v23, v22;
	v27 =	vmul.f32 v27, v27;
	v29 =	vsub.f32 v29, v4  }
0x192: {  	s17 =	sor.u32 s8, s1;
	v22 =	vld [tilespmem:s31+$0x0];
	v23 =	vadd.f32 v24, v19;
	v24 =	vmul.f32 v26, v26;
	v25 =	vsub.f32 v25, v2  }
0x193: {  	s15 =	simm.s32 $0x200;
	s24 =	simm.s32 $0x0;
	v19 =	vld [tilespmem:s17+$0x180];
	v26 =	vadd.f32 v27, v28;
	v27 =	vmul.f32 v29, v29;
	v28 =	vsub.f32 v30, v3  }
.LBB2_9:
0x194: {  	p2 =	sne.s32 s15, $0x1F00;
	v29 =	vld [tilespmem:s17+$0x100];
	v23 =	vadd.f32 v24, v23;
	v24 =	vmul.f32 v25, v25;
	v20 =	vsub.f32 v20, v1  }
0x195: {  	s16 =	sor.u32 $0x10, s8;
	v25 =	vld [tilespmem:s17+$0x0];
	v26 =	vadd.f32 v27, v26;
	v27 =	vmul.f32 v28, v28;
	v21 =	vsub.f32 v21, v2  }
0x196: {  	s4 =	sadd.s32 s2, s18;
	s2 =	smov.u32 s14;
	s1 =	sor.u32 s16, s1;
	v28 =	vld [tilespmem:s17+$0x80];
	v23 =	vadd.f32 v24, v23;
	v20 =	vmul.f32 v20, v20  }
0x197: {  	s6 =	sadd.s32 $0x18000, s4;
	s4 =	sadd.s32 $0x18010, s4;
	v24 =	vld [tilespmem:s1+$0x0];
	v26 =	vadd.f32 v27, v26;
	v21 =	vmul.f32 v21, v21;
	v22 =	vsub.f32 v22, v1  }
0x198: {  	v27 =	vor.u32 s4, v0;
	v20 =	vadd.f32 v20, v23;
	v23 =	vor.u32 s6, v0  }
0x199: {  	v19 =	vsub.f32 v19, v13;
	v30 =	vld [tilespmem:s1+$0x80];
	v21 =	vadd.f32 v21, v26;
	v22 =	vmul.f32 v22, v22  }
0x19a: {  	v26 =	vsub.f32 v29, v14;
	v25 =	vsub.f32 v25, v16;
	vm2 =	vlt.f32 v20, v18  }
0x19b: {  	s24 =	sadd.s32 $0x1, s24;
	v28 =	vsub.f32 v28, v15;
	v29 =	vld [tilespmem:s1+$0x100];
	v21 =	vadd.f32 v22, v21;
	vm2 =	vmand vm1, vm2  }
0x19c: {  	s4 =	sand.u32 $0x3, s24;
	v22 =	vsub.f32 v24, v16;
	v24 =	vld [tilespmem:s17+$0x200];
	v18 =	vsel vm2, v20, v18;
	v17 =	vsel vm2, v23, v17  }
0x19d: {  	s4 =	sshll.u32 s4, $0x5;
	v20 =	vmul.f32 v25, v25;
	v23 =	vmul.f32 v28, v28;
	v25 =	vld [tilespmem:s1+$0x180];
	vm2 =	vlt.f32 v21, v18  }
0x19e: {  	s4 =	sadd.s32 s4, s9;
	v26 =	vmul.f32 v26, v26;
	v28 =	vsub.f32 v30, v15;
	v30 =	vld [tilespmem:s17+$0x280];
	vm2 =	vmand vm1, vm2  }
0x19f: {  	s6 =	sor.u32 $0x300, s4;
	v20 =	vadd.f32 v23, v20;
	v23 =	vld [tilespmem:s1+$0x200];
	v18 =	vsel vm2, v21, v18;
	v17 =	vsel vm2, v27, v17  }
0x1a0: {  	v21 =	vmul.f32 v22, v22;
	v22 =	vmul.f32 v28, v28;
	v27 =	vsub.f32 v29, v14;
	v28 =	vld [tilespmem:s6+$0xC080];
	s6 =	sor.u32 s9, s14;
	s9 =	smov.u32 s15  }
0x1a1: {  	v19 =	vmul.f32 v19, v19;
	v20 =	vadd.f32 v26, v20;
	v24 =	vsub.f32 v24, v12;
	v26 =	vld [tilespmem:s1+$0x280];
	s1 =	sadd.s32 $0x10, s4;
	s4 =	sor.u32 $0x380, s6  }
0x1a2: {  	v21 =	vadd.f32 v22, v21;
	v22 =	vmul.f32 v27, v27;
	v25 =	vsub.f32 v25, v13;
	s6 =	sor.u32 $0x300, s1;
	v27 =	vld [tilespmem:s4+$0xC080];
	s4 =	sor.u32 $0xE080, s7  }
0x1a3: {  	v19 =	vadd.f32 v19, v20;
	v20 =	vmul.f32 v24, v24;
	v24 =	vsub.f32 v30, v11;
	v29 =	vld [tilespmem:s6+$0xC080];
	s6 =	sor.u32 s8, s4  }
0x1a4: {  	s1 =	sor.u32 $0x380, s1;
	v21 =	vadd.f32 v22, v21;
	v22 =	vmul.f32 v25, v25;
	v23 =	vsub.f32 v23, v12;
	v25 =	vld [tilespmem:s6+$0x0];
	s6 =	sor.u32 $0xE100, s7  }
0x1a5: {  	v19 =	vadd.f32 v20, v19;
	v20 =	vmul.f32 v24, v24;
	v24 =	vsub.f32 v28, v10;
	v28 =	vld [tilespmem:s1+$0xC080];
	s1 =	sor.u32 s8, s6  }
0x1a6: {  	s4 =	sor.u32 s16, s4;
	v21 =	vadd.f32 v22, v21;
	v22 =	vmul.f32 v23, v23;
	v23 =	vsub.f32 v26, v11;
	v26 =	vld [tilespmem:s1+$0x0];
	s1 =	sor.u32 $0xE180, s7  }
0x1a7: {  	v19 =	vadd.f32 v20, v19;
	v20 =	vmul.f32 v24, v24;
	v24 =	vsub.f32 v27, v9;
	v27 =	vld [tilespmem:s4+$0x0];
	s4 =	sor.u32 s8, s1  }
0x1a8: {  	s6 =	sor.u32 s16, s6;
	v21 =	vadd.f32 v22, v21;
	v22 =	vmul.f32 v23, v23;
	v23 =	vsub.f32 v29, v10;
	v29 =	vld [tilespmem:s4+$0x0];
	s4 =	sor.u32 $0xE200, s7  }
0x1a9: {  	v19 =	vadd.f32 v20, v19;
	v20 =	vmul.f32 v24, v24;
	v24 =	vsub.f32 v25, v8;
	v25 =	vld [tilespmem:s6+$0x0];
	s6 =	sor.u32 s8, s4  }
0x1aa: {  	s1 =	sor.u32 s16, s1;
	v21 =	vadd.f32 v22, v21;
	v22 =	vmul.f32 v23, v23;
	v23 =	vsub.f32 v28, v9;
	v28 =	vld [tilespmem:s6+$0x0];
	s6 =	sor.u32 $0xE280, s7  }
0x1ab: {  	v19 =	vadd.f32 v20, v19;
	v20 =	vmul.f32 v24, v24;
	v24 =	vsub.f32 v26, v7;
	v26 =	vld [tilespmem:s1+$0x0];
	s1 =	sor.u32 s8, s6  }
0x1ac: {  	s4 =	sor.u32 s16, s4;
	v21 =	vadd.f32 v22, v21;
	v22 =	vmul.f32 v23, v23;
	v23 =	vsub.f32 v27, v8;
	v27 =	vld [tilespmem:s1+$0x0];
	s1 =	sor.u32 $0xE300, s7  }
0x1ad: {  	v19 =	vadd.f32 v20, v19;
	v20 =	vmul.f32 v24, v24;
	v24 =	vsub.f32 v29, v6;
	v29 =	vld [tilespmem:s4+$0x0];
	s4 =	sor.u32 s8, s1  }
0x1ae: {  	s6 =	sor.u32 s16, s6;
	v21 =	vadd.f32 v22, v21;
	v22 =	vmul.f32 v23, v23;
	v23 =	vsub.f32 v25, v7;
	v25 =	vld [tilespmem:s4+$0x0];
	s4 =	sor.u32 $0xE380, s7  }
0x1af: {  	v19 =	vadd.f32 v20, v19;
	v20 =	vmul.f32 v24, v24;
	v24 =	vsub.f32 v28, v5;
	v28 =	vld [tilespmem:s6+$0x0];
	s6 =	sor.u32 s8, s4  }
0x1b0: {  	s1 =	sor.u32 s16, s1;
	v21 =	vadd.f32 v22, v21;
	v22 =	vmul.f32 v23, v23;
	v23 =	vsub.f32 v26, v6;
	v26 =	vld [tilespmem:s6+$0x0];
	s6 =	sadd.s32 $0xE400, s7  }
0x1b1: {  	v19 =	vadd.f32 v20, v19;
	v24 =	vmul.f32 v24, v24;
	v27 =	vsub.f32 v27, v4;
	v30 =	vld [tilespmem:s1+$0x0];
	s1 =	sor.u32 s8, s6  }
.Ltmp5:
0x1b2: {  	s4 =	sor.u32 s16, s4;
	v22 =	vadd.f32 v22, v21;
	v23 =	vmul.f32 v23, v23;
	v29 =	vsub.f32 v29, v5;
	v20 =	vld [tilespmem:s1+$0x0];
	(pc) =	sbr.rel @p2 .LBB2_9-.Ltmp5, $4  }
0x1b3: {  	s14 =	sadd.s32 $0x20, s14;
	s7 =	sand.u32 $0x1C00, s15;
	v19 =	vadd.f32 v24, v19;
	v24 =	vmul.f32 v27, v27;
	v25 =	vsub.f32 v25, v3;
	v21 =	vld [tilespmem:s4+$0x0]  }
0x1b4: {  	s8 =	sand.u32 $0x60, s14;
	s1 =	sor.u32 $0xC080, s7;
	s4 =	sor.u32 s16, s6;
	v27 =	vadd.f32 v23, v22;
	v29 =	vmul.f32 v29, v29;
	v28 =	vsub.f32 v28, v4  }
0x1b5: {  	s17 =	sor.u32 s8, s1;
	v23 =	vadd.f32 v24, v19;
	v24 =	vmul.f32 v25, v25;
	v25 =	vsub.f32 v26, v2;
	v22 =	vld [tilespmem:s4+$0x0]  }
0x1b6: {  	s15 =	sadd.s32 $0x100, s15;
	v19 =	vld [tilespmem:s17+$0x180];
	v26 =	vadd.f32 v29, v27;
	v27 =	vmul.f32 v28, v28;
	v28 =	vsub.f32 v30, v3  }
0x1b7: {  	v23 =	vadd.f32 v24, v23;
	v42 =	vmul.f32 v25, v25;
	v20 =	vsub.f32 v20, v1;
	v43 =	vld [tilespmem:s17+$0x0]  }
0x1b8: {  	s15 =	sor.u32 $0x10, s8;
	v45 =	vld [tilespmem:s17+$0x80];
	v26 =	vadd.f32 v27, v26;
	v44 =	vmul.f32 v28, v28;
	v21 =	vsub.f32 v21, v2  }
0x1b9: {  	v29 =	vld [tilespmem:s17+$0x100];
	s1 =	sor.u32 s15, s1;
	v23 =	vadd.f32 v42, v23  }
0x1ba: {  	v20 =	vmul.f32 v20, v20;
	v46 =	vld [tilespmem:s1+$0x0];
	v26 =	vadd.f32 v44, v26;
	v21 =	vmul.f32 v21, v21  }
0x1bb: {  	v47 =	vld [tilespmem:s1+$0x80];
	v22 =	vsub.f32 v22, v1  }
0x1bc: {  	v20 =	vadd.f32 v20, v23;
	v21 =	vadd.f32 v21, v26  }
0x1bd: {  	s4 =	sadd.s32 $0x1, s24;
	v50 =	vld [tilespmem:s1+$0x100];
	v22 =	vmul.f32 v22, v22;
	v48 =	vsub.f32 v43, v16;
	v49 =	vsub.f32 v45, v15  }
0x1be: {  	v30 =	vld [tilespmem:s17+$0x200];
	s4 =	sand.u32 $0x3, s4;
	v51 =	vsub.f32 v19, v13;
	v29 =	vsub.f32 v29, v14;
	vm2 =	vlt.f32 v20, v18  }
0x1bf: {  	s4 =	sshll.u32 s4, $0x5;
	v54 =	vld [tilespmem:s1+$0x180];
	v19 =	vadd.f32 v22, v21;
	v52 =	vmul.f32 v48, v48;
	v53 =	vmul.f32 v49, v49  }
0x1c0: {  	v56 =	vld [tilespmem:s17+$0x280];
	s4 =	sadd.s32 s4, s9;
	vm2 =	vmand vm1, vm2;
	v24 =	vsub.f32 v46, v16;
	v55 =	vsub.f32 v47, v15  }
0x1c1: {  	v57 =	vld [tilespmem:s1+$0x200];
	s6 =	sor.u32 $0x300, s4;
	v18 =	vsel vm2, v20, v18;
	v20 =	vmul.f32 v29, v29;
	v21 =	vadd.f32 v53, v52  }
0x1c2: {  	s24 =	sor.u32 s9, s14;
	v58 =	vld [tilespmem:s6+$0xC080];
	v26 =	vsub.f32 v50, v14;
	v24 =	vmul.f32 v24, v24;
	v25 =	vmul.f32 v55, v55  }
0x1c3: {  	v61 =	vld [tilespmem:s1+$0x280];
	s31 =	sadd.s32 $0x10, s4;
	v60 =	vsub.f32 v30, v12;
	s6 =	sor.u32 $0x380, s24;
	v59 =	vmul.f32 v51, v51;
	v20 =	vadd.f32 v20, v21  }
0x1c4: {  	s16 =	sor.u32 $0xE080, s7;
	s9 =	sor.u32 $0x300, s31;
	v63 =	vld [tilespmem:s6+$0xC080];
	v23 =	vsub.f32 v54, v13;
	v62 =	vmul.f32 v26, v26;
	v24 =	vadd.f32 v25, v24  }
0x1c5: {  	s17 =	sor.u32 s8, s16;
	v27 =	vsub.f32 v56, v11;
	v34 =	vld [tilespmem:s9+$0xC080];
	v33 =	vmul.f32 v60, v60;
	v20 =	vadd.f32 v59, v20  }
0x1c6: {  	v35 =	vld [tilespmem:s17+$0x0];
	s1 =	sor.u32 $0x380, s31;
	s24 =	sor.u32 $0xE100, s7;
	v22 =	vsub.f32 v57, v12;
	v23 =	vmul.f32 v23, v23;
	v24 =	vadd.f32 v62, v24  }
0x1c7: {  	v38 =	vld [tilespmem:s1+$0xC080];
	s31 =	sor.u32 s8, s24;
	v36 =	vmul.f32 v27, v27;
	v37 =	vsub.f32 v58, v10;
	v20 =	vadd.f32 v33, v20  }
0x1c8: {  	s4 =	sor.u32 s15, s16;
	s9 =	sor.u32 $0xE180, s7;
	v39 =	vsub.f32 v61, v11;
	v40 =	vld [tilespmem:s31+$0x0];
	v22 =	vmul.f32 v22, v22;
	v23 =	vadd.f32 v23, v24  }
0x1c9: {  	v42 =	vld [tilespmem:s4+$0x0];
	s16 =	sor.u32 s8, s9;
	v26 =	vsub.f32 v63, v9;
	v41 =	vmul.f32 v37, v37;
	v20 =	vadd.f32 v36, v20  }
0x1ca: {  	s17 =	sor.u32 $0xE200, s7;
	s6 =	sor.u32 s15, s24;
	v45 =	vld [tilespmem:s16+$0x0];
	v43 =	vmul.f32 v39, v39;
	v44 =	vsub.f32 v34, v10;
	v22 =	vadd.f32 v22, v23  }
0x1cb: {  	s24 =	sor.u32 s8, s17;
	v47 =	vld [tilespmem:s6+$0x0];
	v25 =	vsub.f32 v35, v8;
	v46 =	vmul.f32 v26, v26;
	v20 =	vadd.f32 v41, v20  }
0x1cc: {  	s1 =	sor.u32 s15, s9;
	v50 =	vld [tilespmem:s24+$0x0];
	s31 =	sor.u32 $0xE280, s7;
	v49 =	vsub.f32 v38, v9;
	v48 =	vmul.f32 v44, v44;
	v22 =	vadd.f32 v43, v22  }
0x1cd: {  	s9 =	sor.u32 s8, s31;
	v53 =	vld [tilespmem:s1+$0x0];
	v52 =	vsub.f32 v40, v7;
	v51 =	vmul.f32 v25, v25;
	v20 =	vadd.f32 v46, v20  }
0x1ce: {  	s4 =	sor.u32 s15, s17;
	s16 =	sor.u32 $0xE300, s7;
	v56 =	vld [tilespmem:s9+$0x0];
	v55 =	vsub.f32 v42, v8;
	v54 =	vmul.f32 v49, v49;
	v22 =	vadd.f32 v48, v22  }
0x1cf: {  	s17 =	sor.u32 s8, s16;
	v58 =	vsub.f32 v45, v6;
	v59 =	vld [tilespmem:s4+$0x0];
	v57 =	vmul.f32 v52, v52;
	v20 =	vadd.f32 v51, v20  }
0x1d0: {  	s24 =	sor.u32 $0xE380, s7;
	s6 =	sor.u32 s15, s31;
	v60 =	vmul.f32 v55, v55;
	v61 =	vsub.f32 v47, v7;
	v62 =	vld [tilespmem:s17+$0x0];
	v22 =	vadd.f32 v54, v22  }
0x1d1: {  	s31 =	sor.u32 s8, s24;
	v34 =	vld [tilespmem:s6+$0x0];
	v63 =	vmul.f32 v58, v58;
	v33 =	vsub.f32 v50, v5;
	v20 =	vadd.f32 v57, v20  }
0x1d2: {  	s7 =	sadd.s32 $0xE400, s7;
	s1 =	sor.u32 s15, s16;
	v37 =	vld [tilespmem:s31+$0x0];
	v35 =	vmul.f32 v61, v61;
	v36 =	vsub.f32 v53, v6;
	v22 =	vadd.f32 v60, v22  }
0x1d3: {  	s9 =	sor.u32 s8, s7;
	v40 =	vld [tilespmem:s1+$0x0];
	v39 =	vsub.f32 v56, v4;
	v38 =	vmul.f32 v33, v33;
	v20 =	vadd.f32 v63, v20  }
0x1d4: {  	s4 =	sor.u32 s15, s24;
	v42 =	vsub.f32 v59, v5;
	v41 =	vmul.f32 v36, v36;
	v43 =	vld [tilespmem:s9+$0x0];
	v22 =	vadd.f32 v35, v22  }
0x1d5: {  	v44 =	vmul.f32 v39, v39;
	v45 =	vsub.f32 v62, v3;
	v46 =	vld [tilespmem:s4+$0x0];
	v20 =	vadd.f32 v38, v20  }
0x1d6: {  	s16 =	sor.u32 s15, s7;
	v47 =	vmul.f32 v42, v42;
	v48 =	vsub.f32 v34, v4;
	v22 =	vadd.f32 v41, v22  }
0x1d7: {  	v50 =	vsub.f32 v37, v2;
	v49 =	vmul.f32 v45, v45;
	v51 =	vld [tilespmem:s16+$0x0];
	v20 =	vadd.f32 v44, v20  }
0x1d8: {  	v53 =	vsub.f32 v40, v3;
	v52 =	vmul.f32 v48, v48;
	v22 =	vadd.f32 v47, v22  }
0x1d9: {  	v54 =	vmul.f32 v50, v50;
	v55 =	vsub.f32 v43, v1;
	v20 =	vadd.f32 v49, v20  }
0x1da: {  	v56 =	vmul.f32 v53, v53;
	v57 =	vsub.f32 v46, v2;
	v22 =	vadd.f32 v52, v22  }
0x1db: {  	vm3 =	vlt.f32 v19, v18;
	v58 =	vmul.f32 v55, v55;
	v20 =	vadd.f32 v54, v20  }
0x1dc: {  	v59 =	vmul.f32 v57, v57;
	v60 =	vsub.f32 v51, v1;
	v22 =	vadd.f32 v56, v22  }
0x1dd: {  	vm3 =	vmand vm1, vm3;
	v20 =	vadd.f32 v58, v20  }
0x1de: {  	v18 =	vsel vm3, v19, v18;
	s17 =	sadd.s32 s2, s18;
	v61 =	vmul.f32 v60, v60;
	v19 =	vadd.f32 v59, v22  }
0x1df: {  	s2 =	sadd.s32 $0x18000, s17;
	vm4 =	vlt.f32 v20, v18  }
.Ltmp6:
0x1e0: {  	s24 =	sadd.s32 s14, s18;
	s1 =	sadd.s32 $0x18010, s17;
	v62 =	vor.u32 s2, v0;
	v19 =	vadd.f32 v61, v19;
	vm4 =	vmand vm1, vm4;
	(pc) =	sbr.rel @p1 .LBB2_12-.Ltmp6, $4  }
0x1e1: {  	s31 =	sadd.s32 $0x18000, s24;
	v17 =	vsel vm2, v62, v17;
	v63 =	vor.u32 s1, v0;
	v18 =	vsel vm4, v20, v18  }
0x1e2: {  	s2 =	sadd.s32 $0x18010, s24;
	v17 =	vsel vm3, v63, v17;
	v20 =	vor.u32 s31, v0;
	vm2 =	vlt.f32 v19, v18  }
0x1e3: {  	v17 =	vsel vm4, v20, v17;
	v20 =	vor.u32 s2, v0;
	vm1 =	vmand vm1, vm2  }
0x1e4: {  	v18 =	vsel vm1, v19, v18;
	v17 =	vsel vm1, v20, v17  }
.Ltmp7:
0x1e5: {  	s1 =	sadd.s32 s13, s23;
	(pc) =	sbr.rel .LBB2_2-.Ltmp7, $4  }
0x1e6: {  	p1 =	slt.u32 s1, $0x3D0;
	s1 =	sshll.u32 s1, $0xA  }
0x1e7: {  	s1 =	simm.s32 @!p1 $0x0  }
0x1e8: {  	s22 =	sadd.s32 $0x1, s22;
	s18 =	sadd.s32 $0x20000, s18;
	s1 =	sadd.s32 s3, s1  }
0x1e9: {  	[tilespmem:s25], [sflag:$0x4] =	stream.strided.gather [hbm4b:s1+s20], $0x4000, s21, s20, $0x38;
	[tilespmem:$0x12980] =	vst v63  }
.LBB2_12:
.Ltmp8:
0x1ea: {  	(pc) =	sbr.rel @p0 .LBB2_16-.Ltmp8, $1  }
0x1eb: {  	_ =	sdelay $0x3  }
0x1ec: {  	s1 =	rddreg [dreg:$0x8];
	s2 =	simm.s32 $0x1400;
	s4 =	simm.s32 $0x10080  }
0x1ed: {  	[tilespmem:s4], [sflag:$0x5] =	stream.strided.gather [hbm4b:s1+s2], $0x2800, s21, s2, $0x38;
	[tilespmem:$0x12980] =	vst v63  }
0x1ee: {  	s2 =	simm.s32 $0x0  }
0x1ef: {  	_ =	swait.ge [sflag:s19], $0x2800;
	s15 =	sand.u32 $0x60, s2;
	s7 =	sand.u32 $0x1C00, s2  }
0x1f0: {  	[sflag:s19] =	ssyncset.done $0x0;
	s18 =	sor.u32 $0x10080, s7;
	s9 =	sor.u32 $0x10, s15  }
0x1f1: {  	[sflag:s19] =	ssyncadd.s32 $0xFFFFD800;
	s22 =	sor.u32 s9, s18  }
0x1f2: {  	v19 =	vld [tilespmem:s22+$0x100]  }
0x1f3: {  	s1 =	sor.u32 s15, s18;
	v20 =	vld [tilespmem:s22+$0x0]  }
0x1f4: {  	v21 =	vld [tilespmem:s1+$0x0]  }
0x1f5: {  	v22 =	vld [tilespmem:s1+$0x80]  }
0x1f6: {  	v23 =	vld [tilespmem:s22+$0x80]  }
0x1f7: {  	v24 =	vld [tilespmem:s1+$0x100]  }
0x1f8: {  	v25 =	vld [tilespmem:s1+$0x180]  }
0x1f9: {  	v26 =	vld [tilespmem:s22+$0x180]  }
0x1fa: {  	s6 =	sand.u32 $0x3, s2;
	v27 =	vld [tilespmem:s1+$0x200];
	v21 =	vsub.f32 v21, v16;
	v22 =	vsub.f32 v22, v15  }
0x1fb: {  	s6 =	sshll.u32 s6, $0x5;
	v28 =	vld [tilespmem:s22+$0x200];
	v20 =	vsub.f32 v20, v16;
	v23 =	vsub.f32 v23, v15  }
0x1fc: {  	s23 =	sadd.s32 $0x0, s6;
	v29 =	vld [tilespmem:s1+$0x280];
	v24 =	vsub.f32 v24, v14;
	v21 =	vmul.f32 v21, v21;
	v22 =	vmul.f32 v22, v22  }
0x1fd: {  	s31 =	sor.u32 s2, s2;
	v30 =	vld [tilespmem:s22+$0x280];
	s24 =	sor.u32 $0x300, s23;
	v19 =	vsub.f32 v19, v14;
	v25 =	vsub.f32 v25, v13;
	v20 =	vmul.f32 v20, v20  }
0x1fe: {  	s8 =	sor.u32 $0x380, s31;
	s1 =	sadd.s32 $0x10, s23;
	v21 =	vadd.f32 v22, v21;
	v22 =	vmul.f32 v23, v23;
	v23 =	vmul.f32 v24, v24;
	v24 =	vld [tilespmem:s24+$0x10080]  }
0x1ff: {  	s16 =	sadd.s32 $0x11480, s7;
	v31 =	vld [tilespmem:s8+$0x10080];
	s14 =	sor.u32 $0x300, s1;
	v26 =	vsub.f32 v26, v13;
	v27 =	vsub.f32 v27, v12;
	v19 =	vmul.f32 v19, v19  }
0x200: {  	s17 =	sor.u32 s15, s16;
	v20 =	vadd.f32 v22, v20;
	v21 =	vadd.f32 v23, v21;
	v22 =	vmul.f32 v25, v25;
	v23 =	vld [tilespmem:s14+$0x10080]  }
0x201: {  	s1 =	sor.u32 $0x380, s1;
	v25 =	vmul.f32 v26, v26;
	v26 =	vsub.f32 v28, v12;
	v28 =	vsub.f32 v29, v11;
	v29 =	vld [tilespmem:s17+$0x0]  }
0x202: {  	s18 =	sor.u32 s9, s16;
	s22 =	sadd.s32 $0x11500, s7;
	v19 =	vadd.f32 v19, v20;
	v20 =	vadd.f32 v22, v21;
	v21 =	vmul.f32 v27, v27;
	v22 =	vld [tilespmem:s1+$0x10080]  }
0x203: {  	s23 =	sor.u32 s15, s22;
	v26 =	vmul.f32 v26, v26;
	v27 =	vsub.f32 v30, v11;
	v30 =	vld [tilespmem:s18+$0x0];
	v24 =	vsub.f32 v24, v10  }
0x204: {  	s31 =	sadd.s32 $0x11580, s7;
	s24 =	sor.u32 s9, s22;
	v19 =	vadd.f32 v25, v19;
	v20 =	vadd.f32 v21, v20;
	v21 =	vmul.f32 v28, v28;
	v25 =	vld [tilespmem:s23+$0x0]  }
0x205: {  	s6 =	sor.u32 s15, s31;
	v27 =	vmul.f32 v27, v27;
	v28 =	vsub.f32 v31, v9;
	v31 =	vld [tilespmem:s24+$0x0];
	v23 =	vsub.f32 v23, v10  }
0x206: {  	s8 =	sor.u32 s9, s31;
	s14 =	sadd.s32 $0x11600, s7;
	v19 =	vadd.f32 v26, v19;
	v20 =	vadd.f32 v21, v20;
	v21 =	vmul.f32 v24, v24;
	v24 =	vld [tilespmem:s6+$0x0]  }
0x207: {  	s16 =	sor.u32 s15, s14;
	v26 =	vmul.f32 v28, v28;
	v28 =	vsub.f32 v29, v8;
	v29 =	vld [tilespmem:s8+$0x0];
	v22 =	vsub.f32 v22, v9  }
0x208: {  	s17 =	sor.u32 s9, s14;
	s18 =	sadd.s32 $0x11680, s7;
	v19 =	vadd.f32 v27, v19;
	v20 =	vadd.f32 v21, v20;
	v21 =	vmul.f32 v23, v23;
	v23 =	vld [tilespmem:s16+$0x0]  }
0x209: {  	s22 =	sor.u32 s15, s18;
	v27 =	vsub.f32 v30, v8;
	v28 =	vmul.f32 v28, v28;
	v30 =	vld [tilespmem:s17+$0x0];
	v25 =	vsub.f32 v25, v7  }
0x20a: {  	s23 =	sor.u32 s9, s18;
	s24 =	sadd.s32 $0x11700, s7;
	v19 =	vadd.f32 v21, v19;
	v20 =	vadd.f32 v26, v20;
	v21 =	vmul.f32 v22, v22;
	v22 =	vld [tilespmem:s22+$0x0]  }
0x20b: {  	s31 =	sor.u32 s15, s24;
	v26 =	vmul.f32 v27, v27;
	v27 =	vsub.f32 v31, v7;
	v31 =	vld [tilespmem:s23+$0x0];
	v24 =	vsub.f32 v24, v6  }
0x20c: {  	s4 =	sor.u32 s9, s24;
	s6 =	sadd.s32 $0x11780, s7;
	v19 =	vadd.f32 v21, v19;
	v20 =	vadd.f32 v28, v20;
	v21 =	vmul.f32 v25, v25;
	v25 =	vld [tilespmem:s31+$0x0]  }
0x20d: {  	s14 =	simm.s32 $0x20;
	s8 =	sor.u32 s15, s6;
	v27 =	vmul.f32 v27, v27;
	v28 =	vsub.f32 v29, v6;
	v29 =	vld [tilespmem:s4+$0x0];
	v23 =	vsub.f32 v23, v5  }
0x20e: {  	s16 =	sor.u32 s9, s6;
	s17 =	sadd.s32 $0x11800, s7;
	v26 =	vadd.f32 v26, v19;
	v20 =	vadd.f32 v21, v20;
	v21 =	vmul.f32 v24, v24;
	v24 =	vld [tilespmem:s8+$0x0];
	s8 =	simm.s32 $0x100  }
0x20f: {  	s18 =	sand.u32 $0x60, s14;
	s23 =	sor.u32 s15, s17;
	v30 =	vsub.f32 v30, v5;
	v28 =	vmul.f32 v28, v28;
	v19 =	vld [tilespmem:s16+$0x0];
	s7 =	sand.u32 $0x1C00, s8;
	v32 =	vsub.f32 v22, v4  }
0x210: {  	s22 =	sor.u32 $0x10, s18;
	s31 =	sor.u32 s9, s17;
	v22 =	vld [tilespmem:s23+$0x0];
	s24 =	sor.u32 $0x10080, s7;
	v26 =	vadd.f32 v27, v26;
	v20 =	vadd.f32 v21, v20;
	v27 =	vmul.f32 v23, v23  }
0x211: {  	v30 =	vmul.f32 v30, v30;
	v31 =	vsub.f32 v31, v4;
	v21 =	vld [tilespmem:s31+$0x0];
	s16 =	sor.u32 s22, s24;
	v33 =	vsub.f32 v25, v3  }
0x212: {  	s17 =	sor.u32 s18, s24;
	v32 =	vmul.f32 v32, v32;
	v23 =	vld [tilespmem:s16+$0x100];
	v28 =	vadd.f32 v28, v26;
	v34 =	vadd.f32 v27, v20  }
0x213: {  	v20 =	vld [tilespmem:s17+$0x180];
	v26 =	vmul.f32 v31, v31;
	v27 =	vsub.f32 v29, v3;
	v25 =	vsub.f32 v24, v2  }
0x214: {  	s15 =	simm.s32 $0x40;
	s9 =	simm.s32 $0x0;
	v24 =	vld [tilespmem:s16+$0x0];
	v29 =	vadd.f32 v30, v28;
	v28 =	vadd.f32 v32, v34;
	v30 =	vmul.f32 v33, v33  }
.LBB2_14:
0x215: {  	p1 =	sne.s32 s15, $0x220;
	v31 =	vld [tilespmem:s16+$0x80];
	v27 =	vmul.f32 v27, v27;
	v19 =	vsub.f32 v19, v2;
	v22 =	vsub.f32 v22, v1  }
0x216: {  	v25 =	vmul.f32 v25, v25;
	v32 =	vld [tilespmem:s17+$0x0];
	v26 =	vadd.f32 v26, v29;
	v28 =	vadd.f32 v30, v28  }
0x217: {  	v21 =	vsub.f32 v21, v1;
	v29 =	vld [tilespmem:s17+$0x80];
	v23 =	vsub.f32 v23, v14;
	v19 =	vmul.f32 v19, v19  }
0x218: {  	s1 =	sadd.s32 $0xF4010, s2;
	v22 =	vmul.f32 v22, v22;
	v30 =	vld [tilespmem:s17+$0x100];
	v26 =	vadd.f32 v27, v26;
	v25 =	vadd.f32 v25, v28  }
0x219: {  	v20 =	vsub.f32 v20, v13;
	v27 =	vor.u32 s1, v0;
	v24 =	vsub.f32 v24, v16  }
0x21a: {  	v21 =	vmul.f32 v21, v21;
	s1 =	sadd.s32 $0xF4000, s2;
	s2 =	smov.u32 s14;
	s14 =	smov.u32 s15;
	v19 =	vadd.f32 v19, v26;
	v22 =	vadd.f32 v22, v25  }
0x21b: {  	s9 =	sadd.s32 $0x1, s9;
	v26 =	vsub.f32 v31, v15;
	v31 =	vor.u32 s1, v0;
	v25 =	vsub.f32 v32, v16;
	v28 =	vld [tilespmem:s16+$0x180]  }
0x21c: {  	s1 =	sand.u32 $0x3, s9;
	v29 =	vsub.f32 v29, v15;
	v32 =	vld [tilespmem:s17+$0x200];
	v19 =	vadd.f32 v21, v19;
	vm1 =	vlt.f32 v22, v18  }
0x21d: {  	s1 =	sshll.u32 s1, $0x5;
	v21 =	vsub.f32 v30, v14;
	v30 =	vld [tilespmem:s16+$0x200];
	v18 =	vsel vm1, v22, v18;
	v17 =	vsel vm1, v31, v17  }
0x21e: {  	s1 =	sadd.s32 s1, s8;
	v22 =	vmul.f32 v25, v25;
	v25 =	vmul.f32 v29, v29;
	v29 =	vld [tilespmem:s17+$0x280];
	vm1 =	vlt.f32 v19, v18  }
0x21f: {  	s6 =	sor.u32 s8, s2;
	v24 =	vmul.f32 v24, v24;
	s4 =	sor.u32 $0x300, s1;
	v31 =	vld [tilespmem:s16+$0x280];
	v18 =	vsel vm1, v19, v18;
	v17 =	vsel vm1, v27, v17  }
0x220: {  	s1 =	sadd.s32 $0x10, s1;
	v21 =	vmul.f32 v21, v21;
	v19 =	vadd.f32 v25, v22;
	v22 =	vmul.f32 v26, v26;
	v25 =	vld [tilespmem:s4+$0x10080];
	s4 =	sor.u32 $0x380, s6  }
0x221: {  	v23 =	vmul.f32 v23, v23;
	v26 =	vsub.f32 v28, v13;
	s6 =	sor.u32 $0x300, s1;
	v27 =	vsub.f32 v32, v12;
	v28 =	vld [tilespmem:s4+$0x10080];
	s4 =	sadd.s32 $0x11480, s7  }
0x222: {  	v20 =	vmul.f32 v20, v20;
	v22 =	vadd.f32 v22, v24;
	v19 =	vadd.f32 v21, v19;
	v21 =	vld [tilespmem:s6+$0x10080];
	s6 =	sor.u32 s18, s4  }
0x223: {  	s1 =	sor.u32 $0x380, s1;
	v24 =	vmul.f32 v26, v26;
	v26 =	vsub.f32 v30, v12;
	v29 =	vsub.f32 v29, v11;
	v30 =	vld [tilespmem:s6+$0x0]  }
0x224: {  	v22 =	vadd.f32 v23, v22;
	v19 =	vadd.f32 v20, v19;
	v20 =	vmul.f32 v27, v27;
	v23 =	vld [tilespmem:s1+$0x10080];
	s1 =	sor.u32 s22, s4;
	s4 =	sadd.s32 $0x11500, s7  }
0x225: {  	v26 =	vmul.f32 v26, v26;
	v27 =	vsub.f32 v31, v11;
	v25 =	vsub.f32 v25, v10;
	v31 =	vld [tilespmem:s1+$0x0];
	s1 =	sor.u32 s18, s4  }
0x226: {  	v22 =	vadd.f32 v24, v22;
	v19 =	vadd.f32 v20, v19;
	v20 =	vmul.f32 v29, v29;
	v24 =	vld [tilespmem:s1+$0x0];
	s1 =	sor.u32 s22, s4;
	s4 =	sadd.s32 $0x11580, s7  }
0x227: {  	v27 =	vmul.f32 v27, v27;
	v28 =	vsub.f32 v28, v9;
	v21 =	vsub.f32 v21, v10;
	v29 =	vld [tilespmem:s1+$0x0];
	s1 =	sor.u32 s18, s4  }
0x228: {  	v22 =	vadd.f32 v26, v22;
	v19 =	vadd.f32 v20, v19;
	v20 =	vmul.f32 v25, v25;
	v25 =	vld [tilespmem:s1+$0x0];
	s1 =	sor.u32 s22, s4;
	s4 =	sadd.s32 $0x11600, s7  }
0x229: {  	v26 =	vmul.f32 v28, v28;
	v28 =	vsub.f32 v30, v8;
	v23 =	vsub.f32 v23, v9;
	v30 =	vld [tilespmem:s1+$0x0];
	s1 =	sor.u32 s18, s4  }
0x22a: {  	v22 =	vadd.f32 v27, v22;
	v19 =	vadd.f32 v20, v19;
	v20 =	vmul.f32 v21, v21;
	v21 =	vld [tilespmem:s1+$0x0];
	s1 =	sor.u32 s22, s4;
	s4 =	sadd.s32 $0x11680, s7  }
0x22b: {  	v27 =	vsub.f32 v31, v8;
	v28 =	vmul.f32 v28, v28;
	v24 =	vsub.f32 v24, v7;
	v31 =	vld [tilespmem:s1+$0x0];
	s1 =	sor.u32 s18, s4  }
0x22c: {  	v20 =	vadd.f32 v20, v22;
	v19 =	vadd.f32 v26, v19;
	v22 =	vmul.f32 v23, v23;
	v23 =	vld [tilespmem:s1+$0x0];
	s1 =	sor.u32 s22, s4;
	s4 =	sadd.s32 $0x11700, s7  }
0x22d: {  	v26 =	vmul.f32 v27, v27;
	v27 =	vsub.f32 v29, v7;
	v25 =	vsub.f32 v25, v6;
	v29 =	vld [tilespmem:s1+$0x0];
	s1 =	sor.u32 s18, s4  }
0x22e: {  	v20 =	vadd.f32 v22, v20;
	v19 =	vadd.f32 v28, v19;
	v22 =	vmul.f32 v24, v24;
	v24 =	vld [tilespmem:s1+$0x0];
	s1 =	sor.u32 s22, s4;
	s4 =	sadd.s32 $0x11780, s7  }
0x22f: {  	s8 =	sadd.s32 $0x100, s8;
	v27 =	vmul.f32 v27, v27;
	v28 =	vsub.f32 v30, v6;
	v21 =	vsub.f32 v21, v5;
	v30 =	vld [tilespmem:s1+$0x0];
	s1 =	sor.u32 s18, s4  }
0x230: {  	v25 =	vmul.f32 v25, v25;
	v20 =	vadd.f32 v26, v20;
	v22 =	vadd.f32 v22, v19;
	v32 =	vld [tilespmem:s1+$0x0];
	s1 =	sor.u32 s22, s4;
	s4 =	sadd.s32 $0x11800, s7;
	s7 =	sand.u32 $0x1C00, s8  }
0x231: {  	v26 =	vmul.f32 v28, v28;
	v28 =	vsub.f32 v31, v5;
	v31 =	vsub.f32 v23, v4;
	v19 =	vld [tilespmem:s1+$0x0];
	s1 =	sor.u32 s18, s4;
	s18 =	sand.u32 $0x60, s15;
	s6 =	sor.u32 $0x10080, s7  }
.Ltmp9:
0x232: {  	v20 =	vadd.f32 v27, v20;
	v25 =	vadd.f32 v25, v22;
	v27 =	vmul.f32 v21, v21;
	v22 =	vld [tilespmem:s1+$0x0];
	s1 =	sor.u32 s22, s4;
	s22 =	sor.u32 $0x10, s18;
	(pc) =	sbr.rel @p1 .LBB2_14-.Ltmp9, $4  }
0x233: {  	v28 =	vmul.f32 v28, v28;
	v29 =	vsub.f32 v29, v4;
	s16 =	sor.u32 s22, s6;
	v33 =	vsub.f32 v24, v3;
	v21 =	vld [tilespmem:s1+$0x0]  }
0x234: {  	s17 =	sor.u32 s18, s6;
	v31 =	vmul.f32 v31, v31;
	v23 =	vld [tilespmem:s16+$0x100];
	v34 =	vadd.f32 v26, v20;
	v35 =	vadd.f32 v27, v25  }
0x235: {  	v26 =	vmul.f32 v29, v29;
	v27 =	vsub.f32 v30, v3;
	v20 =	vld [tilespmem:s17+$0x180];
	v25 =	vsub.f32 v32, v2  }
0x236: {  	s15 =	sadd.s32 $0x20, s15;
	v30 =	vmul.f32 v33, v33;
	v24 =	vld [tilespmem:s16+$0x0];
	v29 =	vadd.f32 v28, v34;
	v28 =	vadd.f32 v31, v35  }
0x237: {  	v19 =	vsub.f32 v19, v2;
	v31 =	vld [tilespmem:s17+$0x0]  }
0x238: {  	v27 =	vmul.f32 v27, v27;
	v22 =	vsub.f32 v22, v1;
	v63 =	vld [tilespmem:s17+$0x80];
	v26 =	vadd.f32 v26, v29  }
0x239: {  	v32 =	vld [tilespmem:s16+$0x80];
	v25 =	vmul.f32 v25, v25;
	v28 =	vadd.f32 v30, v28;
	v21 =	vsub.f32 v21, v1  }
0x23a: {  	v36 =	vld [tilespmem:s17+$0x100];
	v23 =	vsub.f32 v23, v14;
	v19 =	vmul.f32 v19, v19;
	v26 =	vadd.f32 v27, v26  }
0x23b: {  	v25 =	vadd.f32 v25, v28;
	v20 =	vsub.f32 v20, v13  }
0x23c: {  	v37 =	vld [tilespmem:s16+$0x180];
	v22 =	vmul.f32 v22, v22;
	v24 =	vsub.f32 v24, v16;
	v19 =	vadd.f32 v19, v26  }
0x23d: {  	s1 =	sadd.s32 $0x1, s9;
	v40 =	vld [tilespmem:s17+$0x200];
	v38 =	vsub.f32 v31, v16;
	v39 =	vsub.f32 v63, v15  }
0x23e: {  	v41 =	vld [tilespmem:s16+$0x200];
	s1 =	sand.u32 $0x3, s1;
	v21 =	vmul.f32 v21, v21;
	v16 =	vadd.f32 v22, v25;
	v15 =	vsub.f32 v32, v15  }
0x23f: {  	v43 =	vld [tilespmem:s17+$0x280];
	s6 =	sor.u32 s8, s14;
	s1 =	sshll.u32 s1, $0x5;
	v42 =	vsub.f32 v36, v14;
	v27 =	vmul.f32 v38, v38;
	v28 =	vmul.f32 v39, v39  }
0x240: {  	v44 =	vld [tilespmem:s16+$0x280];
	s24 =	sor.u32 $0x380, s6;
	s1 =	sadd.s32 s1, s8;
	v14 =	vadd.f32 v21, v19;
	v19 =	vmul.f32 v24, v24;
	v15 =	vmul.f32 v15, v15  }
0x241: {  	v49 =	vld [tilespmem:s24+$0x10080];
	s4 =	sor.u32 $0x300, s1;
	s1 =	sadd.s32 $0x10, s1;
	v47 =	vsub.f32 v37, v13;
	v25 =	vmul.f32 v42, v42;
	v45 =	vadd.f32 v28, v27  }
0x242: {  	s16 =	sadd.s32 $0x11500, s7;
	v23 =	vmul.f32 v23, v23;
	v46 =	vld [tilespmem:s4+$0x10080];
	v48 =	vsub.f32 v40, v12;
	s31 =	sor.u32 $0x300, s1;
	v15 =	vadd.f32 v15, v19  }
0x243: {  	s23 =	sor.u32 s22, s16;
	v20 =	vmul.f32 v20, v20;
	v51 =	vsub.f32 v41, v12;
	v50 =	vld [tilespmem:s31+$0x10080];
	v19 =	vadd.f32 v25, v45  }
0x244: {  	v60 =	vld [tilespmem:s23+$0x0];
	s8 =	sadd.s32 $0x11480, s7;
	v52 =	vsub.f32 v43, v11;
	s1 =	sor.u32 $0x380, s1;
	v13 =	vmul.f32 v47, v47;
	v15 =	vadd.f32 v23, v15  }
0x245: {  	s9 =	sor.u32 s18, s8;
	v55 =	vsub.f32 v44, v11;
	v54 =	vld [tilespmem:s1+$0x10080];
	v19 =	vadd.f32 v20, v19;
	v20 =	vmul.f32 v48, v48  }
0x246: {  	s15 =	sor.u32 s22, s8;
	v53 =	vld [tilespmem:s9+$0x0];
	vm1 =	vlt.f32 v16, v18;
	v12 =	vmul.f32 v51, v51;
	v13 =	vadd.f32 v13, v15  }
0x247: {  	s17 =	sor.u32 s18, s16;
	s16 =	sadd.s32 $0x11680, s7;
	v57 =	vld [tilespmem:s15+$0x0];
	v56 =	vsub.f32 v46, v10;
	v15 =	vadd.f32 v20, v19;
	v19 =	vmul.f32 v52, v52  }
0x248: {  	s24 =	sadd.s32 $0x11580, s7;
	s23 =	sor.u32 s22, s16;
	v11 =	vmul.f32 v55, v55;
	v58 =	vsub.f32 v50, v10;
	v20 =	vld [tilespmem:s17+$0x0];
	v12 =	vadd.f32 v12, v13  }
0x249: {  	v35 =	vld [tilespmem:s23+$0x0];
	s31 =	sor.u32 s18, s24;
	v59 =	vsub.f32 v49, v9;
	v61 =	vadd.f32 v19, v15;
	v15 =	vmul.f32 v56, v56  }
0x24a: {  	s6 =	sor.u32 s22, s24;
	s8 =	sadd.s32 $0x11600, s7;
	v62 =	vsub.f32 v54, v9;
	v10 =	vmul.f32 v58, v58;
	v19 =	vld [tilespmem:s31+$0x0];
	v11 =	vadd.f32 v11, v12  }
0x24b: {  	s9 =	sor.u32 s18, s8;
	v63 =	vmul.f32 v59, v59;
	v27 =	vld [tilespmem:s6+$0x0];
	v25 =	vsub.f32 v53, v8;
	v28 =	vadd.f32 v15, v61  }
0x24c: {  	s15 =	sor.u32 s22, s8;
	v29 =	vld [tilespmem:s9+$0x0];
	v30 =	vsub.f32 v57, v8;
	v9 =	vmul.f32 v62, v62;
	v10 =	vadd.f32 v10, v11  }
0x24d: {  	s8 =	sadd.s32 $0x11780, s7;
	v31 =	vld [tilespmem:s15+$0x0];
	s17 =	sor.u32 s18, s16;
	v15 =	vmul.f32 v25, v25;
	v20 =	vsub.f32 v20, v7;
	v32 =	vadd.f32 v63, v28  }
0x24e: {  	s24 =	sadd.s32 $0x11700, s7;
	s9 =	sor.u32 s18, s8;
	v34 =	vsub.f32 v60, v7;
	v8 =	vmul.f32 v30, v30;
	v33 =	vld [tilespmem:s17+$0x0];
	v9 =	vadd.f32 v9, v10  }
0x24f: {  	v41 =	vld [tilespmem:s9+$0x0];
	s31 =	sor.u32 s18, s24;
	v19 =	vsub.f32 v19, v6;
	v37 =	vmul.f32 v20, v20;
	v36 =	vadd.f32 v15, v32  }
0x250: {  	s6 =	sor.u32 s22, s24;
	v38 =	vsub.f32 v27, v6;
	s16 =	sadd.s32 $0x11800, s7;
	v7 =	vmul.f32 v34, v34;
	v15 =	vld [tilespmem:s31+$0x0];
	v8 =	vadd.f32 v8, v9  }
0x251: {  	v13 =	vsub.f32 v29, v5;
	s17 =	sor.u32 s18, s16;
	v20 =	vld [tilespmem:s6+$0x0];
	v40 =	vmul.f32 v19, v19;
	v39 =	vadd.f32 v37, v36  }
0x252: {  	s15 =	sor.u32 s22, s8;
	v42 =	vsub.f32 v31, v5;
	v45 =	vld [tilespmem:s17+$0x0];
	v6 =	vmul.f32 v38, v38;
	v7 =	vadd.f32 v7, v8  }
0x253: {  	v44 =	vmul.f32 v13, v13;
	v12 =	vsub.f32 v33, v4;
	v19 =	vld [tilespmem:s15+$0x0];
	v43 =	vadd.f32 v40, v39  }
0x254: {  	v46 =	vsub.f32 v35, v4;
	v5 =	vmul.f32 v42, v42;
	s18 =	sor.u32 s22, s16;
	v6 =	vadd.f32 v6, v7  }
0x255: {  	v49 =	vmul.f32 v12, v12;
	v47 =	vsub.f32 v15, v3;
	v15 =	vld [tilespmem:s18+$0x0];
	v48 =	vadd.f32 v44, v43  }
0x256: {  	v50 =	vsub.f32 v41, v2;
	v4 =	vmul.f32 v46, v46;
	v3 =	vsub.f32 v20, v3  }
0x257: {  	v5 =	vadd.f32 v5, v6;
	v52 =	vmul.f32 v47, v47;
	v51 =	vadd.f32 v49, v48  }
0x258: {  	v55 =	vmul.f32 v50, v50;
	v53 =	vsub.f32 v45, v1;
	v2 =	vsub.f32 v19, v2  }
0x259: {  	v3 =	vmul.f32 v3, v3;
	v4 =	vadd.f32 v4, v5;
	v54 =	vadd.f32 v52, v51  }
0x25a: {  	v56 =	vsel vm1, v16, v18;
	v58 =	vmul.f32 v53, v53;
	v1 =	vsub.f32 v15, v1  }
0x25b: {  	v2 =	vmul.f32 v2, v2;
	v3 =	vadd.f32 v3, v4;
	v57 =	vadd.f32 v55, v54  }
0x25c: {  	vm2 =	vlt.f32 v14, v56  }
0x25d: {  	s23 =	sadd.s32 $0xF4000, s2;
	s22 =	sadd.s32 $0xF4010, s2;
	v2 =	vadd.f32 v2, v3;
	v1 =	vmul.f32 v1, v1;
	v3 =	vadd.f32 v58, v57  }
.Ltmp10:
0x25e: {  	v60 =	vor.u32 s23, v0;
	v59 =	vor.u32 s22, v0;
	v61 =	vsel vm2, v14, v56;
	(pc) =	sbr.rel .LBB2_16-.Ltmp10, $4  }
0x25f: {  	s24 =	sadd.s32 $0xF4000, s14;
	v5 =	vsel vm1, v60, v17;
	v1 =	vadd.f32 v1, v2;
	vm1 =	vlt.f32 v3, v61  }
0x260: {  	v62 =	vor.u32 s24, v0;
	s31 =	sadd.s32 $0xF4010, s14;
	v2 =	vsel vm2, v59, v5;
	v3 =	vsel vm1, v3, v61  }
0x261: {  	v63 =	vor.u32 s31, v0;
	v2 =	vsel vm1, v62, v2;
	vm1 =	vlt.f32 v1, v3  }
0x262: {  	v18 =	vsel vm1, v1, v3;
	v17 =	vsel vm1, v63, v2  }
.LBB2_17:
0x263: {  	_ =	sfence.sel $0x180000  }
0x264: {  	[bflag:$0x0] =	sbarrier.arrive $0xFFFF  }
0x265: {  	_ =	strace $0x90000047  }
0x266: {  	s0 =	stileid.u32;
	[bflag:$0x2] =	sbarrier.arrive $0xFFFF  }
0x267: {  	p0 =	sne.s32 s0, $0x0;
	s0 =	rddreg [dreg:$0x3]  }
0x268: {  	s0 =	sadd.s32 @!p0 $0x100000, s0  }
0x269: {  	[sflag:s0] =	ssyncadd.tile.s32 @!p0 $0x1;
	_ =	shalt  }
.Lfunc_end2:
_tile_overlayer_lowered:
.L_overlay_start_2:
0x26a: {  	(tag) =	ssettag $0x2  }
0x26b: {  	s0 =	rddreg [dreg:$0x0];
	s2 =	stileid.u32  }
0x26c: {  	s1 =	rddreg [dreg:$0x1];
	p0 =	sne.s32 s2, $0x0  }
0x26d: {  	s3 =	rddreg [dreg:$0x2];
	[bflag:$0x3] =	sbarrier.arrive $0xFFFF;
	s2 =	simm.s32 @!p0 $0x1C05  }
0x26e: {  	[timem:s3], [sflag:s2] =	dma.local @!p0 [hbm:s0], s1  }
0x26f: {  	s0 =	simm.s32 @!p0 $0x5  }
0x270: {  	_ =	swait.ge @!p0 [sflag:s0], s1  }
0x271: {  	s1 =	ssub.s32 @!p0 $0x0, s1;
	[sflag:s0] =	ssyncset.done @!p0 $0x0  }
0x272: {  	[sflag:s0] =	ssyncadd.s32 @!p0 s1  }
0x273: {  	[bflag:$0x3] =	sbarrier.arrive $0xFFFF  }
0x274: {  	_ =	shalt  }

// kernel: kernel.7.cloned.1.call-start
scs
__scs_entry_jumppad:
0x0: {  	(pc) =	sbr.rel $0x88, $3  }
0x1: {  	(tag) =	ssettag $0x0;
	lr =	simm.s32 $0x1  }
0x2: {  	[smem:$0x3F9E] =	sst lr;
	_ =	strace $0xD0000000  }
0x3: {  	_ = 	snop  }
0x4: {  	_ = 	snop  }
0x5: {  	_ = 	snop  }
0x6: {  	_ = 	snop  }
0x7: {  	_ = 	snop  }
__scs_overlays_trampoline_lowered:
0x8: {  	[smem:$0x3FAD] =	sst s0  }
0x9: {  	[smem:$0x3FAE] =	sst s1  }
0xa: {  	[smem:$0x3FAF] =	sst s2  }
0xb: {  	[smem:$0x3FB0] =	sst s3  }
0xc: {  	[smem:$0x3FB1] =	sst s4  }
0xd: {  	[smem:$0x3FB2] =	sst s5  }
0xe: {  	[smem:$0x3FB3] =	sst s6  }
0xf: {  	[smem:$0x3FB4] =	sst s7  }
0x10: {  	[smem:$0x3FB5] =	sst s8  }
0x11: {  	[smem:$0x3FB6] =	sst s9;
	s0 =	simm.s32 @!p0 $0x0  }
0x12: {  	s1 =	sld [smem:$0x3F9C];
	s0 =	simm.s32 @p0 $0x1  }
0x13: {  	[smem:$0x3FB7] =	sst s0;
	s0 =	simm.s32 @!p1 $0x0  }
0x14: {  	s2 =	sld [smem:$0x3F9B];
	s0 =	simm.s32 @p1 $0x1  }
0x15: {  	[smem:$0x3FB8] =	sst s0;
	s0 =	simm.s32 @!p2 $0x0  }
0x16: {  	s3 =	sld [smem:$0x3FDB];
	s0 =	simm.s32 @p2 $0x1  }
0x17: {  	s4 =	simm.s32 $0x1BF5;
	[smem:$0x3FBA] =	sst s0  }
0x18: {  	s0 =	sld [smem:$0x3F9D];
	_ =	swait.ge [sflag:s4], $0x0  }
0x19: {  	s7 =	sld [smem:$0x3F9E]  }
0x1a: {  	s8 =	sadd.s32 $0xFFFFE003, lr  }
0x1b: {  	s9 =	sadd.s32 $0xFFFFFEF7, lr;
	s5 =	simm.s32 $0xFFFFFFFF;
	p2 =	slt.u32 s8, $0xFFFFF086  }
0x1c: {  	p1 =	slt.u32 s9, $0xF7A;
	s5 =	simm.s32 @!p2 $0x0  }
0x1d: {  	s5 =	simm.s32 @p1 $0x1;
	p0 =	seq.s32 s7, s2  }
0x1e: {  	s7 =	smul.u32 @!p0 $0xF7A, s2;
	p2 =	seq.s32 @!p0 s5, $0x0  }
0x1f: {  	s9 =	smul.u32 $0xF7A, s1;
	s8 =	simm.s32 @!p0 $0x1BF5;
	p2 =	por !p2, p0  }
0x20: {  	[sflag:s8] =	ssyncset.s32 @!p0 $0xFFFFF086;
	s6 =	sadd.s32 @!p0 s3, s7;
	s7 =	simm.s32 @!p0 $0x108  }
0x21: {  	s3 =	sadd.s32 s3, s9;
	s6 =	sadd.s32 @!p0 $0x88, s6;
	s7 =	simm.s32 @p2 $0x1082  }
0x22: {  	[simem:s7], [sflag:s8] =	dma.local @!p0 [hbm:s6], $0xF7A  }
0x23: {  	s9 =	sor.u32 $0xD0000000, s2;
	s6 =	simm.s32 $0x108;
	_ =	swait.ge @!p0 [sflag:s8], $0x0  }
0x24: {  	s3 =	sadd.s32 $0x88, s3;
	s6 =	simm.s32 @!p1 $0x1082;
	[sflag:s4] =	ssyncset.s32 $0xFFFFF086  }
0x25: {  	[simem:s6], [sflag:s4] =	dma.local [hbm:s3], $0xF7A  }
0x26: {  	[smem:$0x3F9E] =	sst s1;
	(tag) =	ssettag s2;
	_ =	strace s9  }
0x27: {  	s1 =	sld [smem:$0x3FAE]  }
0x28: {  	s2 =	sld [smem:$0x3FAF]  }
0x29: {  	s4 =	sld [smem:$0x3FB1]  }
0x2a: {  	p0 =	seq.s32 s5, $0x0;
	s5 =	sld [smem:$0x3FB2]  }
0x2b: {  	s6 =	sld [smem:$0x3FB3]  }
0x2c: {  	s7 =	sld [smem:$0x3FB4]  }
0x2d: {  	s3 =	simm.s32 $0x108;
	s8 =	sld [smem:$0x3FB5]  }
0x2e: {  	s3 =	simm.s32 @!p0 $0x1082;
	s9 =	sld [smem:$0x3FB6]  }
0x2f: {  	lr =	sadd.s32 s0, s3;
	s0 =	sld [smem:$0x3FAD]  }
0x30: {  	s3 =	sld [smem:$0x3FB0]  }
0x31: {  	[smem:$0x3FB9] =	sst s10  }
0x32: {  	s10 =	sld [smem:$0x3FB7];
	_ =	sdelay $0x3  }
0x33: {  	p0 =	seq.s32 s10, $0x1;
	s10 =	sld [smem:$0x3FB9];
	_ =	sdelay $0x3  }
0x34: {  	[smem:$0x3FB9] =	sst s10  }
0x35: {  	s10 =	sld [smem:$0x3FB8];
	_ =	sdelay $0x3  }
0x36: {  	p1 =	seq.s32 s10, $0x1;
	s10 =	sld [smem:$0x3FB9];
	_ =	sdelay $0x3  }
0x37: {  	[smem:$0x3FB9] =	sst s10  }
0x38: {  	s10 =	sld [smem:$0x3FBA]  }
0x39: {  	_ = 	snop;
	(pc) =	sbr.ind lr, $3  }
0x3a: {  	_ = 	snop  }
0x3b: {  	_ = 	snop  }
0x3c: {  	p2 =	seq.s32 s10, $0x1;
	s10 =	sld [smem:$0x3FB9]  }
0x3d: {  	_ =	shalt  }
0x3e: {  	_ =	shalt  }
0x3f: {  	_ =	shalt  }
0x40: {  	_ =	shalt  }
0x41: {  	_ =	shalt  }
0x42: {  	_ =	shalt  }
0x43: {  	_ =	shalt  }
0x44: {  	_ =	shalt  }
0x45: {  	_ =	shalt  }
0x46: {  	_ =	shalt  }
0x47: {  	_ =	shalt  }
0x48: {  	_ =	shalt  }
0x49: {  	_ =	shalt  }
0x4a: {  	_ =	shalt  }
0x4b: {  	_ =	shalt  }
0x4c: {  	_ =	shalt  }
0x4d: {  	_ =	shalt  }
0x4e: {  	_ =	shalt  }
0x4f: {  	_ =	shalt  }
0x50: {  	_ =	shalt  }
0x51: {  	_ =	shalt  }
0x52: {  	_ =	shalt  }
0x53: {  	_ =	shalt  }
0x54: {  	_ =	shalt  }
0x55: {  	_ =	shalt  }
0x56: {  	_ =	shalt  }
0x57: {  	_ =	shalt  }
0x58: {  	_ =	shalt  }
0x59: {  	_ =	shalt  }
0x5a: {  	_ =	shalt  }
0x5b: {  	_ =	shalt  }
0x5c: {  	_ =	shalt  }
0x5d: {  	_ =	shalt  }
0x5e: {  	_ =	shalt  }
0x5f: {  	_ =	shalt  }
0x60: {  	_ =	shalt  }
0x61: {  	_ =	shalt  }
0x62: {  	_ =	shalt  }
0x63: {  	_ =	shalt  }
0x64: {  	_ =	shalt  }
0x65: {  	_ =	shalt  }
0x66: {  	_ =	shalt  }
0x67: {  	_ =	shalt  }
0x68: {  	_ =	shalt  }
0x69: {  	_ =	shalt  }
0x6a: {  	_ =	shalt  }
0x6b: {  	_ =	shalt  }
0x6c: {  	_ =	shalt  }
0x6d: {  	_ =	shalt  }
0x6e: {  	_ =	shalt  }
0x6f: {  	_ =	shalt  }
0x70: {  	_ =	shalt  }
0x71: {  	_ =	shalt  }
0x72: {  	_ =	shalt  }
0x73: {  	_ =	shalt  }
0x74: {  	_ =	shalt  }
0x75: {  	_ =	shalt  }
0x76: {  	_ =	shalt  }
0x77: {  	_ =	shalt  }
0x78: {  	_ =	shalt  }
0x79: {  	_ =	shalt  }
0x7a: {  	_ =	shalt  }
0x7b: {  	_ =	shalt  }
0x7c: {  	_ =	shalt  }
0x7d: {  	_ =	shalt  }
0x7e: {  	_ =	shalt  }
0x7f: {  	_ =	shalt  }
0x80: {  	_ =	shalt  }
0x81: {  	_ =	shalt  }
0x82: {  	_ =	shalt  }
0x83: {  	_ =	shalt  }
0x84: {  	_ =	shalt  }
0x85: {  	_ =	shalt  }
0x86: {  	_ =	shalt  }
0x87: {  	_ =	shalt  }
.Lfunc_end0:
.L_simem_size_0:
called_computation.1_lowered:
.L_overlay_start_0:
0x88: {  	s2 =	sld [smem:$0x3FD9]  }
0x89: {  	s3 =	sld [smem:$0x3FFE];
	_ =	sdelay $0x1  }
0x8a: {  	s1 =	srdreg.scid  }
0x8b: {  	s0 =	sand.u32 $0x1, s1  }
0x8c: {  	s17 =	sshll.u32 s0, $0xA;
	s2 =	sadd.s32 s3, s2  }
0x8d: {  	s2 =	sadd.s32 s2, s17  }
0x8e: {  	[smem:$0x3FC5] =	sst s2  }
0x8f: {  	_ = 	snop  }
0x90: {  	s2 =	sld [smem:$0x3FC9]  }
0x91: {  	s18 =	sld [smem:$0x3FC7]  }
0x92: {  	s4 =	sld [smem:$0x3FD0];
	(tm) =	ssettm $0x1  }
0x93: {  	s5 =	sld [smem:$0x3FFB];
	_ =	sdelay $0x3  }
0x94: {  	_ =	strace s5  }
0x95: {  	s5 =	sld [smem:$0x3FFC];
	_ =	sdelay $0x3  }
0x96: {  	_ =	strace s5  }
0x97: {  	s5 =	sld [smem:$0x3FFD];
	_ =	sdelay $0x3  }
0x98: {  	_ =	strace s5  }
0x99: {  	_ =	strace $0x8FFFFFFF  }
0x9a: {  	s19 =	sld [smem:$0x3FDB];
	_ =	sdelay $0x1  }
0x9b: {  	s6 =	simm.s32 $_scs_section_size  }
0x9c: {  	s7 =	simm.s32 $_size__tile_overlayer_lowered;
	s8 =	simm.s32 $_tile_overlayer_lowered  }
0x9d: {  	s22 =	simm.s32 $0x1BFF;
	s21 =	sshll.u32 s8, $0x1;
	s5 =	sadd.s32 s6, s19  }
0x9e: {  	s9 =	simm.s32 $0x0;
	s20 =	sshll.u32 s7, $0x1;
	s7 =	sadd.s32 s21, s5  }
0x9f: {  	[timem:s9], [sflag:s22] =	dma.local [hbm:s7], s20  }
0xa0: {  	_ =	swait.ge [sflag:s22], s20  }
0xa1: {  	s6 =	ssub.s32 $0x0, s20;
	[sflag:s22] =	ssyncset.done $0x0  }
0xa2: {  	[sflag:s22] =	ssyncadd.s32 s6;
	_ =	sdelay $0x1  }
0xa3: {  	s23 =	simm.s32 $0x1B8B  }
0xa4: {  	_ =	swait.ge [sflag:s23], $0x1  }
0xa5: {  	[sflag:s23] =	ssyncset.done $0x0  }
0xa6: {  	s25 =	simm.s32 $0x1B8E;
	s24 =	sld [smem:$0x3FFE];
	[sflag:s23] =	ssyncadd.s32 $0xFFFFFFFF  }
0xa7: {  	s26 =	simm.s32 $execute0_lowered;
	[smem:$0x3FD2] =	sst s25  }
0xa8: {  	s7 =	sshll.u32 s26, $0x1;
	_ =	strace $0x80000049;
	[dreg:$0x1] =	wrdreg $0xFFFFFFFF  }
0xa9: {  	s28 =	simm.s32 $_size_execute0_lowered;
	s5 =	sadd.s32 s5, s7;
	[dreg:$0x0] =	wrdreg $0x0  }
0xaa: {  	s7 =	sshll.u32 s28, $0x1;
	[dreg:$0x2] =	wrdreg s5  }
0xab: {  	[dreg:$0x3] =	wrdreg s7  }
0xac: {  	[dreg:$0x4] =	wrdreg $0xC0  }
0xad: {  	_ =	task [dreg:s9], $0x5FFFF  }
0xae: {  	[dreg:$0x1] =	wrdreg $0xFFFFFFFF  }
0xaf: {  	[dreg:$0x0] =	wrdreg $0x60  }
0xb0: {  	[dreg:$0x2] =	wrdreg s2  }
0xb1: {  	[dreg:$0x3] =	wrdreg s18  }
0xb2: {  	[dreg:$0x4] =	wrdreg s24  }
0xb3: {  	[dreg:$0x5] =	wrdreg s4  }
0xb4: {  	[dreg:$0x6] =	wrdreg $0x9  }
0xb5: {  	_ =	task.clear_ibuf [dreg:s9], $0x7FFFF;
	_ =	strace $0x90000049  }
0xb6: {  	s29 =	simm.s32 $0x9;
	_ =	strace $0x8000004B  }
0xb7: {  	_ =	swait.ge [sflag:s29], $0x1  }
0xb8: {  	[sflag:s29] =	ssyncadd.s32 $0xFFFFFFFF  }
0xb9: {  	_ =	strace $0x9000004B  }
0xba: {  	_ =	sfence  }
0xbb: {  	s30 =	sld [smem:$0x0];
	_ =	sdelay $0x2  }
0xbc: {  	s31 =	sshll.u32 s1, $0xD;
	s1 =	sshrl.u32 s1, $0x2  }
0xbd: {  	s3 =	sand.u32 $0x4000, s31;
	s1 =	sadd.s32 s1, s30  }
0xbe: {  	s0 =	sor.u32 s3, s0;
	s1 =	sshll.u32 s1, $0x11  }
0xbf: {  	s0 =	sor.u32 s1, s0  }
0xc0: {  	s0 =	sadd.s32 $0x8F2B, s0  }
0xc1: {  	[sflag:s0] =	ssyncadd.remote.s32 $0x1  }
0xc2: {  	_ =	sfence.sel $0xFFFF  }
0xc3: {  	[dreg:$0x0] =	wrdreg $0xFFFFFFFF;
	(pc) =	sbr.abs _section_cstart, $3  }
0xc4: {  	[dreg:$0x1] =	wrdreg $0xFFFFFFFF  }
0xc5: {  	_ =	task.clear_ibuf [dreg:s9], $0x2FFFF;
	_ =	strace $0x9FFFFFFF  }
0xc6: {  	(tm) =	ssettm $0x7FFFFFFF  }
0xc7: {  	_ =	shalt  }
tec
execute0_lowered:
.L_overlay_start_1:
0x0: {  	(tag) =	ssettag $0x1  }
0x1: {  	s0 =	srdreg.scid  }
0x2: {  	s1 =	stileid.u32;
	s9 =	sand.u32 $0x1, s0  }
0x3: {  	s7 =	sor.u32 s1, s9  }
0x4: {  	s3 =	rddreg [dreg:$0x0];
	p0 =	sne.s32 s7, $0x0  }
.Ltmp0:
0x5: {  	s4 =	rddreg [dreg:$0x1];
	(pc) =	sbr.rel @p0 .LBB2_4-.Ltmp0, $4  }
0x6: {  	s6 =	rddreg [dreg:$0x2]  }
0x7: {  	s2 =	rddreg [dreg:$0x3];
	s5 =	simm.s32 $0x0  }
0x8: {  	[smem:$0x7FF] =	sst s5  }
0x9: {  	s0 =	rddreg [dreg:$0x4];
	_ =	strace $0x8000004A  }
0xa: {  	s7 =	sadd.s32 $0xC00, s6  }
0xb: {  	s25 =	sadd.s32 $0xE00, s6;
	[dreg:$0x5] =	wrdreg s7  }
0xc: {  	s8 =	simm.s32 $0x200;
	[dreg:$0x7] =	wrdreg s25  }
0xd: {  	[dreg:$0x6] =	wrdreg s8  }
0xe: {  	s6 =	simm.s32 $0x2;
	s7 =	rddreg [dreg:$0x5]  }
0xf: {  	[tilespmem:s5], [sflag:$0x2] =	stream.linear.gather [hbm4b:s7+s5], $0x200, $0x38;
	[tilespmem:$0x1500] =	vst v63  }
0x10: {  	_ =	swait.ge [sflag:s6], $0x200  }
0x11: {  	s26 =	rddreg [dreg:$0x6];
	[sflag:s6] =	ssyncset.done $0x0  }
0x12: {  	s28 =	rddreg [dreg:$0x7];
	[sflag:s6] =	ssyncadd.s32 $0xFFFFFE00  }
0x13: {  	[tilespmem:s26], [sflag:$0x2] =	stream.linear.gather [hbm4b:s28+s5], $0x200, $0x38;
	[tilespmem:$0x1500] =	vst v63  }
0x14: {  	_ =	swait.ge [sflag:s6], $0x200  }
0x15: {  	[sflag:s6] =	ssyncset.done $0x0  }
0x16: {  	s7 =	simm.s32 $0x400;
	[sflag:s6] =	ssyncadd.s32 $0xFFFFFE00  }
0x17: {  	[tilespmem:s7], [sflag:$0x2] =	stream.linear.gather [hbm4b:s3+s5], $0x80, $0x38;
	[tilespmem:$0x1500] =	vst v63  }
0x18: {  	_ =	swait.ge [sflag:s6], $0x80  }
0x19: {  	[sflag:s6] =	ssyncset.done $0x0  }
0x1a: {  	[sflag:s6] =	ssyncadd.s32 $0xFFFFFF80  }
0x1b: {  	v0 =	vld [tilespmem:$0x0]  }
0x1c: {  	v1 =	vld [tilespmem:$0x10];
	_ =	sdelay $0x1  }
0x1d: {  	v2 =	vld [tilespmem:$0x20];
	_ =	sdelay $0x1  }
0x1e: {  	v3 =	vld [tilespmem:$0x30]  }
0x1f: {  	vm0 =	vlt.f32 v1, v0  }
0x20: {  	v4 =	vld [tilespmem:$0x40];
	v0 =	vsel vm0, v1, v0  }
0x21: {  	v26 =	vld [tilespmem:$0x80];
	vm1 =	vlt.f32 v2, v0  }
0x22: {  	v1 =	vld [tilespmem:$0x50];
	v0 =	vsel vm1, v2, v0  }
0x23: {  	v27 =	vld [tilespmem:$0xA0];
	vm2 =	vlt.f32 v3, v0  }
0x24: {  	v2 =	vld [tilespmem:$0x60];
	v0 =	vsel vm2, v3, v0  }
0x25: {  	v28 =	vld [tilespmem:$0xB0];
	v3 =	vimm.s32 $0x0;
	vm3 =	vlt.f32 v4, v0  }
0x26: {  	v29 =	vld [tilespmem:$0x200];
	v3 =	vsel vm3, $0xFFFFFFFF, v3;
	v0 =	vsel vm3, v4, v0  }
0x27: {  	[tilespmem:$0x1FFA0] =	vst v3;
	v3 =	vld [tilespmem:$0x70];
	vm3 =	vlt.f32 v1, v0  }
0x28: {  	v25 =	vimm.s32 $0x0;
	v30 =	vld [tilespmem:$0x230];
	v0 =	vsel vm3, v1, v0  }
0x29: {  	v31 =	vld [tilespmem:$0xD0];
	v4 =	vsel vm3, $0xFFFFFFFF, v25;
	v1 =	vimm.s32 $0x0;
	vm3 =	vlt.f32 v2, v0  }
0x2a: {  	v8 =	vld [tilespmem:$0x240];
	v1 =	vsel vm3, $0xFFFFFFFF, v1  }
0x2b: {  	v0 =	vsel vm3, v2, v0;
	[tilespmem:$0x1FFC0] =	vst v1;
	v1 =	vld [tilespmem:$0x90]  }
0x2c: {  	v32 =	vld [tilespmem:$0xE0];
	vm3 =	vlt.f32 v3, v0  }
0x2d: {  	v5 =	vimm.s32 $0x0;
	v9 =	vld [tilespmem:$0x250];
	v0 =	vsel vm3, v3, v0  }
0x2e: {  	v10 =	vld [tilespmem:$0x260];
	v5 =	vsel vm3, $0xFFFFFFFF, v5;
	vm3 =	vlt.f32 v26, v0  }
0x2f: {  	v6 =	vimm.s32 $0x0;
	v33 =	vld [tilespmem:$0x100];
	v0 =	vsel vm3, v26, v0  }
0x30: {  	v11 =	vld [tilespmem:$0x280];
	v6 =	vsel vm3, $0xFFFFFFFF, v6;
	vm3 =	vlt.f32 v1, v0  }
0x31: {  	v0 =	vsel vm3, v1, v0;
	v1 =	vld [tilespmem:$0xC0]  }
0x32: {  	v34 =	vld [tilespmem:$0x110];
	vm9 =	vlt.f32 v27, v0  }
0x33: {  	v12 =	vld [tilespmem:$0x270];
	v0 =	vsel vm9, v27, v0  }
0x34: {  	v13 =	vld [tilespmem:$0x290];
	vm10 =	vlt.f32 v28, v0  }
0x35: {  	v14 =	vld [tilespmem:$0x130];
	v0 =	vsel vm10, v28, v0  }
0x36: {  	v35 =	vld [tilespmem:$0x2A0];
	vm11 =	vlt.f32 v1, v0  }
0x37: {  	v0 =	vsel vm11, v1, v0;
	v1 =	vld [tilespmem:$0xF0]  }
0x38: {  	v15 =	vld [tilespmem:$0x140];
	vm12 =	vlt.f32 v31, v0  }
0x39: {  	v36 =	vld [tilespmem:$0x2B0];
	v0 =	vsel vm12, v31, v0  }
0x3a: {  	v16 =	vld [tilespmem:$0x150];
	vm13 =	vlt.f32 v32, v0  }
0x3b: {  	v17 =	vld [tilespmem:$0x160];
	v0 =	vsel vm13, v32, v0  }
0x3c: {  	v37 =	vld [tilespmem:$0x180];
	vm14 =	vlt.f32 v1, v0  }
0x3d: {  	v0 =	vsel vm14, v1, v0;
	v1 =	vld [tilespmem:$0x120]  }
0x3e: {  	v38 =	vld [tilespmem:$0x170];
	vm15 =	vlt.f32 v33, v0  }
0x3f: {  	v39 =	vld [tilespmem:$0x2C0];
	v0 =	vsel vm15, v33, v0  }
0x40: {  	v40 =	vld [tilespmem:$0x2E0];
	vm7 =	vlt.f32 v34, v0  }
0x41: {  	v42 =	vld [tilespmem:$0x2F0];
	v0 =	vsel vm7, v34, v0  }
0x42: {  	v44 =	vld [tilespmem:$0x300];
	vm6 =	vlt.f32 v1, v0  }
0x43: {  	v3 =	vld [tilespmem:$0x210];
	v0 =	vsel vm6, v1, v0  }
0x44: {  	v2 =	vld [tilespmem:$0x220];
	vm5 =	vlt.f32 v14, v0  }
0x45: {  	v41 =	vld [tilespmem:$0x1FFA0];
	[tilespmem:$0x1FFB0] =	vst v4;
	v0 =	vsel vm5, v14, v0  }
0x46: {  	v43 =	vld [tilespmem:$0x1FFB0];
	vm4 =	vlt.f32 v15, v0  }
0x47: {  	v7 =	vimm.s32 $0x0;
	v45 =	vld [tilespmem:$0x1FFC0];
	[tilespmem:$0x1FFD0] =	vst v5;
	v0 =	vsel vm4, v15, v0  }
0x48: {  	v47 =	vld [tilespmem:$0x1FFD0];
	[tilespmem:$0x1FFE0] =	vst v6;
	v7 =	vsel vm3, $0xFFFFFFFF, v7;
	v3 =	vsel vm0, v3, v29;
	vm3 =	vlt.f32 v16, v0  }
0x49: {  	v49 =	vld [tilespmem:$0x1FFE0];
	[tilespmem:$0x1FFF0] =	vst v7;
	v2 =	vsel vm1, v2, v3;
	v0 =	vsel vm3, v16, v0  }
0x4a: {  	vm8 =	vnez.u8 v41;
	v51 =	vld [tilespmem:$0x1FFF0];
	v2 =	vsel vm2, v30, v2;
	vm2 =	vlt.f32 v17, v0  }
0x4b: {  	v2 =	vsel vm8, v8, v2;
	vm8 =	vnez.u8 v43;
	v1 =	vld [tilespmem:$0x190];
	v0 =	vsel vm2, v17, v0  }
0x4c: {  	v46 =	vld [tilespmem:$0x1A0];
	v2 =	vsel vm8, v9, v2;
	vm8 =	vnez.u8 v45;
	vm1 =	vlt.f32 v38, v0  }
0x4d: {  	v48 =	vld [tilespmem:$0x310];
	v2 =	vsel vm8, v10, v2;
	vm8 =	vnez.u8 v47;
	v0 =	vsel vm1, v38, v0  }
0x4e: {  	v50 =	vld [tilespmem:$0x1B0];
	v2 =	vsel vm8, v12, v2;
	vm8 =	vnez.u8 v49;
	vm0 =	vlt.f32 v37, v0  }
0x4f: {  	v3 =	vld [tilespmem:$0x2D0];
	v2 =	vsel vm8, v11, v2;
	vm8 =	vnez.u8 v51;
	v0 =	vsel vm0, v37, v0  }
0x50: {  	v52 =	vld [tilespmem:$0x320];
	v2 =	vsel vm8, v13, v2;
	vm8 =	vlt.f32 v1, v0  }
0x51: {  	v2 =	vsel vm9, v35, v2;
	v0 =	vsel vm8, v1, v0;
	v1 =	vld [tilespmem:$0x1C0]  }
0x52: {  	v53 =	vld [tilespmem:$0x330];
	v2 =	vsel vm10, v36, v2;
	vm9 =	vlt.f32 v46, v0  }
0x53: {  	v54 =	vld [tilespmem:$0x1D0];
	v2 =	vsel vm11, v39, v2;
	v0 =	vsel vm9, v46, v0  }
0x54: {  	v55 =	vld [tilespmem:$0x1E0];
	v2 =	vsel vm12, v3, v2;
	vm10 =	vlt.f32 v50, v0  }
0x55: {  	v56 =	vld [tilespmem:$0x350];
	v2 =	vsel vm13, v40, v2;
	v0 =	vsel vm10, v50, v0  }
0x56: {  	v3 =	vld [tilespmem:$0x340];
	v2 =	vsel vm14, v42, v2;
	vm11 =	vlt.f32 v1, v0  }
0x57: {  	v57 =	vld [tilespmem:$0x1F0];
	v2 =	vsel vm15, v44, v2;
	v0 =	vsel vm11, v1, v0  }
0x58: {  	v1 =	vsel vm7, v48, v2;
	v2 =	vld [tilespmem:$0x360];
	vm12 =	vlt.f32 v54, v0  }
0x59: {  	v58 =	vld [tilespmem:$0x370];
	v1 =	vsel vm6, v52, v1;
	v0 =	vsel vm12, v54, v0  }
0x5a: {  	v59 =	vld [tilespmem:$0x380];
	v1 =	vsel vm5, v53, v1;
	vm13 =	vlt.f32 v55, v0  }
0x5b: {  	v1 =	vsel vm4, v3, v1;
	v3 =	vld [tilespmem:$0x390];
	v0 =	vsel vm13, v55, v0  }
0x5c: {  	v60 =	vld [tilespmem:$0x3A0];
	v1 =	vsel vm3, v56, v1;
	vm14 =	vlt.f32 v57, v0  }
0x5d: {  	v1 =	vsel vm2, v2, v1;
	v2 =	vld [tilespmem:$0x3B0];
	v0 =	vsel vm14, v57, v0  }
0x5e: {  	v61 =	vld [tilespmem:$0x3C0];
	v1 =	vsel vm1, v58, v1;
	(xrf0) =	vmin.scan.msk.f32 $0xffff, v0  }
0x5f: {  	v62 =	vld [tilespmem:$0x3D0];
	v1 =	vsel vm0, v59, v1  }
0x60: {  	v1 =	vsel vm8, v3, v1;
	v3 =	vld [tilespmem:$0x3E0]  }
0x61: {  	v63 =	vld [tilespmem:$0x3F0];
	v1 =	vsel vm9, v60, v1  }
0x62: {  	v1 =	vsel vm10, v2, v1  }
0x63: {  	v1 =	vsel vm11, v61, v1  }
0x64: {  	v1 =	vsel vm12, v62, v1;
	v2, _, _ =	vpop (xrf0)  }
0x65: {  	v1 =	vsel vm13, v3, v1;
	v2 =	vbroadcast v2, $0xF  }
0x66: {  	v1 =	vsel vm14, v63, v1  }
0x67: {  	vm15 =	veq.f32 v0, v2;
	v0 =	vxor.u32 $0x80000000, v1  }
0x68: {  	v0 =	vnsel vm15, $0xFFFFFFFF, v0  }
0x69: {  	(xrf0) =	vmin.scan.msk.u32 $0xffff, v0;
	_ =	sdelay $0x5  }
0x6a: {  	v0, _, _ =	vpop (xrf0)  }
0x6b: {  	(v2sf) =	vpush v0, $0xF;
	_ =	sdelay $0xe  }
0x6c: {  	s10 =	spop (v2sf)  }
0x6d: {  	s11 =	sxor.u32 $0x80000000, s10  }
0x6e: {  	p1 =	sgt.s32 s10, $0xFFFFFFFF;
	s29 =	sand.u32 $0x7F, s10;
	p0 =	slt.s32 s11, $0x1  }
0x6f: {  	s12 =	sshra.s32 s11, $0x1F;
	p6 =	sne.s32 s29, $0x0;
	p0 =	por p1, p0  }
0x70: {  	s30 =	sshrl.u32 s12, $0x19;
	p0 =	por !p6, !p0  }
0x71: {  	s12 =	simm.s32 $0x1;
	s8 =	sadd.s32 s30, s11;
	p0 =	por !p0, !p0  }
0x72: {  	s8 =	sshrl.u32 s8, $0x7;
	s12 =	simm.s32 @!p0 $0x0  }
0x73: {  	s8 =	ssub.s32 s8, s12  }
0x74: {  	s12 =	sshll.u32 s8, $0x7  }
0x75: {  	p0 =	sgt.s32 s12, $0xF41FF  }
0x76: {  	s8 =	sadd.s32 $0xF4200, s4;
	s13 =	simm.s32 @p0 $0x400  }
0x77: {  	s14 =	simm.s32 @p0 $0x7A1400;
	s15 =	simm.s32 @!p0 $0x1;
	s16 =	simm.s32 @p0 $0xC80  }
0x78: {  	s17 =	simm.s32 @p0 $0x1;
	s10 =	sadd.s32 @p0 $0x7FF0BE00, s10;
	s11 =	ssub.s32 @!p0 s11, s12  }
0x79: {  	v0 =	vlaneseq.u32;
	[tilespmem:s16], [sflag:$0x1] =	stream.strided.gather @p0 [hbm4b:s8+s13], $0x800, s14, s13, $0x38;
	[tilespmem:$0x1500] =	vst v63  }
0x7a: {  	v0 =	vmul.u32 $0x80, v0;
	s12 =	sand.u32 @!p0 $0x1FFFFF80, s12;
	s11 =	smov.u32 @p0 s10;
	_ =	swait.ge @p0 [sflag:s17], $0x800  }
0x7b: {  	s10 =	simm.s32 @!p0 $0x400;
	s13 =	simm.s32 @!p0 $0x7A1400;
	[sflag:s17] =	ssyncset.done @p0 $0x0  }
0x7c: {  	v1 =	vadd.s32 s11, v0;
	s11 =	sadd.s32 @!p0 s4, s12;
	s12 =	simm.s32 @!p0 $0x480;
	[sflag:s17] =	ssyncadd.s32 @p0 $0xFFFFF800  }
0x7d: {  	[tilespmem:s12], [sflag:$0x1] =	stream.strided.gather @!p0 [hbm4b:s11+s10], $0x800, s13, s10, $0x38;
	[tilespmem:$0x1500] =	vst v63  }
0x7e: {  	_ =	swait.ge @!p0 [sflag:s15], $0x800  }
0x7f: {  	[sflag:s15] =	ssyncset.done @!p0 $0x0  }
0x80: {  	s9 =	ssub.s32 $0x2, s9;
	s12 =	simm.s32 @p0 $0xC80;
	[sflag:s15] =	ssyncadd.s32 @!p0 $0xFFFFF800  }
0x81: {  	s31 =	sshrl.u32 s9, $0x1;
	v1 =	vld.idx.msk [tilespmem:v1+s12+$0x0], $0xffff  }
0x82: {  	s9 =	ssub.s32 s9, s31;
	v2 =	vld [tilespmem:$0x400]  }
0x83: {  	s10 =	sadd.s32 $0xFFFFFFFF, s9  }
0x84: {  	p0 =	sne.s32 s10, $0x0  }
.Ltmp1:
0x85: {  	_ = 	snop;
	(pc) =	sbr.rel @!p0 .LBB2_3-.Ltmp1, $3  }
0x86: {  	_ = 	snop  }
0x87: {  	v1 =	vmul.f32 v2, v1;
	_ =	sdelay $0x1  }
0x88: {  	s9 =	simm.s32 $0x1480;
	(xrf2) =	vadd.scan.msk.f32 $0xffff, v1  }
.LBB2_2:
0x89: {  	_ =	sdelay $0x8  }
0x8a: {  	v1, _, _ =	vpop (xrf2)  }
0x8b: {  	v1 =	vbroadcast v1, $0xF;
	_ =	sdelay $0x1  }
0x8c: {  	[tilespmem:$0x1480] =	vst v1  }
0x8d: {  	[hbm4b:s2+s5] =	stream.linear.scatter [tilespmem:s9], [sflag:$0x2], $0x80, $0x38;
	[tilespmem:$0x1500] =	vst v63  }
0x8e: {  	_ =	swait.ge [sflag:s6], $0x80  }
0x8f: {  	[sflag:s6] =	ssyncset.done $0x0  }
0x90: {  	s11 =	rddreg [dreg:$0x5];
	[sflag:s6] =	ssyncadd.s32 $0xFFFFFF80  }
0x91: {  	[tilespmem:s5], [sflag:$0x2] =	stream.linear.gather [hbm4b:s11+s5], $0x200, $0x38;
	[tilespmem:$0x1500] =	vst v63  }
0x92: {  	_ =	swait.ge [sflag:s6], $0x200  }
0x93: {  	s30 =	rddreg [dreg:$0x6];
	[sflag:s6] =	ssyncset.done $0x0  }
0x94: {  	s12 =	rddreg [dreg:$0x7];
	[sflag:s6] =	ssyncadd.s32 $0xFFFFFE00  }
0x95: {  	[tilespmem:s30], [sflag:$0x2] =	stream.linear.gather [hbm4b:s12+s5], $0x200, $0x38;
	[tilespmem:$0x1500] =	vst v63  }
0x96: {  	_ =	swait.ge [sflag:s6], $0x200  }
0x97: {  	[sflag:s6] =	ssyncset.done $0x0  }
0x98: {  	[sflag:s6] =	ssyncadd.s32 $0xFFFFFE00  }
0x99: {  	[tilespmem:s7], [sflag:$0x2] =	stream.linear.gather [hbm4b:s3+s5], $0x80, $0x38;
	[tilespmem:$0x1500] =	vst v63  }
0x9a: {  	_ =	swait.ge [sflag:s6], $0x80  }
0x9b: {  	[sflag:s6] =	ssyncset.done $0x0  }
0x9c: {  	[sflag:s6] =	ssyncadd.s32 $0xFFFFFF80  }
0x9d: {  	v1 =	vld [tilespmem:$0x220]  }
0x9e: {  	v5 =	vld [tilespmem:$0x0]  }
0x9f: {  	v6 =	vld [tilespmem:$0x10]  }
0xa0: {  	v2 =	vld [tilespmem:$0x210]  }
0xa1: {  	v4 =	vld [tilespmem:$0x20]  }
0xa2: {  	v3 =	vld [tilespmem:$0x200]  }
0xa3: {  	v7 =	vld [tilespmem:$0x30]  }
0xa4: {  	v8 =	vld [tilespmem:$0x230];
	vm0 =	vlt.f32 v6, v5  }
0xa5: {  	v9 =	vld [tilespmem:$0x40];
	v5 =	vsel vm0, v6, v5  }
0xa6: {  	v10 =	vld [tilespmem:$0x240];
	vm13 =	vlt.f32 v4, v5  }
0xa7: {  	v11 =	vld [tilespmem:$0x50];
	v2 =	vsel vm0, v2, v3;
	v4 =	vsel vm13, v4, v5  }
0xa8: {  	v1 =	vsel vm13, v1, v2;
	v2 =	vld [tilespmem:$0x250];
	vm14 =	vlt.f32 v7, v4  }
0xa9: {  	v3 =	vld [tilespmem:$0x60];
	v4 =	vsel vm14, v7, v4  }
0xaa: {  	v26 =	vld [tilespmem:$0x70];
	vm15 =	vlt.f32 v9, v4  }
0xab: {  	v27 =	vld [tilespmem:$0x260];
	v1 =	vsel vm14, v8, v1;
	v4 =	vsel vm15, v9, v4  }
0xac: {  	v28 =	vld [tilespmem:$0x80];
	v1 =	vsel vm15, v10, v1;
	vm4 =	vlt.f32 v11, v4  }
0xad: {  	v4 =	vsel vm4, v11, v4;
	v1 =	vsel vm4, v2, v1;
	v2 =	vld [tilespmem:$0x270]  }
0xae: {  	v29 =	vld [tilespmem:$0x280];
	vm5 =	vlt.f32 v3, v4  }
0xaf: {  	v30 =	vld [tilespmem:$0x90];
	v3 =	vsel vm5, v3, v4  }
0xb0: {  	v31 =	vld [tilespmem:$0xA0];
	vm6 =	vlt.f32 v26, v3  }
0xb1: {  	v32 =	vld [tilespmem:$0x290];
	v1 =	vsel vm5, v27, v1;
	v3 =	vsel vm6, v26, v3  }
0xb2: {  	v1 =	vsel vm6, v2, v1;
	vm7 =	vlt.f32 v28, v3;
	v2 =	vld [tilespmem:$0x2A0]  }
0xb3: {  	v33 =	vld [tilespmem:$0xB0];
	v3 =	vsel vm7, v28, v3  }
0xb4: {  	vm8 =	vlt.f32 v30, v3  }
0xb5: {  	v35 =	vld [tilespmem:$0xC0];
	v1 =	vsel vm7, v29, v1;
	v3 =	vsel vm8, v30, v3  }
0xb6: {  	v34 =	vld [tilespmem:$0x2B0];
	v1 =	vsel vm8, v32, v1;
	vm9 =	vlt.f32 v31, v3  }
0xb7: {  	v3 =	vsel vm9, v31, v3;
	v1 =	vsel vm9, v2, v1;
	v2 =	vld [tilespmem:$0xD0]  }
0xb8: {  	v37 =	vld [tilespmem:$0x180];
	vm10 =	vlt.f32 v33, v3  }
0xb9: {  	v38 =	vld [tilespmem:$0xE0];
	v3 =	vsel vm10, v33, v3  }
0xba: {  	v39 =	vld [tilespmem:$0x170];
	vm11 =	vlt.f32 v35, v3  }
0xbb: {  	v40 =	vld [tilespmem:$0xF0];
	v3 =	vsel vm11, v35, v3  }
0xbc: {  	v41 =	vld [tilespmem:$0x160];
	vm1 =	vlt.f32 v2, v3  }
0xbd: {  	v2 =	vsel vm1, v2, v3;
	v3 =	vld [tilespmem:$0x100]  }
0xbe: {  	v42 =	vld [tilespmem:$0x150];
	vm2 =	vlt.f32 v38, v2  }
0xbf: {  	v43 =	vld [tilespmem:$0x110];
	v2 =	vsel vm2, v38, v2  }
0xc0: {  	v44 =	vld [tilespmem:$0x140];
	vm3 =	vlt.f32 v40, v2  }
0xc1: {  	v45 =	vld [tilespmem:$0x120];
	v2 =	vsel vm3, v40, v2  }
0xc2: {  	v12 =	vld [tilespmem:$0x130];
	vm4 =	vlt.f32 v3, v2  }
0xc3: {  	v13 =	vld [tilespmem:$0x2C0];
	v2 =	vsel vm4, v3, v2  }
0xc4: {  	v3 =	vld [tilespmem:$0x2D0];
	vm5 =	vlt.f32 v43, v2  }
0xc5: {  	v14 =	vld [tilespmem:$0x2E0];
	v2 =	vsel vm5, v43, v2  }
0xc6: {  	v46 =	vld [tilespmem:$0x2F0];
	vm6 =	vlt.f32 v45, v2  }
0xc7: {  	v15 =	vld [tilespmem:$0x300];
	v1 =	vsel vm10, v34, v1;
	v2 =	vsel vm6, v45, v2  }
0xc8: {  	v47 =	vld [tilespmem:$0x310];
	v1 =	vsel vm11, v13, v1;
	vm12 =	vlt.f32 v12, v2  }
0xc9: {  	v1 =	vsel vm1, v3, v1;
	v3 =	vld [tilespmem:$0x320];
	v2 =	vsel vm12, v12, v2  }
0xca: {  	v48 =	vld [tilespmem:$0x330];
	v1 =	vsel vm2, v14, v1;
	vm13 =	vlt.f32 v44, v2  }
0xcb: {  	v49 =	vld [tilespmem:$0x340];
	v1 =	vsel vm3, v46, v1;
	v2 =	vsel vm13, v44, v2  }
0xcc: {  	v50 =	vld [tilespmem:$0x350];
	v1 =	vsel vm4, v15, v1;
	vm14 =	vlt.f32 v42, v2  }
0xcd: {  	v51 =	vld [tilespmem:$0x360];
	v1 =	vsel vm5, v47, v1;
	v2 =	vsel vm14, v42, v2  }
0xce: {  	v1 =	vsel vm6, v3, v1;
	v3 =	vld [tilespmem:$0x370];
	vm15 =	vlt.f32 v41, v2  }
0xcf: {  	v36 =	vld [tilespmem:$0x190];
	v1 =	vsel vm12, v48, v1;
	v2 =	vsel vm15, v41, v2  }
0xd0: {  	v1 =	vsel vm13, v49, v1;
	vm6 =	vlt.f32 v39, v2  }
0xd1: {  	v54 =	vld [tilespmem:$0x1A0];
	v1 =	vsel vm14, v50, v1;
	v2 =	vsel vm6, v39, v2  }
0xd2: {  	v1 =	vsel vm15, v51, v1;
	vm7 =	vlt.f32 v37, v2  }
0xd3: {  	v1 =	vsel vm6, v3, v1;
	v3 =	vld [tilespmem:$0x1B0];
	v2 =	vsel vm7, v37, v2  }
0xd4: {  	vm8 =	vlt.f32 v36, v2  }
0xd5: {  	v57 =	vld [tilespmem:$0x1C0];
	v2 =	vsel vm8, v36, v2  }
0xd6: {  	vm9 =	vlt.f32 v54, v2  }
0xd7: {  	v59 =	vld [tilespmem:$0x1D0];
	v2 =	vsel vm9, v54, v2  }
0xd8: {  	vm10 =	vlt.f32 v3, v2  }
0xd9: {  	v58 =	vld [tilespmem:$0x1E0];
	v2 =	vsel vm10, v3, v2  }
0xda: {  	vm11 =	vlt.f32 v57, v2  }
0xdb: {  	v56 =	vld [tilespmem:$0x1F0];
	v2 =	vsel vm11, v57, v2  }
0xdc: {  	vm12 =	vlt.f32 v59, v2  }
0xdd: {  	v2 =	vsel vm12, v59, v2  }
0xde: {  	v52 =	vld [tilespmem:$0x380];
	vm13 =	vlt.f32 v58, v2  }
0xdf: {  	v53 =	vld [tilespmem:$0x390];
	v2 =	vsel vm13, v58, v2  }
0xe0: {  	v55 =	vld [tilespmem:$0x3A0];
	vm14 =	vlt.f32 v56, v2  }
0xe1: {  	v60 =	vld [tilespmem:$0x3B0];
	v2 =	vsel vm14, v56, v2  }
0xe2: {  	v3 =	vld [tilespmem:$0x3C0];
	(xrf0) =	vmin.scan.msk.f32 $0xffff, v2  }
0xe3: {  	v61 =	vld [tilespmem:$0x3D0];
	v1 =	vsel vm7, v52, v1  }
0xe4: {  	v62 =	vld [tilespmem:$0x3E0];
	v1 =	vsel vm8, v53, v1  }
0xe5: {  	v63 =	vld [tilespmem:$0x3F0];
	v1 =	vsel vm9, v55, v1  }
0xe6: {  	v1 =	vsel vm10, v60, v1  }
0xe7: {  	v1 =	vsel vm11, v3, v1  }
0xe8: {  	v1 =	vsel vm12, v61, v1;
	v3, _, _ =	vpop (xrf0)  }
0xe9: {  	v1 =	vsel vm13, v62, v1;
	v3 =	vbroadcast v3, $0xF  }
0xea: {  	v1 =	vsel vm14, v63, v1  }
0xeb: {  	v1 =	vxor.u32 $0x80000000, v1;
	vm15 =	veq.f32 v2, v3  }
0xec: {  	v1 =	vnsel vm15, $0xFFFFFFFF, v1  }
0xed: {  	(xrf0) =	vmin.scan.msk.u32 $0xffff, v1;
	_ =	sdelay $0x5  }
0xee: {  	v1, _, _ =	vpop (xrf0)  }
0xef: {  	(v2sf) =	vpush v1, $0xF;
	_ =	sdelay $0xe  }
0xf0: {  	s11 =	spop (v2sf)  }
0xf1: {  	s12 =	sxor.u32 $0x80000000, s11  }
0xf2: {  	p2 =	sgt.s32 s11, $0xFFFFFFFF;
	s13 =	sand.u32 $0x7F, s11;
	p1 =	slt.s32 s12, $0x1  }
0xf3: {  	s14 =	sshra.s32 s12, $0x1F;
	p6 =	sne.s32 s13, $0x0;
	p1 =	por p2, p1  }
0xf4: {  	s31 =	sshrl.u32 s14, $0x19;
	p1 =	por !p6, !p1  }
0xf5: {  	s14 =	simm.s32 $0x1;
	s13 =	sadd.s32 s31, s12;
	p1 =	por !p1, !p1  }
0xf6: {  	s13 =	sshrl.u32 s13, $0x7;
	s14 =	simm.s32 @!p1 $0x0  }
0xf7: {  	s13 =	ssub.s32 s13, s14  }
0xf8: {  	s13 =	sshll.u32 s13, $0x7  }
0xf9: {  	p1 =	sgt.s32 s13, $0xF41FF  }
0xfa: {  	s14 =	simm.s32 @p1 $0x400  }
0xfb: {  	s15 =	simm.s32 @p1 $0x7A1400;
	s16 =	simm.s32 @!p1 $0x1;
	s17 =	simm.s32 @p1 $0xC80  }
0xfc: {  	s18 =	simm.s32 @p1 $0x1;
	s11 =	sadd.s32 @p1 $0x7FF0BE00, s11;
	s12 =	ssub.s32 @!p1 s12, s13  }
0xfd: {  	[tilespmem:s17], [sflag:$0x1] =	stream.strided.gather @p1 [hbm4b:s8+s14], $0x800, s15, s14, $0x38;
	[tilespmem:$0x1500] =	vst v63  }
0xfe: {  	s13 =	sand.u32 @!p1 $0x1FFFFF80, s13;
	s12 =	smov.u32 @p1 s11;
	_ =	swait.ge @p1 [sflag:s18], $0x800  }
0xff: {  	s11 =	simm.s32 @!p1 $0x400;
	s13 =	sadd.s32 @!p1 s4, s13;
	[sflag:s18] =	ssyncset.done @p1 $0x0  }
0x100: {  	s14 =	simm.s32 @!p1 $0x480;
	v1 =	vadd.s32 s12, v0;
	s12 =	simm.s32 @!p1 $0x7A1400;
	[sflag:s18] =	ssyncadd.s32 @p1 $0xFFFFF800  }
0x101: {  	[tilespmem:s14], [sflag:$0x1] =	stream.strided.gather @!p1 [hbm4b:s13+s11], $0x800, s12, s11, $0x38;
	[tilespmem:$0x1500] =	vst v63  }
0x102: {  	_ =	swait.ge @!p1 [sflag:s16], $0x800  }
0x103: {  	[sflag:s16] =	ssyncset.done @!p1 $0x0  }
0x104: {  	s14 =	simm.s32 @p1 $0xC80;
	[sflag:s16] =	ssyncadd.s32 @!p1 $0xFFFFF800  }
0x105: {  	v1 =	vld.idx.msk [tilespmem:v1+s14+$0x0], $0xffff  }
0x106: {  	v2 =	vld [tilespmem:$0x400]  }
0x107: {  	s10 =	sadd.s32 $0xFFFFFFFF, s10  }
0x108: {  	p0 =	sne.s32 s10, $0x0  }
.Ltmp2:
0x109: {  	_ = 	snop;
	(pc) =	sbr.rel @p0 .LBB2_2-.Ltmp2, $3  }
0x10a: {  	_ = 	snop  }
0x10b: {  	v1 =	vmul.f32 v2, v1;
	_ =	sdelay $0x1  }
0x10c: {  	(xrf2) =	vadd.scan.msk.f32 $0xffff, v1  }
.LBB2_3:
0x10d: {  	_ =	sdelay $0x8  }
0x10e: {  	v0, _, _ =	vpop (xrf2)  }
0x10f: {  	v0 =	vbroadcast v0, $0xF;
	_ =	sdelay $0x1  }
0x110: {  	[tilespmem:$0x1480] =	vst v0  }
0x111: {  	[hbm4b:s2+s5] =	stream.linear.scatter [tilespmem:s9], [sflag:$0x2], $0x80, $0x38;
	[tilespmem:$0x1500] =	vst v63  }
0x112: {  	_ =	swait.ge [sflag:s6], $0x80  }
0x113: {  	[sflag:s6] =	ssyncset.done $0x0  }
0x114: {  	[sflag:s6] =	ssyncadd.s32 $0xFFFFFF80  }
.LBB2_4:
0x115: {  	_ =	sfence.sel $0x180000  }
0x116: {  	[bflag:$0x0] =	sbarrier.arrive $0xFFFF  }
0x117: {  	p0 =	sne.s32 s1, $0x0;
	_ =	strace $0x9000004A  }
0x118: {  	s0 =	sadd.s32 @!p0 $0x100000, s0;
	[bflag:$0x2] =	sbarrier.arrive $0xFFFF  }
0x119: {  	[sflag:s0] =	ssyncadd.tile.s32 @!p0 $0x1;
	_ =	shalt  }
.Lfunc_end2:
_tile_overlayer_lowered:
.L_overlay_start_2:
0x11a: {  	(tag) =	ssettag $0x2  }
0x11b: {  	s0 =	rddreg [dreg:$0x0];
	s2 =	stileid.u32  }
0x11c: {  	s1 =	rddreg [dreg:$0x1];
	p0 =	sne.s32 s2, $0x0  }
0x11d: {  	s3 =	rddreg [dreg:$0x2];
	[bflag:$0x3] =	sbarrier.arrive $0xFFFF;
	s2 =	simm.s32 @!p0 $0x1C02  }
0x11e: {  	[timem:s3], [sflag:s2] =	dma.local @!p0 [hbm:s0], s1  }
0x11f: {  	s0 =	simm.s32 @!p0 $0x2  }
0x120: {  	_ =	swait.ge @!p0 [sflag:s0], s1  }
0x121: {  	s1 =	ssub.s32 @!p0 $0x0, s1;
	[sflag:s0] =	ssyncset.done @!p0 $0x0  }
0x122: {  	[sflag:s0] =	ssyncadd.s32 @!p0 s1  }
0x123: {  	[bflag:$0x3] =	sbarrier.arrive $0xFFFF  }
0x124: {  	_ =	shalt  }

</sc_bundles>
